<compile_context>
chip_gen: v7x
topology: tpu7x:2x2x1
jax: 0.10.2.dev20260603
libtpu: 0.0.44.dev20260713+nightly
codegen_flags: <defaults>
</compile_context>

<pallas_src>
import functools
import math

import jax
import jax.numpy as jnp
from jax import lax
from jax.experimental import pallas as pl
from jax.experimental.pallas import tpu as pltpu
from jax.experimental.pallas import tpu_sc as plsc

N = 10000
E = 320000
D = 128
H = 8
OC = 16
FF = 512

NC = 2
NS = 16
NW = NC * NS
EPW = E // NW
CHA = 40
NCHA = EPW // CHA
CHB = 40
NCHB = EPW // CHB
NPC = N // NS
WPC = 10
RPW = N // WPC




def _qkvs_body(x_ref, wk, bk, wq, bq, wv, bv, ws, bs, q_o, k_o, v_o, s_o):
    xb = x_ref[...]
    q_o[...] = jnp.dot(xb, wk[...], preferred_element_type=jnp.float32) + bk[...]
    k_o[...] = jnp.dot(xb, wq[...], preferred_element_type=jnp.float32) + bq[...]
    v_o[...] = jnp.dot(xb, wv[...], preferred_element_type=jnp.float32) + bv[...]
    s_o[...] = jnp.dot(xb, ws[...], preferred_element_type=jnp.float32) + bs[...]


def _qkvs(x, wk, bk, wq, bq, wv, bv, ws, bs):
    bn = 2000
    w_spec = pl.BlockSpec((D, D), lambda i: (0, 0))
    b_spec = pl.BlockSpec((1, D), lambda i: (0, 0))
    r_spec = pl.BlockSpec((bn, D), lambda i: (i, 0))
    return pl.pallas_call(
        _qkvs_body,
        grid=(N // bn,),
        in_specs=[r_spec, w_spec, b_spec, w_spec, b_spec, w_spec, b_spec,
                  w_spec, b_spec],
        out_specs=[r_spec, r_spec, r_spec, r_spec],
        out_shape=[jax.ShapeDtypeStruct((N, D), jnp.float32)] * 4,
    )(x, wk, bk.reshape(1, D), wq, bq.reshape(1, D), wv, bv.reshape(1, D),
      ws, bs.reshape(1, D))


def _eproj_body(ea_ref, we_ref, out_ref):
    out_ref[...] = jnp.dot(ea_ref[...], we_ref[...],
                           preferred_element_type=jnp.float32)


def _eproj(edge_attr, we):
    be = 2000
    return pl.pallas_call(
        _eproj_body,
        grid=(E // be,),
        in_specs=[pl.BlockSpec((be, D), lambda i: (i, 0)),
                  pl.BlockSpec((D, D), lambda i: (0, 0))],
        out_specs=pl.BlockSpec((be, D), lambda i: (i, 0)),
        out_shape=jax.ShapeDtypeStruct((E, D), jnp.float32),
    )(edge_attr, we)


def _densum_body(a0_ref, a1_ref, o_ref):
    o_ref[...] = a0_ref[...] + a1_ref[...]


def _den_sum(denp):
    bn = 1000
    nb = N // bn
    r_spec = pl.BlockSpec((bn, D), lambda i: (i, 0))
    return pl.pallas_call(
        _densum_body,
        grid=(nb,),
        in_specs=[r_spec, pl.BlockSpec((bn, D), lambda i: (i + nb, 0))],
        out_specs=r_spec,
        out_shape=jax.ShapeDtypeStruct((N, D), jnp.float32),
    )(denp, denp)


def _stage1_body(a0_ref, a1_ref, skip_ref, out_ref, st_ref):
    i = pl.program_id(0)
    o = a0_ref[...] + a1_ref[...] + skip_ref[...]
    out_ref[...] = o

    @pl.when(i == 0)
    def _():
        st_ref[...] = jnp.zeros_like(st_ref)

    st_ref[0:1, :] += jnp.sum(o, axis=0, keepdims=True)
    st_ref[1:2, :] += jnp.sum(o * o, axis=0, keepdims=True)


def _stage1(aggp, skip):
    bn = 1000
    nb = N // bn
    r_spec = pl.BlockSpec((bn, D), lambda i: (i, 0))
    return pl.pallas_call(
        _stage1_body,
        grid=(nb,),
        in_specs=[r_spec, pl.BlockSpec((bn, D), lambda i: (i + nb, 0)), r_spec],
        out_specs=[r_spec, pl.BlockSpec((8, D), lambda i: (0, 0))],
        out_shape=[jax.ShapeDtypeStruct((N, D), jnp.float32),
                   jax.ShapeDtypeStruct((8, D), jnp.float32)],
    )(aggp, aggp, skip)


def _stage2_body(o_ref, st_ref, g1_ref, be1_ref, w1_ref, b1_ref, w2_ref,
                 b2_ref, y_ref, st2_ref):
    i = pl.program_id(0)
    mu = st_ref[0:1, :] * (1.0 / N)
    var = st_ref[1:2, :] * (1.0 / N) - mu * mu
    inv = lax.rsqrt(var + 1e-5)
    o = (o_ref[...] - mu) * (inv * g1_ref[...]) + be1_ref[...]
    h = jnp.maximum(
        jnp.dot(o, w1_ref[...], preferred_element_type=jnp.float32)
        + b1_ref[...], 0.0)
    y = jnp.dot(h, w2_ref[...], preferred_element_type=jnp.float32) + b2_ref[...]
    y_ref[...] = y

    @pl.when(i == 0)
    def _():
        st2_ref[...] = jnp.zeros_like(st2_ref)

    st2_ref[0:1, :] += jnp.sum(y, axis=0, keepdims=True)
    st2_ref[1:2, :] += jnp.sum(y * y, axis=0, keepdims=True)


def _stage2(out, st, g1, be1, w1, b1, w2, b2):
    bn = 1000
    r_spec = pl.BlockSpec((bn, D), lambda i: (i, 0))
    f_spec = pl.BlockSpec((8, D), lambda i: (0, 0))
    v_spec = pl.BlockSpec((1, D), lambda i: (0, 0))
    return pl.pallas_call(
        _stage2_body,
        grid=(N // bn,),
        in_specs=[r_spec, f_spec, v_spec, v_spec,
                  pl.BlockSpec((D, FF), lambda i: (0, 0)),
                  pl.BlockSpec((1, FF), lambda i: (0, 0)),
                  pl.BlockSpec((FF, D), lambda i: (0, 0)), v_spec],
        out_specs=[r_spec, f_spec],
        out_shape=[jax.ShapeDtypeStruct((N, D), jnp.float32),
                   jax.ShapeDtypeStruct((8, D), jnp.float32)],
    )(out, st, g1.reshape(1, D), be1.reshape(1, D), w1, b1.reshape(1, FF),
      w2, b2.reshape(1, D))


def _stage3_body(y_ref, st2_ref, g2_ref, be2_ref, o_ref):
    mu = st2_ref[0:1, :] * (1.0 / N)
    var = st2_ref[1:2, :] * (1.0 / N) - mu * mu
    inv = lax.rsqrt(var + 1e-5)
    o_ref[...] = (y_ref[...] - mu) * (inv * g2_ref[...]) + be2_ref[...]


def _stage3(y, st2, g2, be2):
    bn = 2000
    r_spec = pl.BlockSpec((bn, D), lambda i: (i, 0))
    return pl.pallas_call(
        _stage3_body,
        grid=(N // bn,),
        in_specs=[r_spec, pl.BlockSpec((8, D), lambda i: (0, 0)),
                  pl.BlockSpec((1, D), lambda i: (0, 0)),
                  pl.BlockSpec((1, D), lambda i: (0, 0))],
        out_specs=r_spec,
        out_shape=jax.ShapeDtypeStruct((N, D), jnp.float32),
    )(y, st2, g2.reshape(1, D), be2.reshape(1, D))



def _lane_perm(v, sh):
    dn = lax.GatherDimensionNumbers(offset_dims=(), collapsed_slice_dims=(0,),
                                    start_index_map=(0,))
    idx = (jnp.arange(16, dtype=jnp.int32) ^ sh)[:, None]
    return lax.gather(v, idx, dn, (1,),
                      mode=lax.GatherScatterMode.PROMISE_IN_BOUNDS)


def _pair_dot(p0, p1, low_mask):
    t0 = p0 + _lane_perm(p0, 8)
    t1 = p1 + _lane_perm(p1, 8)
    m = jnp.where(low_mask, t0, t1)
    m = m + _lane_perm(m, 4)
    m = m + _lane_perm(m, 2)
    m = m + _lane_perm(m, 1)
    return m


def _edge_a_body(q_hbm, k_hbm, ep_hbm, src_hbm, dst_hbm,
                 ex_hbm, den_hbm,
                 sidx0, sidx1, didx0, didx1, scidx0, scidx1,
                 qv0, qv1, kv0, kv1, ev0, ev1,
                 exv, exv128a, exv128b, den_sh,
                 sq0, sq1, sk0, sk1, se0, se1, sx, ss0, ss1):
    cid = lax.axis_index("c")
    sid = lax.axis_index("s")
    wid = sid * NC + cid
    base = wid * EPW

    sidx = (sidx0, sidx1)
    didx = (didx0, didx1)
    scidx = (scidx0, scidx1)
    qv = (qv0, qv1)
    kv = (kv0, kv1)
    ev = (ev0, ev1)
    exv128 = (exv128a, exv128b)
    sq = (sq0, sq1)
    sk = (sk0, sk1)
    se = (se0, se1)
    ss = (ss0, ss1)

    zrow = jnp.zeros((16,), jnp.float32)

    def zloop(e, carry):
        for c in range(D // 16):
            exv128a[e, pl.ds(c * 16, 16)] = zrow
            exv128b[e, pl.ds(c * 16, 16)] = zrow
        return carry

    lax.fori_loop(0, CHA, zloop, 0)

    @pl.when(sid < WPC)
    def _():
        def zdma(j, carry):
            pltpu.sync_copy(exv128a,
                            den_sh.at[pl.ds(sid * RPW + j * CHA, CHA)])
            return carry
        lax.fori_loop(0, RPW // CHA, zdma, 0)
    plsc.subcore_barrier()

    iota = lax.iota(jnp.int32, 16)
    low_mask = iota < 8
    lane_mod8 = lax.bitwise_and(iota, 7)

    def issue(i, b):
        off = pl.multiple_of(base + i * CHA, 8)
        pltpu.sync_copy(src_hbm.at[pl.ds(off, CHA)], sidx[b])
        pltpu.sync_copy(dst_hbm.at[pl.ds(off, CHA)], didx[b])
        pltpu.async_copy(q_hbm.at[sidx[b]], qv[b], sq[b])
        pltpu.async_copy(k_hbm.at[didx[b]], kv[b], sk[b])
        pltpu.async_copy(ep_hbm.at[pl.ds(off, CHA)], ev[b], se[b])

    issue(0, 0)

    def chunk2(t, carry):
        i0 = t * 2
        for b in range(2):
            i = i0 + b
            off = pl.multiple_of(base + i * CHA, 8)
            pltpu.make_async_copy(q_hbm.at[sidx[b]], qv[b], sq[b]).wait()
            pltpu.make_async_copy(k_hbm.at[didx[b]], kv[b], sk[b]).wait()
            pltpu.make_async_copy(ep_hbm.at[pl.ds(off, CHA)], ev[b],
                                  se[b]).wait()

            @pl.when(i >= 2)
            def _():
                pltpu.make_async_copy(exv128[b], den_sh.at[scidx[b]],
                                      ss[b]).wait()

            @pl.when(i >= 1)
            def _():
                pltpu.make_async_copy(exv, ex_hbm.at[pl.ds(off, CHA)],
                                      sx).wait()

            @pl.when(i + 1 < NCHA)
            def _():
                issue(i + 1, 1 - b)

            qb, kb, eb = qv[b], kv[b], ev[b]
            e128 = exv128[b]

            def pair(p, carry2):
                e0 = p * 2
                e1 = e0 + 1
                acc = jnp.zeros((16,), jnp.float32)
                for h in range(H):
                    m = _pair_dot(
                        qb[e0, pl.ds(h * OC, OC)]
                        * (kb[e0, pl.ds(h * OC, OC)]
                           + eb[e0, pl.ds(h * OC, OC)]),
                        qb[e1, pl.ds(h * OC, OC)]
                        * (kb[e1, pl.ds(h * OC, OC)]
                           + eb[e1, pl.ds(h * OC, OC)]),
                        low_mask)
                    acc = jnp.where(lane_mod8 == h, m, acc)
                ex2 = jnp.exp(acc * 0.25)
                zero = jnp.zeros((16,), jnp.float32)
                row0 = jnp.where(low_mask, ex2, zero)
                row1 = jnp.where(low_mask, _lane_perm(ex2, 8), zero)
                exv[e0, :] = row0
                exv[e1, :] = row1
                e128[e0, pl.ds(0, 16)] = row0
                e128[e1, pl.ds(0, 16)] = row1
                return carry2

            lax.fori_loop(0, CHA // 2, pair, 0)

            scidx[b][pl.ds(0, 16)] = didx[b][pl.ds(0, 16)]
            scidx[b][pl.ds(16, 16)] = didx[b][pl.ds(16, 16)]
            scidx[b][pl.ds(24, 16)] = didx[b][pl.ds(24, 16)]

            pltpu.async_copy(exv, ex_hbm.at[pl.ds(off, CHA)], sx)
            pltpu.async_copy(e128, den_sh.at[scidx[b]], ss[b], add=True)
        return carry

    lax.fori_loop(0, NCHA // 2, chunk2, 0)
    pltpu.make_async_copy(exv128[0], den_sh.at[scidx[0]], ss[0]).wait()
    pltpu.make_async_copy(exv128[1], den_sh.at[scidx[1]], ss[1]).wait()
    pltpu.make_async_copy(exv, ex_hbm.at[pl.ds(base, CHA)], sx).wait()
    plsc.subcore_barrier()

    @pl.when(sid < WPC)
    def _():
        pltpu.sync_copy(den_sh.at[pl.ds(sid * RPW, RPW)],
                        den_hbm.at[pl.ds(cid * N + sid * RPW, RPW)])


_sc_cache = {}


def _edge_a():
    if "a" not in _sc_cache:
        mesh = plsc.VectorSubcoreMesh(core_axis_name="c", subcore_axis_name="s")
        _sc_cache["a"] = pl.kernel(
            _edge_a_body,
            out_type=[jax.ShapeDtypeStruct((E, 16), jnp.float32),
                      jax.ShapeDtypeStruct((NC * N, D), jnp.float32)],
            mesh=mesh,
            scratch_types=(
                [pltpu.VMEM((CHA,), jnp.int32)] * 6
                + [pltpu.VMEM((CHA, D), jnp.float32)] * 6
                + [pltpu.VMEM((CHA, 16), jnp.float32)]
                + [pltpu.VMEM((CHA, D), jnp.float32)] * 2
                + [pltpu.VMEM_SHARED((N, D), jnp.float32)]
                + [pltpu.SemaphoreType.DMA] * 9
            ),
        )
    return _sc_cache["a"]


def _edge_b_body(v_hbm, ep_hbm, ex_hbm, den_hbm, src_hbm, dst_hbm,
                 al_hbm, agg_hbm,
                 sidx0, sidx1, didx0, didx1, vv0, vv1, ev0, ev1, dnv0, dnv1,
                 exv0, exv1, av0, av1, agg_sh,
                 sv0, sv1, se0, se1, sd0, sd1, sx0, sx1, sa0, sa1, ss):
    cid = lax.axis_index("c")
    sid = lax.axis_index("s")
    wid = sid * NC + cid
    base = wid * EPW

    sidx = (sidx0, sidx1)
    didx = (didx0, didx1)
    vv = (vv0, vv1)
    ev = (ev0, ev1)
    dnv = (dnv0, dnv1)
    exv = (exv0, exv1)
    av = (av0, av1)
    sv = (sv0, sv1)
    se = (se0, se1)
    sd = (sd0, sd1)
    sx = (sx0, sx1)
    sa = (sa0, sa1)

    zrow = jnp.zeros((16,), jnp.float32)

    def zloop(e, carry):
        for c in range(D // 16):
            vv0[e, pl.ds(c * 16, 16)] = zrow
        return carry

    lax.fori_loop(0, CHB, zloop, 0)

    @pl.when(sid < WPC)
    def _():
        def zdma(j, carry):
            pltpu.sync_copy(vv0,
                            agg_sh.at[pl.ds(sid * RPW + j * CHB, CHB)])
            return carry
        lax.fori_loop(0, RPW // CHB, zdma, 0)
    plsc.subcore_barrier()

    iota = lax.iota(jnp.int32, 16)
    low_mask = iota < 8

    def issue(i, b):
        off = pl.multiple_of(base + i * CHB, 8)
        pltpu.sync_copy(src_hbm.at[pl.ds(off, CHB)], sidx[b])
        pltpu.sync_copy(dst_hbm.at[pl.ds(off, CHB)], didx[b])
        pltpu.async_copy(v_hbm.at[sidx[b]], vv[b], sv[b])
        pltpu.async_copy(ep_hbm.at[pl.ds(off, CHB)], ev[b], se[b])
        pltpu.async_copy(den_hbm.at[didx[b]], dnv[b], sd[b])
        pltpu.async_copy(ex_hbm.at[pl.ds(off, CHB)], exv[b], sx[b])

    issue(0, 0)

    def chunk2(t, carry):
        i0 = t * 2
        for b in range(2):
            i = i0 + b
            off = pl.multiple_of(base + i * CHB, 8)
            pltpu.make_async_copy(v_hbm.at[sidx[b]], vv[b], sv[b]).wait()
            pltpu.make_async_copy(ep_hbm.at[pl.ds(off, CHB)], ev[b],
                                  se[b]).wait()
            pltpu.make_async_copy(den_hbm.at[didx[b]], dnv[b], sd[b]).wait()
            pltpu.make_async_copy(ex_hbm.at[pl.ds(off, CHB)], exv[b],
                                  sx[b]).wait()

            @pl.when(i >= 1)
            def _():
                pltpu.make_async_copy(vv[1 - b], agg_sh.at[didx[1 - b]],
                                      ss).wait()

            @pl.when(i >= 2)
            def _():
                pltpu.make_async_copy(av[b], al_hbm.at[pl.ds(off * H, CHB * H)],
                                      sa[b]).wait()

            @pl.when(i + 1 < NCHB)
            def _():
                issue(i + 1, 1 - b)

            vb, eb, db, exb, ab = vv[b], ev[b], dnv[b], exv[b], av[b]

            def pair(p, carry2):
                e0 = p * 2
                e1 = e0 + 1
                a0 = exb[e0, :] / (db[e0, pl.ds(0, 16)] + 1e-16)
                a1 = exb[e1, :] / (db[e1, pl.ds(0, 16)] + 1e-16)
                ab[pl.ds(p * 16, 16)] = jnp.where(low_mask, a0,
                                                  _lane_perm(a1, 8))
                for h in range(H):
                    s0 = a0[h]
                    s1 = a1[h]
                    vb[e0, pl.ds(h * OC, OC)] = (
                        vb[e0, pl.ds(h * OC, OC)]
                        + eb[e0, pl.ds(h * OC, OC)]) * s0
                    vb[e1, pl.ds(h * OC, OC)] = (
                        vb[e1, pl.ds(h * OC, OC)]
                        + eb[e1, pl.ds(h * OC, OC)]) * s1
                return carry2

            lax.fori_loop(0, CHB // 2, pair, 0)

            pltpu.async_copy(ab, al_hbm.at[pl.ds(off * H, CHB * H)], sa[b])
            pltpu.async_copy(vb, agg_sh.at[didx[b]], ss, add=True)
        return carry

    lax.fori_loop(0, NCHB // 2, chunk2, 0)
    pltpu.make_async_copy(vv[1], agg_sh.at[didx[1]], ss).wait()
    pltpu.make_async_copy(av[0], al_hbm.at[pl.ds(base * H, CHB * H)],
                          sa[0]).wait()
    pltpu.make_async_copy(av[1], al_hbm.at[pl.ds(base * H, CHB * H)],
                          sa[1]).wait()
    plsc.subcore_barrier()

    @pl.when(sid < WPC)
    def _():
        pltpu.sync_copy(agg_sh.at[pl.ds(sid * RPW, RPW)],
                        agg_hbm.at[pl.ds(cid * N + sid * RPW, RPW)])


def _edge_b():
    if "b" not in _sc_cache:
        mesh = plsc.VectorSubcoreMesh(core_axis_name="c", subcore_axis_name="s")
        _sc_cache["b"] = pl.kernel(
            _edge_b_body,
            out_type=[jax.ShapeDtypeStruct((E * H,), jnp.float32),
                      jax.ShapeDtypeStruct((NC * N, D), jnp.float32)],
            mesh=mesh,
            scratch_types=(
                [pltpu.VMEM((CHB,), jnp.int32)] * 4
                + [pltpu.VMEM((CHB, D), jnp.float32)] * 6
                + [pltpu.VMEM((CHB, 16), jnp.float32)] * 2
                + [pltpu.VMEM((CHB * H,), jnp.float32)] * 2
                + [pltpu.VMEM_SHARED((N, D), jnp.float32)]
                + [pltpu.SemaphoreType.DMA] * 11
            ),
        )
    return _sc_cache["b"]



def kernel(x, edge_index, edge_attr, W_key, b_key, W_query, b_query, W_value,
           b_value, W_edge, W_skip, b_skip, W_ff1, b_ff1, W_ff2, b_ff2, g1,
           be1, g2, be2):
    src = edge_index[0]
    dst = edge_index[1]

    q, k, v, skip = _qkvs(x, W_key, b_key, W_query, b_query, W_value, b_value,
                          W_skip, b_skip)
    ep = _eproj(edge_attr, W_edge)

    ex, denp = _edge_a()(q, k, ep, src, dst)
    den = _den_sum(denp)
    alpha_flat, aggp = _edge_b()(v, ep, ex, den, src, dst)

    out, st = _stage1(aggp, skip)
    y, st2 = _stage2(out, st, g1, be1, W_ff1, b_ff1, W_ff2, b_ff2)
    out2 = _stage3(y, st2, g2, be2)
    return (out2, alpha_flat.reshape(E, H))

# --- scband reference (transcript-rebuilt; emitter-appended) ---
"""Pipeline reference for scband-gnnlayer-35880156791229 (READ-ONLY COPY).

The authoritative reference and input builder live on the scoring server;
editing this copy changes nothing except your own understanding.
"""

import jax, jax.numpy as jnp
import numpy as np
import math

N = 10000
E = 320000
D = 128
H = 8
OC = 16
FF = 512

def segment_softmax(a, index, num_segments):
    amax = jax.ops.segment_max(a, index, num_segments=num_segments)
    amax = jnp.where(jnp.isfinite(amax), amax, 0.0)
    ex = jnp.exp(a - amax[index])
    denom = jax.ops.segment_sum(ex, index, num_segments=num_segments)
    return ex / (denom[index] + 1e-16)

def batch_norm(x, gamma, beta, eps=1e-5):
    mu = jnp.mean(x, axis=0, keepdims=True)
    var = jnp.var(x, axis=0, keepdims=True)
    return gamma * (x - mu) / jnp.sqrt(var + eps) + beta

def setup_inputs(seed: int = 0):
    key = jax.random.key(seed)
    ks = jax.random.split(key, 20)
    s = 0.05
    inp = {}
    inp["x"] = jax.random.normal(ks[0], (N, D), jnp.float32)
    inp["edge_index"] = jax.random.randint(ks[1], (2, E), 0, N, jnp.int32)
    inp["edge_attr"] = jax.random.normal(ks[2], (E, D), jnp.float32)
    inp["W_key"] = jax.random.normal(ks[3], (D, H * OC), jnp.float32) * s
    inp["b_key"] = jnp.zeros((H * OC,), jnp.float32)
    inp["W_query"] = jax.random.normal(ks[4], (D, H * OC), jnp.float32) * s
    inp["b_query"] = jnp.zeros((H * OC,), jnp.float32)
    inp["W_value"] = jax.random.normal(ks[5], (D, H * OC), jnp.float32) * s
    inp["b_value"] = jnp.zeros((H * OC,), jnp.float32)
    inp["W_edge"] = jax.random.normal(ks[6], (D, H * OC), jnp.float32) * s
    inp["W_skip"] = jax.random.normal(ks[7], (D, H * OC), jnp.float32) * s
    inp["b_skip"] = jnp.zeros((H * OC,), jnp.float32)
    inp["W_ff1"] = jax.random.normal(ks[8], (D, FF), jnp.float32) * s
    inp["b_ff1"] = jnp.zeros((FF,), jnp.float32)
    inp["W_ff2"] = jax.random.normal(ks[9], (FF, D), jnp.float32) * s
    inp["b_ff2"] = jnp.zeros((D,), jnp.float32)
    inp["g1"] = jnp.ones((D,), jnp.float32)
    inp["be1"] = jnp.zeros((D,), jnp.float32)
    inp["g2"] = jnp.ones((D,), jnp.float32)
    inp["be2"] = jnp.zeros((D,), jnp.float32)
    return inp

def reference(x, edge_index, edge_attr, W_key, b_key, W_query, b_query, W_value, b_value, W_edge, W_skip, b_skip, W_ff1, b_ff1, W_ff2, b_ff2, g1, be1, g2, be2):
    src = edge_index[0]
    dst = edge_index[1]
    x_j = x[src]
    x_i = x[dst]
    # NOTE: the torch module's message() swaps names: lin_key applied to x_j, lin_query to x_i.
    q = (x_j @ W_key + b_key).reshape(-1, H, OC)
    k = (x_i @ W_query + b_query).reshape(-1, H, OC)
    e = (edge_attr @ W_edge).reshape(-1, H, OC)
    k = k + e
    alpha = (q * k).sum(axis=-1) / math.sqrt(OC)
    alpha = segment_softmax(alpha, dst, N)
    v = (x_j @ W_value + b_value).reshape(-1, H, OC) + e
    msg = v * alpha[:, :, None]
    agg = jax.ops.segment_sum(msg, dst, num_segments=N)
    out = agg.reshape(N, H * OC)
    out = out + (x @ W_skip + b_skip)
    out = batch_norm(out, g1, be1)
    h = jnp.maximum(out @ W_ff1 + b_ff1, 0.0)
    out2 = batch_norm(h @ W_ff2 + b_ff2, g2, be2)
    return (out2, alpha)

if __name__ == "__main__":
    import jax
    _d = setup_inputs()
    print(jax.jit(kernel)(*tuple(_d.values())))

</pallas_src>

<mosaic_0001>
#map = affine_map<(d0, d1) -> (0, 0)>
#map1 = affine_map<(d0, d1) -> (0)>
module attributes {stable_mosaic.version = 14 : i64} {
  func.func @_edge_b_body(%arg0: i32, %arg1: i32, %arg2: memref<10000x128xf32, #tpu.memory_space<hbm>>, %arg3: memref<320000x128xf32, #tpu.memory_space<hbm>>, %arg4: memref<320000x16xf32, #tpu.memory_space<hbm>>, %arg5: memref<10000x128xf32, #tpu.memory_space<hbm>>, %arg6: memref<320000xi32, #tpu.memory_space<hbm>>, %arg7: memref<320000xi32, #tpu.memory_space<hbm>>, %arg8: memref<2560000xf32, #tpu.memory_space<hbm>>, %arg9: memref<20000x128xf32, #tpu.memory_space<hbm>>, %arg10: memref<40xi32, #tpu.memory_space<vmem>>, %arg11: memref<40xi32, #tpu.memory_space<vmem>>, %arg12: memref<40xi32, #tpu.memory_space<vmem>>, %arg13: memref<40xi32, #tpu.memory_space<vmem>>, %arg14: memref<40x128xf32, #tpu.memory_space<vmem>>, %arg15: memref<40x128xf32, #tpu.memory_space<vmem>>, %arg16: memref<40x128xf32, #tpu.memory_space<vmem>>, %arg17: memref<40x128xf32, #tpu.memory_space<vmem>>, %arg18: memref<40x128xf32, #tpu.memory_space<vmem>>, %arg19: memref<40x128xf32, #tpu.memory_space<vmem>>, %arg20: memref<40x16xf32, #tpu.memory_space<vmem>>, %arg21: memref<40x16xf32, #tpu.memory_space<vmem>>, %arg22: memref<320xf32, #tpu.memory_space<vmem>>, %arg23: memref<320xf32, #tpu.memory_space<vmem>>, %arg24: memref<10000x128xf32, #tpu.memory_space<vmem_shared>>, %arg25: memref<!tpu.dma_semaphore, #tpu.memory_space<semaphore_mem>>, %arg26: memref<!tpu.dma_semaphore, #tpu.memory_space<semaphore_mem>>, %arg27: memref<!tpu.dma_semaphore, #tpu.memory_space<semaphore_mem>>, %arg28: memref<!tpu.dma_semaphore, #tpu.memory_space<semaphore_mem>>, %arg29: memref<!tpu.dma_semaphore, #tpu.memory_space<semaphore_mem>>, %arg30: memref<!tpu.dma_semaphore, #tpu.memory_space<semaphore_mem>>, %arg31: memref<!tpu.dma_semaphore, #tpu.memory_space<semaphore_mem>>, %arg32: memref<!tpu.dma_semaphore, #tpu.memory_space<semaphore_mem>>, %arg33: memref<!tpu.dma_semaphore, #tpu.memory_space<semaphore_mem>>, %arg34: memref<!tpu.dma_semaphore, #tpu.memory_space<semaphore_mem>>, %arg35: memref<!tpu.dma_semaphore, #tpu.memory_space<semaphore_mem>>) attributes {dimension_semantics = [#tpu.dimension_semantics<core_parallel>, #tpu.dimension_semantics<subcore_parallel>], iteration_bounds = array<i64: 2, 16>, scalar_prefetch = 0 : i64, scratch_operands = 26 : i64, tpu.core_type = #tpu.core_type<sc_vector_subcore>, window_params = [{transform_indices = #map}, {transform_indices = #map}, {transform_indices = #map}, {transform_indices = #map}, {transform_indices = #map1}, {transform_indices = #map1}, {transform_indices = #map1}, {transform_indices = #map}]} {
    %mul3A = arith.constant 2 : i32
    %mul3A_0 = arith.muli %arg1, %mul3A : i32
    %add3A = arith.addi %mul3A_0, %arg0 : i32
    %mul3A_1 = arith.constant 10000 : i32
    %mul3A_2 = arith.muli %add3A, %mul3A_1 : i32
    %broadcast_in_dim3A = arith.constant 0.000000e+00 : f32
    %broadcast_in_dim3A_3 = vector.broadcast %broadcast_in_dim3A : f32 to vector<16xf32>
    %scan3A = arith.constant 0 : i32
    %scan3A_4 = arith.constant 0 : i32
    %scan3A_5 = arith.constant 40 : i32
    %scan3A_6 = arith.addi %scan3A_4, %scan3A_5 : i32
    %scan3A_7 = arith.constant 1 : i32
    scf.for %scan3A_51 = %scan3A_4 to %scan3A_6 step %scan3A_7  : i32 {
      %swap3A = arith.index_cast %scan3A_51 : i32 to index
      %swap3A_52 = arith.constant 0 : index
      %swap3A_53 = tpu.vector_load %arg14[%swap3A, %swap3A_52] {strides = array<i32>} : memref<40x128xf32, #tpu.memory_space<vmem>>, vector<1x16xf32>,
      %swap3A_54 = vector.shape_cast %swap3A_53 : vector<1x16xf32> to vector<16xf32>
      %swap3A_55 = vector.shape_cast %broadcast_in_dim3A_3 : vector<16xf32> to vector<1x16xf32>
      tpu.vector_store %arg14[%swap3A, %swap3A_52], %swap3A_55 {strides = array<i32>} : memref<40x128xf32, #tpu.memory_space<vmem>>, vector<1x16xf32>,
      %swap3A_56 = arith.index_cast %scan3A_51 : i32 to index
      %swap3A_57 = arith.constant 16 : index
      %swap3A_58 = tpu.vector_load %arg14[%swap3A_56, %swap3A_57] {strides = array<i32>} : memref<40x128xf32, #tpu.memory_space<vmem>>, vector<1x16xf32>,
      %swap3A_59 = vector.shape_cast %swap3A_58 : vector<1x16xf32> to vector<16xf32>
      %swap3A_60 = vector.shape_cast %broadcast_in_dim3A_3 : vector<16xf32> to vector<1x16xf32>
      tpu.vector_store %arg14[%swap3A_56, %swap3A_57], %swap3A_60 {strides = array<i32>} : memref<40x128xf32, #tpu.memory_space<vmem>>, vector<1x16xf32>,
      %swap3A_61 = arith.index_cast %scan3A_51 : i32 to index
      %swap3A_62 = arith.constant 32 : index
      %swap3A_63 = tpu.vector_load %arg14[%swap3A_61, %swap3A_62] {strides = array<i32>} : memref<40x128xf32, #tpu.memory_space<vmem>>, vector<1x16xf32>,
      %swap3A_64 = vector.shape_cast %swap3A_63 : vector<1x16xf32> to vector<16xf32>
      %swap3A_65 = vector.shape_cast %broadcast_in_dim3A_3 : vector<16xf32> to vector<1x16xf32>
      tpu.vector_store %arg14[%swap3A_61, %swap3A_62], %swap3A_65 {strides = array<i32>} : memref<40x128xf32, #tpu.memory_space<vmem>>, vector<1x16xf32>,
      %swap3A_66 = arith.index_cast %scan3A_51 : i32 to index
      %swap3A_67 = arith.constant 48 : index
      %swap3A_68 = tpu.vector_load %arg14[%swap3A_66, %swap3A_67] {strides = array<i32>} : memref<40x128xf32, #tpu.memory_space<vmem>>, vector<1x16xf32>,
      %swap3A_69 = vector.shape_cast %swap3A_68 : vector<1x16xf32> to vector<16xf32>
      %swap3A_70 = vector.shape_cast %broadcast_in_dim3A_3 : vector<16xf32> to vector<1x16xf32>
      tpu.vector_store %arg14[%swap3A_66, %swap3A_67], %swap3A_70 {strides = array<i32>} : memref<40x128xf32, #tpu.memory_space<vmem>>, vector<1x16xf32>,
      %swap3A_71 = arith.index_cast %scan3A_51 : i32 to index
      %swap3A_72 = arith.constant 64 : index
      %swap3A_73 = tpu.vector_load %arg14[%swap3A_71, %swap3A_72] {strides = array<i32>} : memref<40x128xf32, #tpu.memory_space<vmem>>, vector<1x16xf32>,
      %swap3A_74 = vector.shape_cast %swap3A_73 : vector<1x16xf32> to vector<16xf32>
      %swap3A_75 = vector.shape_cast %broadcast_in_dim3A_3 : vector<16xf32> to vector<1x16xf32>
      tpu.vector_store %arg14[%swap3A_71, %swap3A_72], %swap3A_75 {strides = array<i32>} : memref<40x128xf32, #tpu.memory_space<vmem>>, vector<1x16xf32>,
      %swap3A_76 = arith.index_cast %scan3A_51 : i32 to index
      %swap3A_77 = arith.constant 80 : index
      %swap3A_78 = tpu.vector_load %arg14[%swap3A_76, %swap3A_77] {strides = array<i32>} : memref<40x128xf32, #tpu.memory_space<vmem>>, vector<1x16xf32>,
      %swap3A_79 = vector.shape_cast %swap3A_78 : vector<1x16xf32> to vector<16xf32>
      %swap3A_80 = vector.shape_cast %broadcast_in_dim3A_3 : vector<16xf32> to vector<1x16xf32>
      tpu.vector_store %arg14[%swap3A_76, %swap3A_77], %swap3A_80 {strides = array<i32>} : memref<40x128xf32, #tpu.memory_space<vmem>>, vector<1x16xf32>,
      %swap3A_81 = arith.index_cast %scan3A_51 : i32 to index
      %swap3A_82 = arith.constant 96 : index
      %swap3A_83 = tpu.vector_load %arg14[%swap3A_81, %swap3A_82] {strides = array<i32>} : memref<40x128xf32, #tpu.memory_space<vmem>>, vector<1x16xf32>,
      %swap3A_84 = vector.shape_cast %swap3A_83 : vector<1x16xf32> to vector<16xf32>
      %swap3A_85 = vector.shape_cast %broadcast_in_dim3A_3 : vector<16xf32> to vector<1x16xf32>
      tpu.vector_store %arg14[%swap3A_81, %swap3A_82], %swap3A_85 {strides = array<i32>} : memref<40x128xf32, #tpu.memory_space<vmem>>, vector<1x16xf32>,
      %swap3A_86 = arith.index_cast %scan3A_51 : i32 to index
      %swap3A_87 = arith.constant 112 : index
      %swap3A_88 = tpu.vector_load %arg14[%swap3A_86, %swap3A_87] {strides = array<i32>} : memref<40x128xf32, #tpu.memory_space<vmem>>, vector<1x16xf32>,
      %swap3A_89 = vector.shape_cast %swap3A_88 : vector<1x16xf32> to vector<16xf32>
      %swap3A_90 = vector.shape_cast %broadcast_in_dim3A_3 : vector<16xf32> to vector<1x16xf32>
      tpu.vector_store %arg14[%swap3A_86, %swap3A_87], %swap3A_90 {strides = array<i32>} : memref<40x128xf32, #tpu.memory_space<vmem>>, vector<1x16xf32>,
    }
    %scan3A_8 = arith.constant 40 : i32
    %lt3A = arith.constant 10 : i32
    %lt3A_9 = arith.cmpi slt, %arg1, %lt3A : i32
    %convert_element_type3A = arith.extui %lt3A_9 : i1 to i32
    %cond3A = arith.constant 0 : i32
    %cond3A_10 = arith.cmpi ne, %convert_element_type3A, %cond3A : i32
    scf.if %cond3A_10 {
      %scan3A_51 = arith.constant 0 : i32
      %scan3A_52 = arith.constant 0 : i32
      %scan3A_53 = arith.constant 25 : i32
      %scan3A_54 = arith.addi %scan3A_52, %scan3A_53 : i32
      %scan3A_55 = arith.constant 1 : i32
      scf.for %scan3A_57 = %scan3A_52 to %scan3A_54 step %scan3A_55  : i32 {
        %mul3A_58 = arith.constant 1000 : i32
        %mul3A_59 = arith.muli %arg1, %mul3A_58 : i32
        %mul3A_60 = arith.constant 40 : i32
        %mul3A_61 = arith.muli %scan3A_57, %mul3A_60 : i32
        %add3A_62 = arith.addi %mul3A_59, %mul3A_61 : i32
        "tpu.region"() ({
          %run_scoped3A = tpu.sem_alloc : memref<!tpu.dma_semaphore, #tpu.memory_space<semaphore_mem>>
          %dma_start3A_63 = arith.constant 0 : i32
          %dma_start3A_64 = tpu.memref_slice %arg24[%add3A_62, %dma_start3A_63] : memref<10000x128xf32, #tpu.memory_space<vmem_shared>> -> memref<40x128xf32, #tpu.memory_space<vmem_shared>>
          %dma_start3A_65 = arith.constant 0 : i32
          %dma_start3A_66 = tpu.memref_slice %arg24[%add3A_62, %dma_start3A_65] : memref<10000x128xf32, #tpu.memory_space<vmem_shared>> -> memref<40x128xf32, #tpu.memory_space<vmem_shared>>
          tpu.enqueue_dma source(%arg14 : memref<40x128xf32, #tpu.memory_space<vmem>>) target(%dma_start3A_66 : memref<40x128xf32, #tpu.memory_space<vmem_shared>>) target_semaphore(%run_scoped3A : memref<!tpu.dma_semaphore, #tpu.memory_space<semaphore_mem>>)
          %dma_wait3A_67 = arith.constant 0 : i32
          %dma_wait3A_68 = tpu.memref_slice %arg24[%add3A_62, %dma_wait3A_67] : memref<10000x128xf32, #tpu.memory_space<vmem_shared>> -> memref<40x128xf32, #tpu.memory_space<vmem_shared>>
          %dma_wait3A_69 = arith.constant 0 : i32
          %dma_wait3A_70 = tpu.memref_slice %arg24[%add3A_62, %dma_wait3A_69] : memref<10000x128xf32, #tpu.memory_space<vmem_shared>> -> memref<40x128xf32, #tpu.memory_space<vmem_shared>>
          tpu.wait_dma2 semaphore(%run_scoped3A : memref<!tpu.dma_semaphore, #tpu.memory_space<semaphore_mem>>) src(%arg14 : memref<40x128xf32, #tpu.memory_space<vmem>>) dst(%dma_wait3A_70 : memref<40x128xf32, #tpu.memory_space<vmem_shared>>)
          tpu.yield
        }) : () -> ()
      }
      %scan3A_56 = arith.constant 25 : i32
    } else {
    }
    %barrier3A = arith.constant 0 : index
    tpu.barrier barrier_id(%barrier3A)
    %iota3A = tpu.iota {dimensions = array<i32: 0>} : vector<16xi32>
    %lt3A_11 = arith.constant 8 : i32
    %lt3A_12 = vector.broadcast %lt3A_11 : i32 to vector<16xi32>
    %lt3A_13 = arith.cmpi slt, %iota3A, %lt3A_12 : vector<16xi32>
    %add3A_14 = arith.constant 0 : i32
    %add3A_15 = arith.addi %mul3A_2, %add3A_14 : i32
    %multiple_of3A = tpu.assume_multiple %add3A_15, 8 : i32
    "tpu.region"() ({
      %run_scoped3A = tpu.sem_alloc : memref<!tpu.dma_semaphore, #tpu.memory_space<semaphore_mem>>
      %dma_start3A_51 = tpu.memref_slice %arg6[%multiple_of3A] : memref<320000xi32, #tpu.memory_space<hbm>> -> memref<40xi32, #tpu.memory_space<hbm>>
      %dma_start3A_52 = tpu.memref_slice %arg6[%multiple_of3A] : memref<320000xi32, #tpu.memory_space<hbm>> -> memref<40xi32, #tpu.memory_space<hbm>>
      tpu.enqueue_dma source(%dma_start3A_52 : memref<40xi32, #tpu.memory_space<hbm>>) target(%arg10 : memref<40xi32, #tpu.memory_space<vmem>>) target_semaphore(%run_scoped3A : memref<!tpu.dma_semaphore, #tpu.memory_space<semaphore_mem>>)
      %dma_wait3A_53 = tpu.memref_slice %arg6[%multiple_of3A] : memref<320000xi32, #tpu.memory_space<hbm>> -> memref<40xi32, #tpu.memory_space<hbm>>
      %dma_wait3A_54 = tpu.memref_slice %arg6[%multiple_of3A] : memref<320000xi32, #tpu.memory_space<hbm>> -> memref<40xi32, #tpu.memory_space<hbm>>
      tpu.wait_dma2 semaphore(%run_scoped3A : memref<!tpu.dma_semaphore, #tpu.memory_space<semaphore_mem>>) src(%dma_wait3A_54 : memref<40xi32, #tpu.memory_space<hbm>>) dst(%arg10 : memref<40xi32, #tpu.memory_space<vmem>>)
      tpu.yield
    }) : () -> ()
    "tpu.region"() ({
      %run_scoped3A = tpu.sem_alloc : memref<!tpu.dma_semaphore, #tpu.memory_space<semaphore_mem>>
      %dma_start3A_51 = tpu.memref_slice %arg7[%multiple_of3A] : memref<320000xi32, #tpu.memory_space<hbm>> -> memref<40xi32, #tpu.memory_space<hbm>>
      %dma_start3A_52 = tpu.memref_slice %arg7[%multiple_of3A] : memref<320000xi32, #tpu.memory_space<hbm>> -> memref<40xi32, #tpu.memory_space<hbm>>
      tpu.enqueue_dma source(%dma_start3A_52 : memref<40xi32, #tpu.memory_space<hbm>>) target(%arg12 : memref<40xi32, #tpu.memory_space<vmem>>) target_semaphore(%run_scoped3A : memref<!tpu.dma_semaphore, #tpu.memory_space<semaphore_mem>>)
      %dma_wait3A_53 = tpu.memref_slice %arg7[%multiple_of3A] : memref<320000xi32, #tpu.memory_space<hbm>> -> memref<40xi32, #tpu.memory_space<hbm>>
      %dma_wait3A_54 = tpu.memref_slice %arg7[%multiple_of3A] : memref<320000xi32, #tpu.memory_space<hbm>> -> memref<40xi32, #tpu.memory_space<hbm>>
      tpu.wait_dma2 semaphore(%run_scoped3A : memref<!tpu.dma_semaphore, #tpu.memory_space<semaphore_mem>>) src(%dma_wait3A_54 : memref<40xi32, #tpu.memory_space<hbm>>) dst(%arg12 : memref<40xi32, #tpu.memory_space<vmem>>)
      tpu.yield
    }) : () -> ()
    %dma_start3A = arith.constant 0 : i32
    %dma_start3A_16 = arith.constant 0 : i32
    %dma_start3A_17 = tpu.memref_slice %arg2[%dma_start3A, %dma_start3A_16] : memref<10000x128xf32, #tpu.memory_space<hbm>> -> memref<10000x128xf32, #tpu.memory_space<hbm>>
    tpu.enqueue_indirect_dma source(%dma_start3A_17 : memref<10000x128xf32, #tpu.memory_space<hbm>>) target(%arg14 : memref<40x128xf32, #tpu.memory_space<vmem>>) offsets(%arg10 : memref<40xi32, #tpu.memory_space<vmem>>) semaphore(%arg25 : memref<!tpu.dma_semaphore, #tpu.memory_space<semaphore_mem>>)
    %dma_start3A_18 = arith.constant 0 : i32
    %dma_start3A_19 = tpu.memref_slice %arg3[%multiple_of3A, %dma_start3A_18] : memref<320000x128xf32, #tpu.memory_space<hbm>> -> memref<40x128xf32, #tpu.memory_space<hbm>>
    %dma_start3A_20 = arith.constant 0 : i32
    %dma_start3A_21 = tpu.memref_slice %arg3[%multiple_of3A, %dma_start3A_20] : memref<320000x128xf32, #tpu.memory_space<hbm>> -> memref<40x128xf32, #tpu.memory_space<hbm>>
    tpu.enqueue_dma source(%dma_start3A_21 : memref<40x128xf32, #tpu.memory_space<hbm>>) target(%arg16 : memref<40x128xf32, #tpu.memory_space<vmem>>) target_semaphore(%arg27 : memref<!tpu.dma_semaphore, #tpu.memory_space<semaphore_mem>>)
    %dma_start3A_22 = arith.constant 0 : i32
    %dma_start3A_23 = arith.constant 0 : i32
    %dma_start3A_24 = tpu.memref_slice %arg5[%dma_start3A_22, %dma_start3A_23] : memref<10000x128xf32, #tpu.memory_space<hbm>> -> memref<10000x128xf32, #tpu.memory_space<hbm>>
    tpu.enqueue_indirect_dma source(%dma_start3A_24 : memref<10000x128xf32, #tpu.memory_space<hbm>>) target(%arg18 : memref<40x128xf32, #tpu.memory_space<vmem>>) offsets(%arg12 : memref<40xi32, #tpu.memory_space<vmem>>) semaphore(%arg29 : memref<!tpu.dma_semaphore, #tpu.memory_space<semaphore_mem>>)
    %dma_start3A_25 = arith.constant 0 : i32
    %dma_start3A_26 = tpu.memref_slice %arg4[%multiple_of3A, %dma_start3A_25] : memref<320000x16xf32, #tpu.memory_space<hbm>> -> memref<40x16xf32, #tpu.memory_space<hbm>>
    %dma_start3A_27 = arith.constant 0 : i32
    %dma_start3A_28 = tpu.memref_slice %arg4[%multiple_of3A, %dma_start3A_27] : memref<320000x16xf32, #tpu.memory_space<hbm>> -> memref<40x16xf32, #tpu.memory_space<hbm>>
    tpu.enqueue_dma source(%dma_start3A_28 : memref<40x16xf32, #tpu.memory_space<hbm>>) target(%arg20 : memref<40x16xf32, #tpu.memory_space<vmem>>) target_semaphore(%arg31 : memref<!tpu.dma_semaphore, #tpu.memory_space<semaphore_mem>>)
    %scan3A_29 = arith.constant 0 : i32
    %scan3A_30 = arith.constant 0 : i32
    %scan3A_31 = arith.constant 125 : i32
    %scan3A_32 = arith.addi %scan3A_30, %scan3A_31 : i32
    %scan3A_33 = arith.constant 1 : i32
    scf.for %scan3A_51 = %scan3A_30 to %scan3A_32 step %scan3A_33  : i32 {
      %mul3A_52 = arith.constant 2 : i32
      %mul3A_53 = arith.muli %scan3A_51, %mul3A_52 : i32
      %add3A_54 = arith.constant 0 : i32
      %add3A_55 = arith.addi %mul3A_53, %add3A_54 : i32
      %mul3A_56 = arith.constant 40 : i32
      %mul3A_57 = arith.muli %add3A_55, %mul3A_56 : i32
      %add3A_58 = arith.addi %mul3A_2, %mul3A_57 : i32
      %multiple_of3A_59 = tpu.assume_multiple %add3A_58, 8 : i32
      %dma_wait3A_60 = arith.constant 0 : i32
      %dma_wait3A_61 = arith.constant 0 : i32
      %dma_wait3A_62 = tpu.memref_slice %arg2[%dma_wait3A_60, %dma_wait3A_61] : memref<10000x128xf32, #tpu.memory_space<hbm>> -> memref<10000x128xf32, #tpu.memory_space<hbm>>
      tpu.wait_indirect_dma semaphore(%arg25 : memref<!tpu.dma_semaphore, #tpu.memory_space<semaphore_mem>>) src(%dma_wait3A_62 : memref<10000x128xf32, #tpu.memory_space<hbm>>) dst(%arg14 : memref<40x128xf32, #tpu.memory_space<vmem>>)
      %dma_wait3A_63 = arith.constant 0 : i32
      %dma_wait3A_64 = tpu.memref_slice %arg3[%multiple_of3A_59, %dma_wait3A_63] : memref<320000x128xf32, #tpu.memory_space<hbm>> -> memref<40x128xf32, #tpu.memory_space<hbm>>
      %dma_wait3A_65 = arith.constant 0 : i32
      %dma_wait3A_66 = tpu.memref_slice %arg3[%multiple_of3A_59, %dma_wait3A_65] : memref<320000x128xf32, #tpu.memory_space<hbm>> -> memref<40x128xf32, #tpu.memory_space<hbm>>
      tpu.wait_dma2 semaphore(%arg27 : memref<!tpu.dma_semaphore, #tpu.memory_space<semaphore_mem>>) src(%dma_wait3A_66 : memref<40x128xf32, #tpu.memory_space<hbm>>) dst(%arg16 : memref<40x128xf32, #tpu.memory_space<vmem>>)
      %dma_wait3A_67 = arith.constant 0 : i32
      %dma_wait3A_68 = arith.constant 0 : i32
      %dma_wait3A_69 = tpu.memref_slice %arg5[%dma_wait3A_67, %dma_wait3A_68] : memref<10000x128xf32, #tpu.memory_space<hbm>> -> memref<10000x128xf32, #tpu.memory_space<hbm>>
      tpu.wait_indirect_dma semaphore(%arg29 : memref<!tpu.dma_semaphore, #tpu.memory_space<semaphore_mem>>) src(%dma_wait3A_69 : memref<10000x128xf32, #tpu.memory_space<hbm>>) dst(%arg18 : memref<40x128xf32, #tpu.memory_space<vmem>>)
      %dma_wait3A_70 = arith.constant 0 : i32
      %dma_wait3A_71 = tpu.memref_slice %arg4[%multiple_of3A_59, %dma_wait3A_70] : memref<320000x16xf32, #tpu.memory_space<hbm>> -> memref<40x16xf32, #tpu.memory_space<hbm>>
      %dma_wait3A_72 = arith.constant 0 : i32
      %dma_wait3A_73 = tpu.memref_slice %arg4[%multiple_of3A_59, %dma_wait3A_72] : memref<320000x16xf32, #tpu.memory_space<hbm>> -> memref<40x16xf32, #tpu.memory_space<hbm>>
      tpu.wait_dma2 semaphore(%arg31 : memref<!tpu.dma_semaphore, #tpu.memory_space<semaphore_mem>>) src(%dma_wait3A_73 : memref<40x16xf32, #tpu.memory_space<hbm>>) dst(%arg20 : memref<40x16xf32, #tpu.memory_space<vmem>>)
      %ge3A = arith.constant 1 : i32
      %ge3A_74 = arith.cmpi sge, %add3A_55, %ge3A : i32
      %convert_element_type3A_75 = arith.extui %ge3A_74 : i1 to i32
      %cond3A_76 = arith.constant 0 : i32
      %cond3A_77 = arith.cmpi ne, %convert_element_type3A_75, %cond3A_76 : i32
      scf.if %cond3A_77 {
        %dma_wait3A_153 = arith.constant 0 : i32
        %dma_wait3A_154 = arith.constant 0 : i32
        %dma_wait3A_155 = tpu.memref_slice %arg24[%dma_wait3A_153, %dma_wait3A_154] : memref<10000x128xf32, #tpu.memory_space<vmem_shared>> -> memref<10000x128xf32, #tpu.memory_space<vmem_shared>>
        tpu.wait_indirect_dma semaphore(%arg35 : memref<!tpu.dma_semaphore, #tpu.memory_space<semaphore_mem>>) src(%arg15 : memref<40x128xf32, #tpu.memory_space<vmem>>) dst(%dma_wait3A_155 : memref<10000x128xf32, #tpu.memory_space<vmem_shared>>)
      } else {
      }
      %ge3A_78 = arith.constant 2 : i32
      %ge3A_79 = arith.cmpi sge, %add3A_55, %ge3A_78 : i32
      %convert_element_type3A_80 = arith.extui %ge3A_79 : i1 to i32
      %cond3A_81 = arith.constant 0 : i32
      %cond3A_82 = arith.cmpi ne, %convert_element_type3A_80, %cond3A_81 : i32
      scf.if %cond3A_82 {
        %mul3A_153 = arith.constant 8 : i32
        %mul3A_154 = arith.muli %multiple_of3A_59, %mul3A_153 : i32
        %dma_wait3A_155 = tpu.memref_slice %arg8[%mul3A_154] : memref<2560000xf32, #tpu.memory_space<hbm>> -> memref<320xf32, #tpu.memory_space<hbm>>
        %dma_wait3A_156 = tpu.memref_slice %arg8[%mul3A_154] : memref<2560000xf32, #tpu.memory_space<hbm>> -> memref<320xf32, #tpu.memory_space<hbm>>
        tpu.wait_dma2 semaphore(%arg33 : memref<!tpu.dma_semaphore, #tpu.memory_space<semaphore_mem>>) src(%arg22 : memref<320xf32, #tpu.memory_space<vmem>>) dst(%dma_wait3A_156 : memref<320xf32, #tpu.memory_space<hbm>>)
      } else {
      }
      %add3A_83 = arith.constant 1 : i32
      %add3A_84 = arith.addi %add3A_55, %add3A_83 : i32
      %lt3A_85 = arith.constant 250 : i32
      %lt3A_86 = arith.cmpi slt, %add3A_84, %lt3A_85 : i32
      %convert_element_type3A_87 = arith.extui %lt3A_86 : i1 to i32
      %cond3A_88 = arith.constant 0 : i32
      %cond3A_89 = arith.cmpi ne, %convert_element_type3A_87, %cond3A_88 : i32
      scf.if %cond3A_89 {
        %add3A_153 = arith.constant 1 : i32
        %add3A_154 = arith.addi %add3A_55, %add3A_153 : i32
        %mul3A_155 = arith.constant 40 : i32
        %mul3A_156 = arith.muli %add3A_154, %mul3A_155 : i32
        %add3A_157 = arith.addi %mul3A_2, %mul3A_156 : i32
        %multiple_of3A_158 = tpu.assume_multiple %add3A_157, 8 : i32
        "tpu.region"() ({
          %run_scoped3A = tpu.sem_alloc : memref<!tpu.dma_semaphore, #tpu.memory_space<semaphore_mem>>
          %dma_start3A_173 = tpu.memref_slice %arg6[%multiple_of3A_158] : memref<320000xi32, #tpu.memory_space<hbm>> -> memref<40xi32, #tpu.memory_space<hbm>>
          %dma_start3A_174 = tpu.memref_slice %arg6[%multiple_of3A_158] : memref<320000xi32, #tpu.memory_space<hbm>> -> memref<40xi32, #tpu.memory_space<hbm>>
          tpu.enqueue_dma source(%dma_start3A_174 : memref<40xi32, #tpu.memory_space<hbm>>) target(%arg11 : memref<40xi32, #tpu.memory_space<vmem>>) target_semaphore(%run_scoped3A : memref<!tpu.dma_semaphore, #tpu.memory_space<semaphore_mem>>)
          %dma_wait3A_175 = tpu.memref_slice %arg6[%multiple_of3A_158] : memref<320000xi32, #tpu.memory_space<hbm>> -> memref<40xi32, #tpu.memory_space<hbm>>
          %dma_wait3A_176 = tpu.memref_slice %arg6[%multiple_of3A_158] : memref<320000xi32, #tpu.memory_space<hbm>> -> memref<40xi32, #tpu.memory_space<hbm>>
          tpu.wait_dma2 semaphore(%run_scoped3A : memref<!tpu.dma_semaphore, #tpu.memory_space<semaphore_mem>>) src(%dma_wait3A_176 : memref<40xi32, #tpu.memory_space<hbm>>) dst(%arg11 : memref<40xi32, #tpu.memory_space<vmem>>)
          tpu.yield
        }) : () -> ()
        "tpu.region"() ({
          %run_scoped3A = tpu.sem_alloc : memref<!tpu.dma_semaphore, #tpu.memory_space<semaphore_mem>>
          %dma_start3A_173 = tpu.memref_slice %arg7[%multiple_of3A_158] : memref<320000xi32, #tpu.memory_space<hbm>> -> memref<40xi32, #tpu.memory_space<hbm>>
          %dma_start3A_174 = tpu.memref_slice %arg7[%multiple_of3A_158] : memref<320000xi32, #tpu.memory_space<hbm>> -> memref<40xi32, #tpu.memory_space<hbm>>
          tpu.enqueue_dma source(%dma_start3A_174 : memref<40xi32, #tpu.memory_space<hbm>>) target(%arg13 : memref<40xi32, #tpu.memory_space<vmem>>) target_semaphore(%run_scoped3A : memref<!tpu.dma_semaphore, #tpu.memory_space<semaphore_mem>>)
          %dma_wait3A_175 = tpu.memref_slice %arg7[%multiple_of3A_158] : memref<320000xi32, #tpu.memory_space<hbm>> -> memref<40xi32, #tpu.memory_space<hbm>>
          %dma_wait3A_176 = tpu.memref_slice %arg7[%multiple_of3A_158] : memref<320000xi32, #tpu.memory_space<hbm>> -> memref<40xi32, #tpu.memory_space<hbm>>
          tpu.wait_dma2 semaphore(%run_scoped3A : memref<!tpu.dma_semaphore, #tpu.memory_space<semaphore_mem>>) src(%dma_wait3A_176 : memref<40xi32, #tpu.memory_space<hbm>>) dst(%arg13 : memref<40xi32, #tpu.memory_space<vmem>>)
          tpu.yield
        }) : () -> ()
        %dma_start3A_159 = arith.constant 0 : i32
        %dma_start3A_160 = arith.constant 0 : i32
        %dma_start3A_161 = tpu.memref_slice %arg2[%dma_start3A_159, %dma_start3A_160] : memref<10000x128xf32, #tpu.memory_space<hbm>> -> memref<10000x128xf32, #tpu.memory_space<hbm>>
        tpu.enqueue_indirect_dma source(%dma_start3A_161 : memref<10000x128xf32, #tpu.memory_space<hbm>>) target(%arg15 : memref<40x128xf32, #tpu.memory_space<vmem>>) offsets(%arg11 : memref<40xi32, #tpu.memory_space<vmem>>) semaphore(%arg26 : memref<!tpu.dma_semaphore, #tpu.memory_space<semaphore_mem>>)
        %dma_start3A_162 = arith.constant 0 : i32
        %dma_start3A_163 = tpu.memref_slice %arg3[%multiple_of3A_158, %dma_start3A_162] : memref<320000x128xf32, #tpu.memory_space<hbm>> -> memref<40x128xf32, #tpu.memory_space<hbm>>
        %dma_start3A_164 = arith.constant 0 : i32
        %dma_start3A_165 = tpu.memref_slice %arg3[%multiple_of3A_158, %dma_start3A_164] : memref<320000x128xf32, #tpu.memory_space<hbm>> -> memref<40x128xf32, #tpu.memory_space<hbm>>
        tpu.enqueue_dma source(%dma_start3A_165 : memref<40x128xf32, #tpu.memory_space<hbm>>) target(%arg17 : memref<40x128xf32, #tpu.memory_space<vmem>>) target_semaphore(%arg28 : memref<!tpu.dma_semaphore, #tpu.memory_space<semaphore_mem>>)
        %dma_start3A_166 = arith.constant 0 : i32
        %dma_start3A_167 = arith.constant 0 : i32
        %dma_start3A_168 = tpu.memref_slice %arg5[%dma_start3A_166, %dma_start3A_167] : memref<10000x128xf32, #tpu.memory_space<hbm>> -> memref<10000x128xf32, #tpu.memory_space<hbm>>
        tpu.enqueue_indirect_dma source(%dma_start3A_168 : memref<10000x128xf32, #tpu.memory_space<hbm>>) target(%arg19 : memref<40x128xf32, #tpu.memory_space<vmem>>) offsets(%arg13 : memref<40xi32, #tpu.memory_space<vmem>>) semaphore(%arg30 : memref<!tpu.dma_semaphore, #tpu.memory_space<semaphore_mem>>)
        %dma_start3A_169 = arith.constant 0 : i32
        %dma_start3A_170 = tpu.memref_slice %arg4[%multiple_of3A_158, %dma_start3A_169] : memref<320000x16xf32, #tpu.memory_space<hbm>> -> memref<40x16xf32, #tpu.memory_space<hbm>>
        %dma_start3A_171 = arith.constant 0 : i32
        %dma_start3A_172 = tpu.memref_slice %arg4[%multiple_of3A_158, %dma_start3A_171] : memref<320000x16xf32, #tpu.memory_space<hbm>> -> memref<40x16xf32, #tpu.memory_space<hbm>>
        tpu.enqueue_dma source(%dma_start3A_172 : memref<40x16xf32, #tpu.memory_space<hbm>>) target(%arg21 : memref<40x16xf32, #tpu.memory_space<vmem>>) target_semaphore(%arg32 : memref<!tpu.dma_semaphore, #tpu.memory_space<semaphore_mem>>)
      } else {
      }
      %scan3A_90 = arith.constant 0 : i32
      %scan3A_91 = arith.constant 0 : i32
      %scan3A_92 = arith.constant 20 : i32
      %scan3A_93 = arith.addi %scan3A_91, %scan3A_92 : i32
      %scan3A_94 = arith.constant 1 : i32
      scf.for %scan3A_153 = %scan3A_91 to %scan3A_93 step %scan3A_94  : i32 {
        %mul3A_154 = arith.constant 2 : i32
        %mul3A_155 = arith.muli %scan3A_153, %mul3A_154 : i32
        %add3A_156 = arith.constant 1 : i32
        %add3A_157 = arith.addi %mul3A_155, %add3A_156 : i32
        %get3A = arith.index_cast %mul3A_155 : i32 to index
        %get3A_158 = arith.constant 0 : index
        %get3A_159 = tpu.vector_load %arg20[%get3A, %get3A_158] {strides = array<i32>} : memref<40x16xf32, #tpu.memory_space<vmem>>, vector<1x16xf32>,
        %get3A_160 = vector.shape_cast %get3A_159 : vector<1x16xf32> to vector<16xf32>
        %get3A_161 = arith.index_cast %mul3A_155 : i32 to index
        %get3A_162 = arith.constant 0 : index
        %get3A_163 = tpu.vector_load %arg18[%get3A_161, %get3A_162] {strides = array<i32>} : memref<40x128xf32, #tpu.memory_space<vmem>>, vector<1x16xf32>,
        %get3A_164 = vector.shape_cast %get3A_163 : vector<1x16xf32> to vector<16xf32>
        %add3A_165 = arith.constant 1.000000e-16 : f32
        %add3A_166 = vector.broadcast %add3A_165 : f32 to vector<16xf32>
        %add3A_167 = arith.addf %get3A_164, %add3A_166 : vector<16xf32>
        %div3A = arith.divf %get3A_160, %add3A_167 : vector<16xf32>
        %get3A_168 = arith.index_cast %add3A_157 : i32 to index
        %get3A_169 = arith.constant 0 : index
        %get3A_170 = tpu.vector_load %arg20[%get3A_168, %get3A_169] {strides = array<i32>} : memref<40x16xf32, #tpu.memory_space<vmem>>, vector<1x16xf32>,
        %get3A_171 = vector.shape_cast %get3A_170 : vector<1x16xf32> to vector<16xf32>
        %get3A_172 = arith.index_cast %add3A_157 : i32 to index
        %get3A_173 = arith.constant 0 : index
        %get3A_174 = tpu.vector_load %arg18[%get3A_172, %get3A_173] {strides = array<i32>} : memref<40x128xf32, #tpu.memory_space<vmem>>, vector<1x16xf32>,
        %get3A_175 = vector.shape_cast %get3A_174 : vector<1x16xf32> to vector<16xf32>
        %add3A_176 = arith.constant 1.000000e-16 : f32
        %add3A_177 = vector.broadcast %add3A_176 : f32 to vector<16xf32>
        %add3A_178 = arith.addf %get3A_175, %add3A_177 : vector<16xf32>
        %div3A_179 = arith.divf %get3A_171, %add3A_178 : vector<16xf32>
        %iota3A_180 = tpu.iota {dimensions = array<i32: 0>} : vector<16xi32>
        %xor3A = arith.constant 8 : i32
        %xor3A_181 = vector.broadcast %xor3A : i32 to vector<16xi32>
        %xor3A_182 = arith.xori %iota3A_180, %xor3A_181 : vector<16xi32>
        %broadcast_in_dim3A_183 = vector.shape_cast %xor3A_182 : vector<16xi32> to vector<16x1xi32>
        %gather3A = vector.shape_cast %broadcast_in_dim3A_183 : vector<16x1xi32> to vector<16xi32>
        %gather3A_184 = tpu.dynamic_gather %div3A_179[%gather3A] in [0] : vector<16xf32>, vector<16xi32> -> vector<16xf32>
        %select_n3A = arith.select %lt3A_13, %div3A, %gather3A_184 : vector<16xi1>, vector<16xf32>
        %mul3A_185 = arith.constant 16 : i32
        %mul3A_186 = arith.muli %scan3A_153, %mul3A_185 : i32
        %swap3A = arith.index_cast %mul3A_186 : i32 to index
        %swap3A_187 = tpu.vector_load %arg22[%swap3A] {strides = array<i32>} : memref<320xf32, #tpu.memory_space<vmem>>, vector<16xf32>,
        %swap3A_188 = vector.shape_cast %swap3A_187 : vector<16xf32> to vector<16xf32>
        %swap3A_189 = vector.shape_cast %select_n3A : vector<16xf32> to vector<16xf32>
        tpu.vector_store %arg22[%swap3A], %swap3A_189 {strides = array<i32>} : memref<320xf32, #tpu.memory_space<vmem>>, vector<16xf32>,
        %slice3A = vector.extract_strided_slice %div3A {offsets = [0], sizes = [1], strides = [1]} : vector<16xf32> to vector<1xf32>
        %squeeze3A = vector.extract %slice3A[0] : f32 from vector<1xf32>
        %slice3A_190 = vector.extract_strided_slice %div3A_179 {offsets = [0], sizes = [1], strides = [1]} : vector<16xf32> to vector<1xf32>
        %squeeze3A_191 = vector.extract %slice3A_190[0] : f32 from vector<1xf32>
        %get3A_192 = arith.index_cast %mul3A_155 : i32 to index
        %get3A_193 = arith.constant 0 : index
        %get3A_194 = tpu.vector_load %arg14[%get3A_192, %get3A_193] {strides = array<i32>} : memref<40x128xf32, #tpu.memory_space<vmem>>, vector<1x16xf32>,
        %get3A_195 = vector.shape_cast %get3A_194 : vector<1x16xf32> to vector<16xf32>
        %get3A_196 = arith.index_cast %mul3A_155 : i32 to index
        %get3A_197 = arith.constant 0 : index
        %get3A_198 = tpu.vector_load %arg16[%get3A_196, %get3A_197] {strides = array<i32>} : memref<40x128xf32, #tpu.memory_space<vmem>>, vector<1x16xf32>,
        %get3A_199 = vector.shape_cast %get3A_198 : vector<1x16xf32> to vector<16xf32>
        %add3A_200 = arith.addf %get3A_195, %get3A_199 : vector<16xf32>
        %mul3A_201 = vector.broadcast %squeeze3A : f32 to vector<16xf32>
        %mul3A_202 = arith.mulf %add3A_200, %mul3A_201 : vector<16xf32>
        %swap3A_203 = arith.index_cast %mul3A_155 : i32 to index
        %swap3A_204 = arith.constant 0 : index
        %swap3A_205 = tpu.vector_load %arg14[%swap3A_203, %swap3A_204] {strides = array<i32>} : memref<40x128xf32, #tpu.memory_space<vmem>>, vector<1x16xf32>,
        %swap3A_206 = vector.shape_cast %swap3A_205 : vector<1x16xf32> to vector<16xf32>
        %swap3A_207 = vector.shape_cast %mul3A_202 : vector<16xf32> to vector<1x16xf32>
        tpu.vector_store %arg14[%swap3A_203, %swap3A_204], %swap3A_207 {strides = array<i32>} : memref<40x128xf32, #tpu.memory_space<vmem>>, vector<1x16xf32>,
        %get3A_208 = arith.index_cast %add3A_157 : i32 to index
        %get3A_209 = arith.constant 0 : index
        %get3A_210 = tpu.vector_load %arg14[%get3A_208, %get3A_209] {strides = array<i32>} : memref<40x128xf32, #tpu.memory_space<vmem>>, vector<1x16xf32>,
        %get3A_211 = vector.shape_cast %get3A_210 : vector<1x16xf32> to vector<16xf32>
        %get3A_212 = arith.index_cast %add3A_157 : i32 to index
        %get3A_213 = arith.constant 0 : index
        %get3A_214 = tpu.vector_load %arg16[%get3A_212, %get3A_213] {strides = array<i32>} : memref<40x128xf32, #tpu.memory_space<vmem>>, vector<1x16xf32>,
        %get3A_215 = vector.shape_cast %get3A_214 : vector<1x16xf32> to vector<16xf32>
        %add3A_216 = arith.addf %get3A_211, %get3A_215 : vector<16xf32>
        %mul3A_217 = vector.broadcast %squeeze3A_191 : f32 to vector<16xf32>
        %mul3A_218 = arith.mulf %add3A_216, %mul3A_217 : vector<16xf32>
        %swap3A_219 = arith.index_cast %add3A_157 : i32 to index
        %swap3A_220 = arith.constant 0 : index
        %swap3A_221 = tpu.vector_load %arg14[%swap3A_219, %swap3A_220] {strides = array<i32>} : memref<40x128xf32, #tpu.memory_space<vmem>>, vector<1x16xf32>,
        %swap3A_222 = vector.shape_cast %swap3A_221 : vector<1x16xf32> to vector<16xf32>
        %swap3A_223 = vector.shape_cast %mul3A_218 : vector<16xf32> to vector<1x16xf32>
        tpu.vector_store %arg14[%swap3A_219, %swap3A_220], %swap3A_223 {strides = array<i32>} : memref<40x128xf32, #tpu.memory_space<vmem>>, vector<1x16xf32>,
        %slice3A_224 = vector.extract_strided_slice %div3A {offsets = [1], sizes = [1], strides = [1]} : vector<16xf32> to vector<1xf32>
        %squeeze3A_225 = vector.extract %slice3A_224[0] : f32 from vector<1xf32>
        %slice3A_226 = vector.extract_strided_slice %div3A_179 {offsets = [1], sizes = [1], strides = [1]} : vector<16xf32> to vector<1xf32>
        %squeeze3A_227 = vector.extract %slice3A_226[0] : f32 from vector<1xf32>
        %get3A_228 = arith.index_cast %mul3A_155 : i32 to index
        %get3A_229 = arith.constant 16 : index
        %get3A_230 = tpu.vector_load %arg14[%get3A_228, %get3A_229] {strides = array<i32>} : memref<40x128xf32, #tpu.memory_space<vmem>>, vector<1x16xf32>,
        %get3A_231 = vector.shape_cast %get3A_230 : vector<1x16xf32> to vector<16xf32>
        %get3A_232 = arith.index_cast %mul3A_155 : i32 to index
        %get3A_233 = arith.constant 16 : index
        %get3A_234 = tpu.vector_load %arg16[%get3A_232, %get3A_233] {strides = array<i32>} : memref<40x128xf32, #tpu.memory_space<vmem>>, vector<1x16xf32>,
        %get3A_235 = vector.shape_cast %get3A_234 : vector<1x16xf32> to vector<16xf32>
        %add3A_236 = arith.addf %get3A_231, %get3A_235 : vector<16xf32>
        %mul3A_237 = vector.broadcast %squeeze3A_225 : f32 to vector<16xf32>
        %mul3A_238 = arith.mulf %add3A_236, %mul3A_237 : vector<16xf32>
        %swap3A_239 = arith.index_cast %mul3A_155 : i32 to index
        %swap3A_240 = arith.constant 16 : index
        %swap3A_241 = tpu.vector_load %arg14[%swap3A_239, %swap3A_240] {strides = array<i32>} : memref<40x128xf32, #tpu.memory_space<vmem>>, vector<1x16xf32>,
        %swap3A_242 = vector.shape_cast %swap3A_241 : vector<1x16xf32> to vector<16xf32>
        %swap3A_243 = vector.shape_cast %mul3A_238 : vector<16xf32> to vector<1x16xf32>
        tpu.vector_store %arg14[%swap3A_239, %swap3A_240], %swap3A_243 {strides = array<i32>} : memref<40x128xf32, #tpu.memory_space<vmem>>, vector<1x16xf32>,
        %get3A_244 = arith.index_cast %add3A_157 : i32 to index
        %get3A_245 = arith.constant 16 : index
        %get3A_246 = tpu.vector_load %arg14[%get3A_244, %get3A_245] {strides = array<i32>} : memref<40x128xf32, #tpu.memory_space<vmem>>, vector<1x16xf32>,
        %get3A_247 = vector.shape_cast %get3A_246 : vector<1x16xf32> to vector<16xf32>
        %get3A_248 = arith.index_cast %add3A_157 : i32 to index
        %get3A_249 = arith.constant 16 : index
        %get3A_250 = tpu.vector_load %arg16[%get3A_248, %get3A_249] {strides = array<i32>} : memref<40x128xf32, #tpu.memory_space<vmem>>, vector<1x16xf32>,
        %get3A_251 = vector.shape_cast %get3A_250 : vector<1x16xf32> to vector<16xf32>
        %add3A_252 = arith.addf %get3A_247, %get3A_251 : vector<16xf32>
        %mul3A_253 = vector.broadcast %squeeze3A_227 : f32 to vector<16xf32>
        %mul3A_254 = arith.mulf %add3A_252, %mul3A_253 : vector<16xf32>
        %swap3A_255 = arith.index_cast %add3A_157 : i32 to index
        %swap3A_256 = arith.constant 16 : index
        %swap3A_257 = tpu.vector_load %arg14[%swap3A_255, %swap3A_256] {strides = array<i32>} : memref<40x128xf32, #tpu.memory_space<vmem>>, vector<1x16xf32>,
        %swap3A_258 = vector.shape_cast %swap3A_257 : vector<1x16xf32> to vector<16xf32>
        %swap3A_259 = vector.shape_cast %mul3A_254 : vector<16xf32> to vector<1x16xf32>
        tpu.vector_store %arg14[%swap3A_255, %swap3A_256], %swap3A_259 {strides = array<i32>} : memref<40x128xf32, #tpu.memory_space<vmem>>, vector<1x16xf32>,
        %slice3A_260 = vector.extract_strided_slice %div3A {offsets = [2], sizes = [1], strides = [1]} : vector<16xf32> to vector<1xf32>
        %squeeze3A_261 = vector.extract %slice3A_260[0] : f32 from vector<1xf32>
        %slice3A_262 = vector.extract_strided_slice %div3A_179 {offsets = [2], sizes = [1], strides = [1]} : vector<16xf32> to vector<1xf32>
        %squeeze3A_263 = vector.extract %slice3A_262[0] : f32 from vector<1xf32>
        %get3A_264 = arith.index_cast %mul3A_155 : i32 to index
        %get3A_265 = arith.constant 32 : index
        %get3A_266 = tpu.vector_load %arg14[%get3A_264, %get3A_265] {strides = array<i32>} : memref<40x128xf32, #tpu.memory_space<vmem>>, vector<1x16xf32>,
        %get3A_267 = vector.shape_cast %get3A_266 : vector<1x16xf32> to vector<16xf32>
        %get3A_268 = arith.index_cast %mul3A_155 : i32 to index
        %get3A_269 = arith.constant 32 : index
        %get3A_270 = tpu.vector_load %arg16[%get3A_268, %get3A_269] {strides = array<i32>} : memref<40x128xf32, #tpu.memory_space<vmem>>, vector<1x16xf32>,
        %get3A_271 = vector.shape_cast %get3A_270 : vector<1x16xf32> to vector<16xf32>
        %add3A_272 = arith.addf %get3A_267, %get3A_271 : vector<16xf32>
        %mul3A_273 = vector.broadcast %squeeze3A_261 : f32 to vector<16xf32>
        %mul3A_274 = arith.mulf %add3A_272, %mul3A_273 : vector<16xf32>
        %swap3A_275 = arith.index_cast %mul3A_155 : i32 to index
        %swap3A_276 = arith.constant 32 : index
        %swap3A_277 = tpu.vector_load %arg14[%swap3A_275, %swap3A_276] {strides = array<i32>} : memref<40x128xf32, #tpu.memory_space<vmem>>, vector<1x16xf32>,
        %swap3A_278 = vector.shape_cast %swap3A_277 : vector<1x16xf32> to vector<16xf32>
        %swap3A_279 = vector.shape_cast %mul3A_274 : vector<16xf32> to vector<1x16xf32>
        tpu.vector_store %arg14[%swap3A_275, %swap3A_276], %swap3A_279 {strides = array<i32>} : memref<40x128xf32, #tpu.memory_space<vmem>>, vector<1x16xf32>,
        %get3A_280 = arith.index_cast %add3A_157 : i32 to index
        %get3A_281 = arith.constant 32 : index
        %get3A_282 = tpu.vector_load %arg14[%get3A_280, %get3A_281] {strides = array<i32>} : memref<40x128xf32, #tpu.memory_space<vmem>>, vector<1x16xf32>,
        %get3A_283 = vector.shape_cast %get3A_282 : vector<1x16xf32> to vector<16xf32>
        %get3A_284 = arith.index_cast %add3A_157 : i32 to index
        %get3A_285 = arith.constant 32 : index
        %get3A_286 = tpu.vector_load %arg16[%get3A_284, %get3A_285] {strides = array<i32>} : memref<40x128xf32, #tpu.memory_space<vmem>>, vector<1x16xf32>,
        %get3A_287 = vector.shape_cast %get3A_286 : vector<1x16xf32> to vector<16xf32>
        %add3A_288 = arith.addf %get3A_283, %get3A_287 : vector<16xf32>
        %mul3A_289 = vector.broadcast %squeeze3A_263 : f32 to vector<16xf32>
        %mul3A_290 = arith.mulf %add3A_288, %mul3A_289 : vector<16xf32>
        %swap3A_291 = arith.index_cast %add3A_157 : i32 to index
        %swap3A_292 = arith.constant 32 : index
        %swap3A_293 = tpu.vector_load %arg14[%swap3A_291, %swap3A_292] {strides = array<i32>} : memref<40x128xf32, #tpu.memory_space<vmem>>, vector<1x16xf32>,
        %swap3A_294 = vector.shape_cast %swap3A_293 : vector<1x16xf32> to vector<16xf32>
        %swap3A_295 = vector.shape_cast %mul3A_290 : vector<16xf32> to vector<1x16xf32>
        tpu.vector_store %arg14[%swap3A_291, %swap3A_292], %swap3A_295 {strides = array<i32>} : memref<40x128xf32, #tpu.memory_space<vmem>>, vector<1x16xf32>,
        %slice3A_296 = vector.extract_strided_slice %div3A {offsets = [3], sizes = [1], strides = [1]} : vector<16xf32> to vector<1xf32>
        %squeeze3A_297 = vector.extract %slice3A_296[0] : f32 from vector<1xf32>
        %slice3A_298 = vector.extract_strided_slice %div3A_179 {offsets = [3], sizes = [1], strides = [1]} : vector<16xf32> to vector<1xf32>
        %squeeze3A_299 = vector.extract %slice3A_298[0] : f32 from vector<1xf32>
        %get3A_300 = arith.index_cast %mul3A_155 : i32 to index
        %get3A_301 = arith.constant 48 : index
        %get3A_302 = tpu.vector_load %arg14[%get3A_300, %get3A_301] {strides = array<i32>} : memref<40x128xf32, #tpu.memory_space<vmem>>, vector<1x16xf32>,
        %get3A_303 = vector.shape_cast %get3A_302 : vector<1x16xf32> to vector<16xf32>
        %get3A_304 = arith.index_cast %mul3A_155 : i32 to index
        %get3A_305 = arith.constant 48 : index
        %get3A_306 = tpu.vector_load %arg16[%get3A_304, %get3A_305] {strides = array<i32>} : memref<40x128xf32, #tpu.memory_space<vmem>>, vector<1x16xf32>,
        %get3A_307 = vector.shape_cast %get3A_306 : vector<1x16xf32> to vector<16xf32>
        %add3A_308 = arith.addf %get3A_303, %get3A_307 : vector<16xf32>
        %mul3A_309 = vector.broadcast %squeeze3A_297 : f32 to vector<16xf32>
        %mul3A_310 = arith.mulf %add3A_308, %mul3A_309 : vector<16xf32>
        %swap3A_311 = arith.index_cast %mul3A_155 : i32 to index
        %swap3A_312 = arith.constant 48 : index
        %swap3A_313 = tpu.vector_load %arg14[%swap3A_311, %swap3A_312] {strides = array<i32>} : memref<40x128xf32, #tpu.memory_space<vmem>>, vector<1x16xf32>,
        %swap3A_314 = vector.shape_cast %swap3A_313 : vector<1x16xf32> to vector<16xf32>
        %swap3A_315 = vector.shape_cast %mul3A_310 : vector<16xf32> to vector<1x16xf32>
        tpu.vector_store %arg14[%swap3A_311, %swap3A_312], %swap3A_315 {strides = array<i32>} : memref<40x128xf32, #tpu.memory_space<vmem>>, vector<1x16xf32>,
        %get3A_316 = arith.index_cast %add3A_157 : i32 to index
        %get3A_317 = arith.constant 48 : index
        %get3A_318 = tpu.vector_load %arg14[%get3A_316, %get3A_317] {strides = array<i32>} : memref<40x128xf32, #tpu.memory_space<vmem>>, vector<1x16xf32>,
        %get3A_319 = vector.shape_cast %get3A_318 : vector<1x16xf32> to vector<16xf32>
        %get3A_320 = arith.index_cast %add3A_157 : i32 to index
        %get3A_321 = arith.constant 48 : index
        %get3A_322 = tpu.vector_load %arg16[%get3A_320, %get3A_321] {strides = array<i32>} : memref<40x128xf32, #tpu.memory_space<vmem>>, vector<1x16xf32>,
        %get3A_323 = vector.shape_cast %get3A_322 : vector<1x16xf32> to vector<16xf32>
        %add3A_324 = arith.addf %get3A_319, %get3A_323 : vector<16xf32>
        %mul3A_325 = vector.broadcast %squeeze3A_299 : f32 to vector<16xf32>
        %mul3A_326 = arith.mulf %add3A_324, %mul3A_325 : vector<16xf32>
        %swap3A_327 = arith.index_cast %add3A_157 : i32 to index
        %swap3A_328 = arith.constant 48 : index
        %swap3A_329 = tpu.vector_load %arg14[%swap3A_327, %swap3A_328] {strides = array<i32>} : memref<40x128xf32, #tpu.memory_space<vmem>>, vector<1x16xf32>,
        %swap3A_330 = vector.shape_cast %swap3A_329 : vector<1x16xf32> to vector<16xf32>
        %swap3A_331 = vector.shape_cast %mul3A_326 : vector<16xf32> to vector<1x16xf32>
        tpu.vector_store %arg14[%swap3A_327, %swap3A_328], %swap3A_331 {strides = array<i32>} : memref<40x128xf32, #tpu.memory_space<vmem>>, vector<1x16xf32>,
        %slice3A_332 = vector.extract_strided_slice %div3A {offsets = [4], sizes = [1], strides = [1]} : vector<16xf32> to vector<1xf32>
        %squeeze3A_333 = vector.extract %slice3A_332[0] : f32 from vector<1xf32>
        %slice3A_334 = vector.extract_strided_slice %div3A_179 {offsets = [4], sizes = [1], strides = [1]} : vector<16xf32> to vector<1xf32>
        %squeeze3A_335 = vector.extract %slice3A_334[0] : f32 from vector<1xf32>
        %get3A_336 = arith.index_cast %mul3A_155 : i32 to index
        %get3A_337 = arith.constant 64 : index
        %get3A_338 = tpu.vector_load %arg14[%get3A_336, %get3A_337] {strides = array<i32>} : memref<40x128xf32, #tpu.memory_space<vmem>>, vector<1x16xf32>,
        %get3A_339 = vector.shape_cast %get3A_338 : vector<1x16xf32> to vector<16xf32>
        %get3A_340 = arith.index_cast %mul3A_155 : i32 to index
        %get3A_341 = arith.constant 64 : index
        %get3A_342 = tpu.vector_load %arg16[%get3A_340, %get3A_341] {strides = array<i32>} : memref<40x128xf32, #tpu.memory_space<vmem>>, vector<1x16xf32>,
        %get3A_343 = vector.shape_cast %get3A_342 : vector<1x16xf32> to vector<16xf32>
        %add3A_344 = arith.addf %get3A_339, %get3A_343 : vector<16xf32>
        %mul3A_345 = vector.broadcast %squeeze3A_333 : f32 to vector<16xf32>
        %mul3A_346 = arith.mulf %add3A_344, %mul3A_345 : vector<16xf32>
        %swap3A_347 = arith.index_cast %mul3A_155 : i32 to index
        %swap3A_348 = arith.constant 64 : index
        %swap3A_349 = tpu.vector_load %arg14[%swap3A_347, %swap3A_348] {strides = array<i32>} : memref<40x128xf32, #tpu.memory_space<vmem>>, vector<1x16xf32>,
        %swap3A_350 = vector.shape_cast %swap3A_349 : vector<1x16xf32> to vector<16xf32>
        %swap3A_351 = vector.shape_cast %mul3A_346 : vector<16xf32> to vector<1x16xf32>
        tpu.vector_store %arg14[%swap3A_347, %swap3A_348], %swap3A_351 {strides = array<i32>} : memref<40x128xf32, #tpu.memory_space<vmem>>, vector<1x16xf32>,
        %get3A_352 = arith.index_cast %add3A_157 : i32 to index
        %get3A_353 = arith.constant 64 : index
        %get3A_354 = tpu.vector_load %arg14[%get3A_352, %get3A_353] {strides = array<i32>} : memref<40x128xf32, #tpu.memory_space<vmem>>, vector<1x16xf32>,
        %get3A_355 = vector.shape_cast %get3A_354 : vector<1x16xf32> to vector<16xf32>
        %get3A_356 = arith.index_cast %add3A_157 : i32 to index
        %get3A_357 = arith.constant 64 : index
        %get3A_358 = tpu.vector_load %arg16[%get3A_356, %get3A_357] {strides = array<i32>} : memref<40x128xf32, #tpu.memory_space<vmem>>, vector<1x16xf32>,
        %get3A_359 = vector.shape_cast %get3A_358 : vector<1x16xf32> to vector<16xf32>
        %add3A_360 = arith.addf %get3A_355, %get3A_359 : vector<16xf32>
        %mul3A_361 = vector.broadcast %squeeze3A_335 : f32 to vector<16xf32>
        %mul3A_362 = arith.mulf %add3A_360, %mul3A_361 : vector<16xf32>
        %swap3A_363 = arith.index_cast %add3A_157 : i32 to index
        %swap3A_364 = arith.constant 64 : index
        %swap3A_365 = tpu.vector_load %arg14[%swap3A_363, %swap3A_364] {strides = array<i32>} : memref<40x128xf32, #tpu.memory_space<vmem>>, vector<1x16xf32>,
        %swap3A_366 = vector.shape_cast %swap3A_365 : vector<1x16xf32> to vector<16xf32>
        %swap3A_367 = vector.shape_cast %mul3A_362 : vector<16xf32> to vector<1x16xf32>
        tpu.vector_store %arg14[%swap3A_363, %swap3A_364], %swap3A_367 {strides = array<i32>} : memref<40x128xf32, #tpu.memory_space<vmem>>, vector<1x16xf32>,
        %slice3A_368 = vector.extract_strided_slice %div3A {offsets = [5], sizes = [1], strides = [1]} : vector<16xf32> to vector<1xf32>
        %squeeze3A_369 = vector.extract %slice3A_368[0] : f32 from vector<1xf32>
        %slice3A_370 = vector.extract_strided_slice %div3A_179 {offsets = [5], sizes = [1], strides = [1]} : vector<16xf32> to vector<1xf32>
        %squeeze3A_371 = vector.extract %slice3A_370[0] : f32 from vector<1xf32>
        %get3A_372 = arith.index_cast %mul3A_155 : i32 to index
        %get3A_373 = arith.constant 80 : index
        %get3A_374 = tpu.vector_load %arg14[%get3A_372, %get3A_373] {strides = array<i32>} : memref<40x128xf32, #tpu.memory_space<vmem>>, vector<1x16xf32>,
        %get3A_375 = vector.shape_cast %get3A_374 : vector<1x16xf32> to vector<16xf32>
        %get3A_376 = arith.index_cast %mul3A_155 : i32 to index
        %get3A_377 = arith.constant 80 : index
        %get3A_378 = tpu.vector_load %arg16[%get3A_376, %get3A_377] {strides = array<i32>} : memref<40x128xf32, #tpu.memory_space<vmem>>, vector<1x16xf32>,
        %get3A_379 = vector.shape_cast %get3A_378 : vector<1x16xf32> to vector<16xf32>
        %add3A_380 = arith.addf %get3A_375, %get3A_379 : vector<16xf32>
        %mul3A_381 = vector.broadcast %squeeze3A_369 : f32 to vector<16xf32>
        %mul3A_382 = arith.mulf %add3A_380, %mul3A_381 : vector<16xf32>
        %swap3A_383 = arith.index_cast %mul3A_155 : i32 to index
        %swap3A_384 = arith.constant 80 : index
        %swap3A_385 = tpu.vector_load %arg14[%swap3A_383, %swap3A_384] {strides = array<i32>} : memref<40x128xf32, #tpu.memory_space<vmem>>, vector<1x16xf32>,
        %swap3A_386 = vector.shape_cast %swap3A_385 : vector<1x16xf32> to vector<16xf32>
        %swap3A_387 = vector.shape_cast %mul3A_382 : vector<16xf32> to vector<1x16xf32>
        tpu.vector_store %arg14[%swap3A_383, %swap3A_384], %swap3A_387 {strides = array<i32>} : memref<40x128xf32, #tpu.memory_space<vmem>>, vector<1x16xf32>,
        %get3A_388 = arith.index_cast %add3A_157 : i32 to index
        %get3A_389 = arith.constant 80 : index
        %get3A_390 = tpu.vector_load %arg14[%get3A_388, %get3A_389] {strides = array<i32>} : memref<40x128xf32, #tpu.memory_space<vmem>>, vector<1x16xf32>,
        %get3A_391 = vector.shape_cast %get3A_390 : vector<1x16xf32> to vector<16xf32>
        %get3A_392 = arith.index_cast %add3A_157 : i32 to index
        %get3A_393 = arith.constant 80 : index
        %get3A_394 = tpu.vector_load %arg16[%get3A_392, %get3A_393] {strides = array<i32>} : memref<40x128xf32, #tpu.memory_space<vmem>>, vector<1x16xf32>,
        %get3A_395 = vector.shape_cast %get3A_394 : vector<1x16xf32> to vector<16xf32>
        %add3A_396 = arith.addf %get3A_391, %get3A_395 : vector<16xf32>
        %mul3A_397 = vector.broadcast %squeeze3A_371 : f32 to vector<16xf32>
        %mul3A_398 = arith.mulf %add3A_396, %mul3A_397 : vector<16xf32>
        %swap3A_399 = arith.index_cast %add3A_157 : i32 to index
        %swap3A_400 = arith.constant 80 : index
        %swap3A_401 = tpu.vector_load %arg14[%swap3A_399, %swap3A_400] {strides = array<i32>} : memref<40x128xf32, #tpu.memory_space<vmem>>, vector<1x16xf32>,
        %swap3A_402 = vector.shape_cast %swap3A_401 : vector<1x16xf32> to vector<16xf32>
        %swap3A_403 = vector.shape_cast %mul3A_398 : vector<16xf32> to vector<1x16xf32>
        tpu.vector_store %arg14[%swap3A_399, %swap3A_400], %swap3A_403 {strides = array<i32>} : memref<40x128xf32, #tpu.memory_space<vmem>>, vector<1x16xf32>,
        %slice3A_404 = vector.extract_strided_slice %div3A {offsets = [6], sizes = [1], strides = [1]} : vector<16xf32> to vector<1xf32>
        %squeeze3A_405 = vector.extract %slice3A_404[0] : f32 from vector<1xf32>
        %slice3A_406 = vector.extract_strided_slice %div3A_179 {offsets = [6], sizes = [1], strides = [1]} : vector<16xf32> to vector<1xf32>
        %squeeze3A_407 = vector.extract %slice3A_406[0] : f32 from vector<1xf32>
        %get3A_408 = arith.index_cast %mul3A_155 : i32 to index
        %get3A_409 = arith.constant 96 : index
        %get3A_410 = tpu.vector_load %arg14[%get3A_408, %get3A_409] {strides = array<i32>} : memref<40x128xf32, #tpu.memory_space<vmem>>, vector<1x16xf32>,
        %get3A_411 = vector.shape_cast %get3A_410 : vector<1x16xf32> to vector<16xf32>
        %get3A_412 = arith.index_cast %mul3A_155 : i32 to index
        %get3A_413 = arith.constant 96 : index
        %get3A_414 = tpu.vector_load %arg16[%get3A_412, %get3A_413] {strides = array<i32>} : memref<40x128xf32, #tpu.memory_space<vmem>>, vector<1x16xf32>,
        %get3A_415 = vector.shape_cast %get3A_414 : vector<1x16xf32> to vector<16xf32>
        %add3A_416 = arith.addf %get3A_411, %get3A_415 : vector<16xf32>
        %mul3A_417 = vector.broadcast %squeeze3A_405 : f32 to vector<16xf32>
        %mul3A_418 = arith.mulf %add3A_416, %mul3A_417 : vector<16xf32>
        %swap3A_419 = arith.index_cast %mul3A_155 : i32 to index
        %swap3A_420 = arith.constant 96 : index
        %swap3A_421 = tpu.vector_load %arg14[%swap3A_419, %swap3A_420] {strides = array<i32>} : memref<40x128xf32, #tpu.memory_space<vmem>>, vector<1x16xf32>,
        %swap3A_422 = vector.shape_cast %swap3A_421 : vector<1x16xf32> to vector<16xf32>
        %swap3A_423 = vector.shape_cast %mul3A_418 : vector<16xf32> to vector<1x16xf32>
        tpu.vector_store %arg14[%swap3A_419, %swap3A_420], %swap3A_423 {strides = array<i32>} : memref<40x128xf32, #tpu.memory_space<vmem>>, vector<1x16xf32>,
        %get3A_424 = arith.index_cast %add3A_157 : i32 to index
        %get3A_425 = arith.constant 96 : index
        %get3A_426 = tpu.vector_load %arg14[%get3A_424, %get3A_425] {strides = array<i32>} : memref<40x128xf32, #tpu.memory_space<vmem>>, vector<1x16xf32>,
        %get3A_427 = vector.shape_cast %get3A_426 : vector<1x16xf32> to vector<16xf32>
        %get3A_428 = arith.index_cast %add3A_157 : i32 to index
        %get3A_429 = arith.constant 96 : index
        %get3A_430 = tpu.vector_load %arg16[%get3A_428, %get3A_429] {strides = array<i32>} : memref<40x128xf32, #tpu.memory_space<vmem>>, vector<1x16xf32>,
        %get3A_431 = vector.shape_cast %get3A_430 : vector<1x16xf32> to vector<16xf32>
        %add3A_432 = arith.addf %get3A_427, %get3A_431 : vector<16xf32>
        %mul3A_433 = vector.broadcast %squeeze3A_407 : f32 to vector<16xf32>
        %mul3A_434 = arith.mulf %add3A_432, %mul3A_433 : vector<16xf32>
        %swap3A_435 = arith.index_cast %add3A_157 : i32 to index
        %swap3A_436 = arith.constant 96 : index
        %swap3A_437 = tpu.vector_load %arg14[%swap3A_435, %swap3A_436] {strides = array<i32>} : memref<40x128xf32, #tpu.memory_space<vmem>>, vector<1x16xf32>,
        %swap3A_438 = vector.shape_cast %swap3A_437 : vector<1x16xf32> to vector<16xf32>
        %swap3A_439 = vector.shape_cast %mul3A_434 : vector<16xf32> to vector<1x16xf32>
        tpu.vector_store %arg14[%swap3A_435, %swap3A_436], %swap3A_439 {strides = array<i32>} : memref<40x128xf32, #tpu.memory_space<vmem>>, vector<1x16xf32>,
        %slice3A_440 = vector.extract_strided_slice %div3A {offsets = [7], sizes = [1], strides = [1]} : vector<16xf32> to vector<1xf32>
        %squeeze3A_441 = vector.extract %slice3A_440[0] : f32 from vector<1xf32>
        %slice3A_442 = vector.extract_strided_slice %div3A_179 {offsets = [7], sizes = [1], strides = [1]} : vector<16xf32> to vector<1xf32>
        %squeeze3A_443 = vector.extract %slice3A_442[0] : f32 from vector<1xf32>
        %get3A_444 = arith.index_cast %mul3A_155 : i32 to index
        %get3A_445 = arith.constant 112 : index
        %get3A_446 = tpu.vector_load %arg14[%get3A_444, %get3A_445] {strides = array<i32>} : memref<40x128xf32, #tpu.memory_space<vmem>>, vector<1x16xf32>,
        %get3A_447 = vector.shape_cast %get3A_446 : vector<1x16xf32> to vector<16xf32>
        %get3A_448 = arith.index_cast %mul3A_155 : i32 to index
        %get3A_449 = arith.constant 112 : index
        %get3A_450 = tpu.vector_load %arg16[%get3A_448, %get3A_449] {strides = array<i32>} : memref<40x128xf32, #tpu.memory_space<vmem>>, vector<1x16xf32>,
        %get3A_451 = vector.shape_cast %get3A_450 : vector<1x16xf32> to vector<16xf32>
        %add3A_452 = arith.addf %get3A_447, %get3A_451 : vector<16xf32>
        %mul3A_453 = vector.broadcast %squeeze3A_441 : f32 to vector<16xf32>
        %mul3A_454 = arith.mulf %add3A_452, %mul3A_453 : vector<16xf32>
        %swap3A_455 = arith.index_cast %mul3A_155 : i32 to index
        %swap3A_456 = arith.constant 112 : index
        %swap3A_457 = tpu.vector_load %arg14[%swap3A_455, %swap3A_456] {strides = array<i32>} : memref<40x128xf32, #tpu.memory_space<vmem>>, vector<1x16xf32>,
        %swap3A_458 = vector.shape_cast %swap3A_457 : vector<1x16xf32> to vector<16xf32>
        %swap3A_459 = vector.shape_cast %mul3A_454 : vector<16xf32> to vector<1x16xf32>
        tpu.vector_store %arg14[%swap3A_455, %swap3A_456], %swap3A_459 {strides = array<i32>} : memref<40x128xf32, #tpu.memory_space<vmem>>, vector<1x16xf32>,
        %get3A_460 = arith.index_cast %add3A_157 : i32 to index
        %get3A_461 = arith.constant 112 : index
        %get3A_462 = tpu.vector_load %arg14[%get3A_460, %get3A_461] {strides = array<i32>} : memref<40x128xf32, #tpu.memory_space<vmem>>, vector<1x16xf32>,
        %get3A_463 = vector.shape_cast %get3A_462 : vector<1x16xf32> to vector<16xf32>
        %get3A_464 = arith.index_cast %add3A_157 : i32 to index
        %get3A_465 = arith.constant 112 : index
        %get3A_466 = tpu.vector_load %arg16[%get3A_464, %get3A_465] {strides = array<i32>} : memref<40x128xf32, #tpu.memory_space<vmem>>, vector<1x16xf32>,
        %get3A_467 = vector.shape_cast %get3A_466 : vector<1x16xf32> to vector<16xf32>
        %add3A_468 = arith.addf %get3A_463, %get3A_467 : vector<16xf32>
        %mul3A_469 = vector.broadcast %squeeze3A_443 : f32 to vector<16xf32>
        %mul3A_470 = arith.mulf %add3A_468, %mul3A_469 : vector<16xf32>
        %swap3A_471 = arith.index_cast %add3A_157 : i32 to index
        %swap3A_472 = arith.constant 112 : index
        %swap3A_473 = tpu.vector_load %arg14[%swap3A_471, %swap3A_472] {strides = array<i32>} : memref<40x128xf32, #tpu.memory_space<vmem>>, vector<1x16xf32>,
        %swap3A_474 = vector.shape_cast %swap3A_473 : vector<1x16xf32> to vector<16xf32>
        %swap3A_475 = vector.shape_cast %mul3A_470 : vector<16xf32> to vector<1x16xf32>
        tpu.vector_store %arg14[%swap3A_471, %swap3A_472], %swap3A_475 {strides = array<i32>} : memref<40x128xf32, #tpu.memory_space<vmem>>, vector<1x16xf32>,
      }
      %scan3A_95 = arith.constant 20 : i32
      %mul3A_96 = arith.constant 8 : i32
      %mul3A_97 = arith.muli %multiple_of3A_59, %mul3A_96 : i32
      %dma_start3A_98 = tpu.memref_slice %arg8[%mul3A_97] : memref<2560000xf32, #tpu.memory_space<hbm>> -> memref<320xf32, #tpu.memory_space<hbm>>
      %dma_start3A_99 = tpu.memref_slice %arg8[%mul3A_97] : memref<2560000xf32, #tpu.memory_space<hbm>> -> memref<320xf32, #tpu.memory_space<hbm>>
      tpu.enqueue_dma source(%arg22 : memref<320xf32, #tpu.memory_space<vmem>>) target(%dma_start3A_99 : memref<320xf32, #tpu.memory_space<hbm>>) target_semaphore(%arg33 : memref<!tpu.dma_semaphore, #tpu.memory_space<semaphore_mem>>)
      %dma_start3A_100 = arith.constant 0 : i32
      %dma_start3A_101 = arith.constant 0 : i32
      %dma_start3A_102 = tpu.memref_slice %arg24[%dma_start3A_100, %dma_start3A_101] : memref<10000x128xf32, #tpu.memory_space<vmem_shared>> -> memref<10000x128xf32, #tpu.memory_space<vmem_shared>>
      tpu.enqueue_indirect_dma source(%arg14 : memref<40x128xf32, #tpu.memory_space<vmem>>) target(%dma_start3A_102 : memref<10000x128xf32, #tpu.memory_space<vmem_shared>>) offsets(%arg12 : memref<40xi32, #tpu.memory_space<vmem>>) semaphore(%arg35 : memref<!tpu.dma_semaphore, #tpu.memory_space<semaphore_mem>>) {add = true}
      %add3A_103 = arith.constant 1 : i32
      %add3A_104 = arith.addi %mul3A_53, %add3A_103 : i32
      %mul3A_105 = arith.constant 40 : i32
      %mul3A_106 = arith.muli %add3A_104, %mul3A_105 : i32
      %add3A_107 = arith.addi %mul3A_2, %mul3A_106 : i32
      %multiple_of3A_108 = tpu.assume_multiple %add3A_107, 8 : i32
      %dma_wait3A_109 = arith.constant 0 : i32
      %dma_wait3A_110 = arith.constant 0 : i32
      %dma_wait3A_111 = tpu.memref_slice %arg2[%dma_wait3A_109, %dma_wait3A_110] : memref<10000x128xf32, #tpu.memory_space<hbm>> -> memref<10000x128xf32, #tpu.memory_space<hbm>>
      tpu.wait_indirect_dma semaphore(%arg26 : memref<!tpu.dma_semaphore, #tpu.memory_space<semaphore_mem>>) src(%dma_wait3A_111 : memref<10000x128xf32, #tpu.memory_space<hbm>>) dst(%arg15 : memref<40x128xf32, #tpu.memory_space<vmem>>)
      %dma_wait3A_112 = arith.constant 0 : i32
      %dma_wait3A_113 = tpu.memref_slice %arg3[%multiple_of3A_108, %dma_wait3A_112] : memref<320000x128xf32, #tpu.memory_space<hbm>> -> memref<40x128xf32, #tpu.memory_space<hbm>>
      %dma_wait3A_114 = arith.constant 0 : i32
      %dma_wait3A_115 = tpu.memref_slice %arg3[%multiple_of3A_108, %dma_wait3A_114] : memref<320000x128xf32, #tpu.memory_space<hbm>> -> memref<40x128xf32, #tpu.memory_space<hbm>>
      tpu.wait_dma2 semaphore(%arg28 : memref<!tpu.dma_semaphore, #tpu.memory_space<semaphore_mem>>) src(%dma_wait3A_115 : memref<40x128xf32, #tpu.memory_space<hbm>>) dst(%arg17 : memref<40x128xf32, #tpu.memory_space<vmem>>)
      %dma_wait3A_116 = arith.constant 0 : i32
      %dma_wait3A_117 = arith.constant 0 : i32
      %dma_wait3A_118 = tpu.memref_slice %arg5[%dma_wait3A_116, %dma_wait3A_117] : memref<10000x128xf32, #tpu.memory_space<hbm>> -> memref<10000x128xf32, #tpu.memory_space<hbm>>
      tpu.wait_indirect_dma semaphore(%arg30 : memref<!tpu.dma_semaphore, #tpu.memory_space<semaphore_mem>>) src(%dma_wait3A_118 : memref<10000x128xf32, #tpu.memory_space<hbm>>) dst(%arg19 : memref<40x128xf32, #tpu.memory_space<vmem>>)
      %dma_wait3A_119 = arith.constant 0 : i32
      %dma_wait3A_120 = tpu.memref_slice %arg4[%multiple_of3A_108, %dma_wait3A_119] : memref<320000x16xf32, #tpu.memory_space<hbm>> -> memref<40x16xf32, #tpu.memory_space<hbm>>
      %dma_wait3A_121 = arith.constant 0 : i32
      %dma_wait3A_122 = tpu.memref_slice %arg4[%multiple_of3A_108, %dma_wait3A_121] : memref<320000x16xf32, #tpu.memory_space<hbm>> -> memref<40x16xf32, #tpu.memory_space<hbm>>
      tpu.wait_dma2 semaphore(%arg32 : memref<!tpu.dma_semaphore, #tpu.memory_space<semaphore_mem>>) src(%dma_wait3A_122 : memref<40x16xf32, #tpu.memory_space<hbm>>) dst(%arg21 : memref<40x16xf32, #tpu.memory_space<vmem>>)
      %ge3A_123 = arith.constant 1 : i32
      %ge3A_124 = arith.cmpi sge, %add3A_104, %ge3A_123 : i32
      %convert_element_type3A_125 = arith.extui %ge3A_124 : i1 to i32
      %cond3A_126 = arith.constant 0 : i32
      %cond3A_127 = arith.cmpi ne, %convert_element_type3A_125, %cond3A_126 : i32
      scf.if %cond3A_127 {
        %dma_wait3A_153 = arith.constant 0 : i32
        %dma_wait3A_154 = arith.constant 0 : i32
        %dma_wait3A_155 = tpu.memref_slice %arg24[%dma_wait3A_153, %dma_wait3A_154] : memref<10000x128xf32, #tpu.memory_space<vmem_shared>> -> memref<10000x128xf32, #tpu.memory_space<vmem_shared>>
        tpu.wait_indirect_dma semaphore(%arg35 : memref<!tpu.dma_semaphore, #tpu.memory_space<semaphore_mem>>) src(%arg14 : memref<40x128xf32, #tpu.memory_space<vmem>>) dst(%dma_wait3A_155 : memref<10000x128xf32, #tpu.memory_space<vmem_shared>>)
      } else {
      }
      %ge3A_128 = arith.constant 2 : i32
      %ge3A_129 = arith.cmpi sge, %add3A_104, %ge3A_128 : i32
      %convert_element_type3A_130 = arith.extui %ge3A_129 : i1 to i32
      %cond3A_131 = arith.constant 0 : i32
      %cond3A_132 = arith.cmpi ne, %convert_element_type3A_130, %cond3A_131 : i32
      scf.if %cond3A_132 {
        %mul3A_153 = arith.constant 8 : i32
        %mul3A_154 = arith.muli %multiple_of3A_108, %mul3A_153 : i32
        %dma_wait3A_155 = tpu.memref_slice %arg8[%mul3A_154] : memref<2560000xf32, #tpu.memory_space<hbm>> -> memref<320xf32, #tpu.memory_space<hbm>>
        %dma_wait3A_156 = tpu.memref_slice %arg8[%mul3A_154] : memref<2560000xf32, #tpu.memory_space<hbm>> -> memref<320xf32, #tpu.memory_space<hbm>>
        tpu.wait_dma2 semaphore(%arg34 : memref<!tpu.dma_semaphore, #tpu.memory_space<semaphore_mem>>) src(%arg23 : memref<320xf32, #tpu.memory_space<vmem>>) dst(%dma_wait3A_156 : memref<320xf32, #tpu.memory_space<hbm>>)
      } else {
      }
      %add3A_133 = arith.constant 1 : i32
      %add3A_134 = arith.addi %add3A_104, %add3A_133 : i32
      %lt3A_135 = arith.constant 250 : i32
      %lt3A_136 = arith.cmpi slt, %add3A_134, %lt3A_135 : i32
      %convert_element_type3A_137 = arith.extui %lt3A_136 : i1 to i32
      %cond3A_138 = arith.constant 0 : i32
      %cond3A_139 = arith.cmpi ne, %convert_element_type3A_137, %cond3A_138 : i32
      scf.if %cond3A_139 {
        %add3A_153 = arith.constant 1 : i32
        %add3A_154 = arith.addi %add3A_104, %add3A_153 : i32
        %mul3A_155 = arith.constant 40 : i32
        %mul3A_156 = arith.muli %add3A_154, %mul3A_155 : i32
        %add3A_157 = arith.addi %mul3A_2, %mul3A_156 : i32
        %multiple_of3A_158 = tpu.assume_multiple %add3A_157, 8 : i32
        "tpu.region"() ({
          %run_scoped3A = tpu.sem_alloc : memref<!tpu.dma_semaphore, #tpu.memory_space<semaphore_mem>>
          %dma_start3A_173 = tpu.memref_slice %arg6[%multiple_of3A_158] : memref<320000xi32, #tpu.memory_space<hbm>> -> memref<40xi32, #tpu.memory_space<hbm>>
          %dma_start3A_174 = tpu.memref_slice %arg6[%multiple_of3A_158] : memref<320000xi32, #tpu.memory_space<hbm>> -> memref<40xi32, #tpu.memory_space<hbm>>
          tpu.enqueue_dma source(%dma_start3A_174 : memref<40xi32, #tpu.memory_space<hbm>>) target(%arg10 : memref<40xi32, #tpu.memory_space<vmem>>) target_semaphore(%run_scoped3A : memref<!tpu.dma_semaphore, #tpu.memory_space<semaphore_mem>>)
          %dma_wait3A_175 = tpu.memref_slice %arg6[%multiple_of3A_158] : memref<320000xi32, #tpu.memory_space<hbm>> -> memref<40xi32, #tpu.memory_space<hbm>>
          %dma_wait3A_176 = tpu.memref_slice %arg6[%multiple_of3A_158] : memref<320000xi32, #tpu.memory_space<hbm>> -> memref<40xi32, #tpu.memory_space<hbm>>
          tpu.wait_dma2 semaphore(%run_scoped3A : memref<!tpu.dma_semaphore, #tpu.memory_space<semaphore_mem>>) src(%dma_wait3A_176 : memref<40xi32, #tpu.memory_space<hbm>>) dst(%arg10 : memref<40xi32, #tpu.memory_space<vmem>>)
          tpu.yield
        }) : () -> ()
        "tpu.region"() ({
          %run_scoped3A = tpu.sem_alloc : memref<!tpu.dma_semaphore, #tpu.memory_space<semaphore_mem>>
          %dma_start3A_173 = tpu.memref_slice %arg7[%multiple_of3A_158] : memref<320000xi32, #tpu.memory_space<hbm>> -> memref<40xi32, #tpu.memory_space<hbm>>
          %dma_start3A_174 = tpu.memref_slice %arg7[%multiple_of3A_158] : memref<320000xi32, #tpu.memory_space<hbm>> -> memref<40xi32, #tpu.memory_space<hbm>>
          tpu.enqueue_dma source(%dma_start3A_174 : memref<40xi32, #tpu.memory_space<hbm>>) target(%arg12 : memref<40xi32, #tpu.memory_space<vmem>>) target_semaphore(%run_scoped3A : memref<!tpu.dma_semaphore, #tpu.memory_space<semaphore_mem>>)
          %dma_wait3A_175 = tpu.memref_slice %arg7[%multiple_of3A_158] : memref<320000xi32, #tpu.memory_space<hbm>> -> memref<40xi32, #tpu.memory_space<hbm>>
          %dma_wait3A_176 = tpu.memref_slice %arg7[%multiple_of3A_158] : memref<320000xi32, #tpu.memory_space<hbm>> -> memref<40xi32, #tpu.memory_space<hbm>>
          tpu.wait_dma2 semaphore(%run_scoped3A : memref<!tpu.dma_semaphore, #tpu.memory_space<semaphore_mem>>) src(%dma_wait3A_176 : memref<40xi32, #tpu.memory_space<hbm>>) dst(%arg12 : memref<40xi32, #tpu.memory_space<vmem>>)
          tpu.yield
        }) : () -> ()
        %dma_start3A_159 = arith.constant 0 : i32
        %dma_start3A_160 = arith.constant 0 : i32
        %dma_start3A_161 = tpu.memref_slice %arg2[%dma_start3A_159, %dma_start3A_160] : memref<10000x128xf32, #tpu.memory_space<hbm>> -> memref<10000x128xf32, #tpu.memory_space<hbm>>
        tpu.enqueue_indirect_dma source(%dma_start3A_161 : memref<10000x128xf32, #tpu.memory_space<hbm>>) target(%arg14 : memref<40x128xf32, #tpu.memory_space<vmem>>) offsets(%arg10 : memref<40xi32, #tpu.memory_space<vmem>>) semaphore(%arg25 : memref<!tpu.dma_semaphore, #tpu.memory_space<semaphore_mem>>)
        %dma_start3A_162 = arith.constant 0 : i32
        %dma_start3A_163 = tpu.memref_slice %arg3[%multiple_of3A_158, %dma_start3A_162] : memref<320000x128xf32, #tpu.memory_space<hbm>> -> memref<40x128xf32, #tpu.memory_space<hbm>>
        %dma_start3A_164 = arith.constant 0 : i32
        %dma_start3A_165 = tpu.memref_slice %arg3[%multiple_of3A_158, %dma_start3A_164] : memref<320000x128xf32, #tpu.memory_space<hbm>> -> memref<40x128xf32, #tpu.memory_space<hbm>>
        tpu.enqueue_dma source(%dma_start3A_165 : memref<40x128xf32, #tpu.memory_space<hbm>>) target(%arg16 : memref<40x128xf32, #tpu.memory_space<vmem>>) target_semaphore(%arg27 : memref<!tpu.dma_semaphore, #tpu.memory_space<semaphore_mem>>)
        %dma_start3A_166 = arith.constant 0 : i32
        %dma_start3A_167 = arith.constant 0 : i32
        %dma_start3A_168 = tpu.memref_slice %arg5[%dma_start3A_166, %dma_start3A_167] : memref<10000x128xf32, #tpu.memory_space<hbm>> -> memref<10000x128xf32, #tpu.memory_space<hbm>>
        tpu.enqueue_indirect_dma source(%dma_start3A_168 : memref<10000x128xf32, #tpu.memory_space<hbm>>) target(%arg18 : memref<40x128xf32, #tpu.memory_space<vmem>>) offsets(%arg12 : memref<40xi32, #tpu.memory_space<vmem>>) semaphore(%arg29 : memref<!tpu.dma_semaphore, #tpu.memory_space<semaphore_mem>>)
        %dma_start3A_169 = arith.constant 0 : i32
        %dma_start3A_170 = tpu.memref_slice %arg4[%multiple_of3A_158, %dma_start3A_169] : memref<320000x16xf32, #tpu.memory_space<hbm>> -> memref<40x16xf32, #tpu.memory_space<hbm>>
        %dma_start3A_171 = arith.constant 0 : i32
        %dma_start3A_172 = tpu.memref_slice %arg4[%multiple_of3A_158, %dma_start3A_171] : memref<320000x16xf32, #tpu.memory_space<hbm>> -> memref<40x16xf32, #tpu.memory_space<hbm>>
        tpu.enqueue_dma source(%dma_start3A_172 : memref<40x16xf32, #tpu.memory_space<hbm>>) target(%arg20 : memref<40x16xf32, #tpu.memory_space<vmem>>) target_semaphore(%arg31 : memref<!tpu.dma_semaphore, #tpu.memory_space<semaphore_mem>>)
      } else {
      }
      %scan3A_140 = arith.constant 0 : i32
      %scan3A_141 = arith.constant 0 : i32
      %scan3A_142 = arith.constant 20 : i32
      %scan3A_143 = arith.addi %scan3A_141, %scan3A_142 : i32
      %scan3A_144 = arith.constant 1 : i32
      scf.for %scan3A_153 = %scan3A_141 to %scan3A_143 step %scan3A_144  : i32 {
        %mul3A_154 = arith.constant 2 : i32
        %mul3A_155 = arith.muli %scan3A_153, %mul3A_154 : i32
        %add3A_156 = arith.constant 1 : i32
        %add3A_157 = arith.addi %mul3A_155, %add3A_156 : i32
        %get3A = arith.index_cast %mul3A_155 : i32 to index
        %get3A_158 = arith.constant 0 : index
        %get3A_159 = tpu.vector_load %arg21[%get3A, %get3A_158] {strides = array<i32>} : memref<40x16xf32, #tpu.memory_space<vmem>>, vector<1x16xf32>,
        %get3A_160 = vector.shape_cast %get3A_159 : vector<1x16xf32> to vector<16xf32>
        %get3A_161 = arith.index_cast %mul3A_155 : i32 to index
        %get3A_162 = arith.constant 0 : index
        %get3A_163 = tpu.vector_load %arg19[%get3A_161, %get3A_162] {strides = array<i32>} : memref<40x128xf32, #tpu.memory_space<vmem>>, vector<1x16xf32>,
        %get3A_164 = vector.shape_cast %get3A_163 : vector<1x16xf32> to vector<16xf32>
        %add3A_165 = arith.constant 1.000000e-16 : f32
        %add3A_166 = vector.broadcast %add3A_165 : f32 to vector<16xf32>
        %add3A_167 = arith.addf %get3A_164, %add3A_166 : vector<16xf32>
        %div3A = arith.divf %get3A_160, %add3A_167 : vector<16xf32>
        %get3A_168 = arith.index_cast %add3A_157 : i32 to index
        %get3A_169 = arith.constant 0 : index
        %get3A_170 = tpu.vector_load %arg21[%get3A_168, %get3A_169] {strides = array<i32>} : memref<40x16xf32, #tpu.memory_space<vmem>>, vector<1x16xf32>,
        %get3A_171 = vector.shape_cast %get3A_170 : vector<1x16xf32> to vector<16xf32>
        %get3A_172 = arith.index_cast %add3A_157 : i32 to index
        %get3A_173 = arith.constant 0 : index
        %get3A_174 = tpu.vector_load %arg19[%get3A_172, %get3A_173] {strides = array<i32>} : memref<40x128xf32, #tpu.memory_space<vmem>>, vector<1x16xf32>,
        %get3A_175 = vector.shape_cast %get3A_174 : vector<1x16xf32> to vector<16xf32>
        %add3A_176 = arith.constant 1.000000e-16 : f32
        %add3A_177 = vector.broadcast %add3A_176 : f32 to vector<16xf32>
        %add3A_178 = arith.addf %get3A_175, %add3A_177 : vector<16xf32>
        %div3A_179 = arith.divf %get3A_171, %add3A_178 : vector<16xf32>
        %iota3A_180 = tpu.iota {dimensions = array<i32: 0>} : vector<16xi32>
        %xor3A = arith.constant 8 : i32
        %xor3A_181 = vector.broadcast %xor3A : i32 to vector<16xi32>
        %xor3A_182 = arith.xori %iota3A_180, %xor3A_181 : vector<16xi32>
        %broadcast_in_dim3A_183 = vector.shape_cast %xor3A_182 : vector<16xi32> to vector<16x1xi32>
        %gather3A = vector.shape_cast %broadcast_in_dim3A_183 : vector<16x1xi32> to vector<16xi32>
        %gather3A_184 = tpu.dynamic_gather %div3A_179[%gather3A] in [0] : vector<16xf32>, vector<16xi32> -> vector<16xf32>
        %select_n3A = arith.select %lt3A_13, %div3A, %gather3A_184 : vector<16xi1>, vector<16xf32>
        %mul3A_185 = arith.constant 16 : i32
        %mul3A_186 = arith.muli %scan3A_153, %mul3A_185 : i32
        %swap3A = arith.index_cast %mul3A_186 : i32 to index
        %swap3A_187 = tpu.vector_load %arg23[%swap3A] {strides = array<i32>} : memref<320xf32, #tpu.memory_space<vmem>>, vector<16xf32>,
        %swap3A_188 = vector.shape_cast %swap3A_187 : vector<16xf32> to vector<16xf32>
        %swap3A_189 = vector.shape_cast %select_n3A : vector<16xf32> to vector<16xf32>
        tpu.vector_store %arg23[%swap3A], %swap3A_189 {strides = array<i32>} : memref<320xf32, #tpu.memory_space<vmem>>, vector<16xf32>,
        %slice3A = vector.extract_strided_slice %div3A {offsets = [0], sizes = [1], strides = [1]} : vector<16xf32> to vector<1xf32>
        %squeeze3A = vector.extract %slice3A[0] : f32 from vector<1xf32>
        %slice3A_190 = vector.extract_strided_slice %div3A_179 {offsets = [0], sizes = [1], strides = [1]} : vector<16xf32> to vector<1xf32>
        %squeeze3A_191 = vector.extract %slice3A_190[0] : f32 from vector<1xf32>
        %get3A_192 = arith.index_cast %mul3A_155 : i32 to index
        %get3A_193 = arith.constant 0 : index
        %get3A_194 = tpu.vector_load %arg15[%get3A_192, %get3A_193] {strides = array<i32>} : memref<40x128xf32, #tpu.memory_space<vmem>>, vector<1x16xf32>,
        %get3A_195 = vector.shape_cast %get3A_194 : vector<1x16xf32> to vector<16xf32>
        %get3A_196 = arith.index_cast %mul3A_155 : i32 to index
        %get3A_197 = arith.constant 0 : index
        %get3A_198 = tpu.vector_load %arg17[%get3A_196, %get3A_197] {strides = array<i32>} : memref<40x128xf32, #tpu.memory_space<vmem>>, vector<1x16xf32>,
        %get3A_199 = vector.shape_cast %get3A_198 : vector<1x16xf32> to vector<16xf32>
        %add3A_200 = arith.addf %get3A_195, %get3A_199 : vector<16xf32>
        %mul3A_201 = vector.broadcast %squeeze3A : f32 to vector<16xf32>
        %mul3A_202 = arith.mulf %add3A_200, %mul3A_201 : vector<16xf32>
        %swap3A_203 = arith.index_cast %mul3A_155 : i32 to index
        %swap3A_204 = arith.constant 0 : index
        %swap3A_205 = tpu.vector_load %arg15[%swap3A_203, %swap3A_204] {strides = array<i32>} : memref<40x128xf32, #tpu.memory_space<vmem>>, vector<1x16xf32>,
        %swap3A_206 = vector.shape_cast %swap3A_205 : vector<1x16xf32> to vector<16xf32>
        %swap3A_207 = vector.shape_cast %mul3A_202 : vector<16xf32> to vector<1x16xf32>
        tpu.vector_store %arg15[%swap3A_203, %swap3A_204], %swap3A_207 {strides = array<i32>} : memref<40x128xf32, #tpu.memory_space<vmem>>, vector<1x16xf32>,
        %get3A_208 = arith.index_cast %add3A_157 : i32 to index
        %get3A_209 = arith.constant 0 : index
        %get3A_210 = tpu.vector_load %arg15[%get3A_208, %get3A_209] {strides = array<i32>} : memref<40x128xf32, #tpu.memory_space<vmem>>, vector<1x16xf32>,
        %get3A_211 = vector.shape_cast %get3A_210 : vector<1x16xf32> to vector<16xf32>
        %get3A_212 = arith.index_cast %add3A_157 : i32 to index
        %get3A_213 = arith.constant 0 : index
        %get3A_214 = tpu.vector_load %arg17[%get3A_212, %get3A_213] {strides = array<i32>} : memref<40x128xf32, #tpu.memory_space<vmem>>, vector<1x16xf32>,
        %get3A_215 = vector.shape_cast %get3A_214 : vector<1x16xf32> to vector<16xf32>
        %add3A_216 = arith.addf %get3A_211, %get3A_215 : vector<16xf32>
        %mul3A_217 = vector.broadcast %squeeze3A_191 : f32 to vector<16xf32>
        %mul3A_218 = arith.mulf %add3A_216, %mul3A_217 : vector<16xf32>
        %swap3A_219 = arith.index_cast %add3A_157 : i32 to index
        %swap3A_220 = arith.constant 0 : index
        %swap3A_221 = tpu.vector_load %arg15[%swap3A_219, %swap3A_220] {strides = array<i32>} : memref<40x128xf32, #tpu.memory_space<vmem>>, vector<1x16xf32>,
        %swap3A_222 = vector.shape_cast %swap3A_221 : vector<1x16xf32> to vector<16xf32>
        %swap3A_223 = vector.shape_cast %mul3A_218 : vector<16xf32> to vector<1x16xf32>
        tpu.vector_store %arg15[%swap3A_219, %swap3A_220], %swap3A_223 {strides = array<i32>} : memref<40x128xf32, #tpu.memory_space<vmem>>, vector<1x16xf32>,
        %slice3A_224 = vector.extract_strided_slice %div3A {offsets = [1], sizes = [1], strides = [1]} : vector<16xf32> to vector<1xf32>
        %squeeze3A_225 = vector.extract %slice3A_224[0] : f32 from vector<1xf32>
        %slice3A_226 = vector.extract_strided_slice %div3A_179 {offsets = [1], sizes = [1], strides = [1]} : vector<16xf32> to vector<1xf32>
        %squeeze3A_227 = vector.extract %slice3A_226[0] : f32 from vector<1xf32>
        %get3A_228 = arith.index_cast %mul3A_155 : i32 to index
        %get3A_229 = arith.constant 16 : index
        %get3A_230 = tpu.vector_load %arg15[%get3A_228, %get3A_229] {strides = array<i32>} : memref<40x128xf32, #tpu.memory_space<vmem>>, vector<1x16xf32>,
        %get3A_231 = vector.shape_cast %get3A_230 : vector<1x16xf32> to vector<16xf32>
        %get3A_232 = arith.index_cast %mul3A_155 : i32 to index
        %get3A_233 = arith.constant 16 : index
        %get3A_234 = tpu.vector_load %arg17[%get3A_232, %get3A_233] {strides = array<i32>} : memref<40x128xf32, #tpu.memory_space<vmem>>, vector<1x16xf32>,
        %get3A_235 = vector.shape_cast %get3A_234 : vector<1x16xf32> to vector<16xf32>
        %add3A_236 = arith.addf %get3A_231, %get3A_235 : vector<16xf32>
        %mul3A_237 = vector.broadcast %squeeze3A_225 : f32 to vector<16xf32>
        %mul3A_238 = arith.mulf %add3A_236, %mul3A_237 : vector<16xf32>
        %swap3A_239 = arith.index_cast %mul3A_155 : i32 to index
        %swap3A_240 = arith.constant 16 : index
        %swap3A_241 = tpu.vector_load %arg15[%swap3A_239, %swap3A_240] {strides = array<i32>} : memref<40x128xf32, #tpu.memory_space<vmem>>, vector<1x16xf32>,
        %swap3A_242 = vector.shape_cast %swap3A_241 : vector<1x16xf32> to vector<16xf32>
        %swap3A_243 = vector.shape_cast %mul3A_238 : vector<16xf32> to vector<1x16xf32>
        tpu.vector_store %arg15[%swap3A_239, %swap3A_240], %swap3A_243 {strides = array<i32>} : memref<40x128xf32, #tpu.memory_space<vmem>>, vector<1x16xf32>,
        %get3A_244 = arith.index_cast %add3A_157 : i32 to index
        %get3A_245 = arith.constant 16 : index
        %get3A_246 = tpu.vector_load %arg15[%get3A_244, %get3A_245] {strides = array<i32>} : memref<40x128xf32, #tpu.memory_space<vmem>>, vector<1x16xf32>,
        %get3A_247 = vector.shape_cast %get3A_246 : vector<1x16xf32> to vector<16xf32>
        %get3A_248 = arith.index_cast %add3A_157 : i32 to index
        %get3A_249 = arith.constant 16 : index
        %get3A_250 = tpu.vector_load %arg17[%get3A_248, %get3A_249] {strides = array<i32>} : memref<40x128xf32, #tpu.memory_space<vmem>>, vector<1x16xf32>,
        %get3A_251 = vector.shape_cast %get3A_250 : vector<1x16xf32> to vector<16xf32>
        %add3A_252 = arith.addf %get3A_247, %get3A_251 : vector<16xf32>
        %mul3A_253 = vector.broadcast %squeeze3A_227 : f32 to vector<16xf32>
        %mul3A_254 = arith.mulf %add3A_252, %mul3A_253 : vector<16xf32>
        %swap3A_255 = arith.index_cast %add3A_157 : i32 to index
        %swap3A_256 = arith.constant 16 : index
        %swap3A_257 = tpu.vector_load %arg15[%swap3A_255, %swap3A_256] {strides = array<i32>} : memref<40x128xf32, #tpu.memory_space<vmem>>, vector<1x16xf32>,
        %swap3A_258 = vector.shape_cast %swap3A_257 : vector<1x16xf32> to vector<16xf32>
        %swap3A_259 = vector.shape_cast %mul3A_254 : vector<16xf32> to vector<1x16xf32>
        tpu.vector_store %arg15[%swap3A_255, %swap3A_256], %swap3A_259 {strides = array<i32>} : memref<40x128xf32, #tpu.memory_space<vmem>>, vector<1x16xf32>,
        %slice3A_260 = vector.extract_strided_slice %div3A {offsets = [2], sizes = [1], strides = [1]} : vector<16xf32> to vector<1xf32>
        %squeeze3A_261 = vector.extract %slice3A_260[0] : f32 from vector<1xf32>
        %slice3A_262 = vector.extract_strided_slice %div3A_179 {offsets = [2], sizes = [1], strides = [1]} : vector<16xf32> to vector<1xf32>
        %squeeze3A_263 = vector.extract %slice3A_262[0] : f32 from vector<1xf32>
        %get3A_264 = arith.index_cast %mul3A_155 : i32 to index
        %get3A_265 = arith.constant 32 : index
        %get3A_266 = tpu.vector_load %arg15[%get3A_264, %get3A_265] {strides = array<i32>} : memref<40x128xf32, #tpu.memory_space<vmem>>, vector<1x16xf32>,
        %get3A_267 = vector.shape_cast %get3A_266 : vector<1x16xf32> to vector<16xf32>
        %get3A_268 = arith.index_cast %mul3A_155 : i32 to index
        %get3A_269 = arith.constant 32 : index
        %get3A_270 = tpu.vector_load %arg17[%get3A_268, %get3A_269] {strides = array<i32>} : memref<40x128xf32, #tpu.memory_space<vmem>>, vector<1x16xf32>,
        %get3A_271 = vector.shape_cast %get3A_270 : vector<1x16xf32> to vector<16xf32>
        %add3A_272 = arith.addf %get3A_267, %get3A_271 : vector<16xf32>
        %mul3A_273 = vector.broadcast %squeeze3A_261 : f32 to vector<16xf32>
        %mul3A_274 = arith.mulf %add3A_272, %mul3A_273 : vector<16xf32>
        %swap3A_275 = arith.index_cast %mul3A_155 : i32 to index
        %swap3A_276 = arith.constant 32 : index
        %swap3A_277 = tpu.vector_load %arg15[%swap3A_275, %swap3A_276] {strides = array<i32>} : memref<40x128xf32, #tpu.memory_space<vmem>>, vector<1x16xf32>,
        %swap3A_278 = vector.shape_cast %swap3A_277 : vector<1x16xf32> to vector<16xf32>
        %swap3A_279 = vector.shape_cast %mul3A_274 : vector<16xf32> to vector<1x16xf32>
        tpu.vector_store %arg15[%swap3A_275, %swap3A_276], %swap3A_279 {strides = array<i32>} : memref<40x128xf32, #tpu.memory_space<vmem>>, vector<1x16xf32>,
        %get3A_280 = arith.index_cast %add3A_157 : i32 to index
        %get3A_281 = arith.constant 32 : index
        %get3A_282 = tpu.vector_load %arg15[%get3A_280, %get3A_281] {strides = array<i32>} : memref<40x128xf32, #tpu.memory_space<vmem>>, vector<1x16xf32>,
        %get3A_283 = vector.shape_cast %get3A_282 : vector<1x16xf32> to vector<16xf32>
        %get3A_284 = arith.index_cast %add3A_157 : i32 to index
        %get3A_285 = arith.constant 32 : index
        %get3A_286 = tpu.vector_load %arg17[%get3A_284, %get3A_285] {strides = array<i32>} : memref<40x128xf32, #tpu.memory_space<vmem>>, vector<1x16xf32>,
        %get3A_287 = vector.shape_cast %get3A_286 : vector<1x16xf32> to vector<16xf32>
        %add3A_288 = arith.addf %get3A_283, %get3A_287 : vector<16xf32>
        %mul3A_289 = vector.broadcast %squeeze3A_263 : f32 to vector<16xf32>
        %mul3A_290 = arith.mulf %add3A_288, %mul3A_289 : vector<16xf32>
        %swap3A_291 = arith.index_cast %add3A_157 : i32 to index
        %swap3A_292 = arith.constant 32 : index
        %swap3A_293 = tpu.vector_load %arg15[%swap3A_291, %swap3A_292] {strides = array<i32>} : memref<40x128xf32, #tpu.memory_space<vmem>>, vector<1x16xf32>,
        %swap3A_294 = vector.shape_cast %swap3A_293 : vector<1x16xf32> to vector<16xf32>
        %swap3A_295 = vector.shape_cast %mul3A_290 : vector<16xf32> to vector<1x16xf32>
        tpu.vector_store %arg15[%swap3A_291, %swap3A_292], %swap3A_295 {strides = array<i32>} : memref<40x128xf32, #tpu.memory_space<vmem>>, vector<1x16xf32>,
        %slice3A_296 = vector.extract_strided_slice %div3A {offsets = [3], sizes = [1], strides = [1]} : vector<16xf32> to vector<1xf32>
        %squeeze3A_297 = vector.extract %slice3A_296[0] : f32 from vector<1xf32>
        %slice3A_298 = vector.extract_strided_slice %div3A_179 {offsets = [3], sizes = [1], strides = [1]} : vector<16xf32> to vector<1xf32>
        %squeeze3A_299 = vector.extract %slice3A_298[0] : f32 from vector<1xf32>
        %get3A_300 = arith.index_cast %mul3A_155 : i32 to index
        %get3A_301 = arith.constant 48 : index
        %get3A_302 = tpu.vector_load %arg15[%get3A_300, %get3A_301] {strides = array<i32>} : memref<40x128xf32, #tpu.memory_space<vmem>>, vector<1x16xf32>,
        %get3A_303 = vector.shape_cast %get3A_302 : vector<1x16xf32> to vector<16xf32>
        %get3A_304 = arith.index_cast %mul3A_155 : i32 to index
        %get3A_305 = arith.constant 48 : index
        %get3A_306 = tpu.vector_load %arg17[%get3A_304, %get3A_305] {strides = array<i32>} : memref<40x128xf32, #tpu.memory_space<vmem>>, vector<1x16xf32>,
        %get3A_307 = vector.shape_cast %get3A_306 : vector<1x16xf32> to vector<16xf32>
        %add3A_308 = arith.addf %get3A_303, %get3A_307 : vector<16xf32>
        %mul3A_309 = vector.broadcast %squeeze3A_297 : f32 to vector<16xf32>
        %mul3A_310 = arith.mulf %add3A_308, %mul3A_309 : vector<16xf32>
        %swap3A_311 = arith.index_cast %mul3A_155 : i32 to index
        %swap3A_312 = arith.constant 48 : index
        %swap3A_313 = tpu.vector_load %arg15[%swap3A_311, %swap3A_312] {strides = array<i32>} : memref<40x128xf32, #tpu.memory_space<vmem>>, vector<1x16xf32>,
        %swap3A_314 = vector.shape_cast %swap3A_313 : vector<1x16xf32> to vector<16xf32>
        %swap3A_315 = vector.shape_cast %mul3A_310 : vector<16xf32> to vector<1x16xf32>
        tpu.vector_store %arg15[%swap3A_311, %swap3A_312], %swap3A_315 {strides = array<i32>} : memref<40x128xf32, #tpu.memory_space<vmem>>, vector<1x16xf32>,
        %get3A_316 = arith.index_cast %add3A_157 : i32 to index
        %get3A_317 = arith.constant 48 : index
        %get3A_318 = tpu.vector_load %arg15[%get3A_316, %get3A_317] {strides = array<i32>} : memref<40x128xf32, #tpu.memory_space<vmem>>, vector<1x16xf32>,
        %get3A_319 = vector.shape_cast %get3A_318 : vector<1x16xf32> to vector<16xf32>
        %get3A_320 = arith.index_cast %add3A_157 : i32 to index
        %get3A_321 = arith.constant 48 : index
        %get3A_322 = tpu.vector_load %arg17[%get3A_320, %get3A_321] {strides = array<i32>} : memref<40x128xf32, #tpu.memory_space<vmem>>, vector<1x16xf32>,
        %get3A_323 = vector.shape_cast %get3A_322 : vector<1x16xf32> to vector<16xf32>
        %add3A_324 = arith.addf %get3A_319, %get3A_323 : vector<16xf32>
        %mul3A_325 = vector.broadcast %squeeze3A_299 : f32 to vector<16xf32>
        %mul3A_326 = arith.mulf %add3A_324, %mul3A_325 : vector<16xf32>
        %swap3A_327 = arith.index_cast %add3A_157 : i32 to index
        %swap3A_328 = arith.constant 48 : index
        %swap3A_329 = tpu.vector_load %arg15[%swap3A_327, %swap3A_328] {strides = array<i32>} : memref<40x128xf32, #tpu.memory_space<vmem>>, vector<1x16xf32>,
        %swap3A_330 = vector.shape_cast %swap3A_329 : vector<1x16xf32> to vector<16xf32>
        %swap3A_331 = vector.shape_cast %mul3A_326 : vector<16xf32> to vector<1x16xf32>
        tpu.vector_store %arg15[%swap3A_327, %swap3A_328], %swap3A_331 {strides = array<i32>} : memref<40x128xf32, #tpu.memory_space<vmem>>, vector<1x16xf32>,
        %slice3A_332 = vector.extract_strided_slice %div3A {offsets = [4], sizes = [1], strides = [1]} : vector<16xf32> to vector<1xf32>
        %squeeze3A_333 = vector.extract %slice3A_332[0] : f32 from vector<1xf32>
        %slice3A_334 = vector.extract_strided_slice %div3A_179 {offsets = [4], sizes = [1], strides = [1]} : vector<16xf32> to vector<1xf32>
        %squeeze3A_335 = vector.extract %slice3A_334[0] : f32 from vector<1xf32>
        %get3A_336 = arith.index_cast %mul3A_155 : i32 to index
        %get3A_337 = arith.constant 64 : index
        %get3A_338 = tpu.vector_load %arg15[%get3A_336, %get3A_337] {strides = array<i32>} : memref<40x128xf32, #tpu.memory_space<vmem>>, vector<1x16xf32>,
        %get3A_339 = vector.shape_cast %get3A_338 : vector<1x16xf32> to vector<16xf32>
        %get3A_340 = arith.index_cast %mul3A_155 : i32 to index
        %get3A_341 = arith.constant 64 : index
        %get3A_342 = tpu.vector_load %arg17[%get3A_340, %get3A_341] {strides = array<i32>} : memref<40x128xf32, #tpu.memory_space<vmem>>, vector<1x16xf32>,
        %get3A_343 = vector.shape_cast %get3A_342 : vector<1x16xf32> to vector<16xf32>
        %add3A_344 = arith.addf %get3A_339, %get3A_343 : vector<16xf32>
        %mul3A_345 = vector.broadcast %squeeze3A_333 : f32 to vector<16xf32>
        %mul3A_346 = arith.mulf %add3A_344, %mul3A_345 : vector<16xf32>
        %swap3A_347 = arith.index_cast %mul3A_155 : i32 to index
        %swap3A_348 = arith.constant 64 : index
        %swap3A_349 = tpu.vector_load %arg15[%swap3A_347, %swap3A_348] {strides = array<i32>} : memref<40x128xf32, #tpu.memory_space<vmem>>, vector<1x16xf32>,
        %swap3A_350 = vector.shape_cast %swap3A_349 : vector<1x16xf32> to vector<16xf32>
        %swap3A_351 = vector.shape_cast %mul3A_346 : vector<16xf32> to vector<1x16xf32>
        tpu.vector_store %arg15[%swap3A_347, %swap3A_348], %swap3A_351 {strides = array<i32>} : memref<40x128xf32, #tpu.memory_space<vmem>>, vector<1x16xf32>,
        %get3A_352 = arith.index_cast %add3A_157 : i32 to index
        %get3A_353 = arith.constant 64 : index
        %get3A_354 = tpu.vector_load %arg15[%get3A_352, %get3A_353] {strides = array<i32>} : memref<40x128xf32, #tpu.memory_space<vmem>>, vector<1x16xf32>,
        %get3A_355 = vector.shape_cast %get3A_354 : vector<1x16xf32> to vector<16xf32>
        %get3A_356 = arith.index_cast %add3A_157 : i32 to index
        %get3A_357 = arith.constant 64 : index
        %get3A_358 = tpu.vector_load %arg17[%get3A_356, %get3A_357] {strides = array<i32>} : memref<40x128xf32, #tpu.memory_space<vmem>>, vector<1x16xf32>,
        %get3A_359 = vector.shape_cast %get3A_358 : vector<1x16xf32> to vector<16xf32>
        %add3A_360 = arith.addf %get3A_355, %get3A_359 : vector<16xf32>
        %mul3A_361 = vector.broadcast %squeeze3A_335 : f32 to vector<16xf32>
        %mul3A_362 = arith.mulf %add3A_360, %mul3A_361 : vector<16xf32>
        %swap3A_363 = arith.index_cast %add3A_157 : i32 to index
        %swap3A_364 = arith.constant 64 : index
        %swap3A_365 = tpu.vector_load %arg15[%swap3A_363, %swap3A_364] {strides = array<i32>} : memref<40x128xf32, #tpu.memory_space<vmem>>, vector<1x16xf32>,
        %swap3A_366 = vector.shape_cast %swap3A_365 : vector<1x16xf32> to vector<16xf32>
        %swap3A_367 = vector.shape_cast %mul3A_362 : vector<16xf32> to vector<1x16xf32>
        tpu.vector_store %arg15[%swap3A_363, %swap3A_364], %swap3A_367 {strides = array<i32>} : memref<40x128xf32, #tpu.memory_space<vmem>>, vector<1x16xf32>,
        %slice3A_368 = vector.extract_strided_slice %div3A {offsets = [5], sizes = [1], strides = [1]} : vector<16xf32> to vector<1xf32>
        %squeeze3A_369 = vector.extract %slice3A_368[0] : f32 from vector<1xf32>
        %slice3A_370 = vector.extract_strided_slice %div3A_179 {offsets = [5], sizes = [1], strides = [1]} : vector<16xf32> to vector<1xf32>
        %squeeze3A_371 = vector.extract %slice3A_370[0] : f32 from vector<1xf32>
        %get3A_372 = arith.index_cast %mul3A_155 : i32 to index
        %get3A_373 = arith.constant 80 : index
        %get3A_374 = tpu.vector_load %arg15[%get3A_372, %get3A_373] {strides = array<i32>} : memref<40x128xf32, #tpu.memory_space<vmem>>, vector<1x16xf32>,
        %get3A_375 = vector.shape_cast %get3A_374 : vector<1x16xf32> to vector<16xf32>
        %get3A_376 = arith.index_cast %mul3A_155 : i32 to index
        %get3A_377 = arith.constant 80 : index
        %get3A_378 = tpu.vector_load %arg17[%get3A_376, %get3A_377] {strides = array<i32>} : memref<40x128xf32, #tpu.memory_space<vmem>>, vector<1x16xf32>,
        %get3A_379 = vector.shape_cast %get3A_378 : vector<1x16xf32> to vector<16xf32>
        %add3A_380 = arith.addf %get3A_375, %get3A_379 : vector<16xf32>
        %mul3A_381 = vector.broadcast %squeeze3A_369 : f32 to vector<16xf32>
        %mul3A_382 = arith.mulf %add3A_380, %mul3A_381 : vector<16xf32>
        %swap3A_383 = arith.index_cast %mul3A_155 : i32 to index
        %swap3A_384 = arith.constant 80 : index
        %swap3A_385 = tpu.vector_load %arg15[%swap3A_383, %swap3A_384] {strides = array<i32>} : memref<40x128xf32, #tpu.memory_space<vmem>>, vector<1x16xf32>,
        %swap3A_386 = vector.shape_cast %swap3A_385 : vector<1x16xf32> to vector<16xf32>
        %swap3A_387 = vector.shape_cast %mul3A_382 : vector<16xf32> to vector<1x16xf32>
        tpu.vector_store %arg15[%swap3A_383, %swap3A_384], %swap3A_387 {strides = array<i32>} : memref<40x128xf32, #tpu.memory_space<vmem>>, vector<1x16xf32>,
        %get3A_388 = arith.index_cast %add3A_157 : i32 to index
        %get3A_389 = arith.constant 80 : index
        %get3A_390 = tpu.vector_load %arg15[%get3A_388, %get3A_389] {strides = array<i32>} : memref<40x128xf32, #tpu.memory_space<vmem>>, vector<1x16xf32>,
        %get3A_391 = vector.shape_cast %get3A_390 : vector<1x16xf32> to vector<16xf32>
        %get3A_392 = arith.index_cast %add3A_157 : i32 to index
        %get3A_393 = arith.constant 80 : index
        %get3A_394 = tpu.vector_load %arg17[%get3A_392, %get3A_393] {strides = array<i32>} : memref<40x128xf32, #tpu.memory_space<vmem>>, vector<1x16xf32>,
        %get3A_395 = vector.shape_cast %get3A_394 : vector<1x16xf32> to vector<16xf32>
        %add3A_396 = arith.addf %get3A_391, %get3A_395 : vector<16xf32>
        %mul3A_397 = vector.broadcast %squeeze3A_371 : f32 to vector<16xf32>
        %mul3A_398 = arith.mulf %add3A_396, %mul3A_397 : vector<16xf32>
        %swap3A_399 = arith.index_cast %add3A_157 : i32 to index
        %swap3A_400 = arith.constant 80 : index
        %swap3A_401 = tpu.vector_load %arg15[%swap3A_399, %swap3A_400] {strides = array<i32>} : memref<40x128xf32, #tpu.memory_space<vmem>>, vector<1x16xf32>,
        %swap3A_402 = vector.shape_cast %swap3A_401 : vector<1x16xf32> to vector<16xf32>
        %swap3A_403 = vector.shape_cast %mul3A_398 : vector<16xf32> to vector<1x16xf32>
        tpu.vector_store %arg15[%swap3A_399, %swap3A_400], %swap3A_403 {strides = array<i32>} : memref<40x128xf32, #tpu.memory_space<vmem>>, vector<1x16xf32>,
        %slice3A_404 = vector.extract_strided_slice %div3A {offsets = [6], sizes = [1], strides = [1]} : vector<16xf32> to vector<1xf32>
        %squeeze3A_405 = vector.extract %slice3A_404[0] : f32 from vector<1xf32>
        %slice3A_406 = vector.extract_strided_slice %div3A_179 {offsets = [6], sizes = [1], strides = [1]} : vector<16xf32> to vector<1xf32>
        %squeeze3A_407 = vector.extract %slice3A_406[0] : f32 from vector<1xf32>
        %get3A_408 = arith.index_cast %mul3A_155 : i32 to index
        %get3A_409 = arith.constant 96 : index
        %get3A_410 = tpu.vector_load %arg15[%get3A_408, %get3A_409] {strides = array<i32>} : memref<40x128xf32, #tpu.memory_space<vmem>>, vector<1x16xf32>,
        %get3A_411 = vector.shape_cast %get3A_410 : vector<1x16xf32> to vector<16xf32>
        %get3A_412 = arith.index_cast %mul3A_155 : i32 to index
        %get3A_413 = arith.constant 96 : index
        %get3A_414 = tpu.vector_load %arg17[%get3A_412, %get3A_413] {strides = array<i32>} : memref<40x128xf32, #tpu.memory_space<vmem>>, vector<1x16xf32>,
        %get3A_415 = vector.shape_cast %get3A_414 : vector<1x16xf32> to vector<16xf32>
        %add3A_416 = arith.addf %get3A_411, %get3A_415 : vector<16xf32>
        %mul3A_417 = vector.broadcast %squeeze3A_405 : f32 to vector<16xf32>
        %mul3A_418 = arith.mulf %add3A_416, %mul3A_417 : vector<16xf32>
        %swap3A_419 = arith.index_cast %mul3A_155 : i32 to index
        %swap3A_420 = arith.constant 96 : index
        %swap3A_421 = tpu.vector_load %arg15[%swap3A_419, %swap3A_420] {strides = array<i32>} : memref<40x128xf32, #tpu.memory_space<vmem>>, vector<1x16xf32>,
        %swap3A_422 = vector.shape_cast %swap3A_421 : vector<1x16xf32> to vector<16xf32>
        %swap3A_423 = vector.shape_cast %mul3A_418 : vector<16xf32> to vector<1x16xf32>
        tpu.vector_store %arg15[%swap3A_419, %swap3A_420], %swap3A_423 {strides = array<i32>} : memref<40x128xf32, #tpu.memory_space<vmem>>, vector<1x16xf32>,
        %get3A_424 = arith.index_cast %add3A_157 : i32 to index
        %get3A_425 = arith.constant 96 : index
        %get3A_426 = tpu.vector_load %arg15[%get3A_424, %get3A_425] {strides = array<i32>} : memref<40x128xf32, #tpu.memory_space<vmem>>, vector<1x16xf32>,
        %get3A_427 = vector.shape_cast %get3A_426 : vector<1x16xf32> to vector<16xf32>
        %get3A_428 = arith.index_cast %add3A_157 : i32 to index
        %get3A_429 = arith.constant 96 : index
        %get3A_430 = tpu.vector_load %arg17[%get3A_428, %get3A_429] {strides = array<i32>} : memref<40x128xf32, #tpu.memory_space<vmem>>, vector<1x16xf32>,
        %get3A_431 = vector.shape_cast %get3A_430 : vector<1x16xf32> to vector<16xf32>
        %add3A_432 = arith.addf %get3A_427, %get3A_431 : vector<16xf32>
        %mul3A_433 = vector.broadcast %squeeze3A_407 : f32 to vector<16xf32>
        %mul3A_434 = arith.mulf %add3A_432, %mul3A_433 : vector<16xf32>
        %swap3A_435 = arith.index_cast %add3A_157 : i32 to index
        %swap3A_436 = arith.constant 96 : index
        %swap3A_437 = tpu.vector_load %arg15[%swap3A_435, %swap3A_436] {strides = array<i32>} : memref<40x128xf32, #tpu.memory_space<vmem>>, vector<1x16xf32>,
        %swap3A_438 = vector.shape_cast %swap3A_437 : vector<1x16xf32> to vector<16xf32>
        %swap3A_439 = vector.shape_cast %mul3A_434 : vector<16xf32> to vector<1x16xf32>
        tpu.vector_store %arg15[%swap3A_435, %swap3A_436], %swap3A_439 {strides = array<i32>} : memref<40x128xf32, #tpu.memory_space<vmem>>, vector<1x16xf32>,
        %slice3A_440 = vector.extract_strided_slice %div3A {offsets = [7], sizes = [1], strides = [1]} : vector<16xf32> to vector<1xf32>
        %squeeze3A_441 = vector.extract %slice3A_440[0] : f32 from vector<1xf32>
        %slice3A_442 = vector.extract_strided_slice %div3A_179 {offsets = [7], sizes = [1], strides = [1]} : vector<16xf32> to vector<1xf32>
        %squeeze3A_443 = vector.extract %slice3A_442[0] : f32 from vector<1xf32>
        %get3A_444 = arith.index_cast %mul3A_155 : i32 to index
        %get3A_445 = arith.constant 112 : index
        %get3A_446 = tpu.vector_load %arg15[%get3A_444, %get3A_445] {strides = array<i32>} : memref<40x128xf32, #tpu.memory_space<vmem>>, vector<1x16xf32>,
        %get3A_447 = vector.shape_cast %get3A_446 : vector<1x16xf32> to vector<16xf32>
        %get3A_448 = arith.index_cast %mul3A_155 : i32 to index
        %get3A_449 = arith.constant 112 : index
        %get3A_450 = tpu.vector_load %arg17[%get3A_448, %get3A_449] {strides = array<i32>} : memref<40x128xf32, #tpu.memory_space<vmem>>, vector<1x16xf32>,
        %get3A_451 = vector.shape_cast %get3A_450 : vector<1x16xf32> to vector<16xf32>
        %add3A_452 = arith.addf %get3A_447, %get3A_451 : vector<16xf32>
        %mul3A_453 = vector.broadcast %squeeze3A_441 : f32 to vector<16xf32>
        %mul3A_454 = arith.mulf %add3A_452, %mul3A_453 : vector<16xf32>
        %swap3A_455 = arith.index_cast %mul3A_155 : i32 to index
        %swap3A_456 = arith.constant 112 : index
        %swap3A_457 = tpu.vector_load %arg15[%swap3A_455, %swap3A_456] {strides = array<i32>} : memref<40x128xf32, #tpu.memory_space<vmem>>, vector<1x16xf32>,
        %swap3A_458 = vector.shape_cast %swap3A_457 : vector<1x16xf32> to vector<16xf32>
        %swap3A_459 = vector.shape_cast %mul3A_454 : vector<16xf32> to vector<1x16xf32>
        tpu.vector_store %arg15[%swap3A_455, %swap3A_456], %swap3A_459 {strides = array<i32>} : memref<40x128xf32, #tpu.memory_space<vmem>>, vector<1x16xf32>,
        %get3A_460 = arith.index_cast %add3A_157 : i32 to index
        %get3A_461 = arith.constant 112 : index
        %get3A_462 = tpu.vector_load %arg15[%get3A_460, %get3A_461] {strides = array<i32>} : memref<40x128xf32, #tpu.memory_space<vmem>>, vector<1x16xf32>,
        %get3A_463 = vector.shape_cast %get3A_462 : vector<1x16xf32> to vector<16xf32>
        %get3A_464 = arith.index_cast %add3A_157 : i32 to index
        %get3A_465 = arith.constant 112 : index
        %get3A_466 = tpu.vector_load %arg17[%get3A_464, %get3A_465] {strides = array<i32>} : memref<40x128xf32, #tpu.memory_space<vmem>>, vector<1x16xf32>,
        %get3A_467 = vector.shape_cast %get3A_466 : vector<1x16xf32> to vector<16xf32>
        %add3A_468 = arith.addf %get3A_463, %get3A_467 : vector<16xf32>
        %mul3A_469 = vector.broadcast %squeeze3A_443 : f32 to vector<16xf32>
        %mul3A_470 = arith.mulf %add3A_468, %mul3A_469 : vector<16xf32>
        %swap3A_471 = arith.index_cast %add3A_157 : i32 to index
        %swap3A_472 = arith.constant 112 : index
        %swap3A_473 = tpu.vector_load %arg15[%swap3A_471, %swap3A_472] {strides = array<i32>} : memref<40x128xf32, #tpu.memory_space<vmem>>, vector<1x16xf32>,
        %swap3A_474 = vector.shape_cast %swap3A_473 : vector<1x16xf32> to vector<16xf32>
        %swap3A_475 = vector.shape_cast %mul3A_470 : vector<16xf32> to vector<1x16xf32>
        tpu.vector_store %arg15[%swap3A_471, %swap3A_472], %swap3A_475 {strides = array<i32>} : memref<40x128xf32, #tpu.memory_space<vmem>>, vector<1x16xf32>,
      }
      %scan3A_145 = arith.constant 20 : i32
      %mul3A_146 = arith.constant 8 : i32
      %mul3A_147 = arith.muli %multiple_of3A_108, %mul3A_146 : i32
      %dma_start3A_148 = tpu.memref_slice %arg8[%mul3A_147] : memref<2560000xf32, #tpu.memory_space<hbm>> -> memref<320xf32, #tpu.memory_space<hbm>>
      %dma_start3A_149 = tpu.memref_slice %arg8[%mul3A_147] : memref<2560000xf32, #tpu.memory_space<hbm>> -> memref<320xf32, #tpu.memory_space<hbm>>
      tpu.enqueue_dma source(%arg23 : memref<320xf32, #tpu.memory_space<vmem>>) target(%dma_start3A_149 : memref<320xf32, #tpu.memory_space<hbm>>) target_semaphore(%arg34 : memref<!tpu.dma_semaphore, #tpu.memory_space<semaphore_mem>>)
      %dma_start3A_150 = arith.constant 0 : i32
      %dma_start3A_151 = arith.constant 0 : i32
      %dma_start3A_152 = tpu.memref_slice %arg24[%dma_start3A_150, %dma_start3A_151] : memref<10000x128xf32, #tpu.memory_space<vmem_shared>> -> memref<10000x128xf32, #tpu.memory_space<vmem_shared>>
      tpu.enqueue_indirect_dma source(%arg15 : memref<40x128xf32, #tpu.memory_space<vmem>>) target(%dma_start3A_152 : memref<10000x128xf32, #tpu.memory_space<vmem_shared>>) offsets(%arg13 : memref<40xi32, #tpu.memory_space<vmem>>) semaphore(%arg35 : memref<!tpu.dma_semaphore, #tpu.memory_space<semaphore_mem>>) {add = true}
    }
    %scan3A_34 = arith.constant 125 : i32
    %dma_wait3A = arith.constant 0 : i32
    %dma_wait3A_35 = arith.constant 0 : i32
    %dma_wait3A_36 = tpu.memref_slice %arg24[%dma_wait3A, %dma_wait3A_35] : memref<10000x128xf32, #tpu.memory_space<vmem_shared>> -> memref<10000x128xf32, #tpu.memory_space<vmem_shared>>
    tpu.wait_indirect_dma semaphore(%arg35 : memref<!tpu.dma_semaphore, #tpu.memory_space<semaphore_mem>>) src(%arg15 : memref<40x128xf32, #tpu.memory_space<vmem>>) dst(%dma_wait3A_36 : memref<10000x128xf32, #tpu.memory_space<vmem_shared>>)
    %mul3A_37 = arith.constant 8 : i32
    %mul3A_38 = arith.muli %mul3A_2, %mul3A_37 : i32
    %dma_wait3A_39 = tpu.memref_slice %arg8[%mul3A_38] : memref<2560000xf32, #tpu.memory_space<hbm>> -> memref<320xf32, #tpu.memory_space<hbm>>
    %dma_wait3A_40 = tpu.memref_slice %arg8[%mul3A_38] : memref<2560000xf32, #tpu.memory_space<hbm>> -> memref<320xf32, #tpu.memory_space<hbm>>
    tpu.wait_dma2 semaphore(%arg33 : memref<!tpu.dma_semaphore, #tpu.memory_space<semaphore_mem>>) src(%arg22 : memref<320xf32, #tpu.memory_space<vmem>>) dst(%dma_wait3A_40 : memref<320xf32, #tpu.memory_space<hbm>>)
    %mul3A_41 = arith.constant 8 : i32
    %mul3A_42 = arith.muli %mul3A_2, %mul3A_41 : i32
    %dma_wait3A_43 = tpu.memref_slice %arg8[%mul3A_42] : memref<2560000xf32, #tpu.memory_space<hbm>> -> memref<320xf32, #tpu.memory_space<hbm>>
    %dma_wait3A_44 = tpu.memref_slice %arg8[%mul3A_42] : memref<2560000xf32, #tpu.memory_space<hbm>> -> memref<320xf32, #tpu.memory_space<hbm>>
    tpu.wait_dma2 semaphore(%arg34 : memref<!tpu.dma_semaphore, #tpu.memory_space<semaphore_mem>>) src(%arg23 : memref<320xf32, #tpu.memory_space<vmem>>) dst(%dma_wait3A_44 : memref<320xf32, #tpu.memory_space<hbm>>)
    %barrier3A_45 = arith.constant 0 : index
    tpu.barrier barrier_id(%barrier3A_45)
    %lt3A_46 = arith.constant 10 : i32
    %lt3A_47 = arith.cmpi slt, %arg1, %lt3A_46 : i32
    %convert_element_type3A_48 = arith.extui %lt3A_47 : i1 to i32
    %cond3A_49 = arith.constant 0 : i32
    %cond3A_50 = arith.cmpi ne, %convert_element_type3A_48, %cond3A_49 : i32
    scf.if %cond3A_50 {
      %mul3A_51 = arith.constant 1000 : i32
      %mul3A_52 = arith.muli %arg1, %mul3A_51 : i32
      %mul3A_53 = arith.constant 10000 : i32
      %mul3A_54 = arith.muli %arg0, %mul3A_53 : i32
      %mul3A_55 = arith.constant 1000 : i32
      %mul3A_56 = arith.muli %arg1, %mul3A_55 : i32
      %add3A_57 = arith.addi %mul3A_54, %mul3A_56 : i32
      "tpu.region"() ({
        %run_scoped3A = tpu.sem_alloc : memref<!tpu.dma_semaphore, #tpu.memory_space<semaphore_mem>>
        %dma_start3A_58 = arith.constant 0 : i32
        %dma_start3A_59 = tpu.memref_slice %arg9[%add3A_57, %dma_start3A_58] : memref<20000x128xf32, #tpu.memory_space<hbm>> -> memref<1000x128xf32, #tpu.memory_space<hbm>>
        %dma_start3A_60 = arith.constant 0 : i32
        %dma_start3A_61 = tpu.memref_slice %arg24[%mul3A_52, %dma_start3A_60] : memref<10000x128xf32, #tpu.memory_space<vmem_shared>> -> memref<1000x128xf32, #tpu.memory_space<vmem_shared>>
        tpu.enqueue_dma source(%dma_start3A_61 : memref<1000x128xf32, #tpu.memory_space<vmem_shared>>) target(%dma_start3A_59 : memref<1000x128xf32, #tpu.memory_space<hbm>>) target_semaphore(%run_scoped3A : memref<!tpu.dma_semaphore, #tpu.memory_space<semaphore_mem>>)
        %dma_wait3A_62 = arith.constant 0 : i32
        %dma_wait3A_63 = tpu.memref_slice %arg9[%add3A_57, %dma_wait3A_62] : memref<20000x128xf32, #tpu.memory_space<hbm>> -> memref<1000x128xf32, #tpu.memory_space<hbm>>
        %dma_wait3A_64 = arith.constant 0 : i32
        %dma_wait3A_65 = tpu.memref_slice %arg24[%mul3A_52, %dma_wait3A_64] : memref<10000x128xf32, #tpu.memory_space<vmem_shared>> -> memref<1000x128xf32, #tpu.memory_space<vmem_shared>>
        tpu.wait_dma2 semaphore(%run_scoped3A : memref<!tpu.dma_semaphore, #tpu.memory_space<semaphore_mem>>) src(%dma_wait3A_65 : memref<1000x128xf32, #tpu.memory_space<vmem_shared>>) dst(%dma_wait3A_63 : memref<1000x128xf32, #tpu.memory_space<hbm>>)
        tpu.yield
      }) : () -> ()
    } else {
    }
    return
  }
}

#map = affine_map<(d0, d1) -> (0, 0)>
#map1 = affine_map<(d0, d1) -> (0)>
module attributes {stable_mosaic.version = 14 : i64} {
  func.func @_edge_a_body(%arg0: i32, %arg1: i32, %arg2: memref<10000x128xf32, #tpu.memory_space<hbm>>, %arg3: memref<10000x128xf32, #tpu.memory_space<hbm>>, %arg4: memref<320000x128xf32, #tpu.memory_space<hbm>>, %arg5: memref<320000xi32, #tpu.memory_space<hbm>>, %arg6: memref<320000xi32, #tpu.memory_space<hbm>>, %arg7: memref<320000x16xf32, #tpu.memory_space<hbm>>, %arg8: memref<20000x128xf32, #tpu.memory_space<hbm>>, %arg9: memref<40xi32, #tpu.memory_space<vmem>>, %arg10: memref<40xi32, #tpu.memory_space<vmem>>, %arg11: memref<40xi32, #tpu.memory_space<vmem>>, %arg12: memref<40xi32, #tpu.memory_space<vmem>>, %arg13: memref<40xi32, #tpu.memory_space<vmem>>, %arg14: memref<40xi32, #tpu.memory_space<vmem>>, %arg15: memref<40x128xf32, #tpu.memory_space<vmem>>, %arg16: memref<40x128xf32, #tpu.memory_space<vmem>>, %arg17: memref<40x128xf32, #tpu.memory_space<vmem>>, %arg18: memref<40x128xf32, #tpu.memory_space<vmem>>, %arg19: memref<40x128xf32, #tpu.memory_space<vmem>>, %arg20: memref<40x128xf32, #tpu.memory_space<vmem>>, %arg21: memref<40x16xf32, #tpu.memory_space<vmem>>, %arg22: memref<40x128xf32, #tpu.memory_space<vmem>>, %arg23: memref<40x128xf32, #tpu.memory_space<vmem>>, %arg24: memref<10000x128xf32, #tpu.memory_space<vmem_shared>>, %arg25: memref<!tpu.dma_semaphore, #tpu.memory_space<semaphore_mem>>, %arg26: memref<!tpu.dma_semaphore, #tpu.memory_space<semaphore_mem>>, %arg27: memref<!tpu.dma_semaphore, #tpu.memory_space<semaphore_mem>>, %arg28: memref<!tpu.dma_semaphore, #tpu.memory_space<semaphore_mem>>, %arg29: memref<!tpu.dma_semaphore, #tpu.memory_space<semaphore_mem>>, %arg30: memref<!tpu.dma_semaphore, #tpu.memory_space<semaphore_mem>>, %arg31: memref<!tpu.dma_semaphore, #tpu.memory_space<semaphore_mem>>, %arg32: memref<!tpu.dma_semaphore, #tpu.memory_space<semaphore_mem>>, %arg33: memref<!tpu.dma_semaphore, #tpu.memory_space<semaphore_mem>>) attributes {dimension_semantics = [#tpu.dimension_semantics<core_parallel>, #tpu.dimension_semantics<subcore_parallel>], iteration_bounds = array<i64: 2, 16>, scalar_prefetch = 0 : i64, scratch_operands = 25 : i64, tpu.core_type = #tpu.core_type<sc_vector_subcore>, window_params = [{transform_indices = #map}, {transform_indices = #map}, {transform_indices = #map}, {transform_indices = #map1}, {transform_indices = #map1}, {transform_indices = #map}, {transform_indices = #map}]} {
    %mul3A = arith.constant 2 : i32
    %mul3A_0 = arith.muli %arg1, %mul3A : i32
    %add3A = arith.addi %mul3A_0, %arg0 : i32
    %mul3A_1 = arith.constant 10000 : i32
    %mul3A_2 = arith.muli %add3A, %mul3A_1 : i32
    %broadcast_in_dim3A = arith.constant 0.000000e+00 : f32
    %broadcast_in_dim3A_3 = vector.broadcast %broadcast_in_dim3A : f32 to vector<16xf32>
    %scan3A = arith.constant 0 : i32
    %scan3A_4 = arith.constant 0 : i32
    %scan3A_5 = arith.constant 40 : i32
    %scan3A_6 = arith.addi %scan3A_4, %scan3A_5 : i32
    %scan3A_7 = arith.constant 1 : i32
    scf.for %scan3A_48 = %scan3A_4 to %scan3A_6 step %scan3A_7  : i32 {
      %swap3A = arith.index_cast %scan3A_48 : i32 to index
      %swap3A_49 = arith.constant 0 : index
      %swap3A_50 = tpu.vector_load %arg22[%swap3A, %swap3A_49] {strides = array<i32>} : memref<40x128xf32, #tpu.memory_space<vmem>>, vector<1x16xf32>,
      %swap3A_51 = vector.shape_cast %swap3A_50 : vector<1x16xf32> to vector<16xf32>
      %swap3A_52 = vector.shape_cast %broadcast_in_dim3A_3 : vector<16xf32> to vector<1x16xf32>
      tpu.vector_store %arg22[%swap3A, %swap3A_49], %swap3A_52 {strides = array<i32>} : memref<40x128xf32, #tpu.memory_space<vmem>>, vector<1x16xf32>,
      %swap3A_53 = arith.index_cast %scan3A_48 : i32 to index
      %swap3A_54 = arith.constant 0 : index
      %swap3A_55 = tpu.vector_load %arg23[%swap3A_53, %swap3A_54] {strides = array<i32>} : memref<40x128xf32, #tpu.memory_space<vmem>>, vector<1x16xf32>,
      %swap3A_56 = vector.shape_cast %swap3A_55 : vector<1x16xf32> to vector<16xf32>
      %swap3A_57 = vector.shape_cast %broadcast_in_dim3A_3 : vector<16xf32> to vector<1x16xf32>
      tpu.vector_store %arg23[%swap3A_53, %swap3A_54], %swap3A_57 {strides = array<i32>} : memref<40x128xf32, #tpu.memory_space<vmem>>, vector<1x16xf32>,
      %swap3A_58 = arith.index_cast %scan3A_48 : i32 to index
      %swap3A_59 = arith.constant 16 : index
      %swap3A_60 = tpu.vector_load %arg22[%swap3A_58, %swap3A_59] {strides = array<i32>} : memref<40x128xf32, #tpu.memory_space<vmem>>, vector<1x16xf32>,
      %swap3A_61 = vector.shape_cast %swap3A_60 : vector<1x16xf32> to vector<16xf32>
      %swap3A_62 = vector.shape_cast %broadcast_in_dim3A_3 : vector<16xf32> to vector<1x16xf32>
      tpu.vector_store %arg22[%swap3A_58, %swap3A_59], %swap3A_62 {strides = array<i32>} : memref<40x128xf32, #tpu.memory_space<vmem>>, vector<1x16xf32>,
      %swap3A_63 = arith.index_cast %scan3A_48 : i32 to index
      %swap3A_64 = arith.constant 16 : index
      %swap3A_65 = tpu.vector_load %arg23[%swap3A_63, %swap3A_64] {strides = array<i32>} : memref<40x128xf32, #tpu.memory_space<vmem>>, vector<1x16xf32>,
      %swap3A_66 = vector.shape_cast %swap3A_65 : vector<1x16xf32> to vector<16xf32>
      %swap3A_67 = vector.shape_cast %broadcast_in_dim3A_3 : vector<16xf32> to vector<1x16xf32>
      tpu.vector_store %arg23[%swap3A_63, %swap3A_64], %swap3A_67 {strides = array<i32>} : memref<40x128xf32, #tpu.memory_space<vmem>>, vector<1x16xf32>,
      %swap3A_68 = arith.index_cast %scan3A_48 : i32 to index
      %swap3A_69 = arith.constant 32 : index
      %swap3A_70 = tpu.vector_load %arg22[%swap3A_68, %swap3A_69] {strides = array<i32>} : memref<40x128xf32, #tpu.memory_space<vmem>>, vector<1x16xf32>,
      %swap3A_71 = vector.shape_cast %swap3A_70 : vector<1x16xf32> to vector<16xf32>
      %swap3A_72 = vector.shape_cast %broadcast_in_dim3A_3 : vector<16xf32> to vector<1x16xf32>
      tpu.vector_store %arg22[%swap3A_68, %swap3A_69], %swap3A_72 {strides = array<i32>} : memref<40x128xf32, #tpu.memory_space<vmem>>, vector<1x16xf32>,
      %swap3A_73 = arith.index_cast %scan3A_48 : i32 to index
      %swap3A_74 = arith.constant 32 : index
      %swap3A_75 = tpu.vector_load %arg23[%swap3A_73, %swap3A_74] {strides = array<i32>} : memref<40x128xf32, #tpu.memory_space<vmem>>, vector<1x16xf32>,
      %swap3A_76 = vector.shape_cast %swap3A_75 : vector<1x16xf32> to vector<16xf32>
      %swap3A_77 = vector.shape_cast %broadcast_in_dim3A_3 : vector<16xf32> to vector<1x16xf32>
      tpu.vector_store %arg23[%swap3A_73, %swap3A_74], %swap3A_77 {strides = array<i32>} : memref<40x128xf32, #tpu.memory_space<vmem>>, vector<1x16xf32>,
      %swap3A_78 = arith.index_cast %scan3A_48 : i32 to index
      %swap3A_79 = arith.constant 48 : index
      %swap3A_80 = tpu.vector_load %arg22[%swap3A_78, %swap3A_79] {strides = array<i32>} : memref<40x128xf32, #tpu.memory_space<vmem>>, vector<1x16xf32>,
      %swap3A_81 = vector.shape_cast %swap3A_80 : vector<1x16xf32> to vector<16xf32>
      %swap3A_82 = vector.shape_cast %broadcast_in_dim3A_3 : vector<16xf32> to vector<1x16xf32>
      tpu.vector_store %arg22[%swap3A_78, %swap3A_79], %swap3A_82 {strides = array<i32>} : memref<40x128xf32, #tpu.memory_space<vmem>>, vector<1x16xf32>,
      %swap3A_83 = arith.index_cast %scan3A_48 : i32 to index
      %swap3A_84 = arith.constant 48 : index
      %swap3A_85 = tpu.vector_load %arg23[%swap3A_83, %swap3A_84] {strides = array<i32>} : memref<40x128xf32, #tpu.memory_space<vmem>>, vector<1x16xf32>,
      %swap3A_86 = vector.shape_cast %swap3A_85 : vector<1x16xf32> to vector<16xf32>
      %swap3A_87 = vector.shape_cast %broadcast_in_dim3A_3 : vector<16xf32> to vector<1x16xf32>
      tpu.vector_store %arg23[%swap3A_83, %swap3A_84], %swap3A_87 {strides = array<i32>} : memref<40x128xf32, #tpu.memory_space<vmem>>, vector<1x16xf32>,
      %swap3A_88 = arith.index_cast %scan3A_48 : i32 to index
      %swap3A_89 = arith.constant 64 : index
      %swap3A_90 = tpu.vector_load %arg22[%swap3A_88, %swap3A_89] {strides = array<i32>} : memref<40x128xf32, #tpu.memory_space<vmem>>, vector<1x16xf32>,
      %swap3A_91 = vector.shape_cast %swap3A_90 : vector<1x16xf32> to vector<16xf32>
      %swap3A_92 = vector.shape_cast %broadcast_in_dim3A_3 : vector<16xf32> to vector<1x16xf32>
      tpu.vector_store %arg22[%swap3A_88, %swap3A_89], %swap3A_92 {strides = array<i32>} : memref<40x128xf32, #tpu.memory_space<vmem>>, vector<1x16xf32>,
      %swap3A_93 = arith.index_cast %scan3A_48 : i32 to index
      %swap3A_94 = arith.constant 64 : index
      %swap3A_95 = tpu.vector_load %arg23[%swap3A_93, %swap3A_94] {strides = array<i32>} : memref<40x128xf32, #tpu.memory_space<vmem>>, vector<1x16xf32>,
      %swap3A_96 = vector.shape_cast %swap3A_95 : vector<1x16xf32> to vector<16xf32>
      %swap3A_97 = vector.shape_cast %broadcast_in_dim3A_3 : vector<16xf32> to vector<1x16xf32>
      tpu.vector_store %arg23[%swap3A_93, %swap3A_94], %swap3A_97 {strides = array<i32>} : memref<40x128xf32, #tpu.memory_space<vmem>>, vector<1x16xf32>,
      %swap3A_98 = arith.index_cast %scan3A_48 : i32 to index
      %swap3A_99 = arith.constant 80 : index
      %swap3A_100 = tpu.vector_load %arg22[%swap3A_98, %swap3A_99] {strides = array<i32>} : memref<40x128xf32, #tpu.memory_space<vmem>>, vector<1x16xf32>,
      %swap3A_101 = vector.shape_cast %swap3A_100 : vector<1x16xf32> to vector<16xf32>
      %swap3A_102 = vector.shape_cast %broadcast_in_dim3A_3 : vector<16xf32> to vector<1x16xf32>
      tpu.vector_store %arg22[%swap3A_98, %swap3A_99], %swap3A_102 {strides = array<i32>} : memref<40x128xf32, #tpu.memory_space<vmem>>, vector<1x16xf32>,
      %swap3A_103 = arith.index_cast %scan3A_48 : i32 to index
      %swap3A_104 = arith.constant 80 : index
      %swap3A_105 = tpu.vector_load %arg23[%swap3A_103, %swap3A_104] {strides = array<i32>} : memref<40x128xf32, #tpu.memory_space<vmem>>, vector<1x16xf32>,
      %swap3A_106 = vector.shape_cast %swap3A_105 : vector<1x16xf32> to vector<16xf32>
      %swap3A_107 = vector.shape_cast %broadcast_in_dim3A_3 : vector<16xf32> to vector<1x16xf32>
      tpu.vector_store %arg23[%swap3A_103, %swap3A_104], %swap3A_107 {strides = array<i32>} : memref<40x128xf32, #tpu.memory_space<vmem>>, vector<1x16xf32>,
      %swap3A_108 = arith.index_cast %scan3A_48 : i32 to index
      %swap3A_109 = arith.constant 96 : index
      %swap3A_110 = tpu.vector_load %arg22[%swap3A_108, %swap3A_109] {strides = array<i32>} : memref<40x128xf32, #tpu.memory_space<vmem>>, vector<1x16xf32>,
      %swap3A_111 = vector.shape_cast %swap3A_110 : vector<1x16xf32> to vector<16xf32>
      %swap3A_112 = vector.shape_cast %broadcast_in_dim3A_3 : vector<16xf32> to vector<1x16xf32>
      tpu.vector_store %arg22[%swap3A_108, %swap3A_109], %swap3A_112 {strides = array<i32>} : memref<40x128xf32, #tpu.memory_space<vmem>>, vector<1x16xf32>,
      %swap3A_113 = arith.index_cast %scan3A_48 : i32 to index
      %swap3A_114 = arith.constant 96 : index
      %swap3A_115 = tpu.vector_load %arg23[%swap3A_113, %swap3A_114] {strides = array<i32>} : memref<40x128xf32, #tpu.memory_space<vmem>>, vector<1x16xf32>,
      %swap3A_116 = vector.shape_cast %swap3A_115 : vector<1x16xf32> to vector<16xf32>
      %swap3A_117 = vector.shape_cast %broadcast_in_dim3A_3 : vector<16xf32> to vector<1x16xf32>
      tpu.vector_store %arg23[%swap3A_113, %swap3A_114], %swap3A_117 {strides = array<i32>} : memref<40x128xf32, #tpu.memory_space<vmem>>, vector<1x16xf32>,
      %swap3A_118 = arith.index_cast %scan3A_48 : i32 to index
      %swap3A_119 = arith.constant 112 : index
      %swap3A_120 = tpu.vector_load %arg22[%swap3A_118, %swap3A_119] {strides = array<i32>} : memref<40x128xf32, #tpu.memory_space<vmem>>, vector<1x16xf32>,
      %swap3A_121 = vector.shape_cast %swap3A_120 : vector<1x16xf32> to vector<16xf32>
      %swap3A_122 = vector.shape_cast %broadcast_in_dim3A_3 : vector<16xf32> to vector<1x16xf32>
      tpu.vector_store %arg22[%swap3A_118, %swap3A_119], %swap3A_122 {strides = array<i32>} : memref<40x128xf32, #tpu.memory_space<vmem>>, vector<1x16xf32>,
      %swap3A_123 = arith.index_cast %scan3A_48 : i32 to index
      %swap3A_124 = arith.constant 112 : index
      %swap3A_125 = tpu.vector_load %arg23[%swap3A_123, %swap3A_124] {strides = array<i32>} : memref<40x128xf32, #tpu.memory_space<vmem>>, vector<1x16xf32>,
      %swap3A_126 = vector.shape_cast %swap3A_125 : vector<1x16xf32> to vector<16xf32>
      %swap3A_127 = vector.shape_cast %broadcast_in_dim3A_3 : vector<16xf32> to vector<1x16xf32>
      tpu.vector_store %arg23[%swap3A_123, %swap3A_124], %swap3A_127 {strides = array<i32>} : memref<40x128xf32, #tpu.memory_space<vmem>>, vector<1x16xf32>,
    }
    %scan3A_8 = arith.constant 40 : i32
    %lt3A = arith.constant 10 : i32
    %lt3A_9 = arith.cmpi slt, %arg1, %lt3A : i32
    %convert_element_type3A = arith.extui %lt3A_9 : i1 to i32
    %cond3A = arith.constant 0 : i32
    %cond3A_10 = arith.cmpi ne, %convert_element_type3A, %cond3A : i32
    scf.if %cond3A_10 {
      %scan3A_48 = arith.constant 0 : i32
      %scan3A_49 = arith.constant 0 : i32
      %scan3A_50 = arith.constant 25 : i32
      %scan3A_51 = arith.addi %scan3A_49, %scan3A_50 : i32
      %scan3A_52 = arith.constant 1 : i32
      scf.for %scan3A_54 = %scan3A_49 to %scan3A_51 step %scan3A_52  : i32 {
        %mul3A_55 = arith.constant 1000 : i32
        %mul3A_56 = arith.muli %arg1, %mul3A_55 : i32
        %mul3A_57 = arith.constant 40 : i32
        %mul3A_58 = arith.muli %scan3A_54, %mul3A_57 : i32
        %add3A_59 = arith.addi %mul3A_56, %mul3A_58 : i32
        "tpu.region"() ({
          %run_scoped3A = tpu.sem_alloc : memref<!tpu.dma_semaphore, #tpu.memory_space<semaphore_mem>>
          %dma_start3A_60 = arith.constant 0 : i32
          %dma_start3A_61 = tpu.memref_slice %arg24[%add3A_59, %dma_start3A_60] : memref<10000x128xf32, #tpu.memory_space<vmem_shared>> -> memref<40x128xf32, #tpu.memory_space<vmem_shared>>
          %dma_start3A_62 = arith.constant 0 : i32
          %dma_start3A_63 = tpu.memref_slice %arg24[%add3A_59, %dma_start3A_62] : memref<10000x128xf32, #tpu.memory_space<vmem_shared>> -> memref<40x128xf32, #tpu.memory_space<vmem_shared>>
          tpu.enqueue_dma source(%arg22 : memref<40x128xf32, #tpu.memory_space<vmem>>) target(%dma_start3A_63 : memref<40x128xf32, #tpu.memory_space<vmem_shared>>) target_semaphore(%run_scoped3A : memref<!tpu.dma_semaphore, #tpu.memory_space<semaphore_mem>>)
          %dma_wait3A_64 = arith.constant 0 : i32
          %dma_wait3A_65 = tpu.memref_slice %arg24[%add3A_59, %dma_wait3A_64] : memref<10000x128xf32, #tpu.memory_space<vmem_shared>> -> memref<40x128xf32, #tpu.memory_space<vmem_shared>>
          %dma_wait3A_66 = arith.constant 0 : i32
          %dma_wait3A_67 = tpu.memref_slice %arg24[%add3A_59, %dma_wait3A_66] : memref<10000x128xf32, #tpu.memory_space<vmem_shared>> -> memref<40x128xf32, #tpu.memory_space<vmem_shared>>
          tpu.wait_dma2 semaphore(%run_scoped3A : memref<!tpu.dma_semaphore, #tpu.memory_space<semaphore_mem>>) src(%arg22 : memref<40x128xf32, #tpu.memory_space<vmem>>) dst(%dma_wait3A_67 : memref<40x128xf32, #tpu.memory_space<vmem_shared>>)
          tpu.yield
        }) : () -> ()
      }
      %scan3A_53 = arith.constant 25 : i32
    } else {
    }
    %barrier3A = arith.constant 0 : index
    tpu.barrier barrier_id(%barrier3A)
    %iota3A = tpu.iota {dimensions = array<i32: 0>} : vector<16xi32>
    %lt3A_11 = arith.constant 8 : i32
    %lt3A_12 = vector.broadcast %lt3A_11 : i32 to vector<16xi32>
    %lt3A_13 = arith.cmpi slt, %iota3A, %lt3A_12 : vector<16xi32>
    %and3A = arith.constant 7 : i32
    %and3A_14 = vector.broadcast %and3A : i32 to vector<16xi32>
    %and3A_15 = arith.andi %iota3A, %and3A_14 : vector<16xi32>
    %add3A_16 = arith.constant 0 : i32
    %add3A_17 = arith.addi %mul3A_2, %add3A_16 : i32
    %multiple_of3A = tpu.assume_multiple %add3A_17, 8 : i32
    "tpu.region"() ({
      %run_scoped3A = tpu.sem_alloc : memref<!tpu.dma_semaphore, #tpu.memory_space<semaphore_mem>>
      %dma_start3A_48 = tpu.memref_slice %arg5[%multiple_of3A] : memref<320000xi32, #tpu.memory_space<hbm>> -> memref<40xi32, #tpu.memory_space<hbm>>
      %dma_start3A_49 = tpu.memref_slice %arg5[%multiple_of3A] : memref<320000xi32, #tpu.memory_space<hbm>> -> memref<40xi32, #tpu.memory_space<hbm>>
      tpu.enqueue_dma source(%dma_start3A_49 : memref<40xi32, #tpu.memory_space<hbm>>) target(%arg9 : memref<40xi32, #tpu.memory_space<vmem>>) target_semaphore(%run_scoped3A : memref<!tpu.dma_semaphore, #tpu.memory_space<semaphore_mem>>)
      %dma_wait3A_50 = tpu.memref_slice %arg5[%multiple_of3A] : memref<320000xi32, #tpu.memory_space<hbm>> -> memref<40xi32, #tpu.memory_space<hbm>>
      %dma_wait3A_51 = tpu.memref_slice %arg5[%multiple_of3A] : memref<320000xi32, #tpu.memory_space<hbm>> -> memref<40xi32, #tpu.memory_space<hbm>>
      tpu.wait_dma2 semaphore(%run_scoped3A : memref<!tpu.dma_semaphore, #tpu.memory_space<semaphore_mem>>) src(%dma_wait3A_51 : memref<40xi32, #tpu.memory_space<hbm>>) dst(%arg9 : memref<40xi32, #tpu.memory_space<vmem>>)
      tpu.yield
    }) : () -> ()
    "tpu.region"() ({
      %run_scoped3A = tpu.sem_alloc : memref<!tpu.dma_semaphore, #tpu.memory_space<semaphore_mem>>
      %dma_start3A_48 = tpu.memref_slice %arg6[%multiple_of3A] : memref<320000xi32, #tpu.memory_space<hbm>> -> memref<40xi32, #tpu.memory_space<hbm>>
      %dma_start3A_49 = tpu.memref_slice %arg6[%multiple_of3A] : memref<320000xi32, #tpu.memory_space<hbm>> -> memref<40xi32, #tpu.memory_space<hbm>>
      tpu.enqueue_dma source(%dma_start3A_49 : memref<40xi32, #tpu.memory_space<hbm>>) target(%arg11 : memref<40xi32, #tpu.memory_space<vmem>>) target_semaphore(%run_scoped3A : memref<!tpu.dma_semaphore, #tpu.memory_space<semaphore_mem>>)
      %dma_wait3A_50 = tpu.memref_slice %arg6[%multiple_of3A] : memref<320000xi32, #tpu.memory_space<hbm>> -> memref<40xi32, #tpu.memory_space<hbm>>
      %dma_wait3A_51 = tpu.memref_slice %arg6[%multiple_of3A] : memref<320000xi32, #tpu.memory_space<hbm>> -> memref<40xi32, #tpu.memory_space<hbm>>
      tpu.wait_dma2 semaphore(%run_scoped3A : memref<!tpu.dma_semaphore, #tpu.memory_space<semaphore_mem>>) src(%dma_wait3A_51 : memref<40xi32, #tpu.memory_space<hbm>>) dst(%arg11 : memref<40xi32, #tpu.memory_space<vmem>>)
      tpu.yield
    }) : () -> ()
    %dma_start3A = arith.constant 0 : i32
    %dma_start3A_18 = arith.constant 0 : i32
    %dma_start3A_19 = tpu.memref_slice %arg2[%dma_start3A, %dma_start3A_18] : memref<10000x128xf32, #tpu.memory_space<hbm>> -> memref<10000x128xf32, #tpu.memory_space<hbm>>
    tpu.enqueue_indirect_dma source(%dma_start3A_19 : memref<10000x128xf32, #tpu.memory_space<hbm>>) target(%arg15 : memref<40x128xf32, #tpu.memory_space<vmem>>) offsets(%arg9 : memref<40xi32, #tpu.memory_space<vmem>>) semaphore(%arg25 : memref<!tpu.dma_semaphore, #tpu.memory_space<semaphore_mem>>)
    %dma_start3A_20 = arith.constant 0 : i32
    %dma_start3A_21 = arith.constant 0 : i32
    %dma_start3A_22 = tpu.memref_slice %arg3[%dma_start3A_20, %dma_start3A_21] : memref<10000x128xf32, #tpu.memory_space<hbm>> -> memref<10000x128xf32, #tpu.memory_space<hbm>>
    tpu.enqueue_indirect_dma source(%dma_start3A_22 : memref<10000x128xf32, #tpu.memory_space<hbm>>) target(%arg17 : memref<40x128xf32, #tpu.memory_space<vmem>>) offsets(%arg11 : memref<40xi32, #tpu.memory_space<vmem>>) semaphore(%arg27 : memref<!tpu.dma_semaphore, #tpu.memory_space<semaphore_mem>>)
    %dma_start3A_23 = arith.constant 0 : i32
    %dma_start3A_24 = tpu.memref_slice %arg4[%multiple_of3A, %dma_start3A_23] : memref<320000x128xf32, #tpu.memory_space<hbm>> -> memref<40x128xf32, #tpu.memory_space<hbm>>
    %dma_start3A_25 = arith.constant 0 : i32
    %dma_start3A_26 = tpu.memref_slice %arg4[%multiple_of3A, %dma_start3A_25] : memref<320000x128xf32, #tpu.memory_space<hbm>> -> memref<40x128xf32, #tpu.memory_space<hbm>>
    tpu.enqueue_dma source(%dma_start3A_26 : memref<40x128xf32, #tpu.memory_space<hbm>>) target(%arg19 : memref<40x128xf32, #tpu.memory_space<vmem>>) target_semaphore(%arg29 : memref<!tpu.dma_semaphore, #tpu.memory_space<semaphore_mem>>)
    %scan3A_27 = arith.constant 0 : i32
    %scan3A_28 = arith.constant 0 : i32
    %scan3A_29 = arith.constant 125 : i32
    %scan3A_30 = arith.addi %scan3A_28, %scan3A_29 : i32
    %scan3A_31 = arith.constant 1 : i32
    scf.for %scan3A_48 = %scan3A_28 to %scan3A_30 step %scan3A_31  : i32 {
      %mul3A_49 = arith.constant 2 : i32
      %mul3A_50 = arith.muli %scan3A_48, %mul3A_49 : i32
      %add3A_51 = arith.constant 0 : i32
      %add3A_52 = arith.addi %mul3A_50, %add3A_51 : i32
      %mul3A_53 = arith.constant 40 : i32
      %mul3A_54 = arith.muli %add3A_52, %mul3A_53 : i32
      %add3A_55 = arith.addi %mul3A_2, %mul3A_54 : i32
      %multiple_of3A_56 = tpu.assume_multiple %add3A_55, 8 : i32
      %dma_wait3A_57 = arith.constant 0 : i32
      %dma_wait3A_58 = arith.constant 0 : i32
      %dma_wait3A_59 = tpu.memref_slice %arg2[%dma_wait3A_57, %dma_wait3A_58] : memref<10000x128xf32, #tpu.memory_space<hbm>> -> memref<10000x128xf32, #tpu.memory_space<hbm>>
      tpu.wait_indirect_dma semaphore(%arg25 : memref<!tpu.dma_semaphore, #tpu.memory_space<semaphore_mem>>) src(%dma_wait3A_59 : memref<10000x128xf32, #tpu.memory_space<hbm>>) dst(%arg15 : memref<40x128xf32, #tpu.memory_space<vmem>>)
      %dma_wait3A_60 = arith.constant 0 : i32
      %dma_wait3A_61 = arith.constant 0 : i32
      %dma_wait3A_62 = tpu.memref_slice %arg3[%dma_wait3A_60, %dma_wait3A_61] : memref<10000x128xf32, #tpu.memory_space<hbm>> -> memref<10000x128xf32, #tpu.memory_space<hbm>>
      tpu.wait_indirect_dma semaphore(%arg27 : memref<!tpu.dma_semaphore, #tpu.memory_space<semaphore_mem>>) src(%dma_wait3A_62 : memref<10000x128xf32, #tpu.memory_space<hbm>>) dst(%arg17 : memref<40x128xf32, #tpu.memory_space<vmem>>)
      %dma_wait3A_63 = arith.constant 0 : i32
      %dma_wait3A_64 = tpu.memref_slice %arg4[%multiple_of3A_56, %dma_wait3A_63] : memref<320000x128xf32, #tpu.memory_space<hbm>> -> memref<40x128xf32, #tpu.memory_space<hbm>>
      %dma_wait3A_65 = arith.constant 0 : i32
      %dma_wait3A_66 = tpu.memref_slice %arg4[%multiple_of3A_56, %dma_wait3A_65] : memref<320000x128xf32, #tpu.memory_space<hbm>> -> memref<40x128xf32, #tpu.memory_space<hbm>>
      tpu.wait_dma2 semaphore(%arg29 : memref<!tpu.dma_semaphore, #tpu.memory_space<semaphore_mem>>) src(%dma_wait3A_66 : memref<40x128xf32, #tpu.memory_space<hbm>>) dst(%arg19 : memref<40x128xf32, #tpu.memory_space<vmem>>)
      %ge3A = arith.constant 2 : i32
      %ge3A_67 = arith.cmpi sge, %add3A_52, %ge3A : i32
      %convert_element_type3A_68 = arith.extui %ge3A_67 : i1 to i32
      %cond3A_69 = arith.constant 0 : i32
      %cond3A_70 = arith.cmpi ne, %convert_element_type3A_68, %cond3A_69 : i32
      scf.if %cond3A_70 {
        %dma_wait3A_182 = arith.constant 0 : i32
        %dma_wait3A_183 = arith.constant 0 : i32
        %dma_wait3A_184 = tpu.memref_slice %arg24[%dma_wait3A_182, %dma_wait3A_183] : memref<10000x128xf32, #tpu.memory_space<vmem_shared>> -> memref<10000x128xf32, #tpu.memory_space<vmem_shared>>
        tpu.wait_indirect_dma semaphore(%arg32 : memref<!tpu.dma_semaphore, #tpu.memory_space<semaphore_mem>>) src(%arg22 : memref<40x128xf32, #tpu.memory_space<vmem>>) dst(%dma_wait3A_184 : memref<10000x128xf32, #tpu.memory_space<vmem_shared>>)
      } else {
      }
      %ge3A_71 = arith.constant 1 : i32
      %ge3A_72 = arith.cmpi sge, %add3A_52, %ge3A_71 : i32
      %convert_element_type3A_73 = arith.extui %ge3A_72 : i1 to i32
      %cond3A_74 = arith.constant 0 : i32
      %cond3A_75 = arith.cmpi ne, %convert_element_type3A_73, %cond3A_74 : i32
      scf.if %cond3A_75 {
        %dma_wait3A_182 = arith.constant 0 : i32
        %dma_wait3A_183 = tpu.memref_slice %arg7[%multiple_of3A_56, %dma_wait3A_182] : memref<320000x16xf32, #tpu.memory_space<hbm>> -> memref<40x16xf32, #tpu.memory_space<hbm>>
        %dma_wait3A_184 = arith.constant 0 : i32
        %dma_wait3A_185 = tpu.memref_slice %arg7[%multiple_of3A_56, %dma_wait3A_184] : memref<320000x16xf32, #tpu.memory_space<hbm>> -> memref<40x16xf32, #tpu.memory_space<hbm>>
        tpu.wait_dma2 semaphore(%arg31 : memref<!tpu.dma_semaphore, #tpu.memory_space<semaphore_mem>>) src(%arg21 : memref<40x16xf32, #tpu.memory_space<vmem>>) dst(%dma_wait3A_185 : memref<40x16xf32, #tpu.memory_space<hbm>>)
      } else {
      }
      %add3A_76 = arith.constant 1 : i32
      %add3A_77 = arith.addi %add3A_52, %add3A_76 : i32
      %lt3A_78 = arith.constant 250 : i32
      %lt3A_79 = arith.cmpi slt, %add3A_77, %lt3A_78 : i32
      %convert_element_type3A_80 = arith.extui %lt3A_79 : i1 to i32
      %cond3A_81 = arith.constant 0 : i32
      %cond3A_82 = arith.cmpi ne, %convert_element_type3A_80, %cond3A_81 : i32
      scf.if %cond3A_82 {
        %add3A_182 = arith.constant 1 : i32
        %add3A_183 = arith.addi %add3A_52, %add3A_182 : i32
        %mul3A_184 = arith.constant 40 : i32
        %mul3A_185 = arith.muli %add3A_183, %mul3A_184 : i32
        %add3A_186 = arith.addi %mul3A_2, %mul3A_185 : i32
        %multiple_of3A_187 = tpu.assume_multiple %add3A_186, 8 : i32
        "tpu.region"() ({
          %run_scoped3A = tpu.sem_alloc : memref<!tpu.dma_semaphore, #tpu.memory_space<semaphore_mem>>
          %dma_start3A_198 = tpu.memref_slice %arg5[%multiple_of3A_187] : memref<320000xi32, #tpu.memory_space<hbm>> -> memref<40xi32, #tpu.memory_space<hbm>>
          %dma_start3A_199 = tpu.memref_slice %arg5[%multiple_of3A_187] : memref<320000xi32, #tpu.memory_space<hbm>> -> memref<40xi32, #tpu.memory_space<hbm>>
          tpu.enqueue_dma source(%dma_start3A_199 : memref<40xi32, #tpu.memory_space<hbm>>) target(%arg10 : memref<40xi32, #tpu.memory_space<vmem>>) target_semaphore(%run_scoped3A : memref<!tpu.dma_semaphore, #tpu.memory_space<semaphore_mem>>)
          %dma_wait3A_200 = tpu.memref_slice %arg5[%multiple_of3A_187] : memref<320000xi32, #tpu.memory_space<hbm>> -> memref<40xi32, #tpu.memory_space<hbm>>
          %dma_wait3A_201 = tpu.memref_slice %arg5[%multiple_of3A_187] : memref<320000xi32, #tpu.memory_space<hbm>> -> memref<40xi32, #tpu.memory_space<hbm>>
          tpu.wait_dma2 semaphore(%run_scoped3A : memref<!tpu.dma_semaphore, #tpu.memory_space<semaphore_mem>>) src(%dma_wait3A_201 : memref<40xi32, #tpu.memory_space<hbm>>) dst(%arg10 : memref<40xi32, #tpu.memory_space<vmem>>)
          tpu.yield
        }) : () -> ()
        "tpu.region"() ({
          %run_scoped3A = tpu.sem_alloc : memref<!tpu.dma_semaphore, #tpu.memory_space<semaphore_mem>>
          %dma_start3A_198 = tpu.memref_slice %arg6[%multiple_of3A_187] : memref<320000xi32, #tpu.memory_space<hbm>> -> memref<40xi32, #tpu.memory_space<hbm>>
          %dma_start3A_199 = tpu.memref_slice %arg6[%multiple_of3A_187] : memref<320000xi32, #tpu.memory_space<hbm>> -> memref<40xi32, #tpu.memory_space<hbm>>
          tpu.enqueue_dma source(%dma_start3A_199 : memref<40xi32, #tpu.memory_space<hbm>>) target(%arg12 : memref<40xi32, #tpu.memory_space<vmem>>) target_semaphore(%run_scoped3A : memref<!tpu.dma_semaphore, #tpu.memory_space<semaphore_mem>>)
          %dma_wait3A_200 = tpu.memref_slice %arg6[%multiple_of3A_187] : memref<320000xi32, #tpu.memory_space<hbm>> -> memref<40xi32, #tpu.memory_space<hbm>>
          %dma_wait3A_201 = tpu.memref_slice %arg6[%multiple_of3A_187] : memref<320000xi32, #tpu.memory_space<hbm>> -> memref<40xi32, #tpu.memory_space<hbm>>
          tpu.wait_dma2 semaphore(%run_scoped3A : memref<!tpu.dma_semaphore, #tpu.memory_space<semaphore_mem>>) src(%dma_wait3A_201 : memref<40xi32, #tpu.memory_space<hbm>>) dst(%arg12 : memref<40xi32, #tpu.memory_space<vmem>>)
          tpu.yield
        }) : () -> ()
        %dma_start3A_188 = arith.constant 0 : i32
        %dma_start3A_189 = arith.constant 0 : i32
        %dma_start3A_190 = tpu.memref_slice %arg2[%dma_start3A_188, %dma_start3A_189] : memref<10000x128xf32, #tpu.memory_space<hbm>> -> memref<10000x128xf32, #tpu.memory_space<hbm>>
        tpu.enqueue_indirect_dma source(%dma_start3A_190 : memref<10000x128xf32, #tpu.memory_space<hbm>>) target(%arg16 : memref<40x128xf32, #tpu.memory_space<vmem>>) offsets(%arg10 : memref<40xi32, #tpu.memory_space<vmem>>) semaphore(%arg26 : memref<!tpu.dma_semaphore, #tpu.memory_space<semaphore_mem>>)
        %dma_start3A_191 = arith.constant 0 : i32
        %dma_start3A_192 = arith.constant 0 : i32
        %dma_start3A_193 = tpu.memref_slice %arg3[%dma_start3A_191, %dma_start3A_192] : memref<10000x128xf32, #tpu.memory_space<hbm>> -> memref<10000x128xf32, #tpu.memory_space<hbm>>
        tpu.enqueue_indirect_dma source(%dma_start3A_193 : memref<10000x128xf32, #tpu.memory_space<hbm>>) target(%arg18 : memref<40x128xf32, #tpu.memory_space<vmem>>) offsets(%arg12 : memref<40xi32, #tpu.memory_space<vmem>>) semaphore(%arg28 : memref<!tpu.dma_semaphore, #tpu.memory_space<semaphore_mem>>)
        %dma_start3A_194 = arith.constant 0 : i32
        %dma_start3A_195 = tpu.memref_slice %arg4[%multiple_of3A_187, %dma_start3A_194] : memref<320000x128xf32, #tpu.memory_space<hbm>> -> memref<40x128xf32, #tpu.memory_space<hbm>>
        %dma_start3A_196 = arith.constant 0 : i32
        %dma_start3A_197 = tpu.memref_slice %arg4[%multiple_of3A_187, %dma_start3A_196] : memref<320000x128xf32, #tpu.memory_space<hbm>> -> memref<40x128xf32, #tpu.memory_space<hbm>>
        tpu.enqueue_dma source(%dma_start3A_197 : memref<40x128xf32, #tpu.memory_space<hbm>>) target(%arg20 : memref<40x128xf32, #tpu.memory_space<vmem>>) target_semaphore(%arg30 : memref<!tpu.dma_semaphore, #tpu.memory_space<semaphore_mem>>)
      } else {
      }
      %scan3A_83 = arith.constant 0 : i32
      %scan3A_84 = arith.constant 0 : i32
      %scan3A_85 = arith.constant 20 : i32
      %scan3A_86 = arith.addi %scan3A_84, %scan3A_85 : i32
      %scan3A_87 = arith.constant 1 : i32
      scf.for %scan3A_182 = %scan3A_84 to %scan3A_86 step %scan3A_87  : i32 {
        %mul3A_183 = arith.constant 2 : i32
        %mul3A_184 = arith.muli %scan3A_182, %mul3A_183 : i32
        %add3A_185 = arith.constant 1 : i32
        %add3A_186 = arith.addi %mul3A_184, %add3A_185 : i32
        %broadcast_in_dim3A_187 = arith.constant 0.000000e+00 : f32
        %broadcast_in_dim3A_188 = vector.broadcast %broadcast_in_dim3A_187 : f32 to vector<16xf32>
        %get3A_189 = arith.index_cast %mul3A_184 : i32 to index
        %get3A_190 = arith.constant 0 : index
        %get3A_191 = tpu.vector_load %arg15[%get3A_189, %get3A_190] {strides = array<i32>} : memref<40x128xf32, #tpu.memory_space<vmem>>, vector<1x16xf32>,
        %get3A_192 = vector.shape_cast %get3A_191 : vector<1x16xf32> to vector<16xf32>
        %get3A_193 = arith.index_cast %mul3A_184 : i32 to index
        %get3A_194 = arith.constant 0 : index
        %get3A_195 = tpu.vector_load %arg17[%get3A_193, %get3A_194] {strides = array<i32>} : memref<40x128xf32, #tpu.memory_space<vmem>>, vector<1x16xf32>,
        %get3A_196 = vector.shape_cast %get3A_195 : vector<1x16xf32> to vector<16xf32>
        %get3A_197 = arith.index_cast %mul3A_184 : i32 to index
        %get3A_198 = arith.constant 0 : index
        %get3A_199 = tpu.vector_load %arg19[%get3A_197, %get3A_198] {strides = array<i32>} : memref<40x128xf32, #tpu.memory_space<vmem>>, vector<1x16xf32>,
        %get3A_200 = vector.shape_cast %get3A_199 : vector<1x16xf32> to vector<16xf32>
        %add3A_201 = arith.addf %get3A_196, %get3A_200 : vector<16xf32>
        %mul3A_202 = arith.mulf %get3A_192, %add3A_201 : vector<16xf32>
        %get3A_203 = arith.index_cast %add3A_186 : i32 to index
        %get3A_204 = arith.constant 0 : index
        %get3A_205 = tpu.vector_load %arg15[%get3A_203, %get3A_204] {strides = array<i32>} : memref<40x128xf32, #tpu.memory_space<vmem>>, vector<1x16xf32>,
        %get3A_206 = vector.shape_cast %get3A_205 : vector<1x16xf32> to vector<16xf32>
        %get3A_207 = arith.index_cast %add3A_186 : i32 to index
        %get3A_208 = arith.constant 0 : index
        %get3A_209 = tpu.vector_load %arg17[%get3A_207, %get3A_208] {strides = array<i32>} : memref<40x128xf32, #tpu.memory_space<vmem>>, vector<1x16xf32>,
        %get3A_210 = vector.shape_cast %get3A_209 : vector<1x16xf32> to vector<16xf32>
        %get3A_211 = arith.index_cast %add3A_186 : i32 to index
        %get3A_212 = arith.constant 0 : index
        %get3A_213 = tpu.vector_load %arg19[%get3A_211, %get3A_212] {strides = array<i32>} : memref<40x128xf32, #tpu.memory_space<vmem>>, vector<1x16xf32>,
        %get3A_214 = vector.shape_cast %get3A_213 : vector<1x16xf32> to vector<16xf32>
        %add3A_215 = arith.addf %get3A_210, %get3A_214 : vector<16xf32>
        %mul3A_216 = arith.mulf %get3A_206, %add3A_215 : vector<16xf32>
        %iota3A_217 = tpu.iota {dimensions = array<i32: 0>} : vector<16xi32>
        %xor3A = arith.constant 8 : i32
        %xor3A_218 = vector.broadcast %xor3A : i32 to vector<16xi32>
        %xor3A_219 = arith.xori %iota3A_217, %xor3A_218 : vector<16xi32>
        %broadcast_in_dim3A_220 = vector.shape_cast %xor3A_219 : vector<16xi32> to vector<16x1xi32>
        %gather3A = vector.shape_cast %broadcast_in_dim3A_220 : vector<16x1xi32> to vector<16xi32>
        %gather3A_221 = tpu.dynamic_gather %mul3A_202[%gather3A] in [0] : vector<16xf32>, vector<16xi32> -> vector<16xf32>
        %add3A_222 = arith.addf %mul3A_202, %gather3A_221 : vector<16xf32>
        %iota3A_223 = tpu.iota {dimensions = array<i32: 0>} : vector<16xi32>
        %xor3A_224 = arith.constant 8 : i32
        %xor3A_225 = vector.broadcast %xor3A_224 : i32 to vector<16xi32>
        %xor3A_226 = arith.xori %iota3A_223, %xor3A_225 : vector<16xi32>
        %broadcast_in_dim3A_227 = vector.shape_cast %xor3A_226 : vector<16xi32> to vector<16x1xi32>
        %gather3A_228 = vector.shape_cast %broadcast_in_dim3A_227 : vector<16x1xi32> to vector<16xi32>
        %gather3A_229 = tpu.dynamic_gather %mul3A_216[%gather3A_228] in [0] : vector<16xf32>, vector<16xi32> -> vector<16xf32>
        %add3A_230 = arith.addf %mul3A_216, %gather3A_229 : vector<16xf32>
        %select_n3A = arith.select %lt3A_13, %add3A_222, %add3A_230 : vector<16xi1>, vector<16xf32>
        %iota3A_231 = tpu.iota {dimensions = array<i32: 0>} : vector<16xi32>
        %xor3A_232 = arith.constant 4 : i32
        %xor3A_233 = vector.broadcast %xor3A_232 : i32 to vector<16xi32>
        %xor3A_234 = arith.xori %iota3A_231, %xor3A_233 : vector<16xi32>
        %broadcast_in_dim3A_235 = vector.shape_cast %xor3A_234 : vector<16xi32> to vector<16x1xi32>
        %gather3A_236 = vector.shape_cast %broadcast_in_dim3A_235 : vector<16x1xi32> to vector<16xi32>
        %gather3A_237 = tpu.dynamic_gather %select_n3A[%gather3A_236] in [0] : vector<16xf32>, vector<16xi32> -> vector<16xf32>
        %add3A_238 = arith.addf %select_n3A, %gather3A_237 : vector<16xf32>
        %iota3A_239 = tpu.iota {dimensions = array<i32: 0>} : vector<16xi32>
        %xor3A_240 = arith.constant 2 : i32
        %xor3A_241 = vector.broadcast %xor3A_240 : i32 to vector<16xi32>
        %xor3A_242 = arith.xori %iota3A_239, %xor3A_241 : vector<16xi32>
        %broadcast_in_dim3A_243 = vector.shape_cast %xor3A_242 : vector<16xi32> to vector<16x1xi32>
        %gather3A_244 = vector.shape_cast %broadcast_in_dim3A_243 : vector<16x1xi32> to vector<16xi32>
        %gather3A_245 = tpu.dynamic_gather %add3A_238[%gather3A_244] in [0] : vector<16xf32>, vector<16xi32> -> vector<16xf32>
        %add3A_246 = arith.addf %add3A_238, %gather3A_245 : vector<16xf32>
        %iota3A_247 = tpu.iota {dimensions = array<i32: 0>} : vector<16xi32>
        %xor3A_248 = arith.constant 1 : i32
        %xor3A_249 = vector.broadcast %xor3A_248 : i32 to vector<16xi32>
        %xor3A_250 = arith.xori %iota3A_247, %xor3A_249 : vector<16xi32>
        %broadcast_in_dim3A_251 = vector.shape_cast %xor3A_250 : vector<16xi32> to vector<16x1xi32>
        %gather3A_252 = vector.shape_cast %broadcast_in_dim3A_251 : vector<16x1xi32> to vector<16xi32>
        %gather3A_253 = tpu.dynamic_gather %add3A_246[%gather3A_252] in [0] : vector<16xf32>, vector<16xi32> -> vector<16xf32>
        %add3A_254 = arith.addf %add3A_246, %gather3A_253 : vector<16xf32>
        %eq3A = arith.constant 0 : i32
        %eq3A_255 = vector.broadcast %eq3A : i32 to vector<16xi32>
        %eq3A_256 = arith.cmpi eq, %and3A_15, %eq3A_255 : vector<16xi32>
        %select_n3A_257 = arith.select %eq3A_256, %add3A_254, %broadcast_in_dim3A_188 : vector<16xi1>, vector<16xf32>
        %get3A_258 = arith.index_cast %mul3A_184 : i32 to index
        %get3A_259 = arith.constant 16 : index
        %get3A_260 = tpu.vector_load %arg15[%get3A_258, %get3A_259] {strides = array<i32>} : memref<40x128xf32, #tpu.memory_space<vmem>>, vector<1x16xf32>,
        %get3A_261 = vector.shape_cast %get3A_260 : vector<1x16xf32> to vector<16xf32>
        %get3A_262 = arith.index_cast %mul3A_184 : i32 to index
        %get3A_263 = arith.constant 16 : index
        %get3A_264 = tpu.vector_load %arg17[%get3A_262, %get3A_263] {strides = array<i32>} : memref<40x128xf32, #tpu.memory_space<vmem>>, vector<1x16xf32>,
        %get3A_265 = vector.shape_cast %get3A_264 : vector<1x16xf32> to vector<16xf32>
        %get3A_266 = arith.index_cast %mul3A_184 : i32 to index
        %get3A_267 = arith.constant 16 : index
        %get3A_268 = tpu.vector_load %arg19[%get3A_266, %get3A_267] {strides = array<i32>} : memref<40x128xf32, #tpu.memory_space<vmem>>, vector<1x16xf32>,
        %get3A_269 = vector.shape_cast %get3A_268 : vector<1x16xf32> to vector<16xf32>
        %add3A_270 = arith.addf %get3A_265, %get3A_269 : vector<16xf32>
        %mul3A_271 = arith.mulf %get3A_261, %add3A_270 : vector<16xf32>
        %get3A_272 = arith.index_cast %add3A_186 : i32 to index
        %get3A_273 = arith.constant 16 : index
        %get3A_274 = tpu.vector_load %arg15[%get3A_272, %get3A_273] {strides = array<i32>} : memref<40x128xf32, #tpu.memory_space<vmem>>, vector<1x16xf32>,
        %get3A_275 = vector.shape_cast %get3A_274 : vector<1x16xf32> to vector<16xf32>
        %get3A_276 = arith.index_cast %add3A_186 : i32 to index
        %get3A_277 = arith.constant 16 : index
        %get3A_278 = tpu.vector_load %arg17[%get3A_276, %get3A_277] {strides = array<i32>} : memref<40x128xf32, #tpu.memory_space<vmem>>, vector<1x16xf32>,
        %get3A_279 = vector.shape_cast %get3A_278 : vector<1x16xf32> to vector<16xf32>
        %get3A_280 = arith.index_cast %add3A_186 : i32 to index
        %get3A_281 = arith.constant 16 : index
        %get3A_282 = tpu.vector_load %arg19[%get3A_280, %get3A_281] {strides = array<i32>} : memref<40x128xf32, #tpu.memory_space<vmem>>, vector<1x16xf32>,
        %get3A_283 = vector.shape_cast %get3A_282 : vector<1x16xf32> to vector<16xf32>
        %add3A_284 = arith.addf %get3A_279, %get3A_283 : vector<16xf32>
        %mul3A_285 = arith.mulf %get3A_275, %add3A_284 : vector<16xf32>
        %iota3A_286 = tpu.iota {dimensions = array<i32: 0>} : vector<16xi32>
        %xor3A_287 = arith.constant 8 : i32
        %xor3A_288 = vector.broadcast %xor3A_287 : i32 to vector<16xi32>
        %xor3A_289 = arith.xori %iota3A_286, %xor3A_288 : vector<16xi32>
        %broadcast_in_dim3A_290 = vector.shape_cast %xor3A_289 : vector<16xi32> to vector<16x1xi32>
        %gather3A_291 = vector.shape_cast %broadcast_in_dim3A_290 : vector<16x1xi32> to vector<16xi32>
        %gather3A_292 = tpu.dynamic_gather %mul3A_271[%gather3A_291] in [0] : vector<16xf32>, vector<16xi32> -> vector<16xf32>
        %add3A_293 = arith.addf %mul3A_271, %gather3A_292 : vector<16xf32>
        %iota3A_294 = tpu.iota {dimensions = array<i32: 0>} : vector<16xi32>
        %xor3A_295 = arith.constant 8 : i32
        %xor3A_296 = vector.broadcast %xor3A_295 : i32 to vector<16xi32>
        %xor3A_297 = arith.xori %iota3A_294, %xor3A_296 : vector<16xi32>
        %broadcast_in_dim3A_298 = vector.shape_cast %xor3A_297 : vector<16xi32> to vector<16x1xi32>
        %gather3A_299 = vector.shape_cast %broadcast_in_dim3A_298 : vector<16x1xi32> to vector<16xi32>
        %gather3A_300 = tpu.dynamic_gather %mul3A_285[%gather3A_299] in [0] : vector<16xf32>, vector<16xi32> -> vector<16xf32>
        %add3A_301 = arith.addf %mul3A_285, %gather3A_300 : vector<16xf32>
        %select_n3A_302 = arith.select %lt3A_13, %add3A_293, %add3A_301 : vector<16xi1>, vector<16xf32>
        %iota3A_303 = tpu.iota {dimensions = array<i32: 0>} : vector<16xi32>
        %xor3A_304 = arith.constant 4 : i32
        %xor3A_305 = vector.broadcast %xor3A_304 : i32 to vector<16xi32>
        %xor3A_306 = arith.xori %iota3A_303, %xor3A_305 : vector<16xi32>
        %broadcast_in_dim3A_307 = vector.shape_cast %xor3A_306 : vector<16xi32> to vector<16x1xi32>
        %gather3A_308 = vector.shape_cast %broadcast_in_dim3A_307 : vector<16x1xi32> to vector<16xi32>
        %gather3A_309 = tpu.dynamic_gather %select_n3A_302[%gather3A_308] in [0] : vector<16xf32>, vector<16xi32> -> vector<16xf32>
        %add3A_310 = arith.addf %select_n3A_302, %gather3A_309 : vector<16xf32>
        %iota3A_311 = tpu.iota {dimensions = array<i32: 0>} : vector<16xi32>
        %xor3A_312 = arith.constant 2 : i32
        %xor3A_313 = vector.broadcast %xor3A_312 : i32 to vector<16xi32>
        %xor3A_314 = arith.xori %iota3A_311, %xor3A_313 : vector<16xi32>
        %broadcast_in_dim3A_315 = vector.shape_cast %xor3A_314 : vector<16xi32> to vector<16x1xi32>
        %gather3A_316 = vector.shape_cast %broadcast_in_dim3A_315 : vector<16x1xi32> to vector<16xi32>
        %gather3A_317 = tpu.dynamic_gather %add3A_310[%gather3A_316] in [0] : vector<16xf32>, vector<16xi32> -> vector<16xf32>
        %add3A_318 = arith.addf %add3A_310, %gather3A_317 : vector<16xf32>
        %iota3A_319 = tpu.iota {dimensions = array<i32: 0>} : vector<16xi32>
        %xor3A_320 = arith.constant 1 : i32
        %xor3A_321 = vector.broadcast %xor3A_320 : i32 to vector<16xi32>
        %xor3A_322 = arith.xori %iota3A_319, %xor3A_321 : vector<16xi32>
        %broadcast_in_dim3A_323 = vector.shape_cast %xor3A_322 : vector<16xi32> to vector<16x1xi32>
        %gather3A_324 = vector.shape_cast %broadcast_in_dim3A_323 : vector<16x1xi32> to vector<16xi32>
        %gather3A_325 = tpu.dynamic_gather %add3A_318[%gather3A_324] in [0] : vector<16xf32>, vector<16xi32> -> vector<16xf32>
        %add3A_326 = arith.addf %add3A_318, %gather3A_325 : vector<16xf32>
        %eq3A_327 = arith.constant 1 : i32
        %eq3A_328 = vector.broadcast %eq3A_327 : i32 to vector<16xi32>
        %eq3A_329 = arith.cmpi eq, %and3A_15, %eq3A_328 : vector<16xi32>
        %select_n3A_330 = arith.select %eq3A_329, %add3A_326, %select_n3A_257 : vector<16xi1>, vector<16xf32>
        %get3A_331 = arith.index_cast %mul3A_184 : i32 to index
        %get3A_332 = arith.constant 32 : index
        %get3A_333 = tpu.vector_load %arg15[%get3A_331, %get3A_332] {strides = array<i32>} : memref<40x128xf32, #tpu.memory_space<vmem>>, vector<1x16xf32>,
        %get3A_334 = vector.shape_cast %get3A_333 : vector<1x16xf32> to vector<16xf32>
        %get3A_335 = arith.index_cast %mul3A_184 : i32 to index
        %get3A_336 = arith.constant 32 : index
        %get3A_337 = tpu.vector_load %arg17[%get3A_335, %get3A_336] {strides = array<i32>} : memref<40x128xf32, #tpu.memory_space<vmem>>, vector<1x16xf32>,
        %get3A_338 = vector.shape_cast %get3A_337 : vector<1x16xf32> to vector<16xf32>
        %get3A_339 = arith.index_cast %mul3A_184 : i32 to index
        %get3A_340 = arith.constant 32 : index
        %get3A_341 = tpu.vector_load %arg19[%get3A_339, %get3A_340] {strides = array<i32>} : memref<40x128xf32, #tpu.memory_space<vmem>>, vector<1x16xf32>,
        %get3A_342 = vector.shape_cast %get3A_341 : vector<1x16xf32> to vector<16xf32>
        %add3A_343 = arith.addf %get3A_338, %get3A_342 : vector<16xf32>
        %mul3A_344 = arith.mulf %get3A_334, %add3A_343 : vector<16xf32>
        %get3A_345 = arith.index_cast %add3A_186 : i32 to index
        %get3A_346 = arith.constant 32 : index
        %get3A_347 = tpu.vector_load %arg15[%get3A_345, %get3A_346] {strides = array<i32>} : memref<40x128xf32, #tpu.memory_space<vmem>>, vector<1x16xf32>,
        %get3A_348 = vector.shape_cast %get3A_347 : vector<1x16xf32> to vector<16xf32>
        %get3A_349 = arith.index_cast %add3A_186 : i32 to index
        %get3A_350 = arith.constant 32 : index
        %get3A_351 = tpu.vector_load %arg17[%get3A_349, %get3A_350] {strides = array<i32>} : memref<40x128xf32, #tpu.memory_space<vmem>>, vector<1x16xf32>,
        %get3A_352 = vector.shape_cast %get3A_351 : vector<1x16xf32> to vector<16xf32>
        %get3A_353 = arith.index_cast %add3A_186 : i32 to index
        %get3A_354 = arith.constant 32 : index
        %get3A_355 = tpu.vector_load %arg19[%get3A_353, %get3A_354] {strides = array<i32>} : memref<40x128xf32, #tpu.memory_space<vmem>>, vector<1x16xf32>,
        %get3A_356 = vector.shape_cast %get3A_355 : vector<1x16xf32> to vector<16xf32>
        %add3A_357 = arith.addf %get3A_352, %get3A_356 : vector<16xf32>
        %mul3A_358 = arith.mulf %get3A_348, %add3A_357 : vector<16xf32>
        %iota3A_359 = tpu.iota {dimensions = array<i32: 0>} : vector<16xi32>
        %xor3A_360 = arith.constant 8 : i32
        %xor3A_361 = vector.broadcast %xor3A_360 : i32 to vector<16xi32>
        %xor3A_362 = arith.xori %iota3A_359, %xor3A_361 : vector<16xi32>
        %broadcast_in_dim3A_363 = vector.shape_cast %xor3A_362 : vector<16xi32> to vector<16x1xi32>
        %gather3A_364 = vector.shape_cast %broadcast_in_dim3A_363 : vector<16x1xi32> to vector<16xi32>
        %gather3A_365 = tpu.dynamic_gather %mul3A_344[%gather3A_364] in [0] : vector<16xf32>, vector<16xi32> -> vector<16xf32>
        %add3A_366 = arith.addf %mul3A_344, %gather3A_365 : vector<16xf32>
        %iota3A_367 = tpu.iota {dimensions = array<i32: 0>} : vector<16xi32>
        %xor3A_368 = arith.constant 8 : i32
        %xor3A_369 = vector.broadcast %xor3A_368 : i32 to vector<16xi32>
        %xor3A_370 = arith.xori %iota3A_367, %xor3A_369 : vector<16xi32>
        %broadcast_in_dim3A_371 = vector.shape_cast %xor3A_370 : vector<16xi32> to vector<16x1xi32>
        %gather3A_372 = vector.shape_cast %broadcast_in_dim3A_371 : vector<16x1xi32> to vector<16xi32>
        %gather3A_373 = tpu.dynamic_gather %mul3A_358[%gather3A_372] in [0] : vector<16xf32>, vector<16xi32> -> vector<16xf32>
        %add3A_374 = arith.addf %mul3A_358, %gather3A_373 : vector<16xf32>
        %select_n3A_375 = arith.select %lt3A_13, %add3A_366, %add3A_374 : vector<16xi1>, vector<16xf32>
        %iota3A_376 = tpu.iota {dimensions = array<i32: 0>} : vector<16xi32>
        %xor3A_377 = arith.constant 4 : i32
        %xor3A_378 = vector.broadcast %xor3A_377 : i32 to vector<16xi32>
        %xor3A_379 = arith.xori %iota3A_376, %xor3A_378 : vector<16xi32>
        %broadcast_in_dim3A_380 = vector.shape_cast %xor3A_379 : vector<16xi32> to vector<16x1xi32>
        %gather3A_381 = vector.shape_cast %broadcast_in_dim3A_380 : vector<16x1xi32> to vector<16xi32>
        %gather3A_382 = tpu.dynamic_gather %select_n3A_375[%gather3A_381] in [0] : vector<16xf32>, vector<16xi32> -> vector<16xf32>
        %add3A_383 = arith.addf %select_n3A_375, %gather3A_382 : vector<16xf32>
        %iota3A_384 = tpu.iota {dimensions = array<i32: 0>} : vector<16xi32>
        %xor3A_385 = arith.constant 2 : i32
        %xor3A_386 = vector.broadcast %xor3A_385 : i32 to vector<16xi32>
        %xor3A_387 = arith.xori %iota3A_384, %xor3A_386 : vector<16xi32>
        %broadcast_in_dim3A_388 = vector.shape_cast %xor3A_387 : vector<16xi32> to vector<16x1xi32>
        %gather3A_389 = vector.shape_cast %broadcast_in_dim3A_388 : vector<16x1xi32> to vector<16xi32>
        %gather3A_390 = tpu.dynamic_gather %add3A_383[%gather3A_389] in [0] : vector<16xf32>, vector<16xi32> -> vector<16xf32>
        %add3A_391 = arith.addf %add3A_383, %gather3A_390 : vector<16xf32>
        %iota3A_392 = tpu.iota {dimensions = array<i32: 0>} : vector<16xi32>
        %xor3A_393 = arith.constant 1 : i32
        %xor3A_394 = vector.broadcast %xor3A_393 : i32 to vector<16xi32>
        %xor3A_395 = arith.xori %iota3A_392, %xor3A_394 : vector<16xi32>
        %broadcast_in_dim3A_396 = vector.shape_cast %xor3A_395 : vector<16xi32> to vector<16x1xi32>
        %gather3A_397 = vector.shape_cast %broadcast_in_dim3A_396 : vector<16x1xi32> to vector<16xi32>
        %gather3A_398 = tpu.dynamic_gather %add3A_391[%gather3A_397] in [0] : vector<16xf32>, vector<16xi32> -> vector<16xf32>
        %add3A_399 = arith.addf %add3A_391, %gather3A_398 : vector<16xf32>
        %eq3A_400 = arith.constant 2 : i32
        %eq3A_401 = vector.broadcast %eq3A_400 : i32 to vector<16xi32>
        %eq3A_402 = arith.cmpi eq, %and3A_15, %eq3A_401 : vector<16xi32>
        %select_n3A_403 = arith.select %eq3A_402, %add3A_399, %select_n3A_330 : vector<16xi1>, vector<16xf32>
        %get3A_404 = arith.index_cast %mul3A_184 : i32 to index
        %get3A_405 = arith.constant 48 : index
        %get3A_406 = tpu.vector_load %arg15[%get3A_404, %get3A_405] {strides = array<i32>} : memref<40x128xf32, #tpu.memory_space<vmem>>, vector<1x16xf32>,
        %get3A_407 = vector.shape_cast %get3A_406 : vector<1x16xf32> to vector<16xf32>
        %get3A_408 = arith.index_cast %mul3A_184 : i32 to index
        %get3A_409 = arith.constant 48 : index
        %get3A_410 = tpu.vector_load %arg17[%get3A_408, %get3A_409] {strides = array<i32>} : memref<40x128xf32, #tpu.memory_space<vmem>>, vector<1x16xf32>,
        %get3A_411 = vector.shape_cast %get3A_410 : vector<1x16xf32> to vector<16xf32>
        %get3A_412 = arith.index_cast %mul3A_184 : i32 to index
        %get3A_413 = arith.constant 48 : index
        %get3A_414 = tpu.vector_load %arg19[%get3A_412, %get3A_413] {strides = array<i32>} : memref<40x128xf32, #tpu.memory_space<vmem>>, vector<1x16xf32>,
        %get3A_415 = vector.shape_cast %get3A_414 : vector<1x16xf32> to vector<16xf32>
        %add3A_416 = arith.addf %get3A_411, %get3A_415 : vector<16xf32>
        %mul3A_417 = arith.mulf %get3A_407, %add3A_416 : vector<16xf32>
        %get3A_418 = arith.index_cast %add3A_186 : i32 to index
        %get3A_419 = arith.constant 48 : index
        %get3A_420 = tpu.vector_load %arg15[%get3A_418, %get3A_419] {strides = array<i32>} : memref<40x128xf32, #tpu.memory_space<vmem>>, vector<1x16xf32>,
        %get3A_421 = vector.shape_cast %get3A_420 : vector<1x16xf32> to vector<16xf32>
        %get3A_422 = arith.index_cast %add3A_186 : i32 to index
        %get3A_423 = arith.constant 48 : index
        %get3A_424 = tpu.vector_load %arg17[%get3A_422, %get3A_423] {strides = array<i32>} : memref<40x128xf32, #tpu.memory_space<vmem>>, vector<1x16xf32>,
        %get3A_425 = vector.shape_cast %get3A_424 : vector<1x16xf32> to vector<16xf32>
        %get3A_426 = arith.index_cast %add3A_186 : i32 to index
        %get3A_427 = arith.constant 48 : index
        %get3A_428 = tpu.vector_load %arg19[%get3A_426, %get3A_427] {strides = array<i32>} : memref<40x128xf32, #tpu.memory_space<vmem>>, vector<1x16xf32>,
        %get3A_429 = vector.shape_cast %get3A_428 : vector<1x16xf32> to vector<16xf32>
        %add3A_430 = arith.addf %get3A_425, %get3A_429 : vector<16xf32>
        %mul3A_431 = arith.mulf %get3A_421, %add3A_430 : vector<16xf32>
        %iota3A_432 = tpu.iota {dimensions = array<i32: 0>} : vector<16xi32>
        %xor3A_433 = arith.constant 8 : i32
        %xor3A_434 = vector.broadcast %xor3A_433 : i32 to vector<16xi32>
        %xor3A_435 = arith.xori %iota3A_432, %xor3A_434 : vector<16xi32>
        %broadcast_in_dim3A_436 = vector.shape_cast %xor3A_435 : vector<16xi32> to vector<16x1xi32>
        %gather3A_437 = vector.shape_cast %broadcast_in_dim3A_436 : vector<16x1xi32> to vector<16xi32>
        %gather3A_438 = tpu.dynamic_gather %mul3A_417[%gather3A_437] in [0] : vector<16xf32>, vector<16xi32> -> vector<16xf32>
        %add3A_439 = arith.addf %mul3A_417, %gather3A_438 : vector<16xf32>
        %iota3A_440 = tpu.iota {dimensions = array<i32: 0>} : vector<16xi32>
        %xor3A_441 = arith.constant 8 : i32
        %xor3A_442 = vector.broadcast %xor3A_441 : i32 to vector<16xi32>
        %xor3A_443 = arith.xori %iota3A_440, %xor3A_442 : vector<16xi32>
        %broadcast_in_dim3A_444 = vector.shape_cast %xor3A_443 : vector<16xi32> to vector<16x1xi32>
        %gather3A_445 = vector.shape_cast %broadcast_in_dim3A_444 : vector<16x1xi32> to vector<16xi32>
        %gather3A_446 = tpu.dynamic_gather %mul3A_431[%gather3A_445] in [0] : vector<16xf32>, vector<16xi32> -> vector<16xf32>
        %add3A_447 = arith.addf %mul3A_431, %gather3A_446 : vector<16xf32>
        %select_n3A_448 = arith.select %lt3A_13, %add3A_439, %add3A_447 : vector<16xi1>, vector<16xf32>
        %iota3A_449 = tpu.iota {dimensions = array<i32: 0>} : vector<16xi32>
        %xor3A_450 = arith.constant 4 : i32
        %xor3A_451 = vector.broadcast %xor3A_450 : i32 to vector<16xi32>
        %xor3A_452 = arith.xori %iota3A_449, %xor3A_451 : vector<16xi32>
        %broadcast_in_dim3A_453 = vector.shape_cast %xor3A_452 : vector<16xi32> to vector<16x1xi32>
        %gather3A_454 = vector.shape_cast %broadcast_in_dim3A_453 : vector<16x1xi32> to vector<16xi32>
        %gather3A_455 = tpu.dynamic_gather %select_n3A_448[%gather3A_454] in [0] : vector<16xf32>, vector<16xi32> -> vector<16xf32>
        %add3A_456 = arith.addf %select_n3A_448, %gather3A_455 : vector<16xf32>
        %iota3A_457 = tpu.iota {dimensions = array<i32: 0>} : vector<16xi32>
        %xor3A_458 = arith.constant 2 : i32
        %xor3A_459 = vector.broadcast %xor3A_458 : i32 to vector<16xi32>
        %xor3A_460 = arith.xori %iota3A_457, %xor3A_459 : vector<16xi32>
        %broadcast_in_dim3A_461 = vector.shape_cast %xor3A_460 : vector<16xi32> to vector<16x1xi32>
        %gather3A_462 = vector.shape_cast %broadcast_in_dim3A_461 : vector<16x1xi32> to vector<16xi32>
        %gather3A_463 = tpu.dynamic_gather %add3A_456[%gather3A_462] in [0] : vector<16xf32>, vector<16xi32> -> vector<16xf32>
        %add3A_464 = arith.addf %add3A_456, %gather3A_463 : vector<16xf32>
        %iota3A_465 = tpu.iota {dimensions = array<i32: 0>} : vector<16xi32>
        %xor3A_466 = arith.constant 1 : i32
        %xor3A_467 = vector.broadcast %xor3A_466 : i32 to vector<16xi32>
        %xor3A_468 = arith.xori %iota3A_465, %xor3A_467 : vector<16xi32>
        %broadcast_in_dim3A_469 = vector.shape_cast %xor3A_468 : vector<16xi32> to vector<16x1xi32>
        %gather3A_470 = vector.shape_cast %broadcast_in_dim3A_469 : vector<16x1xi32> to vector<16xi32>
        %gather3A_471 = tpu.dynamic_gather %add3A_464[%gather3A_470] in [0] : vector<16xf32>, vector<16xi32> -> vector<16xf32>
        %add3A_472 = arith.addf %add3A_464, %gather3A_471 : vector<16xf32>
        %eq3A_473 = arith.constant 3 : i32
        %eq3A_474 = vector.broadcast %eq3A_473 : i32 to vector<16xi32>
        %eq3A_475 = arith.cmpi eq, %and3A_15, %eq3A_474 : vector<16xi32>
        %select_n3A_476 = arith.select %eq3A_475, %add3A_472, %select_n3A_403 : vector<16xi1>, vector<16xf32>
        %get3A_477 = arith.index_cast %mul3A_184 : i32 to index
        %get3A_478 = arith.constant 64 : index
        %get3A_479 = tpu.vector_load %arg15[%get3A_477, %get3A_478] {strides = array<i32>} : memref<40x128xf32, #tpu.memory_space<vmem>>, vector<1x16xf32>,
        %get3A_480 = vector.shape_cast %get3A_479 : vector<1x16xf32> to vector<16xf32>
        %get3A_481 = arith.index_cast %mul3A_184 : i32 to index
        %get3A_482 = arith.constant 64 : index
        %get3A_483 = tpu.vector_load %arg17[%get3A_481, %get3A_482] {strides = array<i32>} : memref<40x128xf32, #tpu.memory_space<vmem>>, vector<1x16xf32>,
        %get3A_484 = vector.shape_cast %get3A_483 : vector<1x16xf32> to vector<16xf32>
        %get3A_485 = arith.index_cast %mul3A_184 : i32 to index
        %get3A_486 = arith.constant 64 : index
        %get3A_487 = tpu.vector_load %arg19[%get3A_485, %get3A_486] {strides = array<i32>} : memref<40x128xf32, #tpu.memory_space<vmem>>, vector<1x16xf32>,
        %get3A_488 = vector.shape_cast %get3A_487 : vector<1x16xf32> to vector<16xf32>
        %add3A_489 = arith.addf %get3A_484, %get3A_488 : vector<16xf32>
        %mul3A_490 = arith.mulf %get3A_480, %add3A_489 : vector<16xf32>
        %get3A_491 = arith.index_cast %add3A_186 : i32 to index
        %get3A_492 = arith.constant 64 : index
        %get3A_493 = tpu.vector_load %arg15[%get3A_491, %get3A_492] {strides = array<i32>} : memref<40x128xf32, #tpu.memory_space<vmem>>, vector<1x16xf32>,
        %get3A_494 = vector.shape_cast %get3A_493 : vector<1x16xf32> to vector<16xf32>
        %get3A_495 = arith.index_cast %add3A_186 : i32 to index
        %get3A_496 = arith.constant 64 : index
        %get3A_497 = tpu.vector_load %arg17[%get3A_495, %get3A_496] {strides = array<i32>} : memref<40x128xf32, #tpu.memory_space<vmem>>, vector<1x16xf32>,
        %get3A_498 = vector.shape_cast %get3A_497 : vector<1x16xf32> to vector<16xf32>
        %get3A_499 = arith.index_cast %add3A_186 : i32 to index
        %get3A_500 = arith.constant 64 : index
        %get3A_501 = tpu.vector_load %arg19[%get3A_499, %get3A_500] {strides = array<i32>} : memref<40x128xf32, #tpu.memory_space<vmem>>, vector<1x16xf32>,
        %get3A_502 = vector.shape_cast %get3A_501 : vector<1x16xf32> to vector<16xf32>
        %add3A_503 = arith.addf %get3A_498, %get3A_502 : vector<16xf32>
        %mul3A_504 = arith.mulf %get3A_494, %add3A_503 : vector<16xf32>
        %iota3A_505 = tpu.iota {dimensions = array<i32: 0>} : vector<16xi32>
        %xor3A_506 = arith.constant 8 : i32
        %xor3A_507 = vector.broadcast %xor3A_506 : i32 to vector<16xi32>
        %xor3A_508 = arith.xori %iota3A_505, %xor3A_507 : vector<16xi32>
        %broadcast_in_dim3A_509 = vector.shape_cast %xor3A_508 : vector<16xi32> to vector<16x1xi32>
        %gather3A_510 = vector.shape_cast %broadcast_in_dim3A_509 : vector<16x1xi32> to vector<16xi32>
        %gather3A_511 = tpu.dynamic_gather %mul3A_490[%gather3A_510] in [0] : vector<16xf32>, vector<16xi32> -> vector<16xf32>
        %add3A_512 = arith.addf %mul3A_490, %gather3A_511 : vector<16xf32>
        %iota3A_513 = tpu.iota {dimensions = array<i32: 0>} : vector<16xi32>
        %xor3A_514 = arith.constant 8 : i32
        %xor3A_515 = vector.broadcast %xor3A_514 : i32 to vector<16xi32>
        %xor3A_516 = arith.xori %iota3A_513, %xor3A_515 : vector<16xi32>
        %broadcast_in_dim3A_517 = vector.shape_cast %xor3A_516 : vector<16xi32> to vector<16x1xi32>
        %gather3A_518 = vector.shape_cast %broadcast_in_dim3A_517 : vector<16x1xi32> to vector<16xi32>
        %gather3A_519 = tpu.dynamic_gather %mul3A_504[%gather3A_518] in [0] : vector<16xf32>, vector<16xi32> -> vector<16xf32>
        %add3A_520 = arith.addf %mul3A_504, %gather3A_519 : vector<16xf32>
        %select_n3A_521 = arith.select %lt3A_13, %add3A_512, %add3A_520 : vector<16xi1>, vector<16xf32>
        %iota3A_522 = tpu.iota {dimensions = array<i32: 0>} : vector<16xi32>
        %xor3A_523 = arith.constant 4 : i32
        %xor3A_524 = vector.broadcast %xor3A_523 : i32 to vector<16xi32>
        %xor3A_525 = arith.xori %iota3A_522, %xor3A_524 : vector<16xi32>
        %broadcast_in_dim3A_526 = vector.shape_cast %xor3A_525 : vector<16xi32> to vector<16x1xi32>
        %gather3A_527 = vector.shape_cast %broadcast_in_dim3A_526 : vector<16x1xi32> to vector<16xi32>
        %gather3A_528 = tpu.dynamic_gather %select_n3A_521[%gather3A_527] in [0] : vector<16xf32>, vector<16xi32> -> vector<16xf32>
        %add3A_529 = arith.addf %select_n3A_521, %gather3A_528 : vector<16xf32>
        %iota3A_530 = tpu.iota {dimensions = array<i32: 0>} : vector<16xi32>
        %xor3A_531 = arith.constant 2 : i32
        %xor3A_532 = vector.broadcast %xor3A_531 : i32 to vector<16xi32>
        %xor3A_533 = arith.xori %iota3A_530, %xor3A_532 : vector<16xi32>
        %broadcast_in_dim3A_534 = vector.shape_cast %xor3A_533 : vector<16xi32> to vector<16x1xi32>
        %gather3A_535 = vector.shape_cast %broadcast_in_dim3A_534 : vector<16x1xi32> to vector<16xi32>
        %gather3A_536 = tpu.dynamic_gather %add3A_529[%gather3A_535] in [0] : vector<16xf32>, vector<16xi32> -> vector<16xf32>
        %add3A_537 = arith.addf %add3A_529, %gather3A_536 : vector<16xf32>
        %iota3A_538 = tpu.iota {dimensions = array<i32: 0>} : vector<16xi32>
        %xor3A_539 = arith.constant 1 : i32
        %xor3A_540 = vector.broadcast %xor3A_539 : i32 to vector<16xi32>
        %xor3A_541 = arith.xori %iota3A_538, %xor3A_540 : vector<16xi32>
        %broadcast_in_dim3A_542 = vector.shape_cast %xor3A_541 : vector<16xi32> to vector<16x1xi32>
        %gather3A_543 = vector.shape_cast %broadcast_in_dim3A_542 : vector<16x1xi32> to vector<16xi32>
        %gather3A_544 = tpu.dynamic_gather %add3A_537[%gather3A_543] in [0] : vector<16xf32>, vector<16xi32> -> vector<16xf32>
        %add3A_545 = arith.addf %add3A_537, %gather3A_544 : vector<16xf32>
        %eq3A_546 = arith.constant 4 : i32
        %eq3A_547 = vector.broadcast %eq3A_546 : i32 to vector<16xi32>
        %eq3A_548 = arith.cmpi eq, %and3A_15, %eq3A_547 : vector<16xi32>
        %select_n3A_549 = arith.select %eq3A_548, %add3A_545, %select_n3A_476 : vector<16xi1>, vector<16xf32>
        %get3A_550 = arith.index_cast %mul3A_184 : i32 to index
        %get3A_551 = arith.constant 80 : index
        %get3A_552 = tpu.vector_load %arg15[%get3A_550, %get3A_551] {strides = array<i32>} : memref<40x128xf32, #tpu.memory_space<vmem>>, vector<1x16xf32>,
        %get3A_553 = vector.shape_cast %get3A_552 : vector<1x16xf32> to vector<16xf32>
        %get3A_554 = arith.index_cast %mul3A_184 : i32 to index
        %get3A_555 = arith.constant 80 : index
        %get3A_556 = tpu.vector_load %arg17[%get3A_554, %get3A_555] {strides = array<i32>} : memref<40x128xf32, #tpu.memory_space<vmem>>, vector<1x16xf32>,
        %get3A_557 = vector.shape_cast %get3A_556 : vector<1x16xf32> to vector<16xf32>
        %get3A_558 = arith.index_cast %mul3A_184 : i32 to index
        %get3A_559 = arith.constant 80 : index
        %get3A_560 = tpu.vector_load %arg19[%get3A_558, %get3A_559] {strides = array<i32>} : memref<40x128xf32, #tpu.memory_space<vmem>>, vector<1x16xf32>,
        %get3A_561 = vector.shape_cast %get3A_560 : vector<1x16xf32> to vector<16xf32>
        %add3A_562 = arith.addf %get3A_557, %get3A_561 : vector<16xf32>
        %mul3A_563 = arith.mulf %get3A_553, %add3A_562 : vector<16xf32>
        %get3A_564 = arith.index_cast %add3A_186 : i32 to index
        %get3A_565 = arith.constant 80 : index
        %get3A_566 = tpu.vector_load %arg15[%get3A_564, %get3A_565] {strides = array<i32>} : memref<40x128xf32, #tpu.memory_space<vmem>>, vector<1x16xf32>,
        %get3A_567 = vector.shape_cast %get3A_566 : vector<1x16xf32> to vector<16xf32>
        %get3A_568 = arith.index_cast %add3A_186 : i32 to index
        %get3A_569 = arith.constant 80 : index
        %get3A_570 = tpu.vector_load %arg17[%get3A_568, %get3A_569] {strides = array<i32>} : memref<40x128xf32, #tpu.memory_space<vmem>>, vector<1x16xf32>,
        %get3A_571 = vector.shape_cast %get3A_570 : vector<1x16xf32> to vector<16xf32>
        %get3A_572 = arith.index_cast %add3A_186 : i32 to index
        %get3A_573 = arith.constant 80 : index
        %get3A_574 = tpu.vector_load %arg19[%get3A_572, %get3A_573] {strides = array<i32>} : memref<40x128xf32, #tpu.memory_space<vmem>>, vector<1x16xf32>,
        %get3A_575 = vector.shape_cast %get3A_574 : vector<1x16xf32> to vector<16xf32>
        %add3A_576 = arith.addf %get3A_571, %get3A_575 : vector<16xf32>
        %mul3A_577 = arith.mulf %get3A_567, %add3A_576 : vector<16xf32>
        %iota3A_578 = tpu.iota {dimensions = array<i32: 0>} : vector<16xi32>
        %xor3A_579 = arith.constant 8 : i32
        %xor3A_580 = vector.broadcast %xor3A_579 : i32 to vector<16xi32>
        %xor3A_581 = arith.xori %iota3A_578, %xor3A_580 : vector<16xi32>
        %broadcast_in_dim3A_582 = vector.shape_cast %xor3A_581 : vector<16xi32> to vector<16x1xi32>
        %gather3A_583 = vector.shape_cast %broadcast_in_dim3A_582 : vector<16x1xi32> to vector<16xi32>
        %gather3A_584 = tpu.dynamic_gather %mul3A_563[%gather3A_583] in [0] : vector<16xf32>, vector<16xi32> -> vector<16xf32>
        %add3A_585 = arith.addf %mul3A_563, %gather3A_584 : vector<16xf32>
        %iota3A_586 = tpu.iota {dimensions = array<i32: 0>} : vector<16xi32>
        %xor3A_587 = arith.constant 8 : i32
        %xor3A_588 = vector.broadcast %xor3A_587 : i32 to vector<16xi32>
        %xor3A_589 = arith.xori %iota3A_586, %xor3A_588 : vector<16xi32>
        %broadcast_in_dim3A_590 = vector.shape_cast %xor3A_589 : vector<16xi32> to vector<16x1xi32>
        %gather3A_591 = vector.shape_cast %broadcast_in_dim3A_590 : vector<16x1xi32> to vector<16xi32>
        %gather3A_592 = tpu.dynamic_gather %mul3A_577[%gather3A_591] in [0] : vector<16xf32>, vector<16xi32> -> vector<16xf32>
        %add3A_593 = arith.addf %mul3A_577, %gather3A_592 : vector<16xf32>
        %select_n3A_594 = arith.select %lt3A_13, %add3A_585, %add3A_593 : vector<16xi1>, vector<16xf32>
        %iota3A_595 = tpu.iota {dimensions = array<i32: 0>} : vector<16xi32>
        %xor3A_596 = arith.constant 4 : i32
        %xor3A_597 = vector.broadcast %xor3A_596 : i32 to vector<16xi32>
        %xor3A_598 = arith.xori %iota3A_595, %xor3A_597 : vector<16xi32>
        %broadcast_in_dim3A_599 = vector.shape_cast %xor3A_598 : vector<16xi32> to vector<16x1xi32>
        %gather3A_600 = vector.shape_cast %broadcast_in_dim3A_599 : vector<16x1xi32> to vector<16xi32>
        %gather3A_601 = tpu.dynamic_gather %select_n3A_594[%gather3A_600] in [0] : vector<16xf32>, vector<16xi32> -> vector<16xf32>
        %add3A_602 = arith.addf %select_n3A_594, %gather3A_601 : vector<16xf32>
        %iota3A_603 = tpu.iota {dimensions = array<i32: 0>} : vector<16xi32>
        %xor3A_604 = arith.constant 2 : i32
        %xor3A_605 = vector.broadcast %xor3A_604 : i32 to vector<16xi32>
        %xor3A_606 = arith.xori %iota3A_603, %xor3A_605 : vector<16xi32>
        %broadcast_in_dim3A_607 = vector.shape_cast %xor3A_606 : vector<16xi32> to vector<16x1xi32>
        %gather3A_608 = vector.shape_cast %broadcast_in_dim3A_607 : vector<16x1xi32> to vector<16xi32>
        %gather3A_609 = tpu.dynamic_gather %add3A_602[%gather3A_608] in [0] : vector<16xf32>, vector<16xi32> -> vector<16xf32>
        %add3A_610 = arith.addf %add3A_602, %gather3A_609 : vector<16xf32>
        %iota3A_611 = tpu.iota {dimensions = array<i32: 0>} : vector<16xi32>
        %xor3A_612 = arith.constant 1 : i32
        %xor3A_613 = vector.broadcast %xor3A_612 : i32 to vector<16xi32>
        %xor3A_614 = arith.xori %iota3A_611, %xor3A_613 : vector<16xi32>
        %broadcast_in_dim3A_615 = vector.shape_cast %xor3A_614 : vector<16xi32> to vector<16x1xi32>
        %gather3A_616 = vector.shape_cast %broadcast_in_dim3A_615 : vector<16x1xi32> to vector<16xi32>
        %gather3A_617 = tpu.dynamic_gather %add3A_610[%gather3A_616] in [0] : vector<16xf32>, vector<16xi32> -> vector<16xf32>
        %add3A_618 = arith.addf %add3A_610, %gather3A_617 : vector<16xf32>
        %eq3A_619 = arith.constant 5 : i32
        %eq3A_620 = vector.broadcast %eq3A_619 : i32 to vector<16xi32>
        %eq3A_621 = arith.cmpi eq, %and3A_15, %eq3A_620 : vector<16xi32>
        %select_n3A_622 = arith.select %eq3A_621, %add3A_618, %select_n3A_549 : vector<16xi1>, vector<16xf32>
        %get3A_623 = arith.index_cast %mul3A_184 : i32 to index
        %get3A_624 = arith.constant 96 : index
        %get3A_625 = tpu.vector_load %arg15[%get3A_623, %get3A_624] {strides = array<i32>} : memref<40x128xf32, #tpu.memory_space<vmem>>, vector<1x16xf32>,
        %get3A_626 = vector.shape_cast %get3A_625 : vector<1x16xf32> to vector<16xf32>
        %get3A_627 = arith.index_cast %mul3A_184 : i32 to index
        %get3A_628 = arith.constant 96 : index
        %get3A_629 = tpu.vector_load %arg17[%get3A_627, %get3A_628] {strides = array<i32>} : memref<40x128xf32, #tpu.memory_space<vmem>>, vector<1x16xf32>,
        %get3A_630 = vector.shape_cast %get3A_629 : vector<1x16xf32> to vector<16xf32>
        %get3A_631 = arith.index_cast %mul3A_184 : i32 to index
        %get3A_632 = arith.constant 96 : index
        %get3A_633 = tpu.vector_load %arg19[%get3A_631, %get3A_632] {strides = array<i32>} : memref<40x128xf32, #tpu.memory_space<vmem>>, vector<1x16xf32>,
        %get3A_634 = vector.shape_cast %get3A_633 : vector<1x16xf32> to vector<16xf32>
        %add3A_635 = arith.addf %get3A_630, %get3A_634 : vector<16xf32>
        %mul3A_636 = arith.mulf %get3A_626, %add3A_635 : vector<16xf32>
        %get3A_637 = arith.index_cast %add3A_186 : i32 to index
        %get3A_638 = arith.constant 96 : index
        %get3A_639 = tpu.vector_load %arg15[%get3A_637, %get3A_638] {strides = array<i32>} : memref<40x128xf32, #tpu.memory_space<vmem>>, vector<1x16xf32>,
        %get3A_640 = vector.shape_cast %get3A_639 : vector<1x16xf32> to vector<16xf32>
        %get3A_641 = arith.index_cast %add3A_186 : i32 to index
        %get3A_642 = arith.constant 96 : index
        %get3A_643 = tpu.vector_load %arg17[%get3A_641, %get3A_642] {strides = array<i32>} : memref<40x128xf32, #tpu.memory_space<vmem>>, vector<1x16xf32>,
        %get3A_644 = vector.shape_cast %get3A_643 : vector<1x16xf32> to vector<16xf32>
        %get3A_645 = arith.index_cast %add3A_186 : i32 to index
        %get3A_646 = arith.constant 96 : index
        %get3A_647 = tpu.vector_load %arg19[%get3A_645, %get3A_646] {strides = array<i32>} : memref<40x128xf32, #tpu.memory_space<vmem>>, vector<1x16xf32>,
        %get3A_648 = vector.shape_cast %get3A_647 : vector<1x16xf32> to vector<16xf32>
        %add3A_649 = arith.addf %get3A_644, %get3A_648 : vector<16xf32>
        %mul3A_650 = arith.mulf %get3A_640, %add3A_649 : vector<16xf32>
        %iota3A_651 = tpu.iota {dimensions = array<i32: 0>} : vector<16xi32>
        %xor3A_652 = arith.constant 8 : i32
        %xor3A_653 = vector.broadcast %xor3A_652 : i32 to vector<16xi32>
        %xor3A_654 = arith.xori %iota3A_651, %xor3A_653 : vector<16xi32>
        %broadcast_in_dim3A_655 = vector.shape_cast %xor3A_654 : vector<16xi32> to vector<16x1xi32>
        %gather3A_656 = vector.shape_cast %broadcast_in_dim3A_655 : vector<16x1xi32> to vector<16xi32>
        %gather3A_657 = tpu.dynamic_gather %mul3A_636[%gather3A_656] in [0] : vector<16xf32>, vector<16xi32> -> vector<16xf32>
        %add3A_658 = arith.addf %mul3A_636, %gather3A_657 : vector<16xf32>
        %iota3A_659 = tpu.iota {dimensions = array<i32: 0>} : vector<16xi32>
        %xor3A_660 = arith.constant 8 : i32
        %xor3A_661 = vector.broadcast %xor3A_660 : i32 to vector<16xi32>
        %xor3A_662 = arith.xori %iota3A_659, %xor3A_661 : vector<16xi32>
        %broadcast_in_dim3A_663 = vector.shape_cast %xor3A_662 : vector<16xi32> to vector<16x1xi32>
        %gather3A_664 = vector.shape_cast %broadcast_in_dim3A_663 : vector<16x1xi32> to vector<16xi32>
        %gather3A_665 = tpu.dynamic_gather %mul3A_650[%gather3A_664] in [0] : vector<16xf32>, vector<16xi32> -> vector<16xf32>
        %add3A_666 = arith.addf %mul3A_650, %gather3A_665 : vector<16xf32>
        %select_n3A_667 = arith.select %lt3A_13, %add3A_658, %add3A_666 : vector<16xi1>, vector<16xf32>
        %iota3A_668 = tpu.iota {dimensions = array<i32: 0>} : vector<16xi32>
        %xor3A_669 = arith.constant 4 : i32
        %xor3A_670 = vector.broadcast %xor3A_669 : i32 to vector<16xi32>
        %xor3A_671 = arith.xori %iota3A_668, %xor3A_670 : vector<16xi32>
        %broadcast_in_dim3A_672 = vector.shape_cast %xor3A_671 : vector<16xi32> to vector<16x1xi32>
        %gather3A_673 = vector.shape_cast %broadcast_in_dim3A_672 : vector<16x1xi32> to vector<16xi32>
        %gather3A_674 = tpu.dynamic_gather %select_n3A_667[%gather3A_673] in [0] : vector<16xf32>, vector<16xi32> -> vector<16xf32>
        %add3A_675 = arith.addf %select_n3A_667, %gather3A_674 : vector<16xf32>
        %iota3A_676 = tpu.iota {dimensions = array<i32: 0>} : vector<16xi32>
        %xor3A_677 = arith.constant 2 : i32
        %xor3A_678 = vector.broadcast %xor3A_677 : i32 to vector<16xi32>
        %xor3A_679 = arith.xori %iota3A_676, %xor3A_678 : vector<16xi32>
        %broadcast_in_dim3A_680 = vector.shape_cast %xor3A_679 : vector<16xi32> to vector<16x1xi32>
        %gather3A_681 = vector.shape_cast %broadcast_in_dim3A_680 : vector<16x1xi32> to vector<16xi32>
        %gather3A_682 = tpu.dynamic_gather %add3A_675[%gather3A_681] in [0] : vector<16xf32>, vector<16xi32> -> vector<16xf32>
        %add3A_683 = arith.addf %add3A_675, %gather3A_682 : vector<16xf32>
        %iota3A_684 = tpu.iota {dimensions = array<i32: 0>} : vector<16xi32>
        %xor3A_685 = arith.constant 1 : i32
        %xor3A_686 = vector.broadcast %xor3A_685 : i32 to vector<16xi32>
        %xor3A_687 = arith.xori %iota3A_684, %xor3A_686 : vector<16xi32>
        %broadcast_in_dim3A_688 = vector.shape_cast %xor3A_687 : vector<16xi32> to vector<16x1xi32>
        %gather3A_689 = vector.shape_cast %broadcast_in_dim3A_688 : vector<16x1xi32> to vector<16xi32>
        %gather3A_690 = tpu.dynamic_gather %add3A_683[%gather3A_689] in [0] : vector<16xf32>, vector<16xi32> -> vector<16xf32>
        %add3A_691 = arith.addf %add3A_683, %gather3A_690 : vector<16xf32>
        %eq3A_692 = arith.constant 6 : i32
        %eq3A_693 = vector.broadcast %eq3A_692 : i32 to vector<16xi32>
        %eq3A_694 = arith.cmpi eq, %and3A_15, %eq3A_693 : vector<16xi32>
        %select_n3A_695 = arith.select %eq3A_694, %add3A_691, %select_n3A_622 : vector<16xi1>, vector<16xf32>
        %get3A_696 = arith.index_cast %mul3A_184 : i32 to index
        %get3A_697 = arith.constant 112 : index
        %get3A_698 = tpu.vector_load %arg15[%get3A_696, %get3A_697] {strides = array<i32>} : memref<40x128xf32, #tpu.memory_space<vmem>>, vector<1x16xf32>,
        %get3A_699 = vector.shape_cast %get3A_698 : vector<1x16xf32> to vector<16xf32>
        %get3A_700 = arith.index_cast %mul3A_184 : i32 to index
        %get3A_701 = arith.constant 112 : index
        %get3A_702 = tpu.vector_load %arg17[%get3A_700, %get3A_701] {strides = array<i32>} : memref<40x128xf32, #tpu.memory_space<vmem>>, vector<1x16xf32>,
        %get3A_703 = vector.shape_cast %get3A_702 : vector<1x16xf32> to vector<16xf32>
        %get3A_704 = arith.index_cast %mul3A_184 : i32 to index
        %get3A_705 = arith.constant 112 : index
        %get3A_706 = tpu.vector_load %arg19[%get3A_704, %get3A_705] {strides = array<i32>} : memref<40x128xf32, #tpu.memory_space<vmem>>, vector<1x16xf32>,
        %get3A_707 = vector.shape_cast %get3A_706 : vector<1x16xf32> to vector<16xf32>
        %add3A_708 = arith.addf %get3A_703, %get3A_707 : vector<16xf32>
        %mul3A_709 = arith.mulf %get3A_699, %add3A_708 : vector<16xf32>
        %get3A_710 = arith.index_cast %add3A_186 : i32 to index
        %get3A_711 = arith.constant 112 : index
        %get3A_712 = tpu.vector_load %arg15[%get3A_710, %get3A_711] {strides = array<i32>} : memref<40x128xf32, #tpu.memory_space<vmem>>, vector<1x16xf32>,
        %get3A_713 = vector.shape_cast %get3A_712 : vector<1x16xf32> to vector<16xf32>
        %get3A_714 = arith.index_cast %add3A_186 : i32 to index
        %get3A_715 = arith.constant 112 : index
        %get3A_716 = tpu.vector_load %arg17[%get3A_714, %get3A_715] {strides = array<i32>} : memref<40x128xf32, #tpu.memory_space<vmem>>, vector<1x16xf32>,
        %get3A_717 = vector.shape_cast %get3A_716 : vector<1x16xf32> to vector<16xf32>
        %get3A_718 = arith.index_cast %add3A_186 : i32 to index
        %get3A_719 = arith.constant 112 : index
        %get3A_720 = tpu.vector_load %arg19[%get3A_718, %get3A_719] {strides = array<i32>} : memref<40x128xf32, #tpu.memory_space<vmem>>, vector<1x16xf32>,
        %get3A_721 = vector.shape_cast %get3A_720 : vector<1x16xf32> to vector<16xf32>
        %add3A_722 = arith.addf %get3A_717, %get3A_721 : vector<16xf32>
        %mul3A_723 = arith.mulf %get3A_713, %add3A_722 : vector<16xf32>
        %iota3A_724 = tpu.iota {dimensions = array<i32: 0>} : vector<16xi32>
        %xor3A_725 = arith.constant 8 : i32
        %xor3A_726 = vector.broadcast %xor3A_725 : i32 to vector<16xi32>
        %xor3A_727 = arith.xori %iota3A_724, %xor3A_726 : vector<16xi32>
        %broadcast_in_dim3A_728 = vector.shape_cast %xor3A_727 : vector<16xi32> to vector<16x1xi32>
        %gather3A_729 = vector.shape_cast %broadcast_in_dim3A_728 : vector<16x1xi32> to vector<16xi32>
        %gather3A_730 = tpu.dynamic_gather %mul3A_709[%gather3A_729] in [0] : vector<16xf32>, vector<16xi32> -> vector<16xf32>
        %add3A_731 = arith.addf %mul3A_709, %gather3A_730 : vector<16xf32>
        %iota3A_732 = tpu.iota {dimensions = array<i32: 0>} : vector<16xi32>
        %xor3A_733 = arith.constant 8 : i32
        %xor3A_734 = vector.broadcast %xor3A_733 : i32 to vector<16xi32>
        %xor3A_735 = arith.xori %iota3A_732, %xor3A_734 : vector<16xi32>
        %broadcast_in_dim3A_736 = vector.shape_cast %xor3A_735 : vector<16xi32> to vector<16x1xi32>
        %gather3A_737 = vector.shape_cast %broadcast_in_dim3A_736 : vector<16x1xi32> to vector<16xi32>
        %gather3A_738 = tpu.dynamic_gather %mul3A_723[%gather3A_737] in [0] : vector<16xf32>, vector<16xi32> -> vector<16xf32>
        %add3A_739 = arith.addf %mul3A_723, %gather3A_738 : vector<16xf32>
        %select_n3A_740 = arith.select %lt3A_13, %add3A_731, %add3A_739 : vector<16xi1>, vector<16xf32>
        %iota3A_741 = tpu.iota {dimensions = array<i32: 0>} : vector<16xi32>
        %xor3A_742 = arith.constant 4 : i32
        %xor3A_743 = vector.broadcast %xor3A_742 : i32 to vector<16xi32>
        %xor3A_744 = arith.xori %iota3A_741, %xor3A_743 : vector<16xi32>
        %broadcast_in_dim3A_745 = vector.shape_cast %xor3A_744 : vector<16xi32> to vector<16x1xi32>
        %gather3A_746 = vector.shape_cast %broadcast_in_dim3A_745 : vector<16x1xi32> to vector<16xi32>
        %gather3A_747 = tpu.dynamic_gather %select_n3A_740[%gather3A_746] in [0] : vector<16xf32>, vector<16xi32> -> vector<16xf32>
        %add3A_748 = arith.addf %select_n3A_740, %gather3A_747 : vector<16xf32>
        %iota3A_749 = tpu.iota {dimensions = array<i32: 0>} : vector<16xi32>
        %xor3A_750 = arith.constant 2 : i32
        %xor3A_751 = vector.broadcast %xor3A_750 : i32 to vector<16xi32>
        %xor3A_752 = arith.xori %iota3A_749, %xor3A_751 : vector<16xi32>
        %broadcast_in_dim3A_753 = vector.shape_cast %xor3A_752 : vector<16xi32> to vector<16x1xi32>
        %gather3A_754 = vector.shape_cast %broadcast_in_dim3A_753 : vector<16x1xi32> to vector<16xi32>
        %gather3A_755 = tpu.dynamic_gather %add3A_748[%gather3A_754] in [0] : vector<16xf32>, vector<16xi32> -> vector<16xf32>
        %add3A_756 = arith.addf %add3A_748, %gather3A_755 : vector<16xf32>
        %iota3A_757 = tpu.iota {dimensions = array<i32: 0>} : vector<16xi32>
        %xor3A_758 = arith.constant 1 : i32
        %xor3A_759 = vector.broadcast %xor3A_758 : i32 to vector<16xi32>
        %xor3A_760 = arith.xori %iota3A_757, %xor3A_759 : vector<16xi32>
        %broadcast_in_dim3A_761 = vector.shape_cast %xor3A_760 : vector<16xi32> to vector<16x1xi32>
        %gather3A_762 = vector.shape_cast %broadcast_in_dim3A_761 : vector<16x1xi32> to vector<16xi32>
        %gather3A_763 = tpu.dynamic_gather %add3A_756[%gather3A_762] in [0] : vector<16xf32>, vector<16xi32> -> vector<16xf32>
        %add3A_764 = arith.addf %add3A_756, %gather3A_763 : vector<16xf32>
        %eq3A_765 = arith.constant 7 : i32
        %eq3A_766 = vector.broadcast %eq3A_765 : i32 to vector<16xi32>
        %eq3A_767 = arith.cmpi eq, %and3A_15, %eq3A_766 : vector<16xi32>
        %select_n3A_768 = arith.select %eq3A_767, %add3A_764, %select_n3A_695 : vector<16xi1>, vector<16xf32>
        %mul3A_769 = arith.constant 2.500000e-01 : f32
        %mul3A_770 = vector.broadcast %mul3A_769 : f32 to vector<16xf32>
        %mul3A_771 = arith.mulf %select_n3A_768, %mul3A_770 : vector<16xf32>
        %exp3A = math.exp %mul3A_771 : vector<16xf32>
        %broadcast_in_dim3A_772 = arith.constant 0.000000e+00 : f32
        %broadcast_in_dim3A_773 = vector.broadcast %broadcast_in_dim3A_772 : f32 to vector<16xf32>
        %select_n3A_774 = arith.select %lt3A_13, %exp3A, %broadcast_in_dim3A_773 : vector<16xi1>, vector<16xf32>
        %iota3A_775 = tpu.iota {dimensions = array<i32: 0>} : vector<16xi32>
        %xor3A_776 = arith.constant 8 : i32
        %xor3A_777 = vector.broadcast %xor3A_776 : i32 to vector<16xi32>
        %xor3A_778 = arith.xori %iota3A_775, %xor3A_777 : vector<16xi32>
        %broadcast_in_dim3A_779 = vector.shape_cast %xor3A_778 : vector<16xi32> to vector<16x1xi32>
        %gather3A_780 = vector.shape_cast %broadcast_in_dim3A_779 : vector<16x1xi32> to vector<16xi32>
        %gather3A_781 = tpu.dynamic_gather %exp3A[%gather3A_780] in [0] : vector<16xf32>, vector<16xi32> -> vector<16xf32>
        %select_n3A_782 = arith.select %lt3A_13, %gather3A_781, %broadcast_in_dim3A_773 : vector<16xi1>, vector<16xf32>
        %swap3A_783 = arith.index_cast %mul3A_184 : i32 to index
        %swap3A_784 = arith.constant 0 : index
        %swap3A_785 = tpu.vector_load %arg21[%swap3A_783, %swap3A_784] {strides = array<i32>} : memref<40x16xf32, #tpu.memory_space<vmem>>, vector<1x16xf32>,
        %swap3A_786 = vector.shape_cast %swap3A_785 : vector<1x16xf32> to vector<16xf32>
        %swap3A_787 = vector.shape_cast %select_n3A_774 : vector<16xf32> to vector<1x16xf32>
        tpu.vector_store %arg21[%swap3A_783, %swap3A_784], %swap3A_787 {strides = array<i32>} : memref<40x16xf32, #tpu.memory_space<vmem>>, vector<1x16xf32>,
        %swap3A_788 = arith.index_cast %add3A_186 : i32 to index
        %swap3A_789 = arith.constant 0 : index
        %swap3A_790 = tpu.vector_load %arg21[%swap3A_788, %swap3A_789] {strides = array<i32>} : memref<40x16xf32, #tpu.memory_space<vmem>>, vector<1x16xf32>,
        %swap3A_791 = vector.shape_cast %swap3A_790 : vector<1x16xf32> to vector<16xf32>
        %swap3A_792 = vector.shape_cast %select_n3A_782 : vector<16xf32> to vector<1x16xf32>
        tpu.vector_store %arg21[%swap3A_788, %swap3A_789], %swap3A_792 {strides = array<i32>} : memref<40x16xf32, #tpu.memory_space<vmem>>, vector<1x16xf32>,
        %swap3A_793 = arith.index_cast %mul3A_184 : i32 to index
        %swap3A_794 = arith.constant 0 : index
        %swap3A_795 = tpu.vector_load %arg22[%swap3A_793, %swap3A_794] {strides = array<i32>} : memref<40x128xf32, #tpu.memory_space<vmem>>, vector<1x16xf32>,
        %swap3A_796 = vector.shape_cast %swap3A_795 : vector<1x16xf32> to vector<16xf32>
        %swap3A_797 = vector.shape_cast %select_n3A_774 : vector<16xf32> to vector<1x16xf32>
        tpu.vector_store %arg22[%swap3A_793, %swap3A_794], %swap3A_797 {strides = array<i32>} : memref<40x128xf32, #tpu.memory_space<vmem>>, vector<1x16xf32>,
        %swap3A_798 = arith.index_cast %add3A_186 : i32 to index
        %swap3A_799 = arith.constant 0 : index
        %swap3A_800 = tpu.vector_load %arg22[%swap3A_798, %swap3A_799] {strides = array<i32>} : memref<40x128xf32, #tpu.memory_space<vmem>>, vector<1x16xf32>,
        %swap3A_801 = vector.shape_cast %swap3A_800 : vector<1x16xf32> to vector<16xf32>
        %swap3A_802 = vector.shape_cast %select_n3A_782 : vector<16xf32> to vector<1x16xf32>
        tpu.vector_store %arg22[%swap3A_798, %swap3A_799], %swap3A_802 {strides = array<i32>} : memref<40x128xf32, #tpu.memory_space<vmem>>, vector<1x16xf32>,
      }
      %scan3A_88 = arith.constant 20 : i32
      %get3A = arith.constant 0 : index
      %get3A_89 = tpu.vector_load %arg11[%get3A] {strides = array<i32>} : memref<40xi32, #tpu.memory_space<vmem>>, vector<16xi32>,
      %get3A_90 = vector.shape_cast %get3A_89 : vector<16xi32> to vector<16xi32>
      %swap3A = arith.constant 0 : index
      %swap3A_91 = tpu.vector_load %arg13[%swap3A] {strides = array<i32>} : memref<40xi32, #tpu.memory_space<vmem>>, vector<16xi32>,
      %swap3A_92 = vector.shape_cast %swap3A_91 : vector<16xi32> to vector<16xi32>
      %swap3A_93 = vector.shape_cast %get3A_90 : vector<16xi32> to vector<16xi32>
      tpu.vector_store %arg13[%swap3A], %swap3A_93 {strides = array<i32>} : memref<40xi32, #tpu.memory_space<vmem>>, vector<16xi32>,
      %get3A_94 = arith.constant 16 : index
      %get3A_95 = tpu.vector_load %arg11[%get3A_94] {strides = array<i32>} : memref<40xi32, #tpu.memory_space<vmem>>, vector<16xi32>,
      %get3A_96 = vector.shape_cast %get3A_95 : vector<16xi32> to vector<16xi32>
      %swap3A_97 = arith.constant 16 : index
      %swap3A_98 = tpu.vector_load %arg13[%swap3A_97] {strides = array<i32>} : memref<40xi32, #tpu.memory_space<vmem>>, vector<16xi32>,
      %swap3A_99 = vector.shape_cast %swap3A_98 : vector<16xi32> to vector<16xi32>
      %swap3A_100 = vector.shape_cast %get3A_96 : vector<16xi32> to vector<16xi32>
      tpu.vector_store %arg13[%swap3A_97], %swap3A_100 {strides = array<i32>} : memref<40xi32, #tpu.memory_space<vmem>>, vector<16xi32>,
      %get3A_101 = arith.constant 24 : index
      %get3A_102 = tpu.vector_load %arg11[%get3A_101] {strides = array<i32>} : memref<40xi32, #tpu.memory_space<vmem>>, vector<16xi32>,
      %get3A_103 = vector.shape_cast %get3A_102 : vector<16xi32> to vector<16xi32>
      %swap3A_104 = arith.constant 24 : index
      %swap3A_105 = tpu.vector_load %arg13[%swap3A_104] {strides = array<i32>} : memref<40xi32, #tpu.memory_space<vmem>>, vector<16xi32>,
      %swap3A_106 = vector.shape_cast %swap3A_105 : vector<16xi32> to vector<16xi32>
      %swap3A_107 = vector.shape_cast %get3A_103 : vector<16xi32> to vector<16xi32>
      tpu.vector_store %arg13[%swap3A_104], %swap3A_107 {strides = array<i32>} : memref<40xi32, #tpu.memory_space<vmem>>, vector<16xi32>,
      %dma_start3A_108 = arith.constant 0 : i32
      %dma_start3A_109 = tpu.memref_slice %arg7[%multiple_of3A_56, %dma_start3A_108] : memref<320000x16xf32, #tpu.memory_space<hbm>> -> memref<40x16xf32, #tpu.memory_space<hbm>>
      %dma_start3A_110 = arith.constant 0 : i32
      %dma_start3A_111 = tpu.memref_slice %arg7[%multiple_of3A_56, %dma_start3A_110] : memref<320000x16xf32, #tpu.memory_space<hbm>> -> memref<40x16xf32, #tpu.memory_space<hbm>>
      tpu.enqueue_dma source(%arg21 : memref<40x16xf32, #tpu.memory_space<vmem>>) target(%dma_start3A_111 : memref<40x16xf32, #tpu.memory_space<hbm>>) target_semaphore(%arg31 : memref<!tpu.dma_semaphore, #tpu.memory_space<semaphore_mem>>)
      %dma_start3A_112 = arith.constant 0 : i32
      %dma_start3A_113 = arith.constant 0 : i32
      %dma_start3A_114 = tpu.memref_slice %arg24[%dma_start3A_112, %dma_start3A_113] : memref<10000x128xf32, #tpu.memory_space<vmem_shared>> -> memref<10000x128xf32, #tpu.memory_space<vmem_shared>>
      tpu.enqueue_indirect_dma source(%arg22 : memref<40x128xf32, #tpu.memory_space<vmem>>) target(%dma_start3A_114 : memref<10000x128xf32, #tpu.memory_space<vmem_shared>>) offsets(%arg13 : memref<40xi32, #tpu.memory_space<vmem>>) semaphore(%arg32 : memref<!tpu.dma_semaphore, #tpu.memory_space<semaphore_mem>>) {add = true}
      %add3A_115 = arith.constant 1 : i32
      %add3A_116 = arith.addi %mul3A_50, %add3A_115 : i32
      %mul3A_117 = arith.constant 40 : i32
      %mul3A_118 = arith.muli %add3A_116, %mul3A_117 : i32
      %add3A_119 = arith.addi %mul3A_2, %mul3A_118 : i32
      %multiple_of3A_120 = tpu.assume_multiple %add3A_119, 8 : i32
      %dma_wait3A_121 = arith.constant 0 : i32
      %dma_wait3A_122 = arith.constant 0 : i32
      %dma_wait3A_123 = tpu.memref_slice %arg2[%dma_wait3A_121, %dma_wait3A_122] : memref<10000x128xf32, #tpu.memory_space<hbm>> -> memref<10000x128xf32, #tpu.memory_space<hbm>>
      tpu.wait_indirect_dma semaphore(%arg26 : memref<!tpu.dma_semaphore, #tpu.memory_space<semaphore_mem>>) src(%dma_wait3A_123 : memref<10000x128xf32, #tpu.memory_space<hbm>>) dst(%arg16 : memref<40x128xf32, #tpu.memory_space<vmem>>)
      %dma_wait3A_124 = arith.constant 0 : i32
      %dma_wait3A_125 = arith.constant 0 : i32
      %dma_wait3A_126 = tpu.memref_slice %arg3[%dma_wait3A_124, %dma_wait3A_125] : memref<10000x128xf32, #tpu.memory_space<hbm>> -> memref<10000x128xf32, #tpu.memory_space<hbm>>
      tpu.wait_indirect_dma semaphore(%arg28 : memref<!tpu.dma_semaphore, #tpu.memory_space<semaphore_mem>>) src(%dma_wait3A_126 : memref<10000x128xf32, #tpu.memory_space<hbm>>) dst(%arg18 : memref<40x128xf32, #tpu.memory_space<vmem>>)
      %dma_wait3A_127 = arith.constant 0 : i32
      %dma_wait3A_128 = tpu.memref_slice %arg4[%multiple_of3A_120, %dma_wait3A_127] : memref<320000x128xf32, #tpu.memory_space<hbm>> -> memref<40x128xf32, #tpu.memory_space<hbm>>
      %dma_wait3A_129 = arith.constant 0 : i32
      %dma_wait3A_130 = tpu.memref_slice %arg4[%multiple_of3A_120, %dma_wait3A_129] : memref<320000x128xf32, #tpu.memory_space<hbm>> -> memref<40x128xf32, #tpu.memory_space<hbm>>
      tpu.wait_dma2 semaphore(%arg30 : memref<!tpu.dma_semaphore, #tpu.memory_space<semaphore_mem>>) src(%dma_wait3A_130 : memref<40x128xf32, #tpu.memory_space<hbm>>) dst(%arg20 : memref<40x128xf32, #tpu.memory_space<vmem>>)
      %ge3A_131 = arith.constant 2 : i32
      %ge3A_132 = arith.cmpi sge, %add3A_116, %ge3A_131 : i32
      %convert_element_type3A_133 = arith.extui %ge3A_132 : i1 to i32
      %cond3A_134 = arith.constant 0 : i32
      %cond3A_135 = arith.cmpi ne, %convert_element_type3A_133, %cond3A_134 : i32
      scf.if %cond3A_135 {
        %dma_wait3A_182 = arith.constant 0 : i32
        %dma_wait3A_183 = arith.constant 0 : i32
        %dma_wait3A_184 = tpu.memref_slice %arg24[%dma_wait3A_182, %dma_wait3A_183] : memref<10000x128xf32, #tpu.memory_space<vmem_shared>> -> memref<10000x128xf32, #tpu.memory_space<vmem_shared>>
        tpu.wait_indirect_dma semaphore(%arg33 : memref<!tpu.dma_semaphore, #tpu.memory_space<semaphore_mem>>) src(%arg23 : memref<40x128xf32, #tpu.memory_space<vmem>>) dst(%dma_wait3A_184 : memref<10000x128xf32, #tpu.memory_space<vmem_shared>>)
      } else {
      }
      %ge3A_136 = arith.constant 1 : i32
      %ge3A_137 = arith.cmpi sge, %add3A_116, %ge3A_136 : i32
      %convert_element_type3A_138 = arith.extui %ge3A_137 : i1 to i32
      %cond3A_139 = arith.constant 0 : i32
      %cond3A_140 = arith.cmpi ne, %convert_element_type3A_138, %cond3A_139 : i32
      scf.if %cond3A_140 {
        %dma_wait3A_182 = arith.constant 0 : i32
        %dma_wait3A_183 = tpu.memref_slice %arg7[%multiple_of3A_120, %dma_wait3A_182] : memref<320000x16xf32, #tpu.memory_space<hbm>> -> memref<40x16xf32, #tpu.memory_space<hbm>>
        %dma_wait3A_184 = arith.constant 0 : i32
        %dma_wait3A_185 = tpu.memref_slice %arg7[%multiple_of3A_120, %dma_wait3A_184] : memref<320000x16xf32, #tpu.memory_space<hbm>> -> memref<40x16xf32, #tpu.memory_space<hbm>>
        tpu.wait_dma2 semaphore(%arg31 : memref<!tpu.dma_semaphore, #tpu.memory_space<semaphore_mem>>) src(%arg21 : memref<40x16xf32, #tpu.memory_space<vmem>>) dst(%dma_wait3A_185 : memref<40x16xf32, #tpu.memory_space<hbm>>)
      } else {
      }
      %add3A_141 = arith.constant 1 : i32
      %add3A_142 = arith.addi %add3A_116, %add3A_141 : i32
      %lt3A_143 = arith.constant 250 : i32
      %lt3A_144 = arith.cmpi slt, %add3A_142, %lt3A_143 : i32
      %convert_element_type3A_145 = arith.extui %lt3A_144 : i1 to i32
      %cond3A_146 = arith.constant 0 : i32
      %cond3A_147 = arith.cmpi ne, %convert_element_type3A_145, %cond3A_146 : i32
      scf.if %cond3A_147 {
        %add3A_182 = arith.constant 1 : i32
        %add3A_183 = arith.addi %add3A_116, %add3A_182 : i32
        %mul3A_184 = arith.constant 40 : i32
        %mul3A_185 = arith.muli %add3A_183, %mul3A_184 : i32
        %add3A_186 = arith.addi %mul3A_2, %mul3A_185 : i32
        %multiple_of3A_187 = tpu.assume_multiple %add3A_186, 8 : i32
        "tpu.region"() ({
          %run_scoped3A = tpu.sem_alloc : memref<!tpu.dma_semaphore, #tpu.memory_space<semaphore_mem>>
          %dma_start3A_198 = tpu.memref_slice %arg5[%multiple_of3A_187] : memref<320000xi32, #tpu.memory_space<hbm>> -> memref<40xi32, #tpu.memory_space<hbm>>
          %dma_start3A_199 = tpu.memref_slice %arg5[%multiple_of3A_187] : memref<320000xi32, #tpu.memory_space<hbm>> -> memref<40xi32, #tpu.memory_space<hbm>>
          tpu.enqueue_dma source(%dma_start3A_199 : memref<40xi32, #tpu.memory_space<hbm>>) target(%arg9 : memref<40xi32, #tpu.memory_space<vmem>>) target_semaphore(%run_scoped3A : memref<!tpu.dma_semaphore, #tpu.memory_space<semaphore_mem>>)
          %dma_wait3A_200 = tpu.memref_slice %arg5[%multiple_of3A_187] : memref<320000xi32, #tpu.memory_space<hbm>> -> memref<40xi32, #tpu.memory_space<hbm>>
          %dma_wait3A_201 = tpu.memref_slice %arg5[%multiple_of3A_187] : memref<320000xi32, #tpu.memory_space<hbm>> -> memref<40xi32, #tpu.memory_space<hbm>>
          tpu.wait_dma2 semaphore(%run_scoped3A : memref<!tpu.dma_semaphore, #tpu.memory_space<semaphore_mem>>) src(%dma_wait3A_201 : memref<40xi32, #tpu.memory_space<hbm>>) dst(%arg9 : memref<40xi32, #tpu.memory_space<vmem>>)
          tpu.yield
        }) : () -> ()
        "tpu.region"() ({
          %run_scoped3A = tpu.sem_alloc : memref<!tpu.dma_semaphore, #tpu.memory_space<semaphore_mem>>
          %dma_start3A_198 = tpu.memref_slice %arg6[%multiple_of3A_187] : memref<320000xi32, #tpu.memory_space<hbm>> -> memref<40xi32, #tpu.memory_space<hbm>>
          %dma_start3A_199 = tpu.memref_slice %arg6[%multiple_of3A_187] : memref<320000xi32, #tpu.memory_space<hbm>> -> memref<40xi32, #tpu.memory_space<hbm>>
          tpu.enqueue_dma source(%dma_start3A_199 : memref<40xi32, #tpu.memory_space<hbm>>) target(%arg11 : memref<40xi32, #tpu.memory_space<vmem>>) target_semaphore(%run_scoped3A : memref<!tpu.dma_semaphore, #tpu.memory_space<semaphore_mem>>)
          %dma_wait3A_200 = tpu.memref_slice %arg6[%multiple_of3A_187] : memref<320000xi32, #tpu.memory_space<hbm>> -> memref<40xi32, #tpu.memory_space<hbm>>
          %dma_wait3A_201 = tpu.memref_slice %arg6[%multiple_of3A_187] : memref<320000xi32, #tpu.memory_space<hbm>> -> memref<40xi32, #tpu.memory_space<hbm>>
          tpu.wait_dma2 semaphore(%run_scoped3A : memref<!tpu.dma_semaphore, #tpu.memory_space<semaphore_mem>>) src(%dma_wait3A_201 : memref<40xi32, #tpu.memory_space<hbm>>) dst(%arg11 : memref<40xi32, #tpu.memory_space<vmem>>)
          tpu.yield
        }) : () -> ()
        %dma_start3A_188 = arith.constant 0 : i32
        %dma_start3A_189 = arith.constant 0 : i32
        %dma_start3A_190 = tpu.memref_slice %arg2[%dma_start3A_188, %dma_start3A_189] : memref<10000x128xf32, #tpu.memory_space<hbm>> -> memref<10000x128xf32, #tpu.memory_space<hbm>>
        tpu.enqueue_indirect_dma source(%dma_start3A_190 : memref<10000x128xf32, #tpu.memory_space<hbm>>) target(%arg15 : memref<40x128xf32, #tpu.memory_space<vmem>>) offsets(%arg9 : memref<40xi32, #tpu.memory_space<vmem>>) semaphore(%arg25 : memref<!tpu.dma_semaphore, #tpu.memory_space<semaphore_mem>>)
        %dma_start3A_191 = arith.constant 0 : i32
        %dma_start3A_192 = arith.constant 0 : i32
        %dma_start3A_193 = tpu.memref_slice %arg3[%dma_start3A_191, %dma_start3A_192] : memref<10000x128xf32, #tpu.memory_space<hbm>> -> memref<10000x128xf32, #tpu.memory_space<hbm>>
        tpu.enqueue_indirect_dma source(%dma_start3A_193 : memref<10000x128xf32, #tpu.memory_space<hbm>>) target(%arg17 : memref<40x128xf32, #tpu.memory_space<vmem>>) offsets(%arg11 : memref<40xi32, #tpu.memory_space<vmem>>) semaphore(%arg27 : memref<!tpu.dma_semaphore, #tpu.memory_space<semaphore_mem>>)
        %dma_start3A_194 = arith.constant 0 : i32
        %dma_start3A_195 = tpu.memref_slice %arg4[%multiple_of3A_187, %dma_start3A_194] : memref<320000x128xf32, #tpu.memory_space<hbm>> -> memref<40x128xf32, #tpu.memory_space<hbm>>
        %dma_start3A_196 = arith.constant 0 : i32
        %dma_start3A_197 = tpu.memref_slice %arg4[%multiple_of3A_187, %dma_start3A_196] : memref<320000x128xf32, #tpu.memory_space<hbm>> -> memref<40x128xf32, #tpu.memory_space<hbm>>
        tpu.enqueue_dma source(%dma_start3A_197 : memref<40x128xf32, #tpu.memory_space<hbm>>) target(%arg19 : memref<40x128xf32, #tpu.memory_space<vmem>>) target_semaphore(%arg29 : memref<!tpu.dma_semaphore, #tpu.memory_space<semaphore_mem>>)
      } else {
      }
      %scan3A_148 = arith.constant 0 : i32
      %scan3A_149 = arith.constant 0 : i32
      %scan3A_150 = arith.constant 20 : i32
      %scan3A_151 = arith.addi %scan3A_149, %scan3A_150 : i32
      %scan3A_152 = arith.constant 1 : i32
      scf.for %scan3A_182 = %scan3A_149 to %scan3A_151 step %scan3A_152  : i32 {
        %mul3A_183 = arith.constant 2 : i32
        %mul3A_184 = arith.muli %scan3A_182, %mul3A_183 : i32
        %add3A_185 = arith.constant 1 : i32
        %add3A_186 = arith.addi %mul3A_184, %add3A_185 : i32
        %broadcast_in_dim3A_187 = arith.constant 0.000000e+00 : f32
        %broadcast_in_dim3A_188 = vector.broadcast %broadcast_in_dim3A_187 : f32 to vector<16xf32>
        %get3A_189 = arith.index_cast %mul3A_184 : i32 to index
        %get3A_190 = arith.constant 0 : index
        %get3A_191 = tpu.vector_load %arg16[%get3A_189, %get3A_190] {strides = array<i32>} : memref<40x128xf32, #tpu.memory_space<vmem>>, vector<1x16xf32>,
        %get3A_192 = vector.shape_cast %get3A_191 : vector<1x16xf32> to vector<16xf32>
        %get3A_193 = arith.index_cast %mul3A_184 : i32 to index
        %get3A_194 = arith.constant 0 : index
        %get3A_195 = tpu.vector_load %arg18[%get3A_193, %get3A_194] {strides = array<i32>} : memref<40x128xf32, #tpu.memory_space<vmem>>, vector<1x16xf32>,
        %get3A_196 = vector.shape_cast %get3A_195 : vector<1x16xf32> to vector<16xf32>
        %get3A_197 = arith.index_cast %mul3A_184 : i32 to index
        %get3A_198 = arith.constant 0 : index
        %get3A_199 = tpu.vector_load %arg20[%get3A_197, %get3A_198] {strides = array<i32>} : memref<40x128xf32, #tpu.memory_space<vmem>>, vector<1x16xf32>,
        %get3A_200 = vector.shape_cast %get3A_199 : vector<1x16xf32> to vector<16xf32>
        %add3A_201 = arith.addf %get3A_196, %get3A_200 : vector<16xf32>
        %mul3A_202 = arith.mulf %get3A_192, %add3A_201 : vector<16xf32>
        %get3A_203 = arith.index_cast %add3A_186 : i32 to index
        %get3A_204 = arith.constant 0 : index
        %get3A_205 = tpu.vector_load %arg16[%get3A_203, %get3A_204] {strides = array<i32>} : memref<40x128xf32, #tpu.memory_space<vmem>>, vector<1x16xf32>,
        %get3A_206 = vector.shape_cast %get3A_205 : vector<1x16xf32> to vector<16xf32>
        %get3A_207 = arith.index_cast %add3A_186 : i32 to index
        %get3A_208 = arith.constant 0 : index
        %get3A_209 = tpu.vector_load %arg18[%get3A_207, %get3A_208] {strides = array<i32>} : memref<40x128xf32, #tpu.memory_space<vmem>>, vector<1x16xf32>,
        %get3A_210 = vector.shape_cast %get3A_209 : vector<1x16xf32> to vector<16xf32>
        %get3A_211 = arith.index_cast %add3A_186 : i32 to index
        %get3A_212 = arith.constant 0 : index
        %get3A_213 = tpu.vector_load %arg20[%get3A_211, %get3A_212] {strides = array<i32>} : memref<40x128xf32, #tpu.memory_space<vmem>>, vector<1x16xf32>,
        %get3A_214 = vector.shape_cast %get3A_213 : vector<1x16xf32> to vector<16xf32>
        %add3A_215 = arith.addf %get3A_210, %get3A_214 : vector<16xf32>
        %mul3A_216 = arith.mulf %get3A_206, %add3A_215 : vector<16xf32>
        %iota3A_217 = tpu.iota {dimensions = array<i32: 0>} : vector<16xi32>
        %xor3A = arith.constant 8 : i32
        %xor3A_218 = vector.broadcast %xor3A : i32 to vector<16xi32>
        %xor3A_219 = arith.xori %iota3A_217, %xor3A_218 : vector<16xi32>
        %broadcast_in_dim3A_220 = vector.shape_cast %xor3A_219 : vector<16xi32> to vector<16x1xi32>
        %gather3A = vector.shape_cast %broadcast_in_dim3A_220 : vector<16x1xi32> to vector<16xi32>
        %gather3A_221 = tpu.dynamic_gather %mul3A_202[%gather3A] in [0] : vector<16xf32>, vector<16xi32> -> vector<16xf32>
        %add3A_222 = arith.addf %mul3A_202, %gather3A_221 : vector<16xf32>
        %iota3A_223 = tpu.iota {dimensions = array<i32: 0>} : vector<16xi32>
        %xor3A_224 = arith.constant 8 : i32
        %xor3A_225 = vector.broadcast %xor3A_224 : i32 to vector<16xi32>
        %xor3A_226 = arith.xori %iota3A_223, %xor3A_225 : vector<16xi32>
        %broadcast_in_dim3A_227 = vector.shape_cast %xor3A_226 : vector<16xi32> to vector<16x1xi32>
        %gather3A_228 = vector.shape_cast %broadcast_in_dim3A_227 : vector<16x1xi32> to vector<16xi32>
        %gather3A_229 = tpu.dynamic_gather %mul3A_216[%gather3A_228] in [0] : vector<16xf32>, vector<16xi32> -> vector<16xf32>
        %add3A_230 = arith.addf %mul3A_216, %gather3A_229 : vector<16xf32>
        %select_n3A = arith.select %lt3A_13, %add3A_222, %add3A_230 : vector<16xi1>, vector<16xf32>
        %iota3A_231 = tpu.iota {dimensions = array<i32: 0>} : vector<16xi32>
        %xor3A_232 = arith.constant 4 : i32
        %xor3A_233 = vector.broadcast %xor3A_232 : i32 to vector<16xi32>
        %xor3A_234 = arith.xori %iota3A_231, %xor3A_233 : vector<16xi32>
        %broadcast_in_dim3A_235 = vector.shape_cast %xor3A_234 : vector<16xi32> to vector<16x1xi32>
        %gather3A_236 = vector.shape_cast %broadcast_in_dim3A_235 : vector<16x1xi32> to vector<16xi32>
        %gather3A_237 = tpu.dynamic_gather %select_n3A[%gather3A_236] in [0] : vector<16xf32>, vector<16xi32> -> vector<16xf32>
        %add3A_238 = arith.addf %select_n3A, %gather3A_237 : vector<16xf32>
        %iota3A_239 = tpu.iota {dimensions = array<i32: 0>} : vector<16xi32>
        %xor3A_240 = arith.constant 2 : i32
        %xor3A_241 = vector.broadcast %xor3A_240 : i32 to vector<16xi32>
        %xor3A_242 = arith.xori %iota3A_239, %xor3A_241 : vector<16xi32>
        %broadcast_in_dim3A_243 = vector.shape_cast %xor3A_242 : vector<16xi32> to vector<16x1xi32>
        %gather3A_244 = vector.shape_cast %broadcast_in_dim3A_243 : vector<16x1xi32> to vector<16xi32>
        %gather3A_245 = tpu.dynamic_gather %add3A_238[%gather3A_244] in [0] : vector<16xf32>, vector<16xi32> -> vector<16xf32>
        %add3A_246 = arith.addf %add3A_238, %gather3A_245 : vector<16xf32>
        %iota3A_247 = tpu.iota {dimensions = array<i32: 0>} : vector<16xi32>
        %xor3A_248 = arith.constant 1 : i32
        %xor3A_249 = vector.broadcast %xor3A_248 : i32 to vector<16xi32>
        %xor3A_250 = arith.xori %iota3A_247, %xor3A_249 : vector<16xi32>
        %broadcast_in_dim3A_251 = vector.shape_cast %xor3A_250 : vector<16xi32> to vector<16x1xi32>
        %gather3A_252 = vector.shape_cast %broadcast_in_dim3A_251 : vector<16x1xi32> to vector<16xi32>
        %gather3A_253 = tpu.dynamic_gather %add3A_246[%gather3A_252] in [0] : vector<16xf32>, vector<16xi32> -> vector<16xf32>
        %add3A_254 = arith.addf %add3A_246, %gather3A_253 : vector<16xf32>
        %eq3A = arith.constant 0 : i32
        %eq3A_255 = vector.broadcast %eq3A : i32 to vector<16xi32>
        %eq3A_256 = arith.cmpi eq, %and3A_15, %eq3A_255 : vector<16xi32>
        %select_n3A_257 = arith.select %eq3A_256, %add3A_254, %broadcast_in_dim3A_188 : vector<16xi1>, vector<16xf32>
        %get3A_258 = arith.index_cast %mul3A_184 : i32 to index
        %get3A_259 = arith.constant 16 : index
        %get3A_260 = tpu.vector_load %arg16[%get3A_258, %get3A_259] {strides = array<i32>} : memref<40x128xf32, #tpu.memory_space<vmem>>, vector<1x16xf32>,
        %get3A_261 = vector.shape_cast %get3A_260 : vector<1x16xf32> to vector<16xf32>
        %get3A_262 = arith.index_cast %mul3A_184 : i32 to index
        %get3A_263 = arith.constant 16 : index
        %get3A_264 = tpu.vector_load %arg18[%get3A_262, %get3A_263] {strides = array<i32>} : memref<40x128xf32, #tpu.memory_space<vmem>>, vector<1x16xf32>,
        %get3A_265 = vector.shape_cast %get3A_264 : vector<1x16xf32> to vector<16xf32>
        %get3A_266 = arith.index_cast %mul3A_184 : i32 to index
        %get3A_267 = arith.constant 16 : index
        %get3A_268 = tpu.vector_load %arg20[%get3A_266, %get3A_267] {strides = array<i32>} : memref<40x128xf32, #tpu.memory_space<vmem>>, vector<1x16xf32>,
        %get3A_269 = vector.shape_cast %get3A_268 : vector<1x16xf32> to vector<16xf32>
        %add3A_270 = arith.addf %get3A_265, %get3A_269 : vector<16xf32>
        %mul3A_271 = arith.mulf %get3A_261, %add3A_270 : vector<16xf32>
        %get3A_272 = arith.index_cast %add3A_186 : i32 to index
        %get3A_273 = arith.constant 16 : index
        %get3A_274 = tpu.vector_load %arg16[%get3A_272, %get3A_273] {strides = array<i32>} : memref<40x128xf32, #tpu.memory_space<vmem>>, vector<1x16xf32>,
        %get3A_275 = vector.shape_cast %get3A_274 : vector<1x16xf32> to vector<16xf32>
        %get3A_276 = arith.index_cast %add3A_186 : i32 to index
        %get3A_277 = arith.constant 16 : index
        %get3A_278 = tpu.vector_load %arg18[%get3A_276, %get3A_277] {strides = array<i32>} : memref<40x128xf32, #tpu.memory_space<vmem>>, vector<1x16xf32>,
        %get3A_279 = vector.shape_cast %get3A_278 : vector<1x16xf32> to vector<16xf32>
        %get3A_280 = arith.index_cast %add3A_186 : i32 to index
        %get3A_281 = arith.constant 16 : index
        %get3A_282 = tpu.vector_load %arg20[%get3A_280, %get3A_281] {strides = array<i32>} : memref<40x128xf32, #tpu.memory_space<vmem>>, vector<1x16xf32>,
        %get3A_283 = vector.shape_cast %get3A_282 : vector<1x16xf32> to vector<16xf32>
        %add3A_284 = arith.addf %get3A_279, %get3A_283 : vector<16xf32>
        %mul3A_285 = arith.mulf %get3A_275, %add3A_284 : vector<16xf32>
        %iota3A_286 = tpu.iota {dimensions = array<i32: 0>} : vector<16xi32>
        %xor3A_287 = arith.constant 8 : i32
        %xor3A_288 = vector.broadcast %xor3A_287 : i32 to vector<16xi32>
        %xor3A_289 = arith.xori %iota3A_286, %xor3A_288 : vector<16xi32>
        %broadcast_in_dim3A_290 = vector.shape_cast %xor3A_289 : vector<16xi32> to vector<16x1xi32>
        %gather3A_291 = vector.shape_cast %broadcast_in_dim3A_290 : vector<16x1xi32> to vector<16xi32>
        %gather3A_292 = tpu.dynamic_gather %mul3A_271[%gather3A_291] in [0] : vector<16xf32>, vector<16xi32> -> vector<16xf32>
        %add3A_293 = arith.addf %mul3A_271, %gather3A_292 : vector<16xf32>
        %iota3A_294 = tpu.iota {dimensions = array<i32: 0>} : vector<16xi32>
        %xor3A_295 = arith.constant 8 : i32
        %xor3A_296 = vector.broadcast %xor3A_295 : i32 to vector<16xi32>
        %xor3A_297 = arith.xori %iota3A_294, %xor3A_296 : vector<16xi32>
        %broadcast_in_dim3A_298 = vector.shape_cast %xor3A_297 : vector<16xi32> to vector<16x1xi32>
        %gather3A_299 = vector.shape_cast %broadcast_in_dim3A_298 : vector<16x1xi32> to vector<16xi32>
        %gather3A_300 = tpu.dynamic_gather %mul3A_285[%gather3A_299] in [0] : vector<16xf32>, vector<16xi32> -> vector<16xf32>
        %add3A_301 = arith.addf %mul3A_285, %gather3A_300 : vector<16xf32>
        %select_n3A_302 = arith.select %lt3A_13, %add3A_293, %add3A_301 : vector<16xi1>, vector<16xf32>
        %iota3A_303 = tpu.iota {dimensions = array<i32: 0>} : vector<16xi32>
        %xor3A_304 = arith.constant 4 : i32
        %xor3A_305 = vector.broadcast %xor3A_304 : i32 to vector<16xi32>
        %xor3A_306 = arith.xori %iota3A_303, %xor3A_305 : vector<16xi32>
        %broadcast_in_dim3A_307 = vector.shape_cast %xor3A_306 : vector<16xi32> to vector<16x1xi32>
        %gather3A_308 = vector.shape_cast %broadcast_in_dim3A_307 : vector<16x1xi32> to vector<16xi32>
        %gather3A_309 = tpu.dynamic_gather %select_n3A_302[%gather3A_308] in [0] : vector<16xf32>, vector<16xi32> -> vector<16xf32>
        %add3A_310 = arith.addf %select_n3A_302, %gather3A_309 : vector<16xf32>
        %iota3A_311 = tpu.iota {dimensions = array<i32: 0>} : vector<16xi32>
        %xor3A_312 = arith.constant 2 : i32
        %xor3A_313 = vector.broadcast %xor3A_312 : i32 to vector<16xi32>
        %xor3A_314 = arith.xori %iota3A_311, %xor3A_313 : vector<16xi32>
        %broadcast_in_dim3A_315 = vector.shape_cast %xor3A_314 : vector<16xi32> to vector<16x1xi32>
        %gather3A_316 = vector.shape_cast %broadcast_in_dim3A_315 : vector<16x1xi32> to vector<16xi32>
        %gather3A_317 = tpu.dynamic_gather %add3A_310[%gather3A_316] in [0] : vector<16xf32>, vector<16xi32> -> vector<16xf32>
        %add3A_318 = arith.addf %add3A_310, %gather3A_317 : vector<16xf32>
        %iota3A_319 = tpu.iota {dimensions = array<i32: 0>} : vector<16xi32>
        %xor3A_320 = arith.constant 1 : i32
        %xor3A_321 = vector.broadcast %xor3A_320 : i32 to vector<16xi32>
        %xor3A_322 = arith.xori %iota3A_319, %xor3A_321 : vector<16xi32>
        %broadcast_in_dim3A_323 = vector.shape_cast %xor3A_322 : vector<16xi32> to vector<16x1xi32>
        %gather3A_324 = vector.shape_cast %broadcast_in_dim3A_323 : vector<16x1xi32> to vector<16xi32>
        %gather3A_325 = tpu.dynamic_gather %add3A_318[%gather3A_324] in [0] : vector<16xf32>, vector<16xi32> -> vector<16xf32>
        %add3A_326 = arith.addf %add3A_318, %gather3A_325 : vector<16xf32>
        %eq3A_327 = arith.constant 1 : i32
        %eq3A_328 = vector.broadcast %eq3A_327 : i32 to vector<16xi32>
        %eq3A_329 = arith.cmpi eq, %and3A_15, %eq3A_328 : vector<16xi32>
        %select_n3A_330 = arith.select %eq3A_329, %add3A_326, %select_n3A_257 : vector<16xi1>, vector<16xf32>
        %get3A_331 = arith.index_cast %mul3A_184 : i32 to index
        %get3A_332 = arith.constant 32 : index
        %get3A_333 = tpu.vector_load %arg16[%get3A_331, %get3A_332] {strides = array<i32>} : memref<40x128xf32, #tpu.memory_space<vmem>>, vector<1x16xf32>,
        %get3A_334 = vector.shape_cast %get3A_333 : vector<1x16xf32> to vector<16xf32>
        %get3A_335 = arith.index_cast %mul3A_184 : i32 to index
        %get3A_336 = arith.constant 32 : index
        %get3A_337 = tpu.vector_load %arg18[%get3A_335, %get3A_336] {strides = array<i32>} : memref<40x128xf32, #tpu.memory_space<vmem>>, vector<1x16xf32>,
        %get3A_338 = vector.shape_cast %get3A_337 : vector<1x16xf32> to vector<16xf32>
        %get3A_339 = arith.index_cast %mul3A_184 : i32 to index
        %get3A_340 = arith.constant 32 : index
        %get3A_341 = tpu.vector_load %arg20[%get3A_339, %get3A_340] {strides = array<i32>} : memref<40x128xf32, #tpu.memory_space<vmem>>, vector<1x16xf32>,
        %get3A_342 = vector.shape_cast %get3A_341 : vector<1x16xf32> to vector<16xf32>
        %add3A_343 = arith.addf %get3A_338, %get3A_342 : vector<16xf32>
        %mul3A_344 = arith.mulf %get3A_334, %add3A_343 : vector<16xf32>
        %get3A_345 = arith.index_cast %add3A_186 : i32 to index
        %get3A_346 = arith.constant 32 : index
        %get3A_347 = tpu.vector_load %arg16[%get3A_345, %get3A_346] {strides = array<i32>} : memref<40x128xf32, #tpu.memory_space<vmem>>, vector<1x16xf32>,
        %get3A_348 = vector.shape_cast %get3A_347 : vector<1x16xf32> to vector<16xf32>
        %get3A_349 = arith.index_cast %add3A_186 : i32 to index
        %get3A_350 = arith.constant 32 : index
        %get3A_351 = tpu.vector_load %arg18[%get3A_349, %get3A_350] {strides = array<i32>} : memref<40x128xf32, #tpu.memory_space<vmem>>, vector<1x16xf32>,
        %get3A_352 = vector.shape_cast %get3A_351 : vector<1x16xf32> to vector<16xf32>
        %get3A_353 = arith.index_cast %add3A_186 : i32 to index
        %get3A_354 = arith.constant 32 : index
        %get3A_355 = tpu.vector_load %arg20[%get3A_353, %get3A_354] {strides = array<i32>} : memref<40x128xf32, #tpu.memory_space<vmem>>, vector<1x16xf32>,
        %get3A_356 = vector.shape_cast %get3A_355 : vector<1x16xf32> to vector<16xf32>
        %add3A_357 = arith.addf %get3A_352, %get3A_356 : vector<16xf32>
        %mul3A_358 = arith.mulf %get3A_348, %add3A_357 : vector<16xf32>
        %iota3A_359 = tpu.iota {dimensions = array<i32: 0>} : vector<16xi32>
        %xor3A_360 = arith.constant 8 : i32
        %xor3A_361 = vector.broadcast %xor3A_360 : i32 to vector<16xi32>
        %xor3A_362 = arith.xori %iota3A_359, %xor3A_361 : vector<16xi32>
        %broadcast_in_dim3A_363 = vector.shape_cast %xor3A_362 : vector<16xi32> to vector<16x1xi32>
        %gather3A_364 = vector.shape_cast %broadcast_in_dim3A_363 : vector<16x1xi32> to vector<16xi32>
        %gather3A_365 = tpu.dynamic_gather %mul3A_344[%gather3A_364] in [0] : vector<16xf32>, vector<16xi32> -> vector<16xf32>
        %add3A_366 = arith.addf %mul3A_344, %gather3A_365 : vector<16xf32>
        %iota3A_367 = tpu.iota {dimensions = array<i32: 0>} : vector<16xi32>
        %xor3A_368 = arith.constant 8 : i32
        %xor3A_369 = vector.broadcast %xor3A_368 : i32 to vector<16xi32>
        %xor3A_370 = arith.xori %iota3A_367, %xor3A_369 : vector<16xi32>
        %broadcast_in_dim3A_371 = vector.shape_cast %xor3A_370 : vector<16xi32> to vector<16x1xi32>
        %gather3A_372 = vector.shape_cast %broadcast_in_dim3A_371 : vector<16x1xi32> to vector<16xi32>
        %gather3A_373 = tpu.dynamic_gather %mul3A_358[%gather3A_372] in [0] : vector<16xf32>, vector<16xi32> -> vector<16xf32>
        %add3A_374 = arith.addf %mul3A_358, %gather3A_373 : vector<16xf32>
        %select_n3A_375 = arith.select %lt3A_13, %add3A_366, %add3A_374 : vector<16xi1>, vector<16xf32>
        %iota3A_376 = tpu.iota {dimensions = array<i32: 0>} : vector<16xi32>
        %xor3A_377 = arith.constant 4 : i32
        %xor3A_378 = vector.broadcast %xor3A_377 : i32 to vector<16xi32>
        %xor3A_379 = arith.xori %iota3A_376, %xor3A_378 : vector<16xi32>
        %broadcast_in_dim3A_380 = vector.shape_cast %xor3A_379 : vector<16xi32> to vector<16x1xi32>
        %gather3A_381 = vector.shape_cast %broadcast_in_dim3A_380 : vector<16x1xi32> to vector<16xi32>
        %gather3A_382 = tpu.dynamic_gather %select_n3A_375[%gather3A_381] in [0] : vector<16xf32>, vector<16xi32> -> vector<16xf32>
        %add3A_383 = arith.addf %select_n3A_375, %gather3A_382 : vector<16xf32>
        %iota3A_384 = tpu.iota {dimensions = array<i32: 0>} : vector<16xi32>
        %xor3A_385 = arith.constant 2 : i32
        %xor3A_386 = vector.broadcast %xor3A_385 : i32 to vector<16xi32>
        %xor3A_387 = arith.xori %iota3A_384, %xor3A_386 : vector<16xi32>
        %broadcast_in_dim3A_388 = vector.shape_cast %xor3A_387 : vector<16xi32> to vector<16x1xi32>
        %gather3A_389 = vector.shape_cast %broadcast_in_dim3A_388 : vector<16x1xi32> to vector<16xi32>
        %gather3A_390 = tpu.dynamic_gather %add3A_383[%gather3A_389] in [0] : vector<16xf32>, vector<16xi32> -> vector<16xf32>
        %add3A_391 = arith.addf %add3A_383, %gather3A_390 : vector<16xf32>
        %iota3A_392 = tpu.iota {dimensions = array<i32: 0>} : vector<16xi32>
        %xor3A_393 = arith.constant 1 : i32
        %xor3A_394 = vector.broadcast %xor3A_393 : i32 to vector<16xi32>
        %xor3A_395 = arith.xori %iota3A_392, %xor3A_394 : vector<16xi32>
        %broadcast_in_dim3A_396 = vector.shape_cast %xor3A_395 : vector<16xi32> to vector<16x1xi32>
        %gather3A_397 = vector.shape_cast %broadcast_in_dim3A_396 : vector<16x1xi32> to vector<16xi32>
        %gather3A_398 = tpu.dynamic_gather %add3A_391[%gather3A_397] in [0] : vector<16xf32>, vector<16xi32> -> vector<16xf32>
        %add3A_399 = arith.addf %add3A_391, %gather3A_398 : vector<16xf32>
        %eq3A_400 = arith.constant 2 : i32
        %eq3A_401 = vector.broadcast %eq3A_400 : i32 to vector<16xi32>
        %eq3A_402 = arith.cmpi eq, %and3A_15, %eq3A_401 : vector<16xi32>
        %select_n3A_403 = arith.select %eq3A_402, %add3A_399, %select_n3A_330 : vector<16xi1>, vector<16xf32>
        %get3A_404 = arith.index_cast %mul3A_184 : i32 to index
        %get3A_405 = arith.constant 48 : index
        %get3A_406 = tpu.vector_load %arg16[%get3A_404, %get3A_405] {strides = array<i32>} : memref<40x128xf32, #tpu.memory_space<vmem>>, vector<1x16xf32>,
        %get3A_407 = vector.shape_cast %get3A_406 : vector<1x16xf32> to vector<16xf32>
        %get3A_408 = arith.index_cast %mul3A_184 : i32 to index
        %get3A_409 = arith.constant 48 : index
        %get3A_410 = tpu.vector_load %arg18[%get3A_408, %get3A_409] {strides = array<i32>} : memref<40x128xf32, #tpu.memory_space<vmem>>, vector<1x16xf32>,
        %get3A_411 = vector.shape_cast %get3A_410 : vector<1x16xf32> to vector<16xf32>
        %get3A_412 = arith.index_cast %mul3A_184 : i32 to index
        %get3A_413 = arith.constant 48 : index
        %get3A_414 = tpu.vector_load %arg20[%get3A_412, %get3A_413] {strides = array<i32>} : memref<40x128xf32, #tpu.memory_space<vmem>>, vector<1x16xf32>,
        %get3A_415 = vector.shape_cast %get3A_414 : vector<1x16xf32> to vector<16xf32>
        %add3A_416 = arith.addf %get3A_411, %get3A_415 : vector<16xf32>
        %mul3A_417 = arith.mulf %get3A_407, %add3A_416 : vector<16xf32>
        %get3A_418 = arith.index_cast %add3A_186 : i32 to index
        %get3A_419 = arith.constant 48 : index
        %get3A_420 = tpu.vector_load %arg16[%get3A_418, %get3A_419] {strides = array<i32>} : memref<40x128xf32, #tpu.memory_space<vmem>>, vector<1x16xf32>,
        %get3A_421 = vector.shape_cast %get3A_420 : vector<1x16xf32> to vector<16xf32>
        %get3A_422 = arith.index_cast %add3A_186 : i32 to index
        %get3A_423 = arith.constant 48 : index
        %get3A_424 = tpu.vector_load %arg18[%get3A_422, %get3A_423] {strides = array<i32>} : memref<40x128xf32, #tpu.memory_space<vmem>>, vector<1x16xf32>,
        %get3A_425 = vector.shape_cast %get3A_424 : vector<1x16xf32> to vector<16xf32>
        %get3A_426 = arith.index_cast %add3A_186 : i32 to index
        %get3A_427 = arith.constant 48 : index
        %get3A_428 = tpu.vector_load %arg20[%get3A_426, %get3A_427] {strides = array<i32>} : memref<40x128xf32, #tpu.memory_space<vmem>>, vector<1x16xf32>,
        %get3A_429 = vector.shape_cast %get3A_428 : vector<1x16xf32> to vector<16xf32>
        %add3A_430 = arith.addf %get3A_425, %get3A_429 : vector<16xf32>
        %mul3A_431 = arith.mulf %get3A_421, %add3A_430 : vector<16xf32>
        %iota3A_432 = tpu.iota {dimensions = array<i32: 0>} : vector<16xi32>
        %xor3A_433 = arith.constant 8 : i32
        %xor3A_434 = vector.broadcast %xor3A_433 : i32 to vector<16xi32>
        %xor3A_435 = arith.xori %iota3A_432, %xor3A_434 : vector<16xi32>
        %broadcast_in_dim3A_436 = vector.shape_cast %xor3A_435 : vector<16xi32> to vector<16x1xi32>
        %gather3A_437 = vector.shape_cast %broadcast_in_dim3A_436 : vector<16x1xi32> to vector<16xi32>
        %gather3A_438 = tpu.dynamic_gather %mul3A_417[%gather3A_437] in [0] : vector<16xf32>, vector<16xi32> -> vector<16xf32>
        %add3A_439 = arith.addf %mul3A_417, %gather3A_438 : vector<16xf32>
        %iota3A_440 = tpu.iota {dimensions = array<i32: 0>} : vector<16xi32>
        %xor3A_441 = arith.constant 8 : i32
        %xor3A_442 = vector.broadcast %xor3A_441 : i32 to vector<16xi32>
        %xor3A_443 = arith.xori %iota3A_440, %xor3A_442 : vector<16xi32>
        %broadcast_in_dim3A_444 = vector.shape_cast %xor3A_443 : vector<16xi32> to vector<16x1xi32>
        %gather3A_445 = vector.shape_cast %broadcast_in_dim3A_444 : vector<16x1xi32> to vector<16xi32>
        %gather3A_446 = tpu.dynamic_gather %mul3A_431[%gather3A_445] in [0] : vector<16xf32>, vector<16xi32> -> vector<16xf32>
        %add3A_447 = arith.addf %mul3A_431, %gather3A_446 : vector<16xf32>
        %select_n3A_448 = arith.select %lt3A_13, %add3A_439, %add3A_447 : vector<16xi1>, vector<16xf32>
        %iota3A_449 = tpu.iota {dimensions = array<i32: 0>} : vector<16xi32>
        %xor3A_450 = arith.constant 4 : i32
        %xor3A_451 = vector.broadcast %xor3A_450 : i32 to vector<16xi32>
        %xor3A_452 = arith.xori %iota3A_449, %xor3A_451 : vector<16xi32>
        %broadcast_in_dim3A_453 = vector.shape_cast %xor3A_452 : vector<16xi32> to vector<16x1xi32>
        %gather3A_454 = vector.shape_cast %broadcast_in_dim3A_453 : vector<16x1xi32> to vector<16xi32>
        %gather3A_455 = tpu.dynamic_gather %select_n3A_448[%gather3A_454] in [0] : vector<16xf32>, vector<16xi32> -> vector<16xf32>
        %add3A_456 = arith.addf %select_n3A_448, %gather3A_455 : vector<16xf32>
        %iota3A_457 = tpu.iota {dimensions = array<i32: 0>} : vector<16xi32>
        %xor3A_458 = arith.constant 2 : i32
        %xor3A_459 = vector.broadcast %xor3A_458 : i32 to vector<16xi32>
        %xor3A_460 = arith.xori %iota3A_457, %xor3A_459 : vector<16xi32>
        %broadcast_in_dim3A_461 = vector.shape_cast %xor3A_460 : vector<16xi32> to vector<16x1xi32>
        %gather3A_462 = vector.shape_cast %broadcast_in_dim3A_461 : vector<16x1xi32> to vector<16xi32>
        %gather3A_463 = tpu.dynamic_gather %add3A_456[%gather3A_462] in [0] : vector<16xf32>, vector<16xi32> -> vector<16xf32>
        %add3A_464 = arith.addf %add3A_456, %gather3A_463 : vector<16xf32>
        %iota3A_465 = tpu.iota {dimensions = array<i32: 0>} : vector<16xi32>
        %xor3A_466 = arith.constant 1 : i32
        %xor3A_467 = vector.broadcast %xor3A_466 : i32 to vector<16xi32>
        %xor3A_468 = arith.xori %iota3A_465, %xor3A_467 : vector<16xi32>
        %broadcast_in_dim3A_469 = vector.shape_cast %xor3A_468 : vector<16xi32> to vector<16x1xi32>
        %gather3A_470 = vector.shape_cast %broadcast_in_dim3A_469 : vector<16x1xi32> to vector<16xi32>
        %gather3A_471 = tpu.dynamic_gather %add3A_464[%gather3A_470] in [0] : vector<16xf32>, vector<16xi32> -> vector<16xf32>
        %add3A_472 = arith.addf %add3A_464, %gather3A_471 : vector<16xf32>
        %eq3A_473 = arith.constant 3 : i32
        %eq3A_474 = vector.broadcast %eq3A_473 : i32 to vector<16xi32>
        %eq3A_475 = arith.cmpi eq, %and3A_15, %eq3A_474 : vector<16xi32>
        %select_n3A_476 = arith.select %eq3A_475, %add3A_472, %select_n3A_403 : vector<16xi1>, vector<16xf32>
        %get3A_477 = arith.index_cast %mul3A_184 : i32 to index
        %get3A_478 = arith.constant 64 : index
        %get3A_479 = tpu.vector_load %arg16[%get3A_477, %get3A_478] {strides = array<i32>} : memref<40x128xf32, #tpu.memory_space<vmem>>, vector<1x16xf32>,
        %get3A_480 = vector.shape_cast %get3A_479 : vector<1x16xf32> to vector<16xf32>
        %get3A_481 = arith.index_cast %mul3A_184 : i32 to index
        %get3A_482 = arith.constant 64 : index
        %get3A_483 = tpu.vector_load %arg18[%get3A_481, %get3A_482] {strides = array<i32>} : memref<40x128xf32, #tpu.memory_space<vmem>>, vector<1x16xf32>,
        %get3A_484 = vector.shape_cast %get3A_483 : vector<1x16xf32> to vector<16xf32>
        %get3A_485 = arith.index_cast %mul3A_184 : i32 to index
        %get3A_486 = arith.constant 64 : index
        %get3A_487 = tpu.vector_load %arg20[%get3A_485, %get3A_486] {strides = array<i32>} : memref<40x128xf32, #tpu.memory_space<vmem>>, vector<1x16xf32>,
        %get3A_488 = vector.shape_cast %get3A_487 : vector<1x16xf32> to vector<16xf32>
        %add3A_489 = arith.addf %get3A_484, %get3A_488 : vector<16xf32>
        %mul3A_490 = arith.mulf %get3A_480, %add3A_489 : vector<16xf32>
        %get3A_491 = arith.index_cast %add3A_186 : i32 to index
        %get3A_492 = arith.constant 64 : index
        %get3A_493 = tpu.vector_load %arg16[%get3A_491, %get3A_492] {strides = array<i32>} : memref<40x128xf32, #tpu.memory_space<vmem>>, vector<1x16xf32>,
        %get3A_494 = vector.shape_cast %get3A_493 : vector<1x16xf32> to vector<16xf32>
        %get3A_495 = arith.index_cast %add3A_186 : i32 to index
        %get3A_496 = arith.constant 64 : index
        %get3A_497 = tpu.vector_load %arg18[%get3A_495, %get3A_496] {strides = array<i32>} : memref<40x128xf32, #tpu.memory_space<vmem>>, vector<1x16xf32>,
        %get3A_498 = vector.shape_cast %get3A_497 : vector<1x16xf32> to vector<16xf32>
        %get3A_499 = arith.index_cast %add3A_186 : i32 to index
        %get3A_500 = arith.constant 64 : index
        %get3A_501 = tpu.vector_load %arg20[%get3A_499, %get3A_500] {strides = array<i32>} : memref<40x128xf32, #tpu.memory_space<vmem>>, vector<1x16xf32>,
        %get3A_502 = vector.shape_cast %get3A_501 : vector<1x16xf32> to vector<16xf32>
        %add3A_503 = arith.addf %get3A_498, %get3A_502 : vector<16xf32>
        %mul3A_504 = arith.mulf %get3A_494, %add3A_503 : vector<16xf32>
        %iota3A_505 = tpu.iota {dimensions = array<i32: 0>} : vector<16xi32>
        %xor3A_506 = arith.constant 8 : i32
        %xor3A_507 = vector.broadcast %xor3A_506 : i32 to vector<16xi32>
        %xor3A_508 = arith.xori %iota3A_505, %xor3A_507 : vector<16xi32>
        %broadcast_in_dim3A_509 = vector.shape_cast %xor3A_508 : vector<16xi32> to vector<16x1xi32>
        %gather3A_510 = vector.shape_cast %broadcast_in_dim3A_509 : vector<16x1xi32> to vector<16xi32>
        %gather3A_511 = tpu.dynamic_gather %mul3A_490[%gather3A_510] in [0] : vector<16xf32>, vector<16xi32> -> vector<16xf32>
        %add3A_512 = arith.addf %mul3A_490, %gather3A_511 : vector<16xf32>
        %iota3A_513 = tpu.iota {dimensions = array<i32: 0>} : vector<16xi32>
        %xor3A_514 = arith.constant 8 : i32
        %xor3A_515 = vector.broadcast %xor3A_514 : i32 to vector<16xi32>
        %xor3A_516 = arith.xori %iota3A_513, %xor3A_515 : vector<16xi32>
        %broadcast_in_dim3A_517 = vector.shape_cast %xor3A_516 : vector<16xi32> to vector<16x1xi32>
        %gather3A_518 = vector.shape_cast %broadcast_in_dim3A_517 : vector<16x1xi32> to vector<16xi32>
        %gather3A_519 = tpu.dynamic_gather %mul3A_504[%gather3A_518] in [0] : vector<16xf32>, vector<16xi32> -> vector<16xf32>
        %add3A_520 = arith.addf %mul3A_504, %gather3A_519 : vector<16xf32>
        %select_n3A_521 = arith.select %lt3A_13, %add3A_512, %add3A_520 : vector<16xi1>, vector<16xf32>
        %iota3A_522 = tpu.iota {dimensions = array<i32: 0>} : vector<16xi32>
        %xor3A_523 = arith.constant 4 : i32
        %xor3A_524 = vector.broadcast %xor3A_523 : i32 to vector<16xi32>
        %xor3A_525 = arith.xori %iota3A_522, %xor3A_524 : vector<16xi32>
        %broadcast_in_dim3A_526 = vector.shape_cast %xor3A_525 : vector<16xi32> to vector<16x1xi32>
        %gather3A_527 = vector.shape_cast %broadcast_in_dim3A_526 : vector<16x1xi32> to vector<16xi32>
        %gather3A_528 = tpu.dynamic_gather %select_n3A_521[%gather3A_527] in [0] : vector<16xf32>, vector<16xi32> -> vector<16xf32>
        %add3A_529 = arith.addf %select_n3A_521, %gather3A_528 : vector<16xf32>
        %iota3A_530 = tpu.iota {dimensions = array<i32: 0>} : vector<16xi32>
        %xor3A_531 = arith.constant 2 : i32
        %xor3A_532 = vector.broadcast %xor3A_531 : i32 to vector<16xi32>
        %xor3A_533 = arith.xori %iota3A_530, %xor3A_532 : vector<16xi32>
        %broadcast_in_dim3A_534 = vector.shape_cast %xor3A_533 : vector<16xi32> to vector<16x1xi32>
        %gather3A_535 = vector.shape_cast %broadcast_in_dim3A_534 : vector<16x1xi32> to vector<16xi32>
        %gather3A_536 = tpu.dynamic_gather %add3A_529[%gather3A_535] in [0] : vector<16xf32>, vector<16xi32> -> vector<16xf32>
        %add3A_537 = arith.addf %add3A_529, %gather3A_536 : vector<16xf32>
        %iota3A_538 = tpu.iota {dimensions = array<i32: 0>} : vector<16xi32>
        %xor3A_539 = arith.constant 1 : i32
        %xor3A_540 = vector.broadcast %xor3A_539 : i32 to vector<16xi32>
        %xor3A_541 = arith.xori %iota3A_538, %xor3A_540 : vector<16xi32>
        %broadcast_in_dim3A_542 = vector.shape_cast %xor3A_541 : vector<16xi32> to vector<16x1xi32>
        %gather3A_543 = vector.shape_cast %broadcast_in_dim3A_542 : vector<16x1xi32> to vector<16xi32>
        %gather3A_544 = tpu.dynamic_gather %add3A_537[%gather3A_543] in [0] : vector<16xf32>, vector<16xi32> -> vector<16xf32>
        %add3A_545 = arith.addf %add3A_537, %gather3A_544 : vector<16xf32>
        %eq3A_546 = arith.constant 4 : i32
        %eq3A_547 = vector.broadcast %eq3A_546 : i32 to vector<16xi32>
        %eq3A_548 = arith.cmpi eq, %and3A_15, %eq3A_547 : vector<16xi32>
        %select_n3A_549 = arith.select %eq3A_548, %add3A_545, %select_n3A_476 : vector<16xi1>, vector<16xf32>
        %get3A_550 = arith.index_cast %mul3A_184 : i32 to index
        %get3A_551 = arith.constant 80 : index
        %get3A_552 = tpu.vector_load %arg16[%get3A_550, %get3A_551] {strides = array<i32>} : memref<40x128xf32, #tpu.memory_space<vmem>>, vector<1x16xf32>,
        %get3A_553 = vector.shape_cast %get3A_552 : vector<1x16xf32> to vector<16xf32>
        %get3A_554 = arith.index_cast %mul3A_184 : i32 to index
        %get3A_555 = arith.constant 80 : index
        %get3A_556 = tpu.vector_load %arg18[%get3A_554, %get3A_555] {strides = array<i32>} : memref<40x128xf32, #tpu.memory_space<vmem>>, vector<1x16xf32>,
        %get3A_557 = vector.shape_cast %get3A_556 : vector<1x16xf32> to vector<16xf32>
        %get3A_558 = arith.index_cast %mul3A_184 : i32 to index
        %get3A_559 = arith.constant 80 : index
        %get3A_560 = tpu.vector_load %arg20[%get3A_558, %get3A_559] {strides = array<i32>} : memref<40x128xf32, #tpu.memory_space<vmem>>, vector<1x16xf32>,
        %get3A_561 = vector.shape_cast %get3A_560 : vector<1x16xf32> to vector<16xf32>
        %add3A_562 = arith.addf %get3A_557, %get3A_561 : vector<16xf32>
        %mul3A_563 = arith.mulf %get3A_553, %add3A_562 : vector<16xf32>
        %get3A_564 = arith.index_cast %add3A_186 : i32 to index
        %get3A_565 = arith.constant 80 : index
        %get3A_566 = tpu.vector_load %arg16[%get3A_564, %get3A_565] {strides = array<i32>} : memref<40x128xf32, #tpu.memory_space<vmem>>, vector<1x16xf32>,
        %get3A_567 = vector.shape_cast %get3A_566 : vector<1x16xf32> to vector<16xf32>
        %get3A_568 = arith.index_cast %add3A_186 : i32 to index
        %get3A_569 = arith.constant 80 : index
        %get3A_570 = tpu.vector_load %arg18[%get3A_568, %get3A_569] {strides = array<i32>} : memref<40x128xf32, #tpu.memory_space<vmem>>, vector<1x16xf32>,
        %get3A_571 = vector.shape_cast %get3A_570 : vector<1x16xf32> to vector<16xf32>
        %get3A_572 = arith.index_cast %add3A_186 : i32 to index
        %get3A_573 = arith.constant 80 : index
        %get3A_574 = tpu.vector_load %arg20[%get3A_572, %get3A_573] {strides = array<i32>} : memref<40x128xf32, #tpu.memory_space<vmem>>, vector<1x16xf32>,
        %get3A_575 = vector.shape_cast %get3A_574 : vector<1x16xf32> to vector<16xf32>
        %add3A_576 = arith.addf %get3A_571, %get3A_575 : vector<16xf32>
        %mul3A_577 = arith.mulf %get3A_567, %add3A_576 : vector<16xf32>
        %iota3A_578 = tpu.iota {dimensions = array<i32: 0>} : vector<16xi32>
        %xor3A_579 = arith.constant 8 : i32
        %xor3A_580 = vector.broadcast %xor3A_579 : i32 to vector<16xi32>
        %xor3A_581 = arith.xori %iota3A_578, %xor3A_580 : vector<16xi32>
        %broadcast_in_dim3A_582 = vector.shape_cast %xor3A_581 : vector<16xi32> to vector<16x1xi32>
        %gather3A_583 = vector.shape_cast %broadcast_in_dim3A_582 : vector<16x1xi32> to vector<16xi32>
        %gather3A_584 = tpu.dynamic_gather %mul3A_563[%gather3A_583] in [0] : vector<16xf32>, vector<16xi32> -> vector<16xf32>
        %add3A_585 = arith.addf %mul3A_563, %gather3A_584 : vector<16xf32>
        %iota3A_586 = tpu.iota {dimensions = array<i32: 0>} : vector<16xi32>
        %xor3A_587 = arith.constant 8 : i32
        %xor3A_588 = vector.broadcast %xor3A_587 : i32 to vector<16xi32>
        %xor3A_589 = arith.xori %iota3A_586, %xor3A_588 : vector<16xi32>
        %broadcast_in_dim3A_590 = vector.shape_cast %xor3A_589 : vector<16xi32> to vector<16x1xi32>
        %gather3A_591 = vector.shape_cast %broadcast_in_dim3A_590 : vector<16x1xi32> to vector<16xi32>
        %gather3A_592 = tpu.dynamic_gather %mul3A_577[%gather3A_591] in [0] : vector<16xf32>, vector<16xi32> -> vector<16xf32>
        %add3A_593 = arith.addf %mul3A_577, %gather3A_592 : vector<16xf32>
        %select_n3A_594 = arith.select %lt3A_13, %add3A_585, %add3A_593 : vector<16xi1>, vector<16xf32>
        %iota3A_595 = tpu.iota {dimensions = array<i32: 0>} : vector<16xi32>
        %xor3A_596 = arith.constant 4 : i32
        %xor3A_597 = vector.broadcast %xor3A_596 : i32 to vector<16xi32>
        %xor3A_598 = arith.xori %iota3A_595, %xor3A_597 : vector<16xi32>
        %broadcast_in_dim3A_599 = vector.shape_cast %xor3A_598 : vector<16xi32> to vector<16x1xi32>
        %gather3A_600 = vector.shape_cast %broadcast_in_dim3A_599 : vector<16x1xi32> to vector<16xi32>
        %gather3A_601 = tpu.dynamic_gather %select_n3A_594[%gather3A_600] in [0] : vector<16xf32>, vector<16xi32> -> vector<16xf32>
        %add3A_602 = arith.addf %select_n3A_594, %gather3A_601 : vector<16xf32>
        %iota3A_603 = tpu.iota {dimensions = array<i32: 0>} : vector<16xi32>
        %xor3A_604 = arith.constant 2 : i32
        %xor3A_605 = vector.broadcast %xor3A_604 : i32 to vector<16xi32>
        %xor3A_606 = arith.xori %iota3A_603, %xor3A_605 : vector<16xi32>
        %broadcast_in_dim3A_607 = vector.shape_cast %xor3A_606 : vector<16xi32> to vector<16x1xi32>
        %gather3A_608 = vector.shape_cast %broadcast_in_dim3A_607 : vector<16x1xi32> to vector<16xi32>
        %gather3A_609 = tpu.dynamic_gather %add3A_602[%gather3A_608] in [0] : vector<16xf32>, vector<16xi32> -> vector<16xf32>
        %add3A_610 = arith.addf %add3A_602, %gather3A_609 : vector<16xf32>
        %iota3A_611 = tpu.iota {dimensions = array<i32: 0>} : vector<16xi32>
        %xor3A_612 = arith.constant 1 : i32
        %xor3A_613 = vector.broadcast %xor3A_612 : i32 to vector<16xi32>
        %xor3A_614 = arith.xori %iota3A_611, %xor3A_613 : vector<16xi32>
        %broadcast_in_dim3A_615 = vector.shape_cast %xor3A_614 : vector<16xi32> to vector<16x1xi32>
        %gather3A_616 = vector.shape_cast %broadcast_in_dim3A_615 : vector<16x1xi32> to vector<16xi32>
        %gather3A_617 = tpu.dynamic_gather %add3A_610[%gather3A_616] in [0] : vector<16xf32>, vector<16xi32> -> vector<16xf32>
        %add3A_618 = arith.addf %add3A_610, %gather3A_617 : vector<16xf32>
        %eq3A_619 = arith.constant 5 : i32
        %eq3A_620 = vector.broadcast %eq3A_619 : i32 to vector<16xi32>
        %eq3A_621 = arith.cmpi eq, %and3A_15, %eq3A_620 : vector<16xi32>
        %select_n3A_622 = arith.select %eq3A_621, %add3A_618, %select_n3A_549 : vector<16xi1>, vector<16xf32>
        %get3A_623 = arith.index_cast %mul3A_184 : i32 to index
        %get3A_624 = arith.constant 96 : index
        %get3A_625 = tpu.vector_load %arg16[%get3A_623, %get3A_624] {strides = array<i32>} : memref<40x128xf32, #tpu.memory_space<vmem>>, vector<1x16xf32>,
        %get3A_626 = vector.shape_cast %get3A_625 : vector<1x16xf32> to vector<16xf32>
        %get3A_627 = arith.index_cast %mul3A_184 : i32 to index
        %get3A_628 = arith.constant 96 : index
        %get3A_629 = tpu.vector_load %arg18[%get3A_627, %get3A_628] {strides = array<i32>} : memref<40x128xf32, #tpu.memory_space<vmem>>, vector<1x16xf32>,
        %get3A_630 = vector.shape_cast %get3A_629 : vector<1x16xf32> to vector<16xf32>
        %get3A_631 = arith.index_cast %mul3A_184 : i32 to index
        %get3A_632 = arith.constant 96 : index
        %get3A_633 = tpu.vector_load %arg20[%get3A_631, %get3A_632] {strides = array<i32>} : memref<40x128xf32, #tpu.memory_space<vmem>>, vector<1x16xf32>,
        %get3A_634 = vector.shape_cast %get3A_633 : vector<1x16xf32> to vector<16xf32>
        %add3A_635 = arith.addf %get3A_630, %get3A_634 : vector<16xf32>
        %mul3A_636 = arith.mulf %get3A_626, %add3A_635 : vector<16xf32>
        %get3A_637 = arith.index_cast %add3A_186 : i32 to index
        %get3A_638 = arith.constant 96 : index
        %get3A_639 = tpu.vector_load %arg16[%get3A_637, %get3A_638] {strides = array<i32>} : memref<40x128xf32, #tpu.memory_space<vmem>>, vector<1x16xf32>,
        %get3A_640 = vector.shape_cast %get3A_639 : vector<1x16xf32> to vector<16xf32>
        %get3A_641 = arith.index_cast %add3A_186 : i32 to index
        %get3A_642 = arith.constant 96 : index
        %get3A_643 = tpu.vector_load %arg18[%get3A_641, %get3A_642] {strides = array<i32>} : memref<40x128xf32, #tpu.memory_space<vmem>>, vector<1x16xf32>,
        %get3A_644 = vector.shape_cast %get3A_643 : vector<1x16xf32> to vector<16xf32>
        %get3A_645 = arith.index_cast %add3A_186 : i32 to index
        %get3A_646 = arith.constant 96 : index
        %get3A_647 = tpu.vector_load %arg20[%get3A_645, %get3A_646] {strides = array<i32>} : memref<40x128xf32, #tpu.memory_space<vmem>>, vector<1x16xf32>,
        %get3A_648 = vector.shape_cast %get3A_647 : vector<1x16xf32> to vector<16xf32>
        %add3A_649 = arith.addf %get3A_644, %get3A_648 : vector<16xf32>
        %mul3A_650 = arith.mulf %get3A_640, %add3A_649 : vector<16xf32>
        %iota3A_651 = tpu.iota {dimensions = array<i32: 0>} : vector<16xi32>
        %xor3A_652 = arith.constant 8 : i32
        %xor3A_653 = vector.broadcast %xor3A_652 : i32 to vector<16xi32>
        %xor3A_654 = arith.xori %iota3A_651, %xor3A_653 : vector<16xi32>
        %broadcast_in_dim3A_655 = vector.shape_cast %xor3A_654 : vector<16xi32> to vector<16x1xi32>
        %gather3A_656 = vector.shape_cast %broadcast_in_dim3A_655 : vector<16x1xi32> to vector<16xi32>
        %gather3A_657 = tpu.dynamic_gather %mul3A_636[%gather3A_656] in [0] : vector<16xf32>, vector<16xi32> -> vector<16xf32>
        %add3A_658 = arith.addf %mul3A_636, %gather3A_657 : vector<16xf32>
        %iota3A_659 = tpu.iota {dimensions = array<i32: 0>} : vector<16xi32>
        %xor3A_660 = arith.constant 8 : i32
        %xor3A_661 = vector.broadcast %xor3A_660 : i32 to vector<16xi32>
        %xor3A_662 = arith.xori %iota3A_659, %xor3A_661 : vector<16xi32>
        %broadcast_in_dim3A_663 = vector.shape_cast %xor3A_662 : vector<16xi32> to vector<16x1xi32>
        %gather3A_664 = vector.shape_cast %broadcast_in_dim3A_663 : vector<16x1xi32> to vector<16xi32>
        %gather3A_665 = tpu.dynamic_gather %mul3A_650[%gather3A_664] in [0] : vector<16xf32>, vector<16xi32> -> vector<16xf32>
        %add3A_666 = arith.addf %mul3A_650, %gather3A_665 : vector<16xf32>
        %select_n3A_667 = arith.select %lt3A_13, %add3A_658, %add3A_666 : vector<16xi1>, vector<16xf32>
        %iota3A_668 = tpu.iota {dimensions = array<i32: 0>} : vector<16xi32>
        %xor3A_669 = arith.constant 4 : i32
        %xor3A_670 = vector.broadcast %xor3A_669 : i32 to vector<16xi32>
        %xor3A_671 = arith.xori %iota3A_668, %xor3A_670 : vector<16xi32>
        %broadcast_in_dim3A_672 = vector.shape_cast %xor3A_671 : vector<16xi32> to vector<16x1xi32>
        %gather3A_673 = vector.shape_cast %broadcast_in_dim3A_672 : vector<16x1xi32> to vector<16xi32>
        %gather3A_674 = tpu.dynamic_gather %select_n3A_667[%gather3A_673] in [0] : vector<16xf32>, vector<16xi32> -> vector<16xf32>
        %add3A_675 = arith.addf %select_n3A_667, %gather3A_674 : vector<16xf32>
        %iota3A_676 = tpu.iota {dimensions = array<i32: 0>} : vector<16xi32>
        %xor3A_677 = arith.constant 2 : i32
        %xor3A_678 = vector.broadcast %xor3A_677 : i32 to vector<16xi32>
        %xor3A_679 = arith.xori %iota3A_676, %xor3A_678 : vector<16xi32>
        %broadcast_in_dim3A_680 = vector.shape_cast %xor3A_679 : vector<16xi32> to vector<16x1xi32>
        %gather3A_681 = vector.shape_cast %broadcast_in_dim3A_680 : vector<16x1xi32> to vector<16xi32>
        %gather3A_682 = tpu.dynamic_gather %add3A_675[%gather3A_681] in [0] : vector<16xf32>, vector<16xi32> -> vector<16xf32>
        %add3A_683 = arith.addf %add3A_675, %gather3A_682 : vector<16xf32>
        %iota3A_684 = tpu.iota {dimensions = array<i32: 0>} : vector<16xi32>
        %xor3A_685 = arith.constant 1 : i32
        %xor3A_686 = vector.broadcast %xor3A_685 : i32 to vector<16xi32>
        %xor3A_687 = arith.xori %iota3A_684, %xor3A_686 : vector<16xi32>
        %broadcast_in_dim3A_688 = vector.shape_cast %xor3A_687 : vector<16xi32> to vector<16x1xi32>
        %gather3A_689 = vector.shape_cast %broadcast_in_dim3A_688 : vector<16x1xi32> to vector<16xi32>
        %gather3A_690 = tpu.dynamic_gather %add3A_683[%gather3A_689] in [0] : vector<16xf32>, vector<16xi32> -> vector<16xf32>
        %add3A_691 = arith.addf %add3A_683, %gather3A_690 : vector<16xf32>
        %eq3A_692 = arith.constant 6 : i32
        %eq3A_693 = vector.broadcast %eq3A_692 : i32 to vector<16xi32>
        %eq3A_694 = arith.cmpi eq, %and3A_15, %eq3A_693 : vector<16xi32>
        %select_n3A_695 = arith.select %eq3A_694, %add3A_691, %select_n3A_622 : vector<16xi1>, vector<16xf32>
        %get3A_696 = arith.index_cast %mul3A_184 : i32 to index
        %get3A_697 = arith.constant 112 : index
        %get3A_698 = tpu.vector_load %arg16[%get3A_696, %get3A_697] {strides = array<i32>} : memref<40x128xf32, #tpu.memory_space<vmem>>, vector<1x16xf32>,
        %get3A_699 = vector.shape_cast %get3A_698 : vector<1x16xf32> to vector<16xf32>
        %get3A_700 = arith.index_cast %mul3A_184 : i32 to index
        %get3A_701 = arith.constant 112 : index
        %get3A_702 = tpu.vector_load %arg18[%get3A_700, %get3A_701] {strides = array<i32>} : memref<40x128xf32, #tpu.memory_space<vmem>>, vector<1x16xf32>,
        %get3A_703 = vector.shape_cast %get3A_702 : vector<1x16xf32> to vector<16xf32>
        %get3A_704 = arith.index_cast %mul3A_184 : i32 to index
        %get3A_705 = arith.constant 112 : index
        %get3A_706 = tpu.vector_load %arg20[%get3A_704, %get3A_705] {strides = array<i32>} : memref<40x128xf32, #tpu.memory_space<vmem>>, vector<1x16xf32>,
        %get3A_707 = vector.shape_cast %get3A_706 : vector<1x16xf32> to vector<16xf32>
        %add3A_708 = arith.addf %get3A_703, %get3A_707 : vector<16xf32>
        %mul3A_709 = arith.mulf %get3A_699, %add3A_708 : vector<16xf32>
        %get3A_710 = arith.index_cast %add3A_186 : i32 to index
        %get3A_711 = arith.constant 112 : index
        %get3A_712 = tpu.vector_load %arg16[%get3A_710, %get3A_711] {strides = array<i32>} : memref<40x128xf32, #tpu.memory_space<vmem>>, vector<1x16xf32>,
        %get3A_713 = vector.shape_cast %get3A_712 : vector<1x16xf32> to vector<16xf32>
        %get3A_714 = arith.index_cast %add3A_186 : i32 to index
        %get3A_715 = arith.constant 112 : index
        %get3A_716 = tpu.vector_load %arg18[%get3A_714, %get3A_715] {strides = array<i32>} : memref<40x128xf32, #tpu.memory_space<vmem>>, vector<1x16xf32>,
        %get3A_717 = vector.shape_cast %get3A_716 : vector<1x16xf32> to vector<16xf32>
        %get3A_718 = arith.index_cast %add3A_186 : i32 to index
        %get3A_719 = arith.constant 112 : index
        %get3A_720 = tpu.vector_load %arg20[%get3A_718, %get3A_719] {strides = array<i32>} : memref<40x128xf32, #tpu.memory_space<vmem>>, vector<1x16xf32>,
        %get3A_721 = vector.shape_cast %get3A_720 : vector<1x16xf32> to vector<16xf32>
        %add3A_722 = arith.addf %get3A_717, %get3A_721 : vector<16xf32>
        %mul3A_723 = arith.mulf %get3A_713, %add3A_722 : vector<16xf32>
        %iota3A_724 = tpu.iota {dimensions = array<i32: 0>} : vector<16xi32>
        %xor3A_725 = arith.constant 8 : i32
        %xor3A_726 = vector.broadcast %xor3A_725 : i32 to vector<16xi32>
        %xor3A_727 = arith.xori %iota3A_724, %xor3A_726 : vector<16xi32>
        %broadcast_in_dim3A_728 = vector.shape_cast %xor3A_727 : vector<16xi32> to vector<16x1xi32>
        %gather3A_729 = vector.shape_cast %broadcast_in_dim3A_728 : vector<16x1xi32> to vector<16xi32>
        %gather3A_730 = tpu.dynamic_gather %mul3A_709[%gather3A_729] in [0] : vector<16xf32>, vector<16xi32> -> vector<16xf32>
        %add3A_731 = arith.addf %mul3A_709, %gather3A_730 : vector<16xf32>
        %iota3A_732 = tpu.iota {dimensions = array<i32: 0>} : vector<16xi32>
        %xor3A_733 = arith.constant 8 : i32
        %xor3A_734 = vector.broadcast %xor3A_733 : i32 to vector<16xi32>
        %xor3A_735 = arith.xori %iota3A_732, %xor3A_734 : vector<16xi32>
        %broadcast_in_dim3A_736 = vector.shape_cast %xor3A_735 : vector<16xi32> to vector<16x1xi32>
        %gather3A_737 = vector.shape_cast %broadcast_in_dim3A_736 : vector<16x1xi32> to vector<16xi32>
        %gather3A_738 = tpu.dynamic_gather %mul3A_723[%gather3A_737] in [0] : vector<16xf32>, vector<16xi32> -> vector<16xf32>
        %add3A_739 = arith.addf %mul3A_723, %gather3A_738 : vector<16xf32>
        %select_n3A_740 = arith.select %lt3A_13, %add3A_731, %add3A_739 : vector<16xi1>, vector<16xf32>
        %iota3A_741 = tpu.iota {dimensions = array<i32: 0>} : vector<16xi32>
        %xor3A_742 = arith.constant 4 : i32
        %xor3A_743 = vector.broadcast %xor3A_742 : i32 to vector<16xi32>
        %xor3A_744 = arith.xori %iota3A_741, %xor3A_743 : vector<16xi32>
        %broadcast_in_dim3A_745 = vector.shape_cast %xor3A_744 : vector<16xi32> to vector<16x1xi32>
        %gather3A_746 = vector.shape_cast %broadcast_in_dim3A_745 : vector<16x1xi32> to vector<16xi32>
        %gather3A_747 = tpu.dynamic_gather %select_n3A_740[%gather3A_746] in [0] : vector<16xf32>, vector<16xi32> -> vector<16xf32>
        %add3A_748 = arith.addf %select_n3A_740, %gather3A_747 : vector<16xf32>
        %iota3A_749 = tpu.iota {dimensions = array<i32: 0>} : vector<16xi32>
        %xor3A_750 = arith.constant 2 : i32
        %xor3A_751 = vector.broadcast %xor3A_750 : i32 to vector<16xi32>
        %xor3A_752 = arith.xori %iota3A_749, %xor3A_751 : vector<16xi32>
        %broadcast_in_dim3A_753 = vector.shape_cast %xor3A_752 : vector<16xi32> to vector<16x1xi32>
        %gather3A_754 = vector.shape_cast %broadcast_in_dim3A_753 : vector<16x1xi32> to vector<16xi32>
        %gather3A_755 = tpu.dynamic_gather %add3A_748[%gather3A_754] in [0] : vector<16xf32>, vector<16xi32> -> vector<16xf32>
        %add3A_756 = arith.addf %add3A_748, %gather3A_755 : vector<16xf32>
        %iota3A_757 = tpu.iota {dimensions = array<i32: 0>} : vector<16xi32>
        %xor3A_758 = arith.constant 1 : i32
        %xor3A_759 = vector.broadcast %xor3A_758 : i32 to vector<16xi32>
        %xor3A_760 = arith.xori %iota3A_757, %xor3A_759 : vector<16xi32>
        %broadcast_in_dim3A_761 = vector.shape_cast %xor3A_760 : vector<16xi32> to vector<16x1xi32>
        %gather3A_762 = vector.shape_cast %broadcast_in_dim3A_761 : vector<16x1xi32> to vector<16xi32>
        %gather3A_763 = tpu.dynamic_gather %add3A_756[%gather3A_762] in [0] : vector<16xf32>, vector<16xi32> -> vector<16xf32>
        %add3A_764 = arith.addf %add3A_756, %gather3A_763 : vector<16xf32>
        %eq3A_765 = arith.constant 7 : i32
        %eq3A_766 = vector.broadcast %eq3A_765 : i32 to vector<16xi32>
        %eq3A_767 = arith.cmpi eq, %and3A_15, %eq3A_766 : vector<16xi32>
        %select_n3A_768 = arith.select %eq3A_767, %add3A_764, %select_n3A_695 : vector<16xi1>, vector<16xf32>
        %mul3A_769 = arith.constant 2.500000e-01 : f32
        %mul3A_770 = vector.broadcast %mul3A_769 : f32 to vector<16xf32>
        %mul3A_771 = arith.mulf %select_n3A_768, %mul3A_770 : vector<16xf32>
        %exp3A = math.exp %mul3A_771 : vector<16xf32>
        %broadcast_in_dim3A_772 = arith.constant 0.000000e+00 : f32
        %broadcast_in_dim3A_773 = vector.broadcast %broadcast_in_dim3A_772 : f32 to vector<16xf32>
        %select_n3A_774 = arith.select %lt3A_13, %exp3A, %broadcast_in_dim3A_773 : vector<16xi1>, vector<16xf32>
        %iota3A_775 = tpu.iota {dimensions = array<i32: 0>} : vector<16xi32>
        %xor3A_776 = arith.constant 8 : i32
        %xor3A_777 = vector.broadcast %xor3A_776 : i32 to vector<16xi32>
        %xor3A_778 = arith.xori %iota3A_775, %xor3A_777 : vector<16xi32>
        %broadcast_in_dim3A_779 = vector.shape_cast %xor3A_778 : vector<16xi32> to vector<16x1xi32>
        %gather3A_780 = vector.shape_cast %broadcast_in_dim3A_779 : vector<16x1xi32> to vector<16xi32>
        %gather3A_781 = tpu.dynamic_gather %exp3A[%gather3A_780] in [0] : vector<16xf32>, vector<16xi32> -> vector<16xf32>
        %select_n3A_782 = arith.select %lt3A_13, %gather3A_781, %broadcast_in_dim3A_773 : vector<16xi1>, vector<16xf32>
        %swap3A_783 = arith.index_cast %mul3A_184 : i32 to index
        %swap3A_784 = arith.constant 0 : index
        %swap3A_785 = tpu.vector_load %arg21[%swap3A_783, %swap3A_784] {strides = array<i32>} : memref<40x16xf32, #tpu.memory_space<vmem>>, vector<1x16xf32>,
        %swap3A_786 = vector.shape_cast %swap3A_785 : vector<1x16xf32> to vector<16xf32>
        %swap3A_787 = vector.shape_cast %select_n3A_774 : vector<16xf32> to vector<1x16xf32>
        tpu.vector_store %arg21[%swap3A_783, %swap3A_784], %swap3A_787 {strides = array<i32>} : memref<40x16xf32, #tpu.memory_space<vmem>>, vector<1x16xf32>,
        %swap3A_788 = arith.index_cast %add3A_186 : i32 to index
        %swap3A_789 = arith.constant 0 : index
        %swap3A_790 = tpu.vector_load %arg21[%swap3A_788, %swap3A_789] {strides = array<i32>} : memref<40x16xf32, #tpu.memory_space<vmem>>, vector<1x16xf32>,
        %swap3A_791 = vector.shape_cast %swap3A_790 : vector<1x16xf32> to vector<16xf32>
        %swap3A_792 = vector.shape_cast %select_n3A_782 : vector<16xf32> to vector<1x16xf32>
        tpu.vector_store %arg21[%swap3A_788, %swap3A_789], %swap3A_792 {strides = array<i32>} : memref<40x16xf32, #tpu.memory_space<vmem>>, vector<1x16xf32>,
        %swap3A_793 = arith.index_cast %mul3A_184 : i32 to index
        %swap3A_794 = arith.constant 0 : index
        %swap3A_795 = tpu.vector_load %arg23[%swap3A_793, %swap3A_794] {strides = array<i32>} : memref<40x128xf32, #tpu.memory_space<vmem>>, vector<1x16xf32>,
        %swap3A_796 = vector.shape_cast %swap3A_795 : vector<1x16xf32> to vector<16xf32>
        %swap3A_797 = vector.shape_cast %select_n3A_774 : vector<16xf32> to vector<1x16xf32>
        tpu.vector_store %arg23[%swap3A_793, %swap3A_794], %swap3A_797 {strides = array<i32>} : memref<40x128xf32, #tpu.memory_space<vmem>>, vector<1x16xf32>,
        %swap3A_798 = arith.index_cast %add3A_186 : i32 to index
        %swap3A_799 = arith.constant 0 : index
        %swap3A_800 = tpu.vector_load %arg23[%swap3A_798, %swap3A_799] {strides = array<i32>} : memref<40x128xf32, #tpu.memory_space<vmem>>, vector<1x16xf32>,
        %swap3A_801 = vector.shape_cast %swap3A_800 : vector<1x16xf32> to vector<16xf32>
        %swap3A_802 = vector.shape_cast %select_n3A_782 : vector<16xf32> to vector<1x16xf32>
        tpu.vector_store %arg23[%swap3A_798, %swap3A_799], %swap3A_802 {strides = array<i32>} : memref<40x128xf32, #tpu.memory_space<vmem>>, vector<1x16xf32>,
      }
      %scan3A_153 = arith.constant 20 : i32
      %get3A_154 = arith.constant 0 : index
      %get3A_155 = tpu.vector_load %arg12[%get3A_154] {strides = array<i32>} : memref<40xi32, #tpu.memory_space<vmem>>, vector<16xi32>,
      %get3A_156 = vector.shape_cast %get3A_155 : vector<16xi32> to vector<16xi32>
      %swap3A_157 = arith.constant 0 : index
      %swap3A_158 = tpu.vector_load %arg14[%swap3A_157] {strides = array<i32>} : memref<40xi32, #tpu.memory_space<vmem>>, vector<16xi32>,
      %swap3A_159 = vector.shape_cast %swap3A_158 : vector<16xi32> to vector<16xi32>
      %swap3A_160 = vector.shape_cast %get3A_156 : vector<16xi32> to vector<16xi32>
      tpu.vector_store %arg14[%swap3A_157], %swap3A_160 {strides = array<i32>} : memref<40xi32, #tpu.memory_space<vmem>>, vector<16xi32>,
      %get3A_161 = arith.constant 16 : index
      %get3A_162 = tpu.vector_load %arg12[%get3A_161] {strides = array<i32>} : memref<40xi32, #tpu.memory_space<vmem>>, vector<16xi32>,
      %get3A_163 = vector.shape_cast %get3A_162 : vector<16xi32> to vector<16xi32>
      %swap3A_164 = arith.constant 16 : index
      %swap3A_165 = tpu.vector_load %arg14[%swap3A_164] {strides = array<i32>} : memref<40xi32, #tpu.memory_space<vmem>>, vector<16xi32>,
      %swap3A_166 = vector.shape_cast %swap3A_165 : vector<16xi32> to vector<16xi32>
      %swap3A_167 = vector.shape_cast %get3A_163 : vector<16xi32> to vector<16xi32>
      tpu.vector_store %arg14[%swap3A_164], %swap3A_167 {strides = array<i32>} : memref<40xi32, #tpu.memory_space<vmem>>, vector<16xi32>,
      %get3A_168 = arith.constant 24 : index
      %get3A_169 = tpu.vector_load %arg12[%get3A_168] {strides = array<i32>} : memref<40xi32, #tpu.memory_space<vmem>>, vector<16xi32>,
      %get3A_170 = vector.shape_cast %get3A_169 : vector<16xi32> to vector<16xi32>
      %swap3A_171 = arith.constant 24 : index
      %swap3A_172 = tpu.vector_load %arg14[%swap3A_171] {strides = array<i32>} : memref<40xi32, #tpu.memory_space<vmem>>, vector<16xi32>,
      %swap3A_173 = vector.shape_cast %swap3A_172 : vector<16xi32> to vector<16xi32>
      %swap3A_174 = vector.shape_cast %get3A_170 : vector<16xi32> to vector<16xi32>
      tpu.vector_store %arg14[%swap3A_171], %swap3A_174 {strides = array<i32>} : memref<40xi32, #tpu.memory_space<vmem>>, vector<16xi32>,
      %dma_start3A_175 = arith.constant 0 : i32
      %dma_start3A_176 = tpu.memref_slice %arg7[%multiple_of3A_120, %dma_start3A_175] : memref<320000x16xf32, #tpu.memory_space<hbm>> -> memref<40x16xf32, #tpu.memory_space<hbm>>
      %dma_start3A_177 = arith.constant 0 : i32
      %dma_start3A_178 = tpu.memref_slice %arg7[%multiple_of3A_120, %dma_start3A_177] : memref<320000x16xf32, #tpu.memory_space<hbm>> -> memref<40x16xf32, #tpu.memory_space<hbm>>
      tpu.enqueue_dma source(%arg21 : memref<40x16xf32, #tpu.memory_space<vmem>>) target(%dma_start3A_178 : memref<40x16xf32, #tpu.memory_space<hbm>>) target_semaphore(%arg31 : memref<!tpu.dma_semaphore, #tpu.memory_space<semaphore_mem>>)
      %dma_start3A_179 = arith.constant 0 : i32
      %dma_start3A_180 = arith.constant 0 : i32
      %dma_start3A_181 = tpu.memref_slice %arg24[%dma_start3A_179, %dma_start3A_180] : memref<10000x128xf32, #tpu.memory_space<vmem_shared>> -> memref<10000x128xf32, #tpu.memory_space<vmem_shared>>
      tpu.enqueue_indirect_dma source(%arg23 : memref<40x128xf32, #tpu.memory_space<vmem>>) target(%dma_start3A_181 : memref<10000x128xf32, #tpu.memory_space<vmem_shared>>) offsets(%arg14 : memref<40xi32, #tpu.memory_space<vmem>>) semaphore(%arg33 : memref<!tpu.dma_semaphore, #tpu.memory_space<semaphore_mem>>) {add = true}
    }
    %scan3A_32 = arith.constant 125 : i32
    %dma_wait3A = arith.constant 0 : i32
    %dma_wait3A_33 = arith.constant 0 : i32
    %dma_wait3A_34 = tpu.memref_slice %arg24[%dma_wait3A, %dma_wait3A_33] : memref<10000x128xf32, #tpu.memory_space<vmem_shared>> -> memref<10000x128xf32, #tpu.memory_space<vmem_shared>>
    tpu.wait_indirect_dma semaphore(%arg32 : memref<!tpu.dma_semaphore, #tpu.memory_space<semaphore_mem>>) src(%arg22 : memref<40x128xf32, #tpu.memory_space<vmem>>) dst(%dma_wait3A_34 : memref<10000x128xf32, #tpu.memory_space<vmem_shared>>)
    %dma_wait3A_35 = arith.constant 0 : i32
    %dma_wait3A_36 = arith.constant 0 : i32
    %dma_wait3A_37 = tpu.memref_slice %arg24[%dma_wait3A_35, %dma_wait3A_36] : memref<10000x128xf32, #tpu.memory_space<vmem_shared>> -> memref<10000x128xf32, #tpu.memory_space<vmem_shared>>
    tpu.wait_indirect_dma semaphore(%arg33 : memref<!tpu.dma_semaphore, #tpu.memory_space<semaphore_mem>>) src(%arg23 : memref<40x128xf32, #tpu.memory_space<vmem>>) dst(%dma_wait3A_37 : memref<10000x128xf32, #tpu.memory_space<vmem_shared>>)
    %dma_wait3A_38 = arith.constant 0 : i32
    %dma_wait3A_39 = tpu.memref_slice %arg7[%mul3A_2, %dma_wait3A_38] : memref<320000x16xf32, #tpu.memory_space<hbm>> -> memref<40x16xf32, #tpu.memory_space<hbm>>
    %dma_wait3A_40 = arith.constant 0 : i32
    %dma_wait3A_41 = tpu.memref_slice %arg7[%mul3A_2, %dma_wait3A_40] : memref<320000x16xf32, #tpu.memory_space<hbm>> -> memref<40x16xf32, #tpu.memory_space<hbm>>
    tpu.wait_dma2 semaphore(%arg31 : memref<!tpu.dma_semaphore, #tpu.memory_space<semaphore_mem>>) src(%arg21 : memref<40x16xf32, #tpu.memory_space<vmem>>) dst(%dma_wait3A_41 : memref<40x16xf32, #tpu.memory_space<hbm>>)
    %barrier3A_42 = arith.constant 0 : index
    tpu.barrier barrier_id(%barrier3A_42)
    %lt3A_43 = arith.constant 10 : i32
    %lt3A_44 = arith.cmpi slt, %arg1, %lt3A_43 : i32
    %convert_element_type3A_45 = arith.extui %lt3A_44 : i1 to i32
    %cond3A_46 = arith.constant 0 : i32
    %cond3A_47 = arith.cmpi ne, %convert_element_type3A_45, %cond3A_46 : i32
    scf.if %cond3A_47 {
      %mul3A_48 = arith.constant 1000 : i32
      %mul3A_49 = arith.muli %arg1, %mul3A_48 : i32
      %mul3A_50 = arith.constant 10000 : i32
      %mul3A_51 = arith.muli %arg0, %mul3A_50 : i32
      %mul3A_52 = arith.constant 1000 : i32
      %mul3A_53 = arith.muli %arg1, %mul3A_52 : i32
      %add3A_54 = arith.addi %mul3A_51, %mul3A_53 : i32
      "tpu.region"() ({
        %run_scoped3A = tpu.sem_alloc : memref<!tpu.dma_semaphore, #tpu.memory_space<semaphore_mem>>
        %dma_start3A_55 = arith.constant 0 : i32
        %dma_start3A_56 = tpu.memref_slice %arg8[%add3A_54, %dma_start3A_55] : memref<20000x128xf32, #tpu.memory_space<hbm>> -> memref<1000x128xf32, #tpu.memory_space<hbm>>
        %dma_start3A_57 = arith.constant 0 : i32
        %dma_start3A_58 = tpu.memref_slice %arg24[%mul3A_49, %dma_start3A_57] : memref<10000x128xf32, #tpu.memory_space<vmem_shared>> -> memref<1000x128xf32, #tpu.memory_space<vmem_shared>>
        tpu.enqueue_dma source(%dma_start3A_58 : memref<1000x128xf32, #tpu.memory_space<vmem_shared>>) target(%dma_start3A_56 : memref<1000x128xf32, #tpu.memory_space<hbm>>) target_semaphore(%run_scoped3A : memref<!tpu.dma_semaphore, #tpu.memory_space<semaphore_mem>>)
        %dma_wait3A_59 = arith.constant 0 : i32
        %dma_wait3A_60 = tpu.memref_slice %arg8[%add3A_54, %dma_wait3A_59] : memref<20000x128xf32, #tpu.memory_space<hbm>> -> memref<1000x128xf32, #tpu.memory_space<hbm>>
        %dma_wait3A_61 = arith.constant 0 : i32
        %dma_wait3A_62 = tpu.memref_slice %arg24[%mul3A_49, %dma_wait3A_61] : memref<10000x128xf32, #tpu.memory_space<vmem_shared>> -> memref<1000x128xf32, #tpu.memory_space<vmem_shared>>
        tpu.wait_dma2 semaphore(%run_scoped3A : memref<!tpu.dma_semaphore, #tpu.memory_space<semaphore_mem>>) src(%dma_wait3A_62 : memref<1000x128xf32, #tpu.memory_space<vmem_shared>>) dst(%dma_wait3A_60 : memref<1000x128xf32, #tpu.memory_space<hbm>>)
        tpu.yield
      }) : () -> ()
    } else {
    }
    return
  }
}

module attributes {stable_mosaic.version = 14 : i64} {
  func.func @_densum_body(%arg0: i32, %arg1: memref<1000x128xf32, #tpu.memory_space<vmem>>, %arg2: memref<1000x128xf32, #tpu.memory_space<vmem>>, %arg3: memref<1000x128xf32, #tpu.memory_space<vmem>>) attributes {dimension_semantics = [#tpu.dimension_semantics<arbitrary>], iteration_bounds = array<i64: 10>, scalar_prefetch = 0 : i64, scratch_operands = 0 : i64, tpu.core_type = #tpu.core_type<tc>, window_params = [{transform_indices = @transform_0, window_bounds = array<i64: 1000, 128>}, {transform_indices = @transform_1, window_bounds = array<i64: 1000, 128>}, {transform_indices = @transform_2, window_bounds = array<i64: 1000, 128>}]} {
    %get3A = arith.constant 0 : index
    %get3A_0 = arith.constant 0 : index
    %get3A_1 = vector.load %arg1[%get3A, %get3A_0] : memref<1000x128xf32, #tpu.memory_space<vmem>>, vector<1000x128xf32>
    %get3A_2 = arith.constant 0 : index
    %get3A_3 = arith.constant 0 : index
    %get3A_4 = vector.load %arg2[%get3A_2, %get3A_3] : memref<1000x128xf32, #tpu.memory_space<vmem>>, vector<1000x128xf32>
    %add3A = arith.addf %get3A_1, %get3A_4 : vector<1000x128xf32>
    %swap3A = arith.constant 0 : index
    %swap3A_5 = arith.constant 0 : index
    %swap3A_6 = vector.load %arg3[%swap3A, %swap3A_5] : memref<1000x128xf32, #tpu.memory_space<vmem>>, vector<1000x128xf32>
    tpu.vector_store %arg3[%swap3A, %swap3A_5], %add3A {strides = array<i32>} : memref<1000x128xf32, #tpu.memory_space<vmem>>, vector<1000x128xf32>,
    return
  }
  func.func @transform_0(%arg0: i32) -> (i32, i32) {
    %c0_i32 = arith.constant 0 : i32
    %c0_i32_0 = arith.constant 0 : i32
    return %arg0, %c0_i32 : i32, i32
  }
  func.func @transform_1(%arg0: i32) -> (i32, i32) {
    %add3A = arith.constant 10 : i32
    %add3A_0 = arith.addi %arg0, %add3A : i32
    %c0_i32 = arith.constant 0 : i32
    %c0_i32_1 = arith.constant 0 : i32
    return %add3A_0, %c0_i32 : i32, i32
  }
  func.func @transform_2(%arg0: i32) -> (i32, i32) {
    %c0_i32 = arith.constant 0 : i32
    %c0_i32_0 = arith.constant 0 : i32
    return %arg0, %c0_i32 : i32, i32
  }
}

module attributes {stable_mosaic.version = 14 : i64} {
  func.func @_qkvs_body(%arg0: i32, %arg1: memref<2000x128xf32, #tpu.memory_space<vmem>>, %arg2: memref<128x128xf32, #tpu.memory_space<vmem>>, %arg3: memref<1x128xf32, #tpu.memory_space<vmem>>, %arg4: memref<128x128xf32, #tpu.memory_space<vmem>>, %arg5: memref<1x128xf32, #tpu.memory_space<vmem>>, %arg6: memref<128x128xf32, #tpu.memory_space<vmem>>, %arg7: memref<1x128xf32, #tpu.memory_space<vmem>>, %arg8: memref<128x128xf32, #tpu.memory_space<vmem>>, %arg9: memref<1x128xf32, #tpu.memory_space<vmem>>, %arg10: memref<2000x128xf32, #tpu.memory_space<vmem>>, %arg11: memref<2000x128xf32, #tpu.memory_space<vmem>>, %arg12: memref<2000x128xf32, #tpu.memory_space<vmem>>, %arg13: memref<2000x128xf32, #tpu.memory_space<vmem>>) attributes {dimension_semantics = [#tpu.dimension_semantics<arbitrary>], iteration_bounds = array<i64: 5>, scalar_prefetch = 0 : i64, scratch_operands = 0 : i64, tpu.core_type = #tpu.core_type<tc>, window_params = [{transform_indices = @transform_0, window_bounds = array<i64: 2000, 128>}, {pipeline_mode = #tpu.pipeline_mode<synchronous>, transform_indices = @transform_1, window_bounds = array<i64: 128, 128>}, {pipeline_mode = #tpu.pipeline_mode<synchronous>, transform_indices = @transform_2, window_bounds = array<i64: 1, 128>}, {pipeline_mode = #tpu.pipeline_mode<synchronous>, transform_indices = @transform_3, window_bounds = array<i64: 128, 128>}, {pipeline_mode = #tpu.pipeline_mode<synchronous>, transform_indices = @transform_4, window_bounds = array<i64: 1, 128>}, {pipeline_mode = #tpu.pipeline_mode<synchronous>, transform_indices = @transform_5, window_bounds = array<i64: 128, 128>}, {pipeline_mode = #tpu.pipeline_mode<synchronous>, transform_indices = @transform_6, window_bounds = array<i64: 1, 128>}, {pipeline_mode = #tpu.pipeline_mode<synchronous>, transform_indices = @transform_7, window_bounds = array<i64: 128, 128>}, {pipeline_mode = #tpu.pipeline_mode<synchronous>, transform_indices = @transform_8, window_bounds = array<i64: 1, 128>}, {transform_indices = @transform_9, window_bounds = array<i64: 2000, 128>}, {transform_indices = @transform_10, window_bounds = array<i64: 2000, 128>}, {transform_indices = @transform_11, window_bounds = array<i64: 2000, 128>}, {transform_indices = @transform_12, window_bounds = array<i64: 2000, 128>}]} {
    %get3A = arith.constant 0 : index
    %get3A_0 = arith.constant 0 : index
    %get3A_1 = vector.load %arg1[%get3A, %get3A_0] : memref<2000x128xf32, #tpu.memory_space<vmem>>, vector<2000x128xf32>
    %get3A_2 = arith.constant 0 : index
    %get3A_3 = arith.constant 0 : index
    %get3A_4 = vector.load %arg2[%get3A_2, %get3A_3] : memref<128x128xf32, #tpu.memory_space<vmem>>, vector<128x128xf32>
    %dot_general3A = arith.constant dense<0.000000e+00> : vector<2000x128xf32>
    %dot_general3A_5 = tpu.matmul %get3A_1, %get3A_4, %dot_general3A {dimension_numbers = #tpu.dot_dimension_numbers<[1], [0], [0], [1], [0, 0, 1, 1], [], []>, transpose_lhs_hint = false} : vector<2000x128xf32>, vector<128x128xf32>, vector<2000x128xf32> -> vector<2000x128xf32>
    %get3A_6 = arith.constant 0 : index
    %get3A_7 = arith.constant 0 : index
    %get3A_8 = vector.load %arg3[%get3A_6, %get3A_7] : memref<1x128xf32, #tpu.memory_space<vmem>>, vector<1x128xf32>
    %add3A = vector.broadcast %get3A_8 : vector<1x128xf32> to vector<2000x128xf32>
    %add3A_9 = arith.addf %dot_general3A_5, %add3A : vector<2000x128xf32>
    %swap3A = arith.constant 0 : index
    %swap3A_10 = arith.constant 0 : index
    %swap3A_11 = vector.load %arg10[%swap3A, %swap3A_10] : memref<2000x128xf32, #tpu.memory_space<vmem>>, vector<2000x128xf32>
    tpu.vector_store %arg10[%swap3A, %swap3A_10], %add3A_9 {strides = array<i32>} : memref<2000x128xf32, #tpu.memory_space<vmem>>, vector<2000x128xf32>,
    %get3A_12 = arith.constant 0 : index
    %get3A_13 = arith.constant 0 : index
    %get3A_14 = vector.load %arg4[%get3A_12, %get3A_13] : memref<128x128xf32, #tpu.memory_space<vmem>>, vector<128x128xf32>
    %dot_general3A_15 = arith.constant dense<0.000000e+00> : vector<2000x128xf32>
    %dot_general3A_16 = tpu.matmul %get3A_1, %get3A_14, %dot_general3A_15 {dimension_numbers = #tpu.dot_dimension_numbers<[1], [0], [0], [1], [0, 0, 1, 1], [], []>, transpose_lhs_hint = false} : vector<2000x128xf32>, vector<128x128xf32>, vector<2000x128xf32> -> vector<2000x128xf32>
    %get3A_17 = arith.constant 0 : index
    %get3A_18 = arith.constant 0 : index
    %get3A_19 = vector.load %arg5[%get3A_17, %get3A_18] : memref<1x128xf32, #tpu.memory_space<vmem>>, vector<1x128xf32>
    %add3A_20 = vector.broadcast %get3A_19 : vector<1x128xf32> to vector<2000x128xf32>
    %add3A_21 = arith.addf %dot_general3A_16, %add3A_20 : vector<2000x128xf32>
    %swap3A_22 = arith.constant 0 : index
    %swap3A_23 = arith.constant 0 : index
    %swap3A_24 = vector.load %arg11[%swap3A_22, %swap3A_23] : memref<2000x128xf32, #tpu.memory_space<vmem>>, vector<2000x128xf32>
    tpu.vector_store %arg11[%swap3A_22, %swap3A_23], %add3A_21 {strides = array<i32>} : memref<2000x128xf32, #tpu.memory_space<vmem>>, vector<2000x128xf32>,
    %get3A_25 = arith.constant 0 : index
    %get3A_26 = arith.constant 0 : index
    %get3A_27 = vector.load %arg6[%get3A_25, %get3A_26] : memref<128x128xf32, #tpu.memory_space<vmem>>, vector<128x128xf32>
    %dot_general3A_28 = arith.constant dense<0.000000e+00> : vector<2000x128xf32>
    %dot_general3A_29 = tpu.matmul %get3A_1, %get3A_27, %dot_general3A_28 {dimension_numbers = #tpu.dot_dimension_numbers<[1], [0], [0], [1], [0, 0, 1, 1], [], []>, transpose_lhs_hint = false} : vector<2000x128xf32>, vector<128x128xf32>, vector<2000x128xf32> -> vector<2000x128xf32>
    %get3A_30 = arith.constant 0 : index
    %get3A_31 = arith.constant 0 : index
    %get3A_32 = vector.load %arg7[%get3A_30, %get3A_31] : memref<1x128xf32, #tpu.memory_space<vmem>>, vector<1x128xf32>
    %add3A_33 = vector.broadcast %get3A_32 : vector<1x128xf32> to vector<2000x128xf32>
    %add3A_34 = arith.addf %dot_general3A_29, %add3A_33 : vector<2000x128xf32>
    %swap3A_35 = arith.constant 0 : index
    %swap3A_36 = arith.constant 0 : index
    %swap3A_37 = vector.load %arg12[%swap3A_35, %swap3A_36] : memref<2000x128xf32, #tpu.memory_space<vmem>>, vector<2000x128xf32>
    tpu.vector_store %arg12[%swap3A_35, %swap3A_36], %add3A_34 {strides = array<i32>} : memref<2000x128xf32, #tpu.memory_space<vmem>>, vector<2000x128xf32>,
    %get3A_38 = arith.constant 0 : index
    %get3A_39 = arith.constant 0 : index
    %get3A_40 = vector.load %arg8[%get3A_38, %get3A_39] : memref<128x128xf32, #tpu.memory_space<vmem>>, vector<128x128xf32>
    %dot_general3A_41 = arith.constant dense<0.000000e+00> : vector<2000x128xf32>
    %dot_general3A_42 = tpu.matmul %get3A_1, %get3A_40, %dot_general3A_41 {dimension_numbers = #tpu.dot_dimension_numbers<[1], [0], [0], [1], [0, 0, 1, 1], [], []>, transpose_lhs_hint = false} : vector<2000x128xf32>, vector<128x128xf32>, vector<2000x128xf32> -> vector<2000x128xf32>
    %get3A_43 = arith.constant 0 : index
    %get3A_44 = arith.constant 0 : index
    %get3A_45 = vector.load %arg9[%get3A_43, %get3A_44] : memref<1x128xf32, #tpu.memory_space<vmem>>, vector<1x128xf32>
    %add3A_46 = vector.broadcast %get3A_45 : vector<1x128xf32> to vector<2000x128xf32>
    %add3A_47 = arith.addf %dot_general3A_42, %add3A_46 : vector<2000x128xf32>
    %swap3A_48 = arith.constant 0 : index
    %swap3A_49 = arith.constant 0 : index
    %swap3A_50 = vector.load %arg13[%swap3A_48, %swap3A_49] : memref<2000x128xf32, #tpu.memory_space<vmem>>, vector<2000x128xf32>
    tpu.vector_store %arg13[%swap3A_48, %swap3A_49], %add3A_47 {strides = array<i32>} : memref<2000x128xf32, #tpu.memory_space<vmem>>, vector<2000x128xf32>,
    return
  }
  func.func @transform_0(%arg0: i32) -> (i32, i32) {
    %c0_i32 = arith.constant 0 : i32
    %c0_i32_0 = arith.constant 0 : i32
    return %arg0, %c0_i32 : i32, i32
  }
  func.func @transform_1(%arg0: i32) -> (i32, i32) {
    %c0_i32 = arith.constant 0 : i32
    %c0_i32_0 = arith.constant 0 : i32
    %c0_i32_1 = arith.constant 0 : i32
    return %c0_i32, %c0_i32_0 : i32, i32
  }
  func.func @transform_2(%arg0: i32) -> (i32, i32) {
    %c0_i32 = arith.constant 0 : i32
    %c0_i32_0 = arith.constant 0 : i32
    %c0_i32_1 = arith.constant 0 : i32
    return %c0_i32, %c0_i32_0 : i32, i32
  }
  func.func @transform_3(%arg0: i32) -> (i32, i32) {
    %c0_i32 = arith.constant 0 : i32
    %c0_i32_0 = arith.constant 0 : i32
    %c0_i32_1 = arith.constant 0 : i32
    return %c0_i32, %c0_i32_0 : i32, i32
  }
  func.func @transform_4(%arg0: i32) -> (i32, i32) {
    %c0_i32 = arith.constant 0 : i32
    %c0_i32_0 = arith.constant 0 : i32
    %c0_i32_1 = arith.constant 0 : i32
    return %c0_i32, %c0_i32_0 : i32, i32
  }
  func.func @transform_5(%arg0: i32) -> (i32, i32) {
    %c0_i32 = arith.constant 0 : i32
    %c0_i32_0 = arith.constant 0 : i32
    %c0_i32_1 = arith.constant 0 : i32
    return %c0_i32, %c0_i32_0 : i32, i32
  }
  func.func @transform_6(%arg0: i32) -> (i32, i32) {
    %c0_i32 = arith.constant 0 : i32
    %c0_i32_0 = arith.constant 0 : i32
    %c0_i32_1 = arith.constant 0 : i32
    return %c0_i32, %c0_i32_0 : i32, i32
  }
  func.func @transform_7(%arg0: i32) -> (i32, i32) {
    %c0_i32 = arith.constant 0 : i32
    %c0_i32_0 = arith.constant 0 : i32
    %c0_i32_1 = arith.constant 0 : i32
    return %c0_i32, %c0_i32_0 : i32, i32
  }
  func.func @transform_8(%arg0: i32) -> (i32, i32) {
    %c0_i32 = arith.constant 0 : i32
    %c0_i32_0 = arith.constant 0 : i32
    %c0_i32_1 = arith.constant 0 : i32
    return %c0_i32, %c0_i32_0 : i32, i32
  }
  func.func @transform_9(%arg0: i32) -> (i32, i32) {
    %c0_i32 = arith.constant 0 : i32
    %c0_i32_0 = arith.constant 0 : i32
    return %arg0, %c0_i32 : i32, i32
  }
  func.func @transform_10(%arg0: i32) -> (i32, i32) {
    %c0_i32 = arith.constant 0 : i32
    %c0_i32_0 = arith.constant 0 : i32
    return %arg0, %c0_i32 : i32, i32
  }
  func.func @transform_11(%arg0: i32) -> (i32, i32) {
    %c0_i32 = arith.constant 0 : i32
    %c0_i32_0 = arith.constant 0 : i32
    return %arg0, %c0_i32 : i32, i32
  }
  func.func @transform_12(%arg0: i32) -> (i32, i32) {
    %c0_i32 = arith.constant 0 : i32
    %c0_i32_0 = arith.constant 0 : i32
    return %arg0, %c0_i32 : i32, i32
  }
}

module attributes {stable_mosaic.version = 14 : i64} {
  func.func @_eproj_body(%arg0: i32, %arg1: memref<2000x128xf32, #tpu.memory_space<vmem>>, %arg2: memref<128x128xf32, #tpu.memory_space<vmem>>, %arg3: memref<2000x128xf32, #tpu.memory_space<vmem>>) attributes {dimension_semantics = [#tpu.dimension_semantics<arbitrary>], iteration_bounds = array<i64: 160>, scalar_prefetch = 0 : i64, scratch_operands = 0 : i64, tpu.core_type = #tpu.core_type<tc>, window_params = [{transform_indices = @transform_0, window_bounds = array<i64: 2000, 128>}, {pipeline_mode = #tpu.pipeline_mode<synchronous>, transform_indices = @transform_1, window_bounds = array<i64: 128, 128>}, {transform_indices = @transform_2, window_bounds = array<i64: 2000, 128>}]} {
    %get3A = arith.constant 0 : index
    %get3A_0 = arith.constant 0 : index
    %get3A_1 = vector.load %arg1[%get3A, %get3A_0] : memref<2000x128xf32, #tpu.memory_space<vmem>>, vector<2000x128xf32>
    %get3A_2 = arith.constant 0 : index
    %get3A_3 = arith.constant 0 : index
    %get3A_4 = vector.load %arg2[%get3A_2, %get3A_3] : memref<128x128xf32, #tpu.memory_space<vmem>>, vector<128x128xf32>
    %dot_general3A = arith.constant dense<0.000000e+00> : vector<2000x128xf32>
    %dot_general3A_5 = tpu.matmul %get3A_1, %get3A_4, %dot_general3A {dimension_numbers = #tpu.dot_dimension_numbers<[1], [0], [0], [1], [0, 0, 1, 1], [], []>, transpose_lhs_hint = false} : vector<2000x128xf32>, vector<128x128xf32>, vector<2000x128xf32> -> vector<2000x128xf32>
    %swap3A = arith.constant 0 : index
    %swap3A_6 = arith.constant 0 : index
    %swap3A_7 = vector.load %arg3[%swap3A, %swap3A_6] : memref<2000x128xf32, #tpu.memory_space<vmem>>, vector<2000x128xf32>
    tpu.vector_store %arg3[%swap3A, %swap3A_6], %dot_general3A_5 {strides = array<i32>} : memref<2000x128xf32, #tpu.memory_space<vmem>>, vector<2000x128xf32>,
    return
  }
  func.func @transform_0(%arg0: i32) -> (i32, i32) {
    %c0_i32 = arith.constant 0 : i32
    %c0_i32_0 = arith.constant 0 : i32
    return %arg0, %c0_i32 : i32, i32
  }
  func.func @transform_1(%arg0: i32) -> (i32, i32) {
    %c0_i32 = arith.constant 0 : i32
    %c0_i32_0 = arith.constant 0 : i32
    %c0_i32_1 = arith.constant 0 : i32
    return %c0_i32, %c0_i32_0 : i32, i32
  }
  func.func @transform_2(%arg0: i32) -> (i32, i32) {
    %c0_i32 = arith.constant 0 : i32
    %c0_i32_0 = arith.constant 0 : i32
    return %arg0, %c0_i32 : i32, i32
  }
}

module attributes {stable_mosaic.version = 14 : i64} {
  func.func @_stage1_body(%arg0: i32, %arg1: memref<1000x128xf32, #tpu.memory_space<vmem>>, %arg2: memref<1000x128xf32, #tpu.memory_space<vmem>>, %arg3: memref<1000x128xf32, #tpu.memory_space<vmem>>, %arg4: memref<1000x128xf32, #tpu.memory_space<vmem>>, %arg5: memref<8x128xf32, #tpu.memory_space<vmem>>) attributes {dimension_semantics = [#tpu.dimension_semantics<arbitrary>], iteration_bounds = array<i64: 10>, scalar_prefetch = 0 : i64, scratch_operands = 0 : i64, tpu.core_type = #tpu.core_type<tc>, window_params = [{transform_indices = @transform_0, window_bounds = array<i64: 1000, 128>}, {transform_indices = @transform_1, window_bounds = array<i64: 1000, 128>}, {transform_indices = @transform_2, window_bounds = array<i64: 1000, 128>}, {transform_indices = @transform_3, window_bounds = array<i64: 1000, 128>}, {pipeline_mode = #tpu.pipeline_mode<synchronous>, transform_indices = @transform_4, window_bounds = array<i64: 8, 128>}]} {
    %get3A = arith.constant 0 : index
    %get3A_0 = arith.constant 0 : index
    %get3A_1 = vector.load %arg1[%get3A, %get3A_0] : memref<1000x128xf32, #tpu.memory_space<vmem>>, vector<1000x128xf32>
    %get3A_2 = arith.constant 0 : index
    %get3A_3 = arith.constant 0 : index
    %get3A_4 = vector.load %arg2[%get3A_2, %get3A_3] : memref<1000x128xf32, #tpu.memory_space<vmem>>, vector<1000x128xf32>
    %add3A = arith.addf %get3A_1, %get3A_4 : vector<1000x128xf32>
    %get3A_5 = arith.constant 0 : index
    %get3A_6 = arith.constant 0 : index
    %get3A_7 = vector.load %arg3[%get3A_5, %get3A_6] : memref<1000x128xf32, #tpu.memory_space<vmem>>, vector<1000x128xf32>
    %add3A_8 = arith.addf %add3A, %get3A_7 : vector<1000x128xf32>
    %swap3A = arith.constant 0 : index
    %swap3A_9 = arith.constant 0 : index
    %swap3A_10 = vector.load %arg4[%swap3A, %swap3A_9] : memref<1000x128xf32, #tpu.memory_space<vmem>>, vector<1000x128xf32>
    tpu.vector_store %arg4[%swap3A, %swap3A_9], %add3A_8 {strides = array<i32>} : memref<1000x128xf32, #tpu.memory_space<vmem>>, vector<1000x128xf32>,
    %eq3A = arith.constant 0 : i32
    %eq3A_11 = arith.cmpi eq, %arg0, %eq3A : i32
    %convert_element_type3A = arith.extui %eq3A_11 : i1 to i32
    %cond3A = arith.constant 0 : i32
    %cond3A_12 = arith.cmpi ne, %convert_element_type3A, %cond3A : i32
    scf.if %cond3A_12 {
      %broadcast_in_dim3A_31 = arith.constant 0.000000e+00 : f32
      %broadcast_in_dim3A_32 = vector.broadcast %broadcast_in_dim3A_31 : f32 to vector<8x128xf32>
      %swap3A_33 = arith.constant 0 : index
      %swap3A_34 = arith.constant 0 : index
      %swap3A_35 = vector.load %arg5[%swap3A_33, %swap3A_34] : memref<8x128xf32, #tpu.memory_space<vmem>>, vector<8x128xf32>
      tpu.vector_store %arg5[%swap3A_33, %swap3A_34], %broadcast_in_dim3A_32 {strides = array<i32>} : memref<8x128xf32, #tpu.memory_space<vmem>>, vector<8x128xf32>,
    } else {
    }
    %get3A_13 = arith.constant 0 : index
    %get3A_14 = arith.constant 0 : index
    %get3A_15 = vector.load %arg5[%get3A_13, %get3A_14] : memref<8x128xf32, #tpu.memory_space<vmem>>, vector<1x128xf32>
    %reduce_sum3A = arith.constant dense<0.000000e+00> : vector<128xf32>
    %reduce_sum3A_16 = vector.multi_reduction <add>, %add3A_8, %reduce_sum3A [0] : vector<1000x128xf32> to vector<128xf32>
    %broadcast_in_dim3A = vector.shape_cast %reduce_sum3A_16 : vector<128xf32> to vector<1x128xf32>
    %add3A_17 = arith.addf %get3A_15, %broadcast_in_dim3A : vector<1x128xf32>
    %swap3A_18 = arith.constant 0 : index
    %swap3A_19 = arith.constant 0 : index
    %swap3A_20 = vector.load %arg5[%swap3A_18, %swap3A_19] : memref<8x128xf32, #tpu.memory_space<vmem>>, vector<1x128xf32>
    tpu.vector_store %arg5[%swap3A_18, %swap3A_19], %add3A_17 {strides = array<i32>} : memref<8x128xf32, #tpu.memory_space<vmem>>, vector<1x128xf32>,
    %get3A_21 = arith.constant 1 : index
    %get3A_22 = arith.constant 0 : index
    %get3A_23 = vector.load %arg5[%get3A_21, %get3A_22] : memref<8x128xf32, #tpu.memory_space<vmem>>, vector<1x128xf32>
    %mul3A = arith.mulf %add3A_8, %add3A_8 : vector<1000x128xf32>
    %reduce_sum3A_24 = arith.constant dense<0.000000e+00> : vector<128xf32>
    %reduce_sum3A_25 = vector.multi_reduction <add>, %mul3A, %reduce_sum3A_24 [0] : vector<1000x128xf32> to vector<128xf32>
    %broadcast_in_dim3A_26 = vector.shape_cast %reduce_sum3A_25 : vector<128xf32> to vector<1x128xf32>
    %add3A_27 = arith.addf %get3A_23, %broadcast_in_dim3A_26 : vector<1x128xf32>
    %swap3A_28 = arith.constant 1 : index
    %swap3A_29 = arith.constant 0 : index
    %swap3A_30 = vector.load %arg5[%swap3A_28, %swap3A_29] : memref<8x128xf32, #tpu.memory_space<vmem>>, vector<1x128xf32>
    tpu.vector_store %arg5[%swap3A_28, %swap3A_29], %add3A_27 {strides = array<i32>} : memref<8x128xf32, #tpu.memory_space<vmem>>, vector<1x128xf32>,
    return
  }
  func.func @transform_0(%arg0: i32) -> (i32, i32) {
    %c0_i32 = arith.constant 0 : i32
    %c0_i32_0 = arith.constant 0 : i32
    return %arg0, %c0_i32 : i32, i32
  }
  func.func @transform_1(%arg0: i32) -> (i32, i32) {
    %add3A = arith.constant 10 : i32
    %add3A_0 = arith.addi %arg0, %add3A : i32
    %c0_i32 = arith.constant 0 : i32
    %c0_i32_1 = arith.constant 0 : i32
    return %add3A_0, %c0_i32 : i32, i32
  }
  func.func @transform_2(%arg0: i32) -> (i32, i32) {
    %c0_i32 = arith.constant 0 : i32
    %c0_i32_0 = arith.constant 0 : i32
    return %arg0, %c0_i32 : i32, i32
  }
  func.func @transform_3(%arg0: i32) -> (i32, i32) {
    %c0_i32 = arith.constant 0 : i32
    %c0_i32_0 = arith.constant 0 : i32
    return %arg0, %c0_i32 : i32, i32
  }
  func.func @transform_4(%arg0: i32) -> (i32, i32) {
    %c0_i32 = arith.constant 0 : i32
    %c0_i32_0 = arith.constant 0 : i32
    %c0_i32_1 = arith.constant 0 : i32
    return %c0_i32, %c0_i32_0 : i32, i32
  }
}

module attributes {stable_mosaic.version = 14 : i64} {
  func.func @_stage2_body(%arg0: i32, %arg1: memref<1000x128xf32, #tpu.memory_space<vmem>>, %arg2: memref<8x128xf32, #tpu.memory_space<vmem>>, %arg3: memref<1x128xf32, #tpu.memory_space<vmem>>, %arg4: memref<1x128xf32, #tpu.memory_space<vmem>>, %arg5: memref<128x512xf32, #tpu.memory_space<vmem>>, %arg6: memref<1x512xf32, #tpu.memory_space<vmem>>, %arg7: memref<512x128xf32, #tpu.memory_space<vmem>>, %arg8: memref<1x128xf32, #tpu.memory_space<vmem>>, %arg9: memref<1000x128xf32, #tpu.memory_space<vmem>>, %arg10: memref<8x128xf32, #tpu.memory_space<vmem>>) attributes {dimension_semantics = [#tpu.dimension_semantics<arbitrary>], iteration_bounds = array<i64: 10>, scalar_prefetch = 0 : i64, scratch_operands = 0 : i64, tpu.core_type = #tpu.core_type<tc>, window_params = [{transform_indices = @transform_0, window_bounds = array<i64: 1000, 128>}, {pipeline_mode = #tpu.pipeline_mode<synchronous>, transform_indices = @transform_1, window_bounds = array<i64: 8, 128>}, {pipeline_mode = #tpu.pipeline_mode<synchronous>, transform_indices = @transform_2, window_bounds = array<i64: 1, 128>}, {pipeline_mode = #tpu.pipeline_mode<synchronous>, transform_indices = @transform_3, window_bounds = array<i64: 1, 128>}, {pipeline_mode = #tpu.pipeline_mode<synchronous>, transform_indices = @transform_4, window_bounds = array<i64: 128, 512>}, {pipeline_mode = #tpu.pipeline_mode<synchronous>, transform_indices = @transform_5, window_bounds = array<i64: 1, 512>}, {pipeline_mode = #tpu.pipeline_mode<synchronous>, transform_indices = @transform_6, window_bounds = array<i64: 512, 128>}, {pipeline_mode = #tpu.pipeline_mode<synchronous>, transform_indices = @transform_7, window_bounds = array<i64: 1, 128>}, {transform_indices = @transform_8, window_bounds = array<i64: 1000, 128>}, {pipeline_mode = #tpu.pipeline_mode<synchronous>, transform_indices = @transform_9, window_bounds = array<i64: 8, 128>}]} {
    %get3A = arith.constant 0 : index
    %get3A_0 = arith.constant 0 : index
    %get3A_1 = vector.load %arg2[%get3A, %get3A_0] : memref<8x128xf32, #tpu.memory_space<vmem>>, vector<1x128xf32>
    %mul3A = arith.constant 9.99999974E-5 : f32
    %mul3A_2 = vector.broadcast %mul3A : f32 to vector<1x128xf32>
    %mul3A_3 = arith.mulf %get3A_1, %mul3A_2 : vector<1x128xf32>
    %get3A_4 = arith.constant 1 : index
    %get3A_5 = arith.constant 0 : index
    %get3A_6 = vector.load %arg2[%get3A_4, %get3A_5] : memref<8x128xf32, #tpu.memory_space<vmem>>, vector<1x128xf32>
    %mul3A_7 = arith.constant 9.99999974E-5 : f32
    %mul3A_8 = vector.broadcast %mul3A_7 : f32 to vector<1x128xf32>
    %mul3A_9 = arith.mulf %get3A_6, %mul3A_8 : vector<1x128xf32>
    %mul3A_10 = arith.mulf %mul3A_3, %mul3A_3 : vector<1x128xf32>
    %sub3A = arith.subf %mul3A_9, %mul3A_10 : vector<1x128xf32>
    %add3A = arith.constant 9.99999974E-6 : f32
    %add3A_11 = vector.broadcast %add3A : f32 to vector<1x128xf32>
    %add3A_12 = arith.addf %sub3A, %add3A_11 : vector<1x128xf32>
    %rsqrt3A = math.rsqrt %add3A_12 : vector<1x128xf32>
    %get3A_13 = arith.constant 0 : index
    %get3A_14 = arith.constant 0 : index
    %get3A_15 = vector.load %arg1[%get3A_13, %get3A_14] : memref<1000x128xf32, #tpu.memory_space<vmem>>, vector<1000x128xf32>
    %sub3A_16 = vector.broadcast %mul3A_3 : vector<1x128xf32> to vector<1000x128xf32>
    %sub3A_17 = arith.subf %get3A_15, %sub3A_16 : vector<1000x128xf32>
    %get3A_18 = arith.constant 0 : index
    %get3A_19 = arith.constant 0 : index
    %get3A_20 = vector.load %arg3[%get3A_18, %get3A_19] : memref<1x128xf32, #tpu.memory_space<vmem>>, vector<1x128xf32>
    %mul3A_21 = arith.mulf %rsqrt3A, %get3A_20 : vector<1x128xf32>
    %mul3A_22 = vector.broadcast %mul3A_21 : vector<1x128xf32> to vector<1000x128xf32>
    %mul3A_23 = arith.mulf %sub3A_17, %mul3A_22 : vector<1000x128xf32>
    %get3A_24 = arith.constant 0 : index
    %get3A_25 = arith.constant 0 : index
    %get3A_26 = vector.load %arg4[%get3A_24, %get3A_25] : memref<1x128xf32, #tpu.memory_space<vmem>>, vector<1x128xf32>
    %add3A_27 = vector.broadcast %get3A_26 : vector<1x128xf32> to vector<1000x128xf32>
    %add3A_28 = arith.addf %mul3A_23, %add3A_27 : vector<1000x128xf32>
    %get3A_29 = arith.constant 0 : index
    %get3A_30 = arith.constant 0 : index
    %get3A_31 = vector.load %arg5[%get3A_29, %get3A_30] : memref<128x512xf32, #tpu.memory_space<vmem>>, vector<128x512xf32>
    %dot_general3A = arith.constant dense<0.000000e+00> : vector<1000x512xf32>
    %dot_general3A_32 = tpu.matmul %add3A_28, %get3A_31, %dot_general3A {dimension_numbers = #tpu.dot_dimension_numbers<[1], [0], [0], [1], [0, 0, 1, 1], [], []>, transpose_lhs_hint = false} : vector<1000x128xf32>, vector<128x512xf32>, vector<1000x512xf32> -> vector<1000x512xf32>
    %get3A_33 = arith.constant 0 : index
    %get3A_34 = arith.constant 0 : index
    %get3A_35 = vector.load %arg6[%get3A_33, %get3A_34] : memref<1x512xf32, #tpu.memory_space<vmem>>, vector<1x512xf32>
    %add3A_36 = vector.broadcast %get3A_35 : vector<1x512xf32> to vector<1000x512xf32>
    %add3A_37 = arith.addf %dot_general3A_32, %add3A_36 : vector<1000x512xf32>
    %max3A = arith.constant 0.000000e+00 : f32
    %max3A_38 = vector.broadcast %max3A : f32 to vector<1000x512xf32>
    %max3A_39 = arith.maximumf %add3A_37, %max3A_38 : vector<1000x512xf32>
    %get3A_40 = arith.constant 0 : index
    %get3A_41 = arith.constant 0 : index
    %get3A_42 = vector.load %arg7[%get3A_40, %get3A_41] : memref<512x128xf32, #tpu.memory_space<vmem>>, vector<512x128xf32>
    %dot_general3A_43 = arith.constant dense<0.000000e+00> : vector<1000x128xf32>
    %dot_general3A_44 = tpu.matmul %max3A_39, %get3A_42, %dot_general3A_43 {dimension_numbers = #tpu.dot_dimension_numbers<[1], [0], [0], [1], [0, 0, 1, 1], [], []>, transpose_lhs_hint = false} : vector<1000x512xf32>, vector<512x128xf32>, vector<1000x128xf32> -> vector<1000x128xf32>
    %get3A_45 = arith.constant 0 : index
    %get3A_46 = arith.constant 0 : index
    %get3A_47 = vector.load %arg8[%get3A_45, %get3A_46] : memref<1x128xf32, #tpu.memory_space<vmem>>, vector<1x128xf32>
    %add3A_48 = vector.broadcast %get3A_47 : vector<1x128xf32> to vector<1000x128xf32>
    %add3A_49 = arith.addf %dot_general3A_44, %add3A_48 : vector<1000x128xf32>
    %swap3A = arith.constant 0 : index
    %swap3A_50 = arith.constant 0 : index
    %swap3A_51 = vector.load %arg9[%swap3A, %swap3A_50] : memref<1000x128xf32, #tpu.memory_space<vmem>>, vector<1000x128xf32>
    tpu.vector_store %arg9[%swap3A, %swap3A_50], %add3A_49 {strides = array<i32>} : memref<1000x128xf32, #tpu.memory_space<vmem>>, vector<1000x128xf32>,
    %eq3A = arith.constant 0 : i32
    %eq3A_52 = arith.cmpi eq, %arg0, %eq3A : i32
    %convert_element_type3A = arith.extui %eq3A_52 : i1 to i32
    %cond3A = arith.constant 0 : i32
    %cond3A_53 = arith.cmpi ne, %convert_element_type3A, %cond3A : i32
    scf.if %cond3A_53 {
      %broadcast_in_dim3A_73 = arith.constant 0.000000e+00 : f32
      %broadcast_in_dim3A_74 = vector.broadcast %broadcast_in_dim3A_73 : f32 to vector<8x128xf32>
      %swap3A_75 = arith.constant 0 : index
      %swap3A_76 = arith.constant 0 : index
      %swap3A_77 = vector.load %arg10[%swap3A_75, %swap3A_76] : memref<8x128xf32, #tpu.memory_space<vmem>>, vector<8x128xf32>
      tpu.vector_store %arg10[%swap3A_75, %swap3A_76], %broadcast_in_dim3A_74 {strides = array<i32>} : memref<8x128xf32, #tpu.memory_space<vmem>>, vector<8x128xf32>,
    } else {
    }
    %get3A_54 = arith.constant 0 : index
    %get3A_55 = arith.constant 0 : index
    %get3A_56 = vector.load %arg10[%get3A_54, %get3A_55] : memref<8x128xf32, #tpu.memory_space<vmem>>, vector<1x128xf32>
    %reduce_sum3A = arith.constant dense<0.000000e+00> : vector<128xf32>
    %reduce_sum3A_57 = vector.multi_reduction <add>, %add3A_49, %reduce_sum3A [0] : vector<1000x128xf32> to vector<128xf32>
    %broadcast_in_dim3A = vector.shape_cast %reduce_sum3A_57 : vector<128xf32> to vector<1x128xf32>
    %add3A_58 = arith.addf %get3A_56, %broadcast_in_dim3A : vector<1x128xf32>
    %swap3A_59 = arith.constant 0 : index
    %swap3A_60 = arith.constant 0 : index
    %swap3A_61 = vector.load %arg10[%swap3A_59, %swap3A_60] : memref<8x128xf32, #tpu.memory_space<vmem>>, vector<1x128xf32>
    tpu.vector_store %arg10[%swap3A_59, %swap3A_60], %add3A_58 {strides = array<i32>} : memref<8x128xf32, #tpu.memory_space<vmem>>, vector<1x128xf32>,
    %get3A_62 = arith.constant 1 : index
    %get3A_63 = arith.constant 0 : index
    %get3A_64 = vector.load %arg10[%get3A_62, %get3A_63] : memref<8x128xf32, #tpu.memory_space<vmem>>, vector<1x128xf32>
    %mul3A_65 = arith.mulf %add3A_49, %add3A_49 : vector<1000x128xf32>
    %reduce_sum3A_66 = arith.constant dense<0.000000e+00> : vector<128xf32>
    %reduce_sum3A_67 = vector.multi_reduction <add>, %mul3A_65, %reduce_sum3A_66 [0] : vector<1000x128xf32> to vector<128xf32>
    %broadcast_in_dim3A_68 = vector.shape_cast %reduce_sum3A_67 : vector<128xf32> to vector<1x128xf32>
    %add3A_69 = arith.addf %get3A_64, %broadcast_in_dim3A_68 : vector<1x128xf32>
    %swap3A_70 = arith.constant 1 : index
    %swap3A_71 = arith.constant 0 : index
    %swap3A_72 = vector.load %arg10[%swap3A_70, %swap3A_71] : memref<8x128xf32, #tpu.memory_space<vmem>>, vector<1x128xf32>
    tpu.vector_store %arg10[%swap3A_70, %swap3A_71], %add3A_69 {strides = array<i32>} : memref<8x128xf32, #tpu.memory_space<vmem>>, vector<1x128xf32>,
    return
  }
  func.func @transform_0(%arg0: i32) -> (i32, i32) {
    %c0_i32 = arith.constant 0 : i32
    %c0_i32_0 = arith.constant 0 : i32
    return %arg0, %c0_i32 : i32, i32
  }
  func.func @transform_1(%arg0: i32) -> (i32, i32) {
    %c0_i32 = arith.constant 0 : i32
    %c0_i32_0 = arith.constant 0 : i32
    %c0_i32_1 = arith.constant 0 : i32
    return %c0_i32, %c0_i32_0 : i32, i32
  }
  func.func @transform_2(%arg0: i32) -> (i32, i32) {
    %c0_i32 = arith.constant 0 : i32
    %c0_i32_0 = arith.constant 0 : i32
    %c0_i32_1 = arith.constant 0 : i32
    return %c0_i32, %c0_i32_0 : i32, i32
  }
  func.func @transform_3(%arg0: i32) -> (i32, i32) {
    %c0_i32 = arith.constant 0 : i32
    %c0_i32_0 = arith.constant 0 : i32
    %c0_i32_1 = arith.constant 0 : i32
    return %c0_i32, %c0_i32_0 : i32, i32
  }
  func.func @transform_4(%arg0: i32) -> (i32, i32) {
    %c0_i32 = arith.constant 0 : i32
    %c0_i32_0 = arith.constant 0 : i32
    %c0_i32_1 = arith.constant 0 : i32
    return %c0_i32, %c0_i32_0 : i32, i32
  }
  func.func @transform_5(%arg0: i32) -> (i32, i32) {
    %c0_i32 = arith.constant 0 : i32
    %c0_i32_0 = arith.constant 0 : i32
    %c0_i32_1 = arith.constant 0 : i32
    return %c0_i32, %c0_i32_0 : i32, i32
  }
  func.func @transform_6(%arg0: i32) -> (i32, i32) {
    %c0_i32 = arith.constant 0 : i32
    %c0_i32_0 = arith.constant 0 : i32
    %c0_i32_1 = arith.constant 0 : i32
    return %c0_i32, %c0_i32_0 : i32, i32
  }
  func.func @transform_7(%arg0: i32) -> (i32, i32) {
    %c0_i32 = arith.constant 0 : i32
    %c0_i32_0 = arith.constant 0 : i32
    %c0_i32_1 = arith.constant 0 : i32
    return %c0_i32, %c0_i32_0 : i32, i32
  }
  func.func @transform_8(%arg0: i32) -> (i32, i32) {
    %c0_i32 = arith.constant 0 : i32
    %c0_i32_0 = arith.constant 0 : i32
    return %arg0, %c0_i32 : i32, i32
  }
  func.func @transform_9(%arg0: i32) -> (i32, i32) {
    %c0_i32 = arith.constant 0 : i32
    %c0_i32_0 = arith.constant 0 : i32
    %c0_i32_1 = arith.constant 0 : i32
    return %c0_i32, %c0_i32_0 : i32, i32
  }
}

module attributes {stable_mosaic.version = 14 : i64} {
  func.func @_stage3_body(%arg0: i32, %arg1: memref<2000x128xf32, #tpu.memory_space<vmem>>, %arg2: memref<8x128xf32, #tpu.memory_space<vmem>>, %arg3: memref<1x128xf32, #tpu.memory_space<vmem>>, %arg4: memref<1x128xf32, #tpu.memory_space<vmem>>, %arg5: memref<2000x128xf32, #tpu.memory_space<vmem>>) attributes {dimension_semantics = [#tpu.dimension_semantics<arbitrary>], iteration_bounds = array<i64: 5>, scalar_prefetch = 0 : i64, scratch_operands = 0 : i64, tpu.core_type = #tpu.core_type<tc>, window_params = [{transform_indices = @transform_0, window_bounds = array<i64: 2000, 128>}, {pipeline_mode = #tpu.pipeline_mode<synchronous>, transform_indices = @transform_1, window_bounds = array<i64: 8, 128>}, {pipeline_mode = #tpu.pipeline_mode<synchronous>, transform_indices = @transform_2, window_bounds = array<i64: 1, 128>}, {pipeline_mode = #tpu.pipeline_mode<synchronous>, transform_indices = @transform_3, window_bounds = array<i64: 1, 128>}, {transform_indices = @transform_4, window_bounds = array<i64: 2000, 128>}]} {
    %get3A = arith.constant 0 : index
    %get3A_0 = arith.constant 0 : index
    %get3A_1 = vector.load %arg2[%get3A, %get3A_0] : memref<8x128xf32, #tpu.memory_space<vmem>>, vector<1x128xf32>
    %mul3A = arith.constant 9.99999974E-5 : f32
    %mul3A_2 = vector.broadcast %mul3A : f32 to vector<1x128xf32>
    %mul3A_3 = arith.mulf %get3A_1, %mul3A_2 : vector<1x128xf32>
    %get3A_4 = arith.constant 1 : index
    %get3A_5 = arith.constant 0 : index
    %get3A_6 = vector.load %arg2[%get3A_4, %get3A_5] : memref<8x128xf32, #tpu.memory_space<vmem>>, vector<1x128xf32>
    %mul3A_7 = arith.constant 9.99999974E-5 : f32
    %mul3A_8 = vector.broadcast %mul3A_7 : f32 to vector<1x128xf32>
    %mul3A_9 = arith.mulf %get3A_6, %mul3A_8 : vector<1x128xf32>
    %mul3A_10 = arith.mulf %mul3A_3, %mul3A_3 : vector<1x128xf32>
    %sub3A = arith.subf %mul3A_9, %mul3A_10 : vector<1x128xf32>
    %add3A = arith.constant 9.99999974E-6 : f32
    %add3A_11 = vector.broadcast %add3A : f32 to vector<1x128xf32>
    %add3A_12 = arith.addf %sub3A, %add3A_11 : vector<1x128xf32>
    %rsqrt3A = math.rsqrt %add3A_12 : vector<1x128xf32>
    %get3A_13 = arith.constant 0 : index
    %get3A_14 = arith.constant 0 : index
    %get3A_15 = vector.load %arg1[%get3A_13, %get3A_14] : memref<2000x128xf32, #tpu.memory_space<vmem>>, vector<2000x128xf32>
    %sub3A_16 = vector.broadcast %mul3A_3 : vector<1x128xf32> to vector<2000x128xf32>
    %sub3A_17 = arith.subf %get3A_15, %sub3A_16 : vector<2000x128xf32>
    %get3A_18 = arith.constant 0 : index
    %get3A_19 = arith.constant 0 : index
    %get3A_20 = vector.load %arg3[%get3A_18, %get3A_19] : memref<1x128xf32, #tpu.memory_space<vmem>>, vector<1x128xf32>
    %mul3A_21 = arith.mulf %rsqrt3A, %get3A_20 : vector<1x128xf32>
    %mul3A_22 = vector.broadcast %mul3A_21 : vector<1x128xf32> to vector<2000x128xf32>
    %mul3A_23 = arith.mulf %sub3A_17, %mul3A_22 : vector<2000x128xf32>
    %get3A_24 = arith.constant 0 : index
    %get3A_25 = arith.constant 0 : index
    %get3A_26 = vector.load %arg4[%get3A_24, %get3A_25] : memref<1x128xf32, #tpu.memory_space<vmem>>, vector<1x128xf32>
    %add3A_27 = vector.broadcast %get3A_26 : vector<1x128xf32> to vector<2000x128xf32>
    %add3A_28 = arith.addf %mul3A_23, %add3A_27 : vector<2000x128xf32>
    %swap3A = arith.constant 0 : index
    %swap3A_29 = arith.constant 0 : index
    %swap3A_30 = vector.load %arg5[%swap3A, %swap3A_29] : memref<2000x128xf32, #tpu.memory_space<vmem>>, vector<2000x128xf32>
    tpu.vector_store %arg5[%swap3A, %swap3A_29], %add3A_28 {strides = array<i32>} : memref<2000x128xf32, #tpu.memory_space<vmem>>, vector<2000x128xf32>,
    return
  }
  func.func @transform_0(%arg0: i32) -> (i32, i32) {
    %c0_i32 = arith.constant 0 : i32
    %c0_i32_0 = arith.constant 0 : i32
    return %arg0, %c0_i32 : i32, i32
  }
  func.func @transform_1(%arg0: i32) -> (i32, i32) {
    %c0_i32 = arith.constant 0 : i32
    %c0_i32_0 = arith.constant 0 : i32
    %c0_i32_1 = arith.constant 0 : i32
    return %c0_i32, %c0_i32_0 : i32, i32
  }
  func.func @transform_2(%arg0: i32) -> (i32, i32) {
    %c0_i32 = arith.constant 0 : i32
    %c0_i32_0 = arith.constant 0 : i32
    %c0_i32_1 = arith.constant 0 : i32
    return %c0_i32, %c0_i32_0 : i32, i32
  }
  func.func @transform_3(%arg0: i32) -> (i32, i32) {
    %c0_i32 = arith.constant 0 : i32
    %c0_i32_0 = arith.constant 0 : i32
    %c0_i32_1 = arith.constant 0 : i32
    return %c0_i32, %c0_i32_0 : i32, i32
  }
  func.func @transform_4(%arg0: i32) -> (i32, i32) {
    %c0_i32 = arith.constant 0 : i32
    %c0_i32_0 = arith.constant 0 : i32
    return %arg0, %c0_i32 : i32, i32
  }
}

</mosaic_0001>

<sc_bundles>
// kernel: kernel.10.cloned.1.call-start
scs
__scs_entry_jumppad:
0x0: {  	(pc) =	sbr.rel $0x88, $3  }
0x1: {  	(tag) =	ssettag $0x0;
	lr =	simm.s32 $0x1  }
0x2: {  	[smem:$0x3F8D] =	sst lr;
	_ =	strace $0xD0000000  }
0x3: {  	_ = 	snop  }
0x4: {  	_ = 	snop  }
0x5: {  	_ = 	snop  }
0x6: {  	_ = 	snop  }
0x7: {  	_ = 	snop  }
__scs_overlays_trampoline_lowered:
0x8: {  	[smem:$0x3F9C] =	sst s0  }
0x9: {  	[smem:$0x3F9D] =	sst s1  }
0xa: {  	[smem:$0x3F9E] =	sst s2  }
0xb: {  	[smem:$0x3F9F] =	sst s3  }
0xc: {  	[smem:$0x3FA0] =	sst s4  }
0xd: {  	[smem:$0x3FA1] =	sst s5  }
0xe: {  	[smem:$0x3FA2] =	sst s6  }
0xf: {  	[smem:$0x3FA3] =	sst s7  }
0x10: {  	[smem:$0x3FA4] =	sst s8  }
0x11: {  	[smem:$0x3FA5] =	sst s9;
	s0 =	simm.s32 @!p0 $0x0  }
0x12: {  	s1 =	sld [smem:$0x3F8B];
	s0 =	simm.s32 @p0 $0x1  }
0x13: {  	[smem:$0x3FA6] =	sst s0;
	s0 =	simm.s32 @!p1 $0x0  }
0x14: {  	s2 =	sld [smem:$0x3F8A];
	s0 =	simm.s32 @p1 $0x1  }
0x15: {  	[smem:$0x3FA7] =	sst s0;
	s0 =	simm.s32 @!p2 $0x0  }
0x16: {  	s3 =	sld [smem:$0x3FDB];
	s0 =	simm.s32 @p2 $0x1  }
0x17: {  	s4 =	simm.s32 $0x1BF5;
	[smem:$0x3FA9] =	sst s0  }
0x18: {  	s0 =	sld [smem:$0x3F8C];
	_ =	swait.ge [sflag:s4], $0x0  }
0x19: {  	s7 =	sld [smem:$0x3F8D]  }
0x1a: {  	s8 =	sadd.s32 $0xFFFFE003, lr  }
0x1b: {  	s9 =	sadd.s32 $0xFFFFFEF7, lr;
	s5 =	simm.s32 $0xFFFFFFFF;
	p2 =	slt.u32 s8, $0xFFFFF086  }
0x1c: {  	p1 =	slt.u32 s9, $0xF7A;
	s5 =	simm.s32 @!p2 $0x0  }
0x1d: {  	s5 =	simm.s32 @p1 $0x1;
	p0 =	seq.s32 s7, s2  }
0x1e: {  	s7 =	smul.u32 @!p0 $0xF7A, s2;
	p2 =	seq.s32 @!p0 s5, $0x0  }
0x1f: {  	s9 =	smul.u32 $0xF7A, s1;
	s8 =	simm.s32 @!p0 $0x1BF5;
	p2 =	por !p2, p0  }
0x20: {  	[sflag:s8] =	ssyncset.s32 @!p0 $0xFFFFF086;
	s6 =	sadd.s32 @!p0 s3, s7;
	s7 =	simm.s32 @!p0 $0x108  }
0x21: {  	s3 =	sadd.s32 s3, s9;
	s6 =	sadd.s32 @!p0 $0x88, s6;
	s7 =	simm.s32 @p2 $0x1082  }
0x22: {  	[simem:s7], [sflag:s8] =	dma.local @!p0 [hbm:s6], $0xF7A  }
0x23: {  	s9 =	sor.u32 $0xD0000000, s2;
	s6 =	simm.s32 $0x108;
	_ =	swait.ge @!p0 [sflag:s8], $0x0  }
0x24: {  	s3 =	sadd.s32 $0x88, s3;
	s6 =	simm.s32 @!p1 $0x1082;
	[sflag:s4] =	ssyncset.s32 $0xFFFFF086  }
0x25: {  	[simem:s6], [sflag:s4] =	dma.local [hbm:s3], $0xF7A  }
0x26: {  	[smem:$0x3F8D] =	sst s1;
	(tag) =	ssettag s2;
	_ =	strace s9  }
0x27: {  	s1 =	sld [smem:$0x3F9D]  }
0x28: {  	s2 =	sld [smem:$0x3F9E]  }
0x29: {  	s4 =	sld [smem:$0x3FA0]  }
0x2a: {  	p0 =	seq.s32 s5, $0x0;
	s5 =	sld [smem:$0x3FA1]  }
0x2b: {  	s6 =	sld [smem:$0x3FA2]  }
0x2c: {  	s7 =	sld [smem:$0x3FA3]  }
0x2d: {  	s3 =	simm.s32 $0x108;
	s8 =	sld [smem:$0x3FA4]  }
0x2e: {  	s3 =	simm.s32 @!p0 $0x1082;
	s9 =	sld [smem:$0x3FA5]  }
0x2f: {  	lr =	sadd.s32 s0, s3;
	s0 =	sld [smem:$0x3F9C]  }
0x30: {  	s3 =	sld [smem:$0x3F9F]  }
0x31: {  	[smem:$0x3FA8] =	sst s10  }
0x32: {  	s10 =	sld [smem:$0x3FA6];
	_ =	sdelay $0x3  }
0x33: {  	p0 =	seq.s32 s10, $0x1;
	s10 =	sld [smem:$0x3FA8];
	_ =	sdelay $0x3  }
0x34: {  	[smem:$0x3FA8] =	sst s10  }
0x35: {  	s10 =	sld [smem:$0x3FA7];
	_ =	sdelay $0x3  }
0x36: {  	p1 =	seq.s32 s10, $0x1;
	s10 =	sld [smem:$0x3FA8];
	_ =	sdelay $0x3  }
0x37: {  	[smem:$0x3FA8] =	sst s10  }
0x38: {  	s10 =	sld [smem:$0x3FA9]  }
0x39: {  	_ = 	snop;
	(pc) =	sbr.ind lr, $3  }
0x3a: {  	_ = 	snop  }
0x3b: {  	_ = 	snop  }
0x3c: {  	p2 =	seq.s32 s10, $0x1;
	s10 =	sld [smem:$0x3FA8]  }
0x3d: {  	_ =	shalt  }
0x3e: {  	_ =	shalt  }
0x3f: {  	_ =	shalt  }
0x40: {  	_ =	shalt  }
0x41: {  	_ =	shalt  }
0x42: {  	_ =	shalt  }
0x43: {  	_ =	shalt  }
0x44: {  	_ =	shalt  }
0x45: {  	_ =	shalt  }
0x46: {  	_ =	shalt  }
0x47: {  	_ =	shalt  }
0x48: {  	_ =	shalt  }
0x49: {  	_ =	shalt  }
0x4a: {  	_ =	shalt  }
0x4b: {  	_ =	shalt  }
0x4c: {  	_ =	shalt  }
0x4d: {  	_ =	shalt  }
0x4e: {  	_ =	shalt  }
0x4f: {  	_ =	shalt  }
0x50: {  	_ =	shalt  }
0x51: {  	_ =	shalt  }
0x52: {  	_ =	shalt  }
0x53: {  	_ =	shalt  }
0x54: {  	_ =	shalt  }
0x55: {  	_ =	shalt  }
0x56: {  	_ =	shalt  }
0x57: {  	_ =	shalt  }
0x58: {  	_ =	shalt  }
0x59: {  	_ =	shalt  }
0x5a: {  	_ =	shalt  }
0x5b: {  	_ =	shalt  }
0x5c: {  	_ =	shalt  }
0x5d: {  	_ =	shalt  }
0x5e: {  	_ =	shalt  }
0x5f: {  	_ =	shalt  }
0x60: {  	_ =	shalt  }
0x61: {  	_ =	shalt  }
0x62: {  	_ =	shalt  }
0x63: {  	_ =	shalt  }
0x64: {  	_ =	shalt  }
0x65: {  	_ =	shalt  }
0x66: {  	_ =	shalt  }
0x67: {  	_ =	shalt  }
0x68: {  	_ =	shalt  }
0x69: {  	_ =	shalt  }
0x6a: {  	_ =	shalt  }
0x6b: {  	_ =	shalt  }
0x6c: {  	_ =	shalt  }
0x6d: {  	_ =	shalt  }
0x6e: {  	_ =	shalt  }
0x6f: {  	_ =	shalt  }
0x70: {  	_ =	shalt  }
0x71: {  	_ =	shalt  }
0x72: {  	_ =	shalt  }
0x73: {  	_ =	shalt  }
0x74: {  	_ =	shalt  }
0x75: {  	_ =	shalt  }
0x76: {  	_ =	shalt  }
0x77: {  	_ =	shalt  }
0x78: {  	_ =	shalt  }
0x79: {  	_ =	shalt  }
0x7a: {  	_ =	shalt  }
0x7b: {  	_ =	shalt  }
0x7c: {  	_ =	shalt  }
0x7d: {  	_ =	shalt  }
0x7e: {  	_ =	shalt  }
0x7f: {  	_ =	shalt  }
0x80: {  	_ =	shalt  }
0x81: {  	_ =	shalt  }
0x82: {  	_ =	shalt  }
0x83: {  	_ =	shalt  }
0x84: {  	_ =	shalt  }
0x85: {  	_ =	shalt  }
0x86: {  	_ =	shalt  }
0x87: {  	_ =	shalt  }
.Lfunc_end0:
.L_simem_size_0:
called_computation_lowered:
.L_overlay_start_0:
0x88: {  	s2 =	sld [smem:$0x3FD9]  }
0x89: {  	s3 =	sld [smem:$0x3FFE];
	_ =	sdelay $0x1  }
0x8a: {  	s1 =	srdreg.scid  }
0x8b: {  	s0 =	sand.u32 $0x1, s1  }
0x8c: {  	s14 =	sshll.u32 s0, $0xA;
	s2 =	sadd.s32 s3, s2  }
0x8d: {  	s2 =	sadd.s32 s2, s14  }
0x8e: {  	[smem:$0x3FB4] =	sst s2  }
0x8f: {  	_ = 	snop  }
0x90: {  	s2 =	sld [smem:$0x3FD0];
	_ =	sdelay $0x2  }
0x91: {  	s15 =	simm.s32 $0xA;
	s4 =	simm.s32 $0x10  }
0x92: {  	[smem:s4], [sflag:s15] =	dma.local [hbm:s2], $0x1  }
0x93: {  	_ =	swait.eq [sflag:s15], $0x1  }
0x94: {  	[sflag:s15] =	ssyncset.done $0x0  }
0x95: {  	[sflag:s15] =	ssyncadd.s32 $0xFFFFFFFF  }
0x96: {  	s16 =	sld [smem:$0x11];
	(tm) =	ssettm $0x1  }
0x97: {  	s17 =	sld [smem:$0x3FFB];
	_ =	sdelay $0x3  }
0x98: {  	_ =	strace s17  }
0x99: {  	s3 =	sld [smem:$0x3FFC];
	_ =	sdelay $0x3  }
0x9a: {  	_ =	strace s3  }
0x9b: {  	s3 =	sld [smem:$0x3FFD];
	_ =	sdelay $0x3  }
0x9c: {  	_ =	strace s3  }
0x9d: {  	_ =	strace $0x8FFFFFFF  }
0x9e: {  	s18 =	sld [smem:$0x3FDB];
	_ =	sdelay $0x1  }
0x9f: {  	s19 =	simm.s32 $_scs_section_size  }
0xa0: {  	s5 =	simm.s32 $_size__tile_overlayer_lowered;
	s6 =	simm.s32 $_tile_overlayer_lowered  }
0xa1: {  	s22 =	simm.s32 $0x1BFF;
	s21 =	sshll.u32 s6, $0x1;
	s3 =	sadd.s32 s19, s18  }
0xa2: {  	s7 =	simm.s32 $0x0;
	s20 =	sshll.u32 s5, $0x1;
	s5 =	sadd.s32 s21, s3  }
0xa3: {  	[timem:s7], [sflag:s22] =	dma.local [hbm:s5], s20  }
0xa4: {  	_ =	swait.ge [sflag:s22], s20  }
0xa5: {  	s4 =	ssub.s32 $0x0, s20;
	[sflag:s22] =	ssyncset.done $0x0  }
0xa6: {  	[sflag:s22] =	ssyncadd.s32 s4;
	_ =	sdelay $0x1  }
0xa7: {  	s23 =	simm.s32 $0x1B8B  }
0xa8: {  	_ =	swait.ge [sflag:s23], $0x1  }
0xa9: {  	[sflag:s23] =	ssyncset.done $0x0  }
0xaa: {  	s25 =	simm.s32 $0x1B8E;
	s24 =	sld [smem:$0x3FFE];
	[sflag:s23] =	ssyncadd.s32 $0xFFFFFFFF  }
0xab: {  	s26 =	simm.s32 $execute0_lowered;
	[smem:$0x3FD2] =	sst s25  }
0xac: {  	s5 =	sshll.u32 s26, $0x1;
	_ =	strace $0x80000046;
	[dreg:$0x1] =	wrdreg $0xFFFFFFFF  }
0xad: {  	s28 =	simm.s32 $_size_execute0_lowered;
	s3 =	sadd.s32 s3, s5;
	[dreg:$0x0] =	wrdreg $0x0  }
0xae: {  	s5 =	sshll.u32 s28, $0x1;
	[dreg:$0x2] =	wrdreg s3  }
0xaf: {  	[dreg:$0x3] =	wrdreg s5  }
0xb0: {  	[dreg:$0x4] =	wrdreg $0xC0  }
0xb1: {  	_ =	task [dreg:s7], $0x5FFFF  }
0xb2: {  	[dreg:$0x1] =	wrdreg $0xFFFFFFFF  }
0xb3: {  	[dreg:$0x0] =	wrdreg $0x60  }
0xb4: {  	[dreg:$0x2] =	wrdreg s24  }
0xb5: {  	[dreg:$0x3] =	wrdreg s16  }
0xb6: {  	[dreg:$0x4] =	wrdreg $0xB7000  }
0xb7: {  	[dreg:$0x5] =	wrdreg $0x9  }
0xb8: {  	_ =	task.clear_ibuf [dreg:s7], $0x6FFFF;
	_ =	strace $0x90000046  }
0xb9: {  	s29 =	simm.s32 $0x9;
	_ =	strace $0x80000048  }
0xba: {  	_ =	swait.ge [sflag:s29], $0x1  }
0xbb: {  	[sflag:s29] =	ssyncadd.s32 $0xFFFFFFFF  }
0xbc: {  	_ =	strace $0x90000048  }
0xbd: {  	_ =	sfence  }
0xbe: {  	s30 =	sld [smem:$0x0];
	_ =	sdelay $0x2  }
0xbf: {  	s31 =	sshll.u32 s1, $0xD;
	s1 =	sshrl.u32 s1, $0x2  }
0xc0: {  	s3 =	sand.u32 $0x4000, s31;
	s1 =	sadd.s32 s1, s30  }
0xc1: {  	s0 =	sor.u32 s3, s0;
	s1 =	sshll.u32 s1, $0x11  }
0xc2: {  	s0 =	sor.u32 s1, s0  }
0xc3: {  	s0 =	sadd.s32 $0x8F2B, s0  }
0xc4: {  	[sflag:s0] =	ssyncadd.remote.s32 $0x1  }
0xc5: {  	_ =	sfence.sel $0xFFFF  }
0xc6: {  	[dreg:$0x0] =	wrdreg $0xFFFFFFFF;
	(pc) =	sbr.abs _section_cstart, $3  }
0xc7: {  	[dreg:$0x1] =	wrdreg $0xFFFFFFFF  }
0xc8: {  	_ =	task.clear_ibuf [dreg:s7], $0x2FFFF;
	_ =	strace $0x9FFFFFFF  }
0xc9: {  	(tm) =	ssettm $0x7FFFFFFF  }
tec
execute0_lowered:
.L_overlay_start_1:
0x0: {  	(tag) =	ssettag $0x1  }
0x1: {  	s0 =	rddreg [dreg:$0x0]  }
0x2: {  	s1 =	rddreg [dreg:$0x1];
	v0 =	vimm.s32 $0x76543210  }
0x3: {  	s18 =	rddreg [dreg:$0x2];
	s2 =	simm.s32 $0x0;
	s20 =	srdreg.scid;
	v1 =	vimm.s32 $0xFEDCBA98;
	v2 =	vimm.s32 $0xBA98FEDC;
	v3 =	vimm.s32 $0x32107654  }
0x4: {  	s7 =	stileid.u32;
	v4 =	vimm.s32 $0xDCFE98BA;
	v5 =	vimm.s32 $0x54761032;
	s19 =	simm.s32 $0x8F00;
	s28 =	simm.s32 $0x3  }
0x5: {  	v6 =	vimm.s32 $0xEFCDAB89;
	v7 =	vimm.s32 $0x67452301;
	s29 =	simm.s32 $0x5;
	s30 =	simm.s32 $0x80;
	s31 =	simm.s32 $0x180  }
0x6: {  	vm0 =	vmmov $0xff;
	vm1 =	vcmask $0x2320;
	[smem:$0x7FF] =	sst s2;
	s2 =	sand.u32 $0x1, s20;
	s4 =	sadd.s32 $0x4FAC00, s0  }
0x7: {  	vm2 =	vcmask $0x300;
	vm3 =	vcmask $0x700;
	vm4 =	vcmask $0xB00;
	s3 =	sshll.u32 s7, $0x1;
	s5 =	sadd.s32 $0x521E00, s0;
	s6 =	sadd.s32 $0x18C00, s0  }
0x8: {  	vm5 =	vcmask $0xF00;
	vm6 =	vcmask $0x1300;
	vm7 =	vcmask $0x1700;
	s8 =	sadd.s32 $0xEE00, s0;
	s9 =	sadd.s32 $0x5000, s0;
	s11 =	smul.u32 $0x7D000, s7  }
0x9: {  	vm8 =	vcmask $0x1B00;
	v0 =	vunpack.c.l.s4.s8 v0;
	v1 =	vunpack.c.l.s4.s8 v1;
	s10 =	sadd.s32 $0x570200, s0;
	s23 =	smul.u32 $0x3E80, s7;
	p0 =	sgt.u32 s7, $0x9  }
0xa: {  	v2 =	vunpack.c.l.s4.s8 v2;
	v3 =	vunpack.c.l.s4.s8 v3;
	v4 =	vunpack.c.l.s4.s8 v4;
	s3 =	sor.u32 s2, s3;
	s21 =	ssub.s32 $0x2, s2;
	s2 =	smul.u32 $0x27100, s2  }
0xb: {  	v5 =	vunpack.c.l.s4.s8 v5;
	s20 =	simm.s32 $0xA;
	vm1 =	vmor vm2, vm1;
	vm2 =	vcmask $0x2720;
	_ =	strace $0x80000047;
	s14 =	smul.u32 $0x2710, s3  }
0xc: {  	v6 =	vunpack.c.l.s4.s8 v6;
	v7 =	vunpack.c.l.s4.s8 v7;
	vm2 =	vmor vm3, vm2;
	s3 =	smul.u32 $0x27100, s3;
	s12 =	sshrl.u32 s21, $0x1;
	s26 =	sshrl.u32 s11, $0x2  }
0xd: {  	vm3 =	vcmask $0x2B20;
	v0 =	vunpack.c.0.s8.s32 v0;
	v1 =	vunpack.c.0.s8.s32 v1;
	s11 =	simm.s32 $0x2;
	s0 =	ssub.s32 s21, s12;
	s2 =	sadd.s32 s23, s2  }
0xe: {  	v2 =	vunpack.c.0.s8.s32 v2;
	v3 =	vunpack.c.0.s8.s32 v3;
	v4 =	vunpack.c.0.s8.s32 v4;
	s16 =	sadd.s32 s26, s18;
	s26 =	simm.s32 $0x1;
	s3 =	sadd.s32 s6, s3  }
0xf: {  	v5 =	vunpack.c.0.s8.s32 v5;
	vm3 =	vmor vm4, vm3;
	vm4 =	vcmask $0x2F20;
	s21 =	simm.s32 $0x4;
	s24 =	sadd.s32 $0x28, s14;
	[dreg:$0x6] =	wrdreg s3  }
0x10: {  	vm4 =	vmor vm5, vm4;
	vm5 =	vcmask $0x3320;
	s12 =	simm.s32 $0x6;
	v2 =	vcombine.low v3, v2;
	s25 =	sadd.s32 $0x50, s14;
	[dreg:$0x7] =	wrdreg s24  }
0x11: {  	s13 =	sshrl.u32 s14, $0x3;
	s1 =	sadd.s32 s1, s2;
	v3 =	vcombine.low v5, v4;
	v4 =	vunpack.c.0.s8.s32 v6;
	v5 =	vunpack.c.0.s8.s32 v7;
	[dreg:$0x8] =	wrdreg s25  }
0x12: {  	v1 =	vand.u32 $0xF, v1;
	s15 =	smov.u32 s14;
	s0 =	smax.u32 s0, $0x1;
	vm5 =	vmor vm6, vm5;
	vm6 =	vcmask $0x3720;
	[dreg:$0x9] =	wrdreg s1  }
0x13: {  	s2 =	simm.s32 $0x0;
	s22 =	sadd.s32 s8, s13;
	v0 =	vcombine.low v1, v0;
	[dreg:$0xa] =	wrdreg s0;
	v1 =	vimm.f32 $0.0e+00;
	v4 =	vcombine.low v5, v4  }
0x14: {  	s13 =	sadd.s32 s9, s13;
	s25 =	simm.s32 $0x7B00;
	vm6 =	vmor vm7, vm6;
	vm7 =	vcmask $0x3B20;
	[dreg:$0x4] =	wrdreg s22;
	v2 =	vand.u32 $0xF, v2  }
0x15: {  	[dreg:$0x5] =	wrdreg s13;
	s22 =	simm.s32 $0x28;
	s13 =	simm.s32 $0x7;
	v3 =	vand.u32 $0xF, v3;
	vm7 =	vmor vm8, vm7;
	v4 =	vand.u32 $0xF, v4  }
.LBB2_1:
0x16: {  	s0 =	simm.s32 $0x0;
	s1 =	simm.s32 $0x200  }
.LBB2_2:
0x17: {  	p1 =	sne.s32 s1, $0x4E00;
	[tilespmem:s0+$0xA370] =	vst v1  }
0x18: {  	[tilespmem:s0+$0x8F00] =	vst v1  }
0x19: {  	[tilespmem:s0+$0xA300] =	vst v1  }
0x1a: {  	[tilespmem:s0+$0x8F10] =	vst v1  }
0x1b: {  	[tilespmem:s0+$0xA310] =	vst v1  }
0x1c: {  	[tilespmem:s0+$0x8F20] =	vst v1  }
0x1d: {  	[tilespmem:s0+$0xA320] =	vst v1  }
0x1e: {  	[tilespmem:s0+$0x8F30] =	vst v1  }
0x1f: {  	[tilespmem:s0+$0xA330] =	vst v1  }
0x20: {  	[tilespmem:s0+$0x8F40] =	vst v1  }
0x21: {  	[tilespmem:s0+$0xA340] =	vst v1  }
.Ltmp0:
0x22: {  	[tilespmem:s0+$0x8F50] =	vst v1;
	(pc) =	sbr.rel @p1 .LBB2_2-.Ltmp0, $4  }
0x23: {  	[tilespmem:s0+$0xA350] =	vst v1  }
0x24: {  	[tilespmem:s0+$0x8F60] =	vst v1  }
0x25: {  	[tilespmem:s0+$0xA360] =	vst v1  }
0x26: {  	[tilespmem:s0+$0x8F70] =	vst v1;
	s0 =	sshra.s32 s1, $0x2;
	s1 =	sadd.s32 $0x200, s1  }
0x27: {  	[tilespmem:s0+$0xA370] =	vst v1  }
0x28: {  	[tilespmem:s0+$0x8F00] =	vst v1  }
0x29: {  	[tilespmem:s0+$0xA300] =	vst v1  }
0x2a: {  	[tilespmem:s0+$0x8F10] =	vst v1  }
0x2b: {  	[tilespmem:s0+$0xA310] =	vst v1  }
0x2c: {  	[tilespmem:s0+$0x8F20] =	vst v1  }
0x2d: {  	[tilespmem:s0+$0xA320] =	vst v1  }
0x2e: {  	[tilespmem:s0+$0x8F30] =	vst v1  }
0x2f: {  	[tilespmem:s0+$0xA330] =	vst v1  }
0x30: {  	[tilespmem:s0+$0x8F40] =	vst v1  }
0x31: {  	[tilespmem:s0+$0xA340] =	vst v1  }
.Ltmp1:
0x32: {  	[tilespmem:s0+$0x8F50] =	vst v1;
	(pc) =	sbr.rel @p0 .LBB2_7-.Ltmp1, $4  }
0x33: {  	[tilespmem:s0+$0xA350] =	vst v1  }
0x34: {  	[tilespmem:s0+$0x8F60] =	vst v1  }
0x35: {  	[tilespmem:s0+$0xA360] =	vst v1  }
0x36: {  	[tilespmem:s0+$0x8F70] =	vst v1  }
0x37: {  	s0 =	sadd.s32 $0x0, s16  }
0x38: {  	[spmem:s0] =	stream.linear.scatter [tilespmem:s19], [sflag:$0xA], $0x1400, $0x38;
	[tilespmem:$0x1EF80] =	vst v63  }
0x39: {  	s0 =	simm.s32 $0x5000;
	_ =	swait.ge [sflag:s20], $0x1400  }
.LBB2_5:
0x3a: {  	s1 =	sshra.s32 s0, $0x2;
	[sflag:s20] =	ssyncset.done $0x0;
	p1 =	sne.s32 s0, $0x78000  }
.Ltmp2:
0x3b: {  	s1 =	sadd.s32 s1, s16;
	[sflag:s20] =	ssyncadd.s32 $0xFFFFEC00;
	(pc) =	sbr.rel @p1 .LBB2_5-.Ltmp2, $3  }
0x3c: {  	[spmem:s1] =	stream.linear.scatter [tilespmem:s19], [sflag:$0xA], $0x1400, $0x38;
	[tilespmem:$0x1EF80] =	vst v63  }
0x3d: {  	s0 =	sadd.s32 $0x5000, s0;
	_ =	sdelay $0x1  }
0x3e: {  	_ =	swait.ge [sflag:s20], $0x1400  }
0x3f: {  	[sflag:s20] =	ssyncset.done $0x0  }
0x40: {  	[sflag:s20] =	ssyncadd.s32 $0xFFFFEC00  }
.LBB2_7:
0x41: {  	[dreg:$0xb] =	wrdreg s2  }
0x42: {  	[bflag:$0x0] =	sbarrier.arrive $0xFFFF  }
0x43: {  	s0 =	simm.s32 $0x0;
	s1 =	rddreg [dreg:$0x4]  }
0x44: {  	[tilespmem:s0], [sflag:$0xA] =	stream.linear.gather [hbm4b:s1+s0], $0x28, $0x38;
	[tilespmem:$0x1EF80] =	vst v63  }
0x45: {  	_ =	swait.ge [sflag:s20], $0x28  }
0x46: {  	[sflag:s20] =	ssyncset.done $0x0  }
0x47: {  	s7 =	simm.s32 $0x100;
	s3 =	rddreg [dreg:$0x5];
	[sflag:s20] =	ssyncadd.s32 $0xFFFFFFD8  }
0x48: {  	[tilespmem:s7], [sflag:$0xA] =	stream.linear.gather [hbm4b:s3+s0], $0x28, $0x38;
	[tilespmem:$0x1EF80] =	vst v63  }
0x49: {  	_ =	swait.ge [sflag:s20], $0x28  }
0x4a: {  	[sflag:s20] =	ssyncset.done $0x0  }
0x4b: {  	s14 =	simm.s32 $0x300;
	[sflag:s20] =	ssyncadd.s32 $0xFFFFFFD8  }
0x4c: {  	[tilespmem:s14], [sflag:$0x1] =	stream.indirect.gather [hbm4b:s4+s22], $0x80, s0, s22, $0xb8;
	[tilespmem:$0x1EF80] =	vst v63  }
0x4d: {  	s17 =	simm.s32 $0x2B00  }
0x4e: {  	[tilespmem:s17], [sflag:$0x3] =	stream.indirect.gather [hbm4b:s5+s22], $0x80, s7, s22, $0xb8;
	[tilespmem:$0x1EF80] =	vst v63  }
0x4f: {  	s24 =	simm.s32 $0x5300;
	s23 =	rddreg [dreg:$0x6]  }
0x50: {  	[tilespmem:s24], [sflag:$0x5] =	stream.linear.gather [hbm4b:s23+s0], $0x1400, $0x38;
	[tilespmem:$0x1EF80] =	vst v63  }
0x51: {  	s23 =	simm.s32 $0x0  }
.LBB2_8:
0x52: {  	_ =	swait.ge [sflag:s26], $0x1400  }
0x53: {  	[sflag:s26] =	ssyncset.done $0x0  }
0x54: {  	[sflag:s26] =	ssyncadd.s32 $0xFFFFEC00  }
0x55: {  	_ =	swait.ge [sflag:s28], $0x1400  }
0x56: {  	[sflag:s28] =	ssyncset.done $0x0  }
0x57: {  	[sflag:s28] =	ssyncadd.s32 $0xFFFFEC00  }
0x58: {  	_ =	swait.ge [sflag:s29], $0x1400  }
0x59: {  	p1 =	seq.s32 s23, $0x0;
	[sflag:s29] =	ssyncset.done $0x0  }
0x5a: {  	s1 =	simm.s32 @!p1 $0x8;
	[sflag:s29] =	ssyncadd.s32 $0xFFFFEC00  }
0x5b: {  	_ =	swait.ge @!p1 [sflag:s1], $0x1400  }
0x5c: {  	[sflag:s1] =	ssyncset.done @!p1 $0x0  }
0x5d: {  	[sflag:s1] =	ssyncadd.s32 @!p1 $0xFFFFEC00;
	s1 =	simm.s32 @!p1 $0x7  }
0x5e: {  	s2 =	smul.u32 $0x50, s23;
	_ =	swait.ge @!p1 [sflag:s1], $0x1400  }
0x5f: {  	s3 =	rddreg [dreg:$0x7]  }
0x60: {  	s3 =	sadd.s32 s2, s3  }
0x61: {  	[sflag:s1] =	ssyncset.done @!p1 $0x0;
	s17 =	sshrl.u32 s3, $0x3  }
0x62: {  	[sflag:s1] =	ssyncadd.s32 @!p1 $0xFFFFEC00;
	s7 =	sadd.s32 s8, s17  }
0x63: {  	[tilespmem:s30], [sflag:$0xA] =	stream.linear.gather [hbm4b:s7+s0], $0x28, $0x38;
	[tilespmem:$0x1EF80] =	vst v63  }
0x64: {  	_ =	swait.ge [sflag:s20], $0x28  }
0x65: {  	[sflag:s20] =	ssyncset.done $0x0  }
0x66: {  	s14 =	smov.u32 s18;
	s18 =	sadd.s32 s9, s17;
	[sflag:s20] =	ssyncadd.s32 $0xFFFFFFD8  }
0x67: {  	[tilespmem:s31], [sflag:$0xA] =	stream.linear.gather [hbm4b:s18+s0], $0x28, $0x38;
	[tilespmem:$0x1EF80] =	vst v63  }
0x68: {  	_ =	swait.ge [sflag:s20], $0x28  }
0x69: {  	[sflag:s20] =	ssyncset.done $0x0  }
0x6a: {  	s24 =	simm.s32 $0x1700;
	[sflag:s20] =	ssyncadd.s32 $0xFFFFFFD8  }
0x6b: {  	[tilespmem:s24], [sflag:$0x2] =	stream.indirect.gather [hbm4b:s4+s22], $0x80, s30, s22, $0xb8;
	[tilespmem:$0x1EF80] =	vst v63  }
0x6c: {  	s7 =	simm.s32 $0x3F00;
	s24 =	sshll.u32 s3, $0x4  }
0x6d: {  	[tilespmem:s7], [sflag:$0x4] =	stream.indirect.gather [hbm4b:s5+s22], $0x80, s31, s22, $0xb8;
	[tilespmem:$0x1EF80] =	vst v63  }
0x6e: {  	s18 =	simm.s32 $0x6700;
	s17 =	sadd.s32 s6, s24  }
0x6f: {  	[tilespmem:s18], [sflag:$0x6] =	stream.linear.gather [hbm4b:s17+s0], $0x1400, $0x38;
	[tilespmem:$0x1EF80] =	vst v63  }
0x70: {  	s17 =	simm.s32 $0x0  }
0x71: {  	v5 =	vld [tilespmem:s17+$0x330]  }
0x72: {  	v6 =	vld [tilespmem:s17+$0x2BE0]  }
0x73: {  	v7 =	vld [tilespmem:s17+$0x5360]  }
0x74: {  	v8 =	vld [tilespmem:s17+$0x53C0]  }
0x75: {  	v9 =	vld [tilespmem:s17+$0x2BC0]  }
0x76: {  	v10 =	vld [tilespmem:s17+$0x5340]  }
0x77: {  	v11 =	vld [tilespmem:s17+$0x2B40]  }
0x78: {  	v12 =	vld [tilespmem:s17+$0x53B0]  }
0x79: {  	v13 =	vld [tilespmem:s17+$0x2BB0]  }
0x7a: {  	v14 =	vld [tilespmem:s17+$0x5330]  }
0x7b: {  	v15 =	vld [tilespmem:s17+$0x2B30]  }
0x7c: {  	v16 =	vld [tilespmem:s17+$0x310]  }
0x7d: {  	v17 =	vld [tilespmem:s17+$0x380]  }
0x7e: {  	v18 =	vld [tilespmem:s17+$0x300]  }
0x7f: {  	v19 =	vld [tilespmem:s17+$0x53A0]  }
0x80: {  	v20 =	vld [tilespmem:s17+$0x2BA0]  }
0x81: {  	v21 =	vld [tilespmem:s17+$0x5320]  }
0x82: {  	v22 =	vld [tilespmem:s17+$0x2B20]  }
0x83: {  	v23 =	vld [tilespmem:s17+$0x5390]  }
0x84: {  	v24 =	vld [tilespmem:s17+$0x2B90]  }
0x85: {  	v25 =	vld [tilespmem:s17+$0x5310]  }
0x86: {  	v26 =	vld [tilespmem:s17+$0x2B10]  }
0x87: {  	v27 =	vld [tilespmem:s17+$0x5380]  }
0x88: {  	v28 =	vld [tilespmem:s17+$0x2B80]  }
0x89: {  	v29 =	vld [tilespmem:s17+$0x5300]  }
0x8a: {  	v30 =	vld [tilespmem:s17+$0x350]  }
0x8b: {  	v31 =	vld [tilespmem:s17+$0x2B00]  }
0x8c: {  	v32 =	vld [tilespmem:s17+$0x3B0]  }
0x8d: {  	v33 =	vld [tilespmem:s17+$0x2B50]  }
0x8e: {  	v34 =	vld [tilespmem:s17+$0x5350]  }
0x8f: {  	v35 =	vld [tilespmem:s17+$0x2BD0]  }
0x90: {  	v36 =	vld [tilespmem:s17+$0x53D0]  }
0x91: {  	v63 =	vld [tilespmem:s17+$0x320];
	v19 =	vadd.f32 v19, v20;
	v14 =	vadd.f32 v14, v15  }
0x92: {  	v39 =	vld [tilespmem:s17+$0x2B70];
	v15 =	vadd.f32 v25, v26;
	v21 =	vadd.f32 v21, v22  }
0x93: {  	v40 =	vld [tilespmem:s17+$0x3F0];
	v22 =	vadd.f32 v27, v28;
	v12 =	vadd.f32 v12, v13  }
0x94: {  	v20 =	vld [tilespmem:s17+$0x340];
	v13 =	vadd.f32 v23, v24;
	v23 =	vadd.f32 v29, v31;
	v15 =	vmul.f32 v15, v16  }
0x95: {  	v25 =	vld [tilespmem:s17+$0x3C0];
	v5 =	vmul.f32 v14, v5;
	v14 =	vmul.f32 v22, v17  }
0x96: {  	v10 =	vadd.f32 v10, v11;
	v16 =	vld [tilespmem:s17+$0x3A0];
	v11 =	vmul.f32 v12, v32;
	v18 =	vmul.f32 v23, v18  }
0x97: {  	v17 =	vld [tilespmem:s17+$0x2B60];
	v23 =	vadd.f32 v34, v33;
	v12 =	vperm.xlane v15, v0;
	v24 =	vperm.xlane v5, v0  }
0x98: {  	s18 =	simm.s32 $0x100;
	v8 =	vadd.f32 v8, v9;
	v22 =	vld [tilespmem:s17+$0x53E0];
	v9 =	vperm.xlane v11, v0;
	v62 =	vperm.xlane v14, v0  }
0x99: {  	v41 =	vld [tilespmem:s18+$0x5340];
	v37 =	vadd.f32 v36, v35;
	v23 =	vmul.f32 v23, v30;
	v10 =	vmul.f32 v10, v20  }
0x9a: {  	v26 =	vld [tilespmem:s17+$0x3D0];
	v8 =	vmul.f32 v8, v25;
	v5 =	vadd.f32 v24, v5;
	v24 =	vperm.xlane v18, v0  }
0x9b: {  	v27 =	vld [tilespmem:s17+$0x360];
	v9 =	vadd.f32 v9, v11;
	v11 =	vperm.xlane v23, v0;
	v12 =	vadd.f32 v12, v15  }
0x9c: {  	v20 =	vld [tilespmem:s17+$0x3E0];
	v14 =	vadd.f32 v62, v14;
	v38 =	vperm.xlane v10, v0;
	v16 =	vmul.f32 v19, v16  }
0x9d: {  	v25 =	vld [tilespmem:s17+$0x390];
	v19 =	vperm.xlane v8, v0;
	v7 =	vadd.f32 v7, v17;
	v6 =	vadd.f32 v22, v6  }
0x9e: {  	v43 =	vld [tilespmem:s18+$0x5330];
	v17 =	vmul.f32 v21, v63;
	v18 =	vadd.f32 v24, v18;
	v5 =	vsel vm0, v5, v9  }
0x9f: {  	v45 =	vld [tilespmem:s18+$0x53A0];
	v9 =	vadd.f32 v11, v23;
	v11 =	vmul.f32 v37, v26;
	v26 =	vperm.xlane v16, v0  }
0xa0: {  	v24 =	vld [tilespmem:s17+$0x5370];
	v10 =	vadd.f32 v38, v10;
	v15 =	vperm.xlane v5, v2;
	v7 =	vmul.f32 v7, v27  }
0xa1: {  	v23 =	vld [tilespmem:s17+$0x2BF0];
	v8 =	vadd.f32 v19, v8;
	v29 =	vperm.xlane v17, v0;
	v30 =	vperm.xlane v11, v0  }
0xa2: {  	v19 =	vld [tilespmem:s17+$0x53F0];
	v13 =	vmul.f32 v13, v25;
	v6 =	vmul.f32 v6, v20  }
0xa3: {  	v20 =	vld [tilespmem:s18+$0x53C0];
	v14 =	vsel vm0, v18, v14;
	v8 =	vsel vm0, v10, v8;
	v15 =	vadd.f32 v5, v15  }
0xa4: {  	v25 =	vld [tilespmem:s18+$0x2BC0];
	v16 =	vadd.f32 v26, v16;
	v42 =	vperm.xlane v7, v0;
	v17 =	vadd.f32 v29, v17  }
0xa5: {  	v10 =	vld [tilespmem:s17+$0x370];
	v21 =	vperm.xlane v8, v2;
	v11 =	vadd.f32 v30, v11;
	v27 =	vperm.xlane v6, v0  }
0xa6: {  	v49 =	vld [tilespmem:s18+$0x5320];
	v7 =	vadd.f32 v42, v7;
	v24 =	vadd.f32 v24, v39;
	v16 =	vsel vm0, v17, v16  }
0xa7: {  	v52 =	vld [tilespmem:s18+$0x5390];
	v8 =	vadd.f32 v8, v21;
	v21 =	vperm.xlane v15, v3;
	v9 =	vsel vm0, v9, v11  }
0xa8: {  	v56 =	vld [tilespmem:s18+$0x2B10];
	v11 =	vperm.xlane v13, v0;
	v6 =	vadd.f32 v27, v6;
	v19 =	vadd.f32 v19, v23  }
0xa9: {  	v60 =	vld [tilespmem:s18+$0x5300];
	v46 =	vperm.xlane v16, v2;
	v20 =	vadd.f32 v20, v25;
	v26 =	vperm.xlane v8, v3  }
0xaa: {  	v61 =	vld [tilespmem:s18+$0x350];
	v11 =	vadd.f32 v11, v13;
	v15 =	vadd.f32 v15, v21;
	v10 =	vmul.f32 v24, v10  }
0xab: {  	v62 =	vld [tilespmem:s18+$0x2B00];
	v19 =	vmul.f32 v19, v40;
	v16 =	vadd.f32 v16, v46;
	v8 =	vadd.f32 v8, v26  }
0xac: {  	v22 =	vld [tilespmem:s18+$0x330];
	v26 =	vperm.xlane v14, v2;
	v11 =	vsel vm0, v12, v11;
	v47 =	vperm.xlane v10, v0  }
0xad: {  	v18 =	vld [tilespmem:s18+$0x53B0];
	v6 =	vsel vm0, v7, v6;
	v48 =	vperm.xlane v19, v0;
	v27 =	vperm.xlane v11, v2  }
0xae: {  	v5 =	vld [tilespmem:s18+$0x2BE0];
	v55 =	vperm.xlane v16, v3;
	v59 =	vperm.xlane v15, v4;
	v7 =	vadd.f32 v14, v26  }
0xaf: {  	v12 =	vld [tilespmem:s18+$0x2BB0];
	v21 =	vperm.xlane v8, v4;
	v10 =	vadd.f32 v47, v10;
	v11 =	vadd.f32 v11, v27  }
0xb0: {  	v23 =	vld [tilespmem:s18+$0x380];
	v19 =	vadd.f32 v48, v19;
	v16 =	vadd.f32 v16, v55;
	v27 =	vperm.xlane v9, v2  }
0xb1: {  	v25 =	vld [tilespmem:s18+$0x2BD0];
	v15 =	vadd.f32 v15, v59;
	v24 =	vperm.xlane v7, v3;
	v44 =	vperm.xlane v11, v3  }
0xb2: {  	v13 =	vld [tilespmem:s18+$0x2B40];
	v8 =	vadd.f32 v8, v21;
	v21 =	vperm.xlane v6, v2;
	v10 =	vsel vm0, v10, v19  }
0xb3: {  	v14 =	vld [tilespmem:s18+$0x2B30];
	v58 =	vperm.xlane v16, v4;
	v7 =	vadd.f32 v7, v24;
	v11 =	vadd.f32 v11, v44  }
0xb4: {  	v9 =	vadd.f32 v9, v27;
	v27 =	vperm.xlane v10, v2;
	v12 =	vadd.f32 v18, v12;
	v24 =	vld [tilespmem:s18+$0x2BA0]  }
0xb5: {  	v26 =	vld [tilespmem:s18+$0x310];
	v6 =	vadd.f32 v6, v21;
	v50 =	vperm.xlane v7, v4;
	v51 =	vperm.xlane v11, v4  }
0xb6: {  	v19 =	vld [tilespmem:s18+$0x5310];
	v16 =	vadd.f32 v16, v58;
	v57 =	vperm.xlane v9, v3;
	v10 =	vadd.f32 v10, v27  }
0xb7: {  	v21 =	vld [tilespmem:s18+$0x300];
	v7 =	vadd.f32 v7, v50;
	v11 =	vadd.f32 v11, v51  }
0xb8: {  	v14 =	vadd.f32 v43, v14;
	v27 =	vld [tilespmem:s18+$0x2B80];
	v17 =	vperm.xlane v6, v3;
	v9 =	vadd.f32 v9, v57  }
0xb9: {  	v18 =	vperm.xlane v10, v3;
	v7 =	vsel vm1, v7, v11;
	v11 =	vadd.f32 v45, v24;
	v24 =	vld [tilespmem:s18+$0x5380]  }
0xba: {  	v14 =	vmul.f32 v14, v22;
	v22 =	vld [tilespmem:s18+$0x53D0];
	v6 =	vadd.f32 v6, v17;
	v63 =	vperm.xlane v9, v4  }
0xbb: {  	v10 =	vadd.f32 v10, v18;
	v18 =	vadd.f32 v19, v56;
	v19 =	vld [tilespmem:s18+$0x3B0];
	v7 =	vsel vm2, v7, v16  }
0xbc: {  	v13 =	vadd.f32 v41, v13;
	v17 =	vld [tilespmem:s18+$0x2B20];
	v53 =	vperm.xlane v6, v4;
	v7 =	vsel vm3, v7, v15  }
0xbd: {  	v9 =	vadd.f32 v9, v63;
	v16 =	vld [tilespmem:s18+$0x2B50];
	v7 =	vsel vm4, v7, v8;
	v8 =	vperm.xlane v10, v4  }
0xbe: {  	v18 =	vmul.f32 v18, v26;
	v6 =	vadd.f32 v6, v53;
	v15 =	vadd.f32 v24, v27;
	v24 =	vld [tilespmem:s18+$0x5350]  }
0xbf: {  	v26 =	vld [tilespmem:s18+$0x3A0];
	v7 =	vsel vm5, v7, v9;
	v9 =	vadd.f32 v60, v62;
	v8 =	vadd.f32 v10, v8  }
0xc0: {  	v10 =	vmul.f32 v12, v19;
	v12 =	vld [tilespmem:s18+$0x340];
	v6 =	vsel vm6, v7, v6;
	v7 =	vperm.xlane v18, v0  }
0xc1: {  	v22 =	vadd.f32 v22, v25;
	v19 =	vld [tilespmem:s18+$0x3C0];
	v23 =	vmul.f32 v15, v23;
	v15 =	vperm.xlane v14, v0  }
0xc2: {  	v25 =	vld [tilespmem:s18+$0x2B60];
	v9 =	vmul.f32 v9, v21;
	v6 =	vsel vm7, v6, v8;
	v21 =	vperm.xlane v10, v0  }
0xc3: {  	v27 =	vld [tilespmem:s18+$0x3D0];
	v6 =	vmul.f32 $2.500000000e-01, v6;
	v14 =	vadd.f32 v15, v14;
	v16 =	vadd.f32 v24, v16  }
0xc4: {  	v15 =	vperm.xlane v9, v0;
	v10 =	vadd.f32 v21, v10;
	v21 =	vld [tilespmem:s18+$0x53E0];
	v24 =	vperm.xlane v23, v0  }
0xc5: {  	v8 =	vld [tilespmem:s18+$0x5360];
	v12 =	vmul.f32 v13, v12;
	v16 =	vmul.f32 v16, v61  }
0xc6: {  	v6 =	vmul.f32 $1.442695020e+00, v6;
	v13 =	vadd.f32 v15, v9;
	v9 =	vmul.f32 v20, v19;
	v19 =	vld [tilespmem:s18+$0x320]  }
0xc7: {  	v17 =	vadd.f32 v49, v17;
	v20 =	vmul.f32 v11, v26;
	v26 =	vld [tilespmem:s18+$0x3E0];
	v15 =	vperm.xlane v16, v0  }
0xc8: {  	v54 =	vld [tilespmem:s18+$0x2B90];
	v10 =	vsel vm0, v14, v10;
	v14 =	vperm.xlane v12, v0;
	(erf) = vpow2.f32 v6  }
0xc9: {  	v6 =	vld [tilespmem:s18+$0x360];
	v11 =	vperm.xlane v9, v0;
	v5 =	vadd.f32 v21, v5;
	v16 =	vadd.f32 v15, v16  }
0xca: {  	v15 =	vadd.f32 v7, v18;
	v7 =	vadd.f32 v14, v12;
	v12 =	vmul.f32 v22, v27  }
0xcb: {  	v9 =	vadd.f32 v11, v9;
	v14 =	vperm.xlane v20, v0;
	v22 =	vperm.xlane v10, v2  }
0xcc: {  	v8 =	vadd.f32 v8, v25;
	v18 =	vld [tilespmem:s18+$0x390];
	v11 =	vmul.f32 v17, v19;
	v21 =	vmul.f32 v5, v26  }
0xcd: {  	v27 =	vperm.xlane v12, v0;
	v19 =	vadd.f32 v10, v22;
	v9 =	vsel vm0, v7, v9;
	v10 =	vld [tilespmem:s18+$0x2B70]  }
0xce: {  	v29 =	vadd.f32 v52, v54;
	v7 =	vmul.f32 v8, v6;
	v6 =	vld [tilespmem:s18+$0x5370];
	v17 =	vperm.xlane v9, v2  }
0xcf: {  	v23 =	vadd.f32 v24, v23;
	v24 =	vperm.xlane v21, v0;
	v25 =	vadd.f32 v27, v12  }
0xd0: {  	v12 =	vadd.f32 v14, v20;
	v27 =	vperm.xlane v19, v3;
	v14 =	vld [tilespmem:s18+$0x2BF0];
	v22 =	vadd.f32 v9, v17  }
0xd1: {  	v20 =	vmul.f32 v29, v18;
	v17 =	vld [tilespmem:s18+$0x53F0];
	v18 =	vperm.xlane v11, v0;
	v8 =	vsel vm0, v16, v25  }
0xd2: {  	s1 =	sadd.s32 s15, s2;
	s3 =	simm.s32 $0x800;
	v5 =	vadd.f32 v19, v27;
	v16 =	vpop (erf);
	v19 =	vld [tilespmem:s18+$0x3F0];
	v9 =	vperm.xlane v8, v2;
	v25 =	vperm.xlane v22, v3  }
.LBB2_9:
0xd3: {  	s7 =	sshra.s32 s3, $0x2;
	p2 =	sne.s32 s3, $0x4C00;
	s3 =	sadd.s32 $0x400, s3;
	v26 =	vperm.xlane v20, v0;
	v27 =	vperm.xlane v7, v0;
	v28 =	vld [tilespmem:s18+$0x370];
	v29 =	vadd.f32 v6, v10  }
0xd4: {  	v10 =	vld [tilespmem:s7+$0x330];
	v22 =	vadd.f32 v22, v25;
	v21 =	vadd.f32 v24, v21;
	v24 =	vperm.xlane v16, v0  }
0xd5: {  	v13 =	vsel vm0, v13, v23;
	v6 =	vld [tilespmem:s7+$0x2BE0];
	v20 =	vadd.f32 v26, v20;
	v23 =	vadd.f32 v27, v7  }
0xd6: {  	v25 =	vperm.xlane v13, v2;
	v7 =	vld [tilespmem:s7+$0x5360];
	v26 =	vperm.xlane v22, v4;
	v24 =	vnsel vm0, $0x0, v24  }
0xd7: {  	v16 =	vnsel vm0, $0x0, v16;
	v27 =	vld [tilespmem:s7+$0x53C0];
	v15 =	vsel vm0, v15, v20;
	v20 =	vsel vm0, v23, v21;
	[tilespmem:s17+$0x7B80] =	vst v24  }
0xd8: {  	v13 =	vadd.f32 v13, v25;
	v21 =	vld [tilespmem:s7+$0x2BC0];
	v23 =	vperm.xlane v15, v2;
	v22 =	vadd.f32 v22, v26;
	[tilespmem:s17+$0x8F00] =	vst v16  }
0xd9: {  	v26 =	vperm.xlane v20, v2;
	v28 =	vmul.f32 v29, v28;
	v25 =	vld [tilespmem:s7+$0x5340];
	[tilespmem:s17+$0x8F80] =	vst v24  }
0xda: {  	v29 =	vperm.xlane v13, v3;
	v24 =	vld [tilespmem:s7+$0x2B40];
	v15 =	vadd.f32 v15, v23;
	[tilespmem:s17+$0x7B00] =	vst v16;
	s17 =	smov.u32 s18;
	s18 =	smov.u32 s7  }
0xdb: {  	v20 =	vadd.f32 v20, v26;
	v23 =	vperm.xlane v28, v0;
	v16 =	vld [tilespmem:s18+$0x53B0]  }
0xdc: {  	v13 =	vadd.f32 v13, v29;
	v26 =	vld [tilespmem:s18+$0x2BB0];
	v29 =	vperm.xlane v15, v3  }
0xdd: {  	v31 =	vperm.xlane v20, v3;
	v23 =	vadd.f32 v23, v28;
	v30 =	vld [tilespmem:s18+$0x5330]  }
0xde: {  	v32 =	vperm.xlane v13, v4;
	v28 =	vld [tilespmem:s18+$0x2B30];
	v15 =	vadd.f32 v15, v29  }
0xdf: {  	v14 =	vadd.f32 v17, v14;
	v20 =	vadd.f32 v20, v31;
	v29 =	vld [tilespmem:s18+$0x310]  }
0xe0: {  	v11 =	vadd.f32 v18, v11;
	v13 =	vadd.f32 v13, v32;
	v17 =	vld [tilespmem:s18+$0x380];
	v31 =	vperm.xlane v15, v4  }
0xe1: {  	v14 =	vmul.f32 v14, v19;
	v32 =	vperm.xlane v20, v4;
	v18 =	vld [tilespmem:s18+$0x300]  }
0xe2: {  	v11 =	vsel vm0, v11, v12;
	v19 =	vld [tilespmem:s18+$0x53A0];
	v15 =	vadd.f32 v15, v31  }
0xe3: {  	v31 =	vperm.xlane v11, v2;
	v20 =	vadd.f32 v20, v32;
	v32 =	vperm.xlane v14, v0;
	v12 =	vld [tilespmem:s18+$0x2BA0]  }
0xe4: {  	v33 =	vld [tilespmem:s18+$0x5320];
	v13 =	vsel vm1, v13, v15  }
0xe5: {  	v11 =	vadd.f32 v11, v31;
	v14 =	vadd.f32 v32, v14;
	v15 =	vld [tilespmem:s18+$0x2B20]  }
0xe6: {  	v31 =	vld [tilespmem:s18+$0x5390]  }
0xe7: {  	v34 =	vperm.xlane v11, v3;
	v14 =	vsel vm0, v23, v14;
	v32 =	vld [tilespmem:s18+$0x2B90]  }
0xe8: {  	v8 =	vadd.f32 v8, v9;
	v9 =	vperm.xlane v14, v2;
	v23 =	vld [tilespmem:s18+$0x5310];
	v12 =	vadd.f32 v19, v12  }
0xe9: {  	v11 =	vadd.f32 v11, v34;
	v19 =	vld [tilespmem:s18+$0x2B10]  }
0xea: {  	v28 =	vadd.f32 v30, v28;
	v30 =	vperm.xlane v8, v3;
	v9 =	vadd.f32 v14, v9;
	v34 =	vld [tilespmem:s18+$0x5380]  }
0xeb: {  	v35 =	vperm.xlane v5, v4;
	v33 =	vadd.f32 v33, v15;
	v15 =	vperm.xlane v11, v4;
	v14 =	vld [tilespmem:s18+$0x2B80]  }
0xec: {  	v16 =	vadd.f32 v16, v26;
	v8 =	vadd.f32 v8, v30;
	v26 =	vperm.xlane v9, v3;
	v36 =	vld [tilespmem:s18+$0x5300]  }
0xed: {  	v30 =	vadd.f32 v31, v32;
	v11 =	vadd.f32 v11, v15;
	v31 =	vld [tilespmem:s18+$0x350]  }
0xee: {  	v5 =	vadd.f32 v5, v35;
	v32 =	vperm.xlane v8, v4;
	v9 =	vadd.f32 v9, v26;
	v15 =	vld [tilespmem:s18+$0x2B00]  }
0xef: {  	v19 =	vadd.f32 v23, v19;
	v11 =	vsel vm2, v13, v11;
	v23 =	vld [tilespmem:s18+$0x3B0]  }
0xf0: {  	v13 =	vadd.f32 v25, v24;
	v8 =	vadd.f32 v8, v32;
	v5 =	vsel vm3, v11, v5;
	v24 =	vld [tilespmem:s18+$0x2B50]  }
0xf1: {  	v11 =	vadd.f32 v34, v14;
	v5 =	vsel vm4, v5, v22;
	v22 =	vperm.xlane v9, v4;
	v14 =	vld [tilespmem:s18+$0x5350]  }
0xf2: {  	v21 =	vadd.f32 v27, v21;
	v19 =	vmul.f32 v19, v29;
	v5 =	vsel vm5, v5, v8;
	v25 =	vld [tilespmem:s18+$0x2BD0]  }
0xf3: {  	v10 =	vmul.f32 v28, v10;
	v9 =	vadd.f32 v9, v22;
	v8 =	vadd.f32 v36, v15;
	v15 =	vld [tilespmem:s18+$0x53D0]  }
0xf4: {  	v26 =	vmul.f32 v11, v17;
	v5 =	vsel vm6, v5, v20;
	v11 =	vmul.f32 v16, v23;
	v16 =	vld [tilespmem:s18+$0x340]  }
0xf5: {  	v17 =	vperm.xlane v19, v0;
	v20 =	vperm.xlane v10, v0;
	v5 =	vsel vm7, v5, v9;
	v22 =	vld [tilespmem:s18+$0x3C0]  }
0xf6: {  	v8 =	vmul.f32 v8, v18;
	v9 =	vperm.xlane v11, v0;
	v14 =	vadd.f32 v14, v24;
	v18 =	vld [tilespmem:s18+$0x3D0]  }
0xf7: {  	v23 =	vperm.xlane v26, v0;
	v10 =	vadd.f32 v20, v10;
	v5 =	vmul.f32 $2.500000000e-01, v5;
	v24 =	vld [tilespmem:s18+$0x3A0]  }
0xf8: {  	v20 =	vperm.xlane v8, v0;
	v14 =	vmul.f32 v14, v31;
	v25 =	vadd.f32 v15, v25;
	v27 =	vld [tilespmem:s18+$0x2B60]  }
0xf9: {  	v5 =	vmul.f32 $1.442695020e+00, v5;
	v9 =	vadd.f32 v9, v11;
	v11 =	vmul.f32 v13, v16;
	v16 =	vld [tilespmem:s18+$0x53E0]  }
0xfa: {  	v13 =	vadd.f32 v20, v8;
	v8 =	vmul.f32 v21, v22;
	v15 =	vperm.xlane v14, v0;
	v20 =	vld [tilespmem:s18+$0x360]  }
0xfb: {  	v9 =	vsel vm0, v10, v9;
	v21 =	vld [tilespmem:s18+$0x320];
	v10 =	vperm.xlane v11, v0;
	(erf) = vpow2.f32 v5  }
0xfc: {  	v5 =	vmul.f32 v12, v24;
	v12 =	vperm.xlane v8, v0;
	v24 =	vadd.f32 v15, v14;
	v22 =	vld [tilespmem:s18+$0x3E0]  }
0xfd: {  	v15 =	vadd.f32 v17, v19;
	v17 =	vmul.f32 v25, v18;
	v28 =	vld [tilespmem:s18+$0x390];
	v14 =	vadd.f32 v10, v11  }
0xfe: {  	v19 =	vperm.xlane v9, v2;
	v18 =	vperm.xlane v5, v0;
	v8 =	vadd.f32 v12, v8;
	v10 =	vld [tilespmem:s18+$0x2B70]  }
0xff: {  	v7 =	vadd.f32 v7, v27;
	v12 =	vperm.xlane v17, v0;
	v16 =	vadd.f32 v16, v6;
	v6 =	vld [tilespmem:s18+$0x5370]  }
0x100: {  	v9 =	vadd.f32 v9, v19;
	v11 =	vmul.f32 v33, v21;
	v8 =	vsel vm0, v14, v8;
	v14 =	vld [tilespmem:s18+$0x2BF0]  }
.Ltmp3:
0x101: {  	v7 =	vmul.f32 v7, v20;
	v25 =	vadd.f32 v12, v17;
	v19 =	vperm.xlane v8, v2;
	v17 =	vld [tilespmem:s18+$0x53F0];
	(pc) =	sbr.rel @p2 .LBB2_9-.Ltmp3, $4  }
0x102: {  	v12 =	vadd.f32 v18, v5;
	v5 =	vperm.xlane v9, v3;
	v21 =	vmul.f32 v16, v22  }
0x103: {  	v20 =	vmul.f32 v30, v28;
	v22 =	vadd.f32 v8, v19;
	v8 =	vsel vm0, v24, v25  }
0x104: {  	v18 =	vperm.xlane v11, v0;
	v5 =	vadd.f32 v9, v5;
	v9 =	vperm.xlane v8, v2;
	v16 =	vpop (erf)  }
0x105: {  	v23 =	vadd.f32 v23, v26;
	v24 =	vperm.xlane v21, v0;
	v25 =	vperm.xlane v22, v3;
	v19 =	vld [tilespmem:s18+$0x3F0]  }
0x106: {  	v26 =	vld [tilespmem:s18+$0x370]  }
0x107: {  	v27 =	vperm.xlane v20, v0;
	v6 =	vadd.f32 v6, v10  }
0x108: {  	v14 =	vadd.f32 v17, v14;
	v11 =	vadd.f32 v18, v11  }
0x109: {  	v28 =	vperm.xlane v7, v0;
	v8 =	vadd.f32 v8, v9;
	v20 =	vadd.f32 v27, v20  }
0x10a: {  	v10 =	vadd.f32 v22, v25;
	v13 =	vsel vm0, v13, v23;
	v21 =	vadd.f32 v24, v21  }
0x10b: {  	v22 =	vperm.xlane v13, v2;
	v15 =	vsel vm0, v15, v20;
	v6 =	vmul.f32 v6, v26  }
0x10c: {  	v7 =	vadd.f32 v28, v7;
	v14 =	vmul.f32 v14, v19;
	v17 =	vperm.xlane v15, v2  }
0x10d: {  	v11 =	vsel vm0, v11, v12;
	v13 =	vadd.f32 v13, v22;
	v18 =	vperm.xlane v6, v0  }
0x10e: {  	v12 =	vadd.f32 v15, v17;
	v15 =	vperm.xlane v11, v2;
	v17 =	vperm.xlane v14, v0  }
0x10f: {  	v7 =	vsel vm0, v7, v21;
	v19 =	vperm.xlane v13, v3;
	v6 =	vadd.f32 v18, v6  }
0x110: {  	v18 =	vperm.xlane v12, v3;
	v11 =	vadd.f32 v11, v15;
	v14 =	vadd.f32 v17, v14  }
0x111: {  	v13 =	vadd.f32 v13, v19;
	v19 =	vperm.xlane v8, v3;
	v17 =	vperm.xlane v7, v2  }
0x112: {  	v12 =	vadd.f32 v12, v18;
	v18 =	vperm.xlane v11, v3;
	v6 =	vsel vm0, v6, v14  }
0x113: {  	v7 =	vadd.f32 v7, v17;
	v9 =	vperm.xlane v6, v2  }
0x114: {  	v8 =	vadd.f32 v8, v19;
	v14 =	vperm.xlane v13, v4;
	v11 =	vadd.f32 v11, v18  }
0x115: {  	v17 =	vperm.xlane v12, v4;
	v18 =	vperm.xlane v7, v3;
	v6 =	vadd.f32 v6, v9  }
0x116: {  	v9 =	vadd.f32 v13, v14;
	v14 =	vperm.xlane v5, v4;
	v13 =	vperm.xlane v11, v4  }
0x117: {  	v12 =	vadd.f32 v12, v17;
	v7 =	vadd.f32 v7, v18;
	v17 =	vperm.xlane v6, v3  }
0x118: {  	v15 =	vperm.xlane v10, v4;
	v5 =	vadd.f32 v5, v14;
	v11 =	vadd.f32 v11, v13  }
0x119: {  	v9 =	vsel vm1, v9, v12;
	v12 =	vperm.xlane v8, v4;
	v6 =	vadd.f32 v6, v17  }
0x11a: {  	v10 =	vadd.f32 v10, v15;
	v13 =	vperm.xlane v7, v4;
	v9 =	vsel vm2, v9, v11  }
0x11b: {  	v8 =	vadd.f32 v8, v12;
	v5 =	vsel vm3, v9, v5;
	v9 =	vperm.xlane v6, v4  }
0x11c: {  	v7 =	vadd.f32 v7, v13;
	v5 =	vsel vm4, v5, v10  }
0x11d: {  	v5 =	vsel vm5, v5, v8;
	v6 =	vadd.f32 v6, v9  }
0x11e: {  	v5 =	vsel vm6, v5, v7  }
0x11f: {  	v5 =	vsel vm7, v5, v6  }
0x120: {  	v5 =	vmul.f32 $2.500000000e-01, v5;
	_ =	sdelay $0x1  }
0x121: {  	v5 =	vmul.f32 $1.442695020e+00, v5;
	_ =	sdelay $0x1  }
0x122: {  	(erf) = vpow2.f32 v5;
	_ =	sdelay $0x5  }
0x123: {  	v6 =	vnsel vm0, $0x0, v16;
	v5 =	vperm.xlane v16, v0  }
0x124: {  	[tilespmem:s17+$0x8F00] =	vst v6  }
0x125: {  	[tilespmem:s17+$0x7B00] =	vst v6;
	v5 =	vnsel vm0, $0x0, v5  }
0x126: {  	[tilespmem:s17+$0x7B80] =	vst v5;
	v7 =	vpop (erf)  }
0x127: {  	[tilespmem:s17+$0x8F80] =	vst v5;
	v8 =	vperm.xlane v7, v0;
	v6 =	vnsel vm0, $0x0, v7  }
0x128: {  	[tilespmem:s18+$0x8F00] =	vst v6  }
0x129: {  	[tilespmem:s18+$0x7B00] =	vst v6;
	v5 =	vnsel vm0, $0x0, v8  }
0x12a: {  	[tilespmem:s18+$0x7B80] =	vst v5  }
0x12b: {  	[tilespmem:s18+$0x8F80] =	vst v5  }
0x12c: {  	v5 =	vld [tilespmem:$0x100]  }
0x12d: {  	v6 =	vld [tilespmem:$0x110]  }
0x12e: {  	v7 =	vld [tilespmem:$0x118];
	_ =	sdelay $0x2  }
0x12f: {  	[tilespmem:$0x200] =	vst v5  }
0x130: {  	s1 =	sshll.u32 s1, $0x4;
	[tilespmem:$0x210] =	vst v6  }
0x131: {  	s3 =	simm.s32 $0x0;
	s1 =	sadd.s32 s10, s1;
	[tilespmem:$0x218] =	vst v7  }
0x132: {  	[hbm4b:s1+s3] =	stream.linear.scatter [tilespmem:s25], [sflag:$0x7], $0x1400, $0x38;
	[tilespmem:$0x1EF80] =	vst v63  }
0x133: {  	s17 =	simm.s32 $0x200  }
0x134: {  	[spmem:s14] =	stream.indirect.scatter.add.f32 [tilespmem:s19], [sflag:$0x8], $0x80, s17, s22, $0xb8;
	[tilespmem:$0x1EF80] =	vst v63  }
0x135: {  	_ =	swait.ge [sflag:s11], $0x1400  }
0x136: {  	[sflag:s11] =	ssyncset.done $0x0  }
0x137: {  	[sflag:s11] =	ssyncadd.s32 $0xFFFFEC00  }
0x138: {  	_ =	swait.ge [sflag:s21], $0x1400  }
0x139: {  	[sflag:s21] =	ssyncset.done $0x0  }
0x13a: {  	[sflag:s21] =	ssyncadd.s32 $0xFFFFEC00  }
0x13b: {  	_ =	swait.ge [sflag:s12], $0x1400  }
0x13c: {  	[sflag:s12] =	ssyncset.done $0x0  }
0x13d: {  	s1 =	simm.s32 @!p1 $0x9;
	[sflag:s12] =	ssyncadd.s32 $0xFFFFEC00  }
0x13e: {  	_ =	swait.ge @!p1 [sflag:s1], $0x1400  }
0x13f: {  	[sflag:s1] =	ssyncset.done @!p1 $0x0  }
0x140: {  	[sflag:s1] =	ssyncadd.s32 @!p1 $0xFFFFEC00  }
0x141: {  	_ =	swait.ge [sflag:s13], $0x1400  }
0x142: {  	p1 =	seq.s32 s23, $0x7C;
	s1 =	rddreg [dreg:$0x8]  }
0x143: {  	s1 =	sadd.s32 @!p1 s2, s1  }
0x144: {  	[sflag:s13] =	ssyncset.done $0x0;
	s2 =	sshrl.u32 @!p1 s1, $0x3  }
0x145: {  	s7 =	simm.s32 @!p1 $0x0;
	[sflag:s13] =	ssyncadd.s32 $0xFFFFEC00;
	s3 =	sadd.s32 @!p1 s8, s2  }
0x146: {  	[tilespmem:s7], [sflag:$0xA] =	stream.linear.gather @!p1 [hbm4b:s3+s7], $0x28, $0x38;
	[tilespmem:$0x1EF80] =	vst v63  }
0x147: {  	s3 =	simm.s32 @!p1 $0xA  }
0x148: {  	_ =	swait.ge @!p1 [sflag:s3], $0x28  }
0x149: {  	[sflag:s3] =	ssyncset.done @!p1 $0x0  }
0x14a: {  	s17 =	simm.s32 @!p1 $0x100;
	s2 =	sadd.s32 @!p1 s9, s2;
	[sflag:s3] =	ssyncadd.s32 @!p1 $0xFFFFFFD8  }
0x14b: {  	[tilespmem:s17], [sflag:$0xA] =	stream.linear.gather @!p1 [hbm4b:s2+s7], $0x28, $0x38;
	[tilespmem:$0x1EF80] =	vst v63  }
0x14c: {  	_ =	swait.ge @!p1 [sflag:s3], $0x28  }
0x14d: {  	[sflag:s3] =	ssyncset.done @!p1 $0x0  }
0x14e: {  	s2 =	simm.s32 @!p1 $0x28;
	[sflag:s3] =	ssyncadd.s32 @!p1 $0xFFFFFFD8;
	s3 =	simm.s32 @!p1 $0x300  }
0x14f: {  	[tilespmem:s3], [sflag:$0x1] =	stream.indirect.gather @!p1 [hbm4b:s4+s2], $0x80, s7, s2, $0xb8;
	[tilespmem:$0x1EF80] =	vst v63  }
0x150: {  	s1 =	sshll.u32 @!p1 s1, $0x4;
	s3 =	simm.s32 @!p1 $0x2B00  }
0x151: {  	[tilespmem:s3], [sflag:$0x3] =	stream.indirect.gather @!p1 [hbm4b:s5+s2], $0x80, s17, s2, $0xb8;
	[tilespmem:$0x1EF80] =	vst v63  }
0x152: {  	s1 =	sadd.s32 @!p1 s6, s1;
	s2 =	simm.s32 @!p1 $0x5300  }
0x153: {  	[tilespmem:s2], [sflag:$0x5] =	stream.linear.gather @!p1 [hbm4b:s1+s7], $0x1400, $0x38;
	[tilespmem:$0x1EF80] =	vst v63  }
0x154: {  	s2 =	simm.s32 $0x0  }
0x155: {  	v5 =	vld [tilespmem:s2+$0x1730]  }
0x156: {  	v6 =	vld [tilespmem:s2+$0x3FE0]  }
0x157: {  	v7 =	vld [tilespmem:s2+$0x6760]  }
0x158: {  	v8 =	vld [tilespmem:s2+$0x67C0]  }
0x159: {  	v9 =	vld [tilespmem:s2+$0x3FC0]  }
0x15a: {  	v10 =	vld [tilespmem:s2+$0x6740]  }
0x15b: {  	v11 =	vld [tilespmem:s2+$0x3F40]  }
0x15c: {  	v12 =	vld [tilespmem:s2+$0x67B0]  }
0x15d: {  	v13 =	vld [tilespmem:s2+$0x3FB0]  }
0x15e: {  	v14 =	vld [tilespmem:s2+$0x6730]  }
0x15f: {  	v15 =	vld [tilespmem:s2+$0x3F30]  }
0x160: {  	v16 =	vld [tilespmem:s2+$0x1710]  }
0x161: {  	v17 =	vld [tilespmem:s2+$0x1780]  }
0x162: {  	v18 =	vld [tilespmem:s2+$0x1700]  }
0x163: {  	v19 =	vld [tilespmem:s2+$0x67A0]  }
0x164: {  	v20 =	vld [tilespmem:s2+$0x3FA0]  }
0x165: {  	v21 =	vld [tilespmem:s2+$0x6720]  }
0x166: {  	v22 =	vld [tilespmem:s2+$0x3F20]  }
0x167: {  	v23 =	vld [tilespmem:s2+$0x6790]  }
0x168: {  	v24 =	vld [tilespmem:s2+$0x3F90]  }
0x169: {  	v25 =	vld [tilespmem:s2+$0x6710]  }
0x16a: {  	v26 =	vld [tilespmem:s2+$0x3F10]  }
0x16b: {  	v27 =	vld [tilespmem:s2+$0x6780]  }
0x16c: {  	v61 =	vld [tilespmem:s2+$0x3F80]  }
0x16d: {  	v29 =	vld [tilespmem:s2+$0x6700]  }
0x16e: {  	v30 =	vld [tilespmem:s2+$0x1750]  }
0x16f: {  	v31 =	vld [tilespmem:s2+$0x3F00]  }
0x170: {  	v32 =	vld [tilespmem:s2+$0x17B0]  }
0x171: {  	v33 =	vld [tilespmem:s2+$0x3F50]  }
0x172: {  	v34 =	vld [tilespmem:s2+$0x6750]  }
0x173: {  	v35 =	vld [tilespmem:s2+$0x3FD0]  }
0x174: {  	v36 =	vld [tilespmem:s2+$0x67D0]  }
0x175: {  	v63 =	vld [tilespmem:s2+$0x1720];
	v19 =	vadd.f32 v19, v20;
	v14 =	vadd.f32 v14, v15  }
0x176: {  	v39 =	vld [tilespmem:s2+$0x3F70];
	v15 =	vadd.f32 v25, v26;
	v21 =	vadd.f32 v21, v22  }
0x177: {  	v40 =	vld [tilespmem:s2+$0x17F0];
	v22 =	vadd.f32 v27, v61;
	v12 =	vadd.f32 v12, v13  }
0x178: {  	v20 =	vld [tilespmem:s2+$0x1740];
	v13 =	vadd.f32 v23, v24;
	v23 =	vadd.f32 v29, v31;
	v15 =	vmul.f32 v15, v16  }
0x179: {  	v25 =	vld [tilespmem:s2+$0x17C0];
	v5 =	vmul.f32 v14, v5;
	v14 =	vmul.f32 v22, v17  }
0x17a: {  	v10 =	vadd.f32 v10, v11;
	v16 =	vld [tilespmem:s2+$0x17A0];
	v11 =	vmul.f32 v12, v32;
	v18 =	vmul.f32 v23, v18  }
0x17b: {  	v17 =	vld [tilespmem:s2+$0x3F60];
	v23 =	vadd.f32 v34, v33;
	v12 =	vperm.xlane v15, v0;
	v24 =	vperm.xlane v5, v0  }
0x17c: {  	s17 =	simm.s32 $0x100;
	v8 =	vadd.f32 v8, v9;
	v22 =	vld [tilespmem:s2+$0x67E0];
	v9 =	vperm.xlane v11, v0;
	v62 =	vperm.xlane v14, v0  }
0x17d: {  	v41 =	vld [tilespmem:s17+$0x6740];
	v37 =	vadd.f32 v36, v35;
	v23 =	vmul.f32 v23, v30;
	v10 =	vmul.f32 v10, v20  }
0x17e: {  	v26 =	vld [tilespmem:s2+$0x17D0];
	v8 =	vmul.f32 v8, v25;
	v5 =	vadd.f32 v24, v5;
	v24 =	vperm.xlane v18, v0  }
0x17f: {  	v27 =	vld [tilespmem:s2+$0x1760];
	v9 =	vadd.f32 v9, v11;
	v11 =	vperm.xlane v23, v0;
	v12 =	vadd.f32 v12, v15  }
0x180: {  	v20 =	vld [tilespmem:s2+$0x17E0];
	v14 =	vadd.f32 v62, v14;
	v38 =	vperm.xlane v10, v0;
	v16 =	vmul.f32 v19, v16  }
0x181: {  	v25 =	vld [tilespmem:s2+$0x1790];
	v19 =	vperm.xlane v8, v0;
	v7 =	vadd.f32 v7, v17;
	v6 =	vadd.f32 v22, v6  }
0x182: {  	v43 =	vld [tilespmem:s17+$0x6730];
	v17 =	vmul.f32 v21, v63;
	v18 =	vadd.f32 v24, v18;
	v5 =	vsel vm0, v5, v9  }
0x183: {  	v45 =	vld [tilespmem:s17+$0x67A0];
	v9 =	vadd.f32 v11, v23;
	v11 =	vmul.f32 v37, v26;
	v26 =	vperm.xlane v16, v0  }
0x184: {  	v24 =	vld [tilespmem:s2+$0x6770];
	v10 =	vadd.f32 v38, v10;
	v15 =	vperm.xlane v5, v2;
	v7 =	vmul.f32 v7, v27  }
0x185: {  	v23 =	vld [tilespmem:s2+$0x3FF0];
	v8 =	vadd.f32 v19, v8;
	v29 =	vperm.xlane v17, v0;
	v30 =	vperm.xlane v11, v0  }
0x186: {  	v19 =	vld [tilespmem:s2+$0x67F0];
	v13 =	vmul.f32 v13, v25;
	v6 =	vmul.f32 v6, v20  }
0x187: {  	v20 =	vld [tilespmem:s17+$0x67C0];
	v14 =	vsel vm0, v18, v14;
	v8 =	vsel vm0, v10, v8;
	v15 =	vadd.f32 v5, v15  }
0x188: {  	v25 =	vld [tilespmem:s17+$0x3FC0];
	v16 =	vadd.f32 v26, v16;
	v42 =	vperm.xlane v7, v0;
	v17 =	vadd.f32 v29, v17  }
0x189: {  	v10 =	vld [tilespmem:s2+$0x1770];
	v21 =	vperm.xlane v8, v2;
	v11 =	vadd.f32 v30, v11;
	v27 =	vperm.xlane v6, v0  }
0x18a: {  	v49 =	vld [tilespmem:s17+$0x6720];
	v7 =	vadd.f32 v42, v7;
	v24 =	vadd.f32 v24, v39;
	v16 =	vsel vm0, v17, v16  }
0x18b: {  	v52 =	vld [tilespmem:s17+$0x6790];
	v8 =	vadd.f32 v8, v21;
	v21 =	vperm.xlane v15, v3;
	v9 =	vsel vm0, v9, v11  }
0x18c: {  	v56 =	vld [tilespmem:s17+$0x3F10];
	v11 =	vperm.xlane v13, v0;
	v6 =	vadd.f32 v27, v6;
	v19 =	vadd.f32 v19, v23  }
0x18d: {  	v60 =	vld [tilespmem:s17+$0x6700];
	v46 =	vperm.xlane v16, v2;
	v20 =	vadd.f32 v20, v25;
	v26 =	vperm.xlane v8, v3  }
0x18e: {  	v61 =	vld [tilespmem:s17+$0x1750];
	v11 =	vadd.f32 v11, v13;
	v15 =	vadd.f32 v15, v21;
	v10 =	vmul.f32 v24, v10  }
0x18f: {  	v62 =	vld [tilespmem:s17+$0x3F00];
	v19 =	vmul.f32 v19, v40;
	v16 =	vadd.f32 v16, v46;
	v8 =	vadd.f32 v8, v26  }
0x190: {  	v22 =	vld [tilespmem:s17+$0x1730];
	v26 =	vperm.xlane v14, v2;
	v11 =	vsel vm0, v12, v11;
	v47 =	vperm.xlane v10, v0  }
0x191: {  	v18 =	vld [tilespmem:s17+$0x67B0];
	v6 =	vsel vm0, v7, v6;
	v48 =	vperm.xlane v19, v0;
	v27 =	vperm.xlane v11, v2  }
0x192: {  	v5 =	vld [tilespmem:s17+$0x3FE0];
	v55 =	vperm.xlane v16, v3;
	v59 =	vperm.xlane v15, v4;
	v7 =	vadd.f32 v14, v26  }
0x193: {  	v12 =	vld [tilespmem:s17+$0x3FB0];
	v21 =	vperm.xlane v8, v4;
	v10 =	vadd.f32 v47, v10;
	v11 =	vadd.f32 v11, v27  }
0x194: {  	v23 =	vld [tilespmem:s17+$0x1780];
	v19 =	vadd.f32 v48, v19;
	v16 =	vadd.f32 v16, v55;
	v27 =	vperm.xlane v9, v2  }
0x195: {  	v25 =	vld [tilespmem:s17+$0x3FD0];
	v15 =	vadd.f32 v15, v59;
	v24 =	vperm.xlane v7, v3;
	v44 =	vperm.xlane v11, v3  }
0x196: {  	v13 =	vld [tilespmem:s17+$0x3F40];
	v8 =	vadd.f32 v8, v21;
	v21 =	vperm.xlane v6, v2;
	v10 =	vsel vm0, v10, v19  }
0x197: {  	v14 =	vld [tilespmem:s17+$0x3F30];
	v58 =	vperm.xlane v16, v4;
	v7 =	vadd.f32 v7, v24;
	v11 =	vadd.f32 v11, v44  }
0x198: {  	v9 =	vadd.f32 v9, v27;
	v27 =	vperm.xlane v10, v2;
	v12 =	vadd.f32 v18, v12;
	v24 =	vld [tilespmem:s17+$0x3FA0]  }
0x199: {  	v26 =	vld [tilespmem:s17+$0x1710];
	v6 =	vadd.f32 v6, v21;
	v50 =	vperm.xlane v7, v4;
	v51 =	vperm.xlane v11, v4  }
0x19a: {  	v19 =	vld [tilespmem:s17+$0x6710];
	v16 =	vadd.f32 v16, v58;
	v57 =	vperm.xlane v9, v3;
	v10 =	vadd.f32 v10, v27  }
0x19b: {  	v21 =	vld [tilespmem:s17+$0x1700];
	v7 =	vadd.f32 v7, v50;
	v11 =	vadd.f32 v11, v51  }
0x19c: {  	v14 =	vadd.f32 v43, v14;
	v27 =	vld [tilespmem:s17+$0x3F80];
	v17 =	vperm.xlane v6, v3;
	v9 =	vadd.f32 v9, v57  }
0x19d: {  	v18 =	vperm.xlane v10, v3;
	v7 =	vsel vm1, v7, v11;
	v11 =	vadd.f32 v45, v24;
	v24 =	vld [tilespmem:s17+$0x6780]  }
0x19e: {  	v14 =	vmul.f32 v14, v22;
	v22 =	vld [tilespmem:s17+$0x67D0];
	v6 =	vadd.f32 v6, v17;
	v63 =	vperm.xlane v9, v4  }
0x19f: {  	v10 =	vadd.f32 v10, v18;
	v18 =	vadd.f32 v19, v56;
	v19 =	vld [tilespmem:s17+$0x17B0];
	v7 =	vsel vm2, v7, v16  }
0x1a0: {  	v13 =	vadd.f32 v41, v13;
	v17 =	vld [tilespmem:s17+$0x3F20];
	v53 =	vperm.xlane v6, v4;
	v7 =	vsel vm3, v7, v15  }
0x1a1: {  	v9 =	vadd.f32 v9, v63;
	v16 =	vld [tilespmem:s17+$0x3F50];
	v7 =	vsel vm4, v7, v8;
	v8 =	vperm.xlane v10, v4  }
0x1a2: {  	v18 =	vmul.f32 v18, v26;
	v6 =	vadd.f32 v6, v53;
	v15 =	vadd.f32 v24, v27;
	v24 =	vld [tilespmem:s17+$0x6750]  }
0x1a3: {  	v26 =	vld [tilespmem:s17+$0x17A0];
	v7 =	vsel vm5, v7, v9;
	v9 =	vadd.f32 v60, v62;
	v8 =	vadd.f32 v10, v8  }
0x1a4: {  	v10 =	vmul.f32 v12, v19;
	v12 =	vld [tilespmem:s17+$0x1740];
	v6 =	vsel vm6, v7, v6;
	v7 =	vperm.xlane v18, v0  }
0x1a5: {  	v22 =	vadd.f32 v22, v25;
	v19 =	vld [tilespmem:s17+$0x17C0];
	v23 =	vmul.f32 v15, v23;
	v15 =	vperm.xlane v14, v0  }
0x1a6: {  	v25 =	vld [tilespmem:s17+$0x3F60];
	v9 =	vmul.f32 v9, v21;
	v6 =	vsel vm7, v6, v8;
	v21 =	vperm.xlane v10, v0  }
0x1a7: {  	v27 =	vld [tilespmem:s17+$0x17D0];
	v6 =	vmul.f32 $2.500000000e-01, v6;
	v14 =	vadd.f32 v15, v14;
	v16 =	vadd.f32 v24, v16  }
0x1a8: {  	v15 =	vperm.xlane v9, v0;
	v10 =	vadd.f32 v21, v10;
	v21 =	vld [tilespmem:s17+$0x67E0];
	v24 =	vperm.xlane v23, v0  }
0x1a9: {  	v8 =	vld [tilespmem:s17+$0x6760];
	v12 =	vmul.f32 v13, v12;
	v16 =	vmul.f32 v16, v61  }
0x1aa: {  	v6 =	vmul.f32 $1.442695020e+00, v6;
	v13 =	vadd.f32 v15, v9;
	v9 =	vmul.f32 v20, v19;
	v19 =	vld [tilespmem:s17+$0x1720]  }
0x1ab: {  	v17 =	vadd.f32 v49, v17;
	v20 =	vmul.f32 v11, v26;
	v26 =	vld [tilespmem:s17+$0x17E0];
	v15 =	vperm.xlane v16, v0  }
0x1ac: {  	v54 =	vld [tilespmem:s17+$0x3F90];
	v10 =	vsel vm0, v14, v10;
	v14 =	vperm.xlane v12, v0;
	(erf) = vpow2.f32 v6  }
0x1ad: {  	v6 =	vld [tilespmem:s17+$0x1760];
	v11 =	vperm.xlane v9, v0;
	v5 =	vadd.f32 v21, v5;
	v16 =	vadd.f32 v15, v16  }
0x1ae: {  	v15 =	vadd.f32 v7, v18;
	v7 =	vadd.f32 v14, v12;
	v12 =	vmul.f32 v22, v27  }
0x1af: {  	v9 =	vadd.f32 v11, v9;
	v14 =	vperm.xlane v20, v0;
	v22 =	vperm.xlane v10, v2  }
0x1b0: {  	v8 =	vadd.f32 v8, v25;
	v18 =	vld [tilespmem:s17+$0x1790];
	v11 =	vmul.f32 v17, v19;
	v21 =	vmul.f32 v5, v26  }
0x1b1: {  	v27 =	vperm.xlane v12, v0;
	v19 =	vadd.f32 v10, v22;
	v9 =	vsel vm0, v7, v9;
	v10 =	vld [tilespmem:s17+$0x3F70]  }
0x1b2: {  	v29 =	vadd.f32 v52, v54;
	v7 =	vmul.f32 v8, v6;
	v6 =	vld [tilespmem:s17+$0x6770];
	v17 =	vperm.xlane v9, v2  }
0x1b3: {  	v23 =	vadd.f32 v24, v23;
	v24 =	vperm.xlane v21, v0;
	v25 =	vadd.f32 v27, v12  }
0x1b4: {  	v12 =	vadd.f32 v14, v20;
	v27 =	vperm.xlane v19, v3;
	v14 =	vld [tilespmem:s17+$0x3FF0];
	v22 =	vadd.f32 v9, v17  }
0x1b5: {  	v20 =	vmul.f32 v29, v18;
	v17 =	vld [tilespmem:s17+$0x67F0];
	v18 =	vperm.xlane v11, v0;
	v8 =	vsel vm0, v16, v25  }
0x1b6: {  	s18 =	smov.u32 s14;
	s1 =	simm.s32 $0x800;
	v5 =	vadd.f32 v19, v27;
	v16 =	vpop (erf);
	v19 =	vld [tilespmem:s17+$0x17F0];
	v9 =	vperm.xlane v8, v2;
	v25 =	vperm.xlane v22, v3  }
.LBB2_11:
0x1b7: {  	s3 =	sshra.s32 s1, $0x2;
	p1 =	sne.s32 s1, $0x4C00;
	s1 =	sadd.s32 $0x400, s1;
	v26 =	vperm.xlane v20, v0;
	v27 =	vperm.xlane v7, v0;
	v28 =	vld [tilespmem:s17+$0x1770];
	v29 =	vadd.f32 v6, v10  }
0x1b8: {  	v10 =	vld [tilespmem:s3+$0x1730];
	v22 =	vadd.f32 v22, v25;
	v21 =	vadd.f32 v24, v21;
	v24 =	vperm.xlane v16, v0  }
0x1b9: {  	v13 =	vsel vm0, v13, v23;
	v6 =	vld [tilespmem:s3+$0x3FE0];
	v20 =	vadd.f32 v26, v20;
	v23 =	vadd.f32 v27, v7  }
0x1ba: {  	v25 =	vperm.xlane v13, v2;
	v7 =	vld [tilespmem:s3+$0x6760];
	v26 =	vperm.xlane v22, v4;
	v24 =	vnsel vm0, $0x0, v24  }
0x1bb: {  	v16 =	vnsel vm0, $0x0, v16;
	v27 =	vld [tilespmem:s3+$0x67C0];
	v15 =	vsel vm0, v15, v20;
	v20 =	vsel vm0, v23, v21;
	[tilespmem:s2+$0x7B80] =	vst v24  }
0x1bc: {  	v13 =	vadd.f32 v13, v25;
	v21 =	vld [tilespmem:s3+$0x3FC0];
	v23 =	vperm.xlane v15, v2;
	v22 =	vadd.f32 v22, v26;
	[tilespmem:s2+$0xA300] =	vst v16  }
0x1bd: {  	v26 =	vperm.xlane v20, v2;
	v28 =	vmul.f32 v29, v28;
	v25 =	vld [tilespmem:s3+$0x6740];
	[tilespmem:s2+$0xA380] =	vst v24  }
0x1be: {  	v29 =	vperm.xlane v13, v3;
	v24 =	vld [tilespmem:s3+$0x3F40];
	v15 =	vadd.f32 v15, v23;
	[tilespmem:s2+$0x7B00] =	vst v16;
	s2 =	smov.u32 s17;
	s17 =	smov.u32 s3  }
0x1bf: {  	v20 =	vadd.f32 v20, v26;
	v23 =	vperm.xlane v28, v0;
	v16 =	vld [tilespmem:s17+$0x67B0]  }
0x1c0: {  	v13 =	vadd.f32 v13, v29;
	v26 =	vld [tilespmem:s17+$0x3FB0];
	v29 =	vperm.xlane v15, v3  }
0x1c1: {  	v31 =	vperm.xlane v20, v3;
	v23 =	vadd.f32 v23, v28;
	v30 =	vld [tilespmem:s17+$0x6730]  }
0x1c2: {  	v32 =	vperm.xlane v13, v4;
	v28 =	vld [tilespmem:s17+$0x3F30];
	v15 =	vadd.f32 v15, v29  }
0x1c3: {  	v14 =	vadd.f32 v17, v14;
	v20 =	vadd.f32 v20, v31;
	v29 =	vld [tilespmem:s17+$0x1710]  }
0x1c4: {  	v11 =	vadd.f32 v18, v11;
	v13 =	vadd.f32 v13, v32;
	v17 =	vld [tilespmem:s17+$0x1780];
	v31 =	vperm.xlane v15, v4  }
0x1c5: {  	v14 =	vmul.f32 v14, v19;
	v32 =	vperm.xlane v20, v4;
	v18 =	vld [tilespmem:s17+$0x1700]  }
0x1c6: {  	v11 =	vsel vm0, v11, v12;
	v19 =	vld [tilespmem:s17+$0x67A0];
	v15 =	vadd.f32 v15, v31  }
0x1c7: {  	v31 =	vperm.xlane v11, v2;
	v20 =	vadd.f32 v20, v32;
	v32 =	vperm.xlane v14, v0;
	v12 =	vld [tilespmem:s17+$0x3FA0]  }
0x1c8: {  	v33 =	vld [tilespmem:s17+$0x6720];
	v13 =	vsel vm1, v13, v15  }
0x1c9: {  	v11 =	vadd.f32 v11, v31;
	v14 =	vadd.f32 v32, v14;
	v15 =	vld [tilespmem:s17+$0x3F20]  }
0x1ca: {  	v31 =	vld [tilespmem:s17+$0x6790]  }
0x1cb: {  	v34 =	vperm.xlane v11, v3;
	v14 =	vsel vm0, v23, v14;
	v32 =	vld [tilespmem:s17+$0x3F90]  }
0x1cc: {  	v8 =	vadd.f32 v8, v9;
	v9 =	vperm.xlane v14, v2;
	v23 =	vld [tilespmem:s17+$0x6710];
	v12 =	vadd.f32 v19, v12  }
0x1cd: {  	v11 =	vadd.f32 v11, v34;
	v19 =	vld [tilespmem:s17+$0x3F10]  }
0x1ce: {  	v28 =	vadd.f32 v30, v28;
	v30 =	vperm.xlane v8, v3;
	v9 =	vadd.f32 v14, v9;
	v34 =	vld [tilespmem:s17+$0x6780]  }
0x1cf: {  	v35 =	vperm.xlane v5, v4;
	v33 =	vadd.f32 v33, v15;
	v15 =	vperm.xlane v11, v4;
	v14 =	vld [tilespmem:s17+$0x3F80]  }
0x1d0: {  	v16 =	vadd.f32 v16, v26;
	v8 =	vadd.f32 v8, v30;
	v26 =	vperm.xlane v9, v3;
	v36 =	vld [tilespmem:s17+$0x6700]  }
0x1d1: {  	v30 =	vadd.f32 v31, v32;
	v11 =	vadd.f32 v11, v15;
	v31 =	vld [tilespmem:s17+$0x1750]  }
0x1d2: {  	v5 =	vadd.f32 v5, v35;
	v32 =	vperm.xlane v8, v4;
	v9 =	vadd.f32 v9, v26;
	v15 =	vld [tilespmem:s17+$0x3F00]  }
0x1d3: {  	v19 =	vadd.f32 v23, v19;
	v11 =	vsel vm2, v13, v11;
	v23 =	vld [tilespmem:s17+$0x17B0]  }
0x1d4: {  	v13 =	vadd.f32 v25, v24;
	v8 =	vadd.f32 v8, v32;
	v5 =	vsel vm3, v11, v5;
	v24 =	vld [tilespmem:s17+$0x3F50]  }
0x1d5: {  	v11 =	vadd.f32 v34, v14;
	v5 =	vsel vm4, v5, v22;
	v22 =	vperm.xlane v9, v4;
	v14 =	vld [tilespmem:s17+$0x6750]  }
0x1d6: {  	v21 =	vadd.f32 v27, v21;
	v19 =	vmul.f32 v19, v29;
	v5 =	vsel vm5, v5, v8;
	v25 =	vld [tilespmem:s17+$0x3FD0]  }
0x1d7: {  	v10 =	vmul.f32 v28, v10;
	v9 =	vadd.f32 v9, v22;
	v8 =	vadd.f32 v36, v15;
	v15 =	vld [tilespmem:s17+$0x67D0]  }
0x1d8: {  	v26 =	vmul.f32 v11, v17;
	v5 =	vsel vm6, v5, v20;
	v11 =	vmul.f32 v16, v23;
	v16 =	vld [tilespmem:s17+$0x1740]  }
0x1d9: {  	v17 =	vperm.xlane v19, v0;
	v20 =	vperm.xlane v10, v0;
	v5 =	vsel vm7, v5, v9;
	v22 =	vld [tilespmem:s17+$0x17C0]  }
0x1da: {  	v8 =	vmul.f32 v8, v18;
	v9 =	vperm.xlane v11, v0;
	v14 =	vadd.f32 v14, v24;
	v18 =	vld [tilespmem:s17+$0x17D0]  }
0x1db: {  	v23 =	vperm.xlane v26, v0;
	v10 =	vadd.f32 v20, v10;
	v5 =	vmul.f32 $2.500000000e-01, v5;
	v24 =	vld [tilespmem:s17+$0x17A0]  }
0x1dc: {  	v20 =	vperm.xlane v8, v0;
	v14 =	vmul.f32 v14, v31;
	v25 =	vadd.f32 v15, v25;
	v27 =	vld [tilespmem:s17+$0x3F60]  }
0x1dd: {  	v5 =	vmul.f32 $1.442695020e+00, v5;
	v9 =	vadd.f32 v9, v11;
	v11 =	vmul.f32 v13, v16;
	v16 =	vld [tilespmem:s17+$0x67E0]  }
0x1de: {  	v13 =	vadd.f32 v20, v8;
	v8 =	vmul.f32 v21, v22;
	v15 =	vperm.xlane v14, v0;
	v20 =	vld [tilespmem:s17+$0x1760]  }
0x1df: {  	v9 =	vsel vm0, v10, v9;
	v21 =	vld [tilespmem:s17+$0x1720];
	v10 =	vperm.xlane v11, v0;
	(erf) = vpow2.f32 v5  }
0x1e0: {  	v5 =	vmul.f32 v12, v24;
	v12 =	vperm.xlane v8, v0;
	v24 =	vadd.f32 v15, v14;
	v22 =	vld [tilespmem:s17+$0x17E0]  }
0x1e1: {  	v15 =	vadd.f32 v17, v19;
	v17 =	vmul.f32 v25, v18;
	v28 =	vld [tilespmem:s17+$0x1790];
	v14 =	vadd.f32 v10, v11  }
0x1e2: {  	v19 =	vperm.xlane v9, v2;
	v18 =	vperm.xlane v5, v0;
	v8 =	vadd.f32 v12, v8;
	v10 =	vld [tilespmem:s17+$0x3F70]  }
0x1e3: {  	v7 =	vadd.f32 v7, v27;
	v12 =	vperm.xlane v17, v0;
	v16 =	vadd.f32 v16, v6;
	v6 =	vld [tilespmem:s17+$0x6770]  }
0x1e4: {  	v9 =	vadd.f32 v9, v19;
	v11 =	vmul.f32 v33, v21;
	v8 =	vsel vm0, v14, v8;
	v14 =	vld [tilespmem:s17+$0x3FF0]  }
.Ltmp4:
0x1e5: {  	v7 =	vmul.f32 v7, v20;
	v25 =	vadd.f32 v12, v17;
	v19 =	vperm.xlane v8, v2;
	v17 =	vld [tilespmem:s17+$0x67F0];
	(pc) =	sbr.rel @p1 .LBB2_11-.Ltmp4, $4  }
0x1e6: {  	v12 =	vadd.f32 v18, v5;
	v5 =	vperm.xlane v9, v3;
	v21 =	vmul.f32 v16, v22  }
0x1e7: {  	v20 =	vmul.f32 v30, v28;
	v22 =	vadd.f32 v8, v19;
	v8 =	vsel vm0, v24, v25  }
0x1e8: {  	v18 =	vperm.xlane v11, v0;
	v5 =	vadd.f32 v9, v5;
	v9 =	vperm.xlane v8, v2;
	v16 =	vpop (erf)  }
0x1e9: {  	v23 =	vadd.f32 v23, v26;
	v24 =	vperm.xlane v21, v0;
	v25 =	vperm.xlane v22, v3;
	v19 =	vld [tilespmem:s17+$0x17F0]  }
0x1ea: {  	v26 =	vld [tilespmem:s17+$0x1770];
	v27 =	vperm.xlane v20, v0;
	v6 =	vadd.f32 v6, v10  }
0x1eb: {  	v28 =	vperm.xlane v7, v0;
	v14 =	vadd.f32 v17, v14;
	v11 =	vadd.f32 v18, v11  }
0x1ec: {  	v8 =	vadd.f32 v8, v9;
	v58 =	vperm.xlane v5, v4;
	v39 =	vadd.f32 v22, v25  }
0x1ed: {  	v13 =	vsel vm0, v13, v23;
	v21 =	vadd.f32 v24, v21;
	v20 =	vadd.f32 v27, v20  }
0x1ee: {  	v40 =	vperm.xlane v13, v2;
	v7 =	vadd.f32 v28, v7;
	v11 =	vsel vm0, v11, v12  }
0x1ef: {  	v15 =	vsel vm0, v15, v20;
	v14 =	vmul.f32 v14, v19;
	v6 =	vmul.f32 v6, v26  }
0x1f0: {  	v5 =	vadd.f32 v5, v58;
	v44 =	vperm.xlane v11, v2;
	v41 =	vperm.xlane v15, v2  }
0x1f1: {  	v13 =	vadd.f32 v13, v40;
	v45 =	vperm.xlane v14, v0;
	v42 =	vperm.xlane v6, v0  }
0x1f2: {  	v11 =	vadd.f32 v11, v44;
	v43 =	vadd.f32 v15, v41  }
0x1f3: {  	v14 =	vadd.f32 v45, v14;
	v6 =	vadd.f32 v42, v6  }
0x1f4: {  	v7 =	vsel vm0, v7, v21;
	v46 =	vperm.xlane v13, v3;
	v47 =	vperm.xlane v43, v3  }
0x1f5: {  	v49 =	vperm.xlane v7, v2;
	v50 =	vperm.xlane v11, v3;
	v6 =	vsel vm0, v6, v14  }
0x1f6: {  	v13 =	vadd.f32 v13, v46;
	v12 =	vadd.f32 v43, v47;
	v51 =	vperm.xlane v6, v2  }
0x1f7: {  	v55 =	vperm.xlane v8, v3;
	v7 =	vadd.f32 v7, v49;
	v11 =	vadd.f32 v11, v50  }
0x1f8: {  	v52 =	vperm.xlane v13, v4;
	v53 =	vperm.xlane v12, v4;
	v6 =	vadd.f32 v6, v51  }
0x1f9: {  	v8 =	vadd.f32 v8, v55;
	v54 =	vperm.xlane v7, v3;
	v57 =	vperm.xlane v11, v4  }
0x1fa: {  	v56 =	vadd.f32 v13, v52;
	v12 =	vadd.f32 v12, v53;
	v59 =	vperm.xlane v6, v3  }
0x1fb: {  	v48 =	vperm.xlane v39, v4;
	v7 =	vadd.f32 v7, v54;
	v11 =	vadd.f32 v11, v57  }
0x1fc: {  	v60 =	vperm.xlane v8, v4;
	v9 =	vsel vm1, v56, v12;
	v6 =	vadd.f32 v6, v59  }
0x1fd: {  	v10 =	vadd.f32 v39, v48;
	v61 =	vperm.xlane v7, v4;
	v9 =	vsel vm2, v9, v11  }
0x1fe: {  	v8 =	vadd.f32 v8, v60;
	v5 =	vsel vm3, v9, v5;
	v62 =	vperm.xlane v6, v4  }
0x1ff: {  	v7 =	vadd.f32 v7, v61;
	v5 =	vsel vm4, v5, v10  }
0x200: {  	v5 =	vsel vm5, v5, v8;
	v6 =	vadd.f32 v6, v62  }
0x201: {  	v5 =	vsel vm6, v5, v7  }
0x202: {  	v5 =	vsel vm7, v5, v6  }
0x203: {  	v5 =	vmul.f32 $2.500000000e-01, v5;
	_ =	sdelay $0x1  }
0x204: {  	v5 =	vmul.f32 $1.442695020e+00, v5;
	_ =	sdelay $0x1  }
0x205: {  	(erf) = vpow2.f32 v5;
	_ =	sdelay $0x5  }
0x206: {  	v6 =	vnsel vm0, $0x0, v16;
	v5 =	vperm.xlane v16, v0  }
0x207: {  	[tilespmem:s2+$0xA300] =	vst v6  }
0x208: {  	[tilespmem:s2+$0x7B00] =	vst v6;
	v5 =	vnsel vm0, $0x0, v5  }
0x209: {  	[tilespmem:s2+$0x7B80] =	vst v5;
	v7 =	vpop (erf)  }
0x20a: {  	[tilespmem:s2+$0xA380] =	vst v5;
	v63 =	vperm.xlane v7, v0;
	v6 =	vnsel vm0, $0x0, v7  }
0x20b: {  	[tilespmem:s17+$0xA300] =	vst v6  }
0x20c: {  	[tilespmem:s17+$0x7B00] =	vst v6;
	v5 =	vnsel vm0, $0x0, v63  }
0x20d: {  	[tilespmem:s17+$0x7B80] =	vst v5  }
0x20e: {  	[tilespmem:s17+$0xA380] =	vst v5  }
0x20f: {  	v5 =	vld [tilespmem:$0x180]  }
0x210: {  	v6 =	vld [tilespmem:$0x190]  }
0x211: {  	v7 =	vld [tilespmem:$0x198];
	_ =	sdelay $0x1  }
0x212: {  	s23 =	sadd.s32 $0x1, s23  }
0x213: {  	p1 =	sne.s32 s23, $0x7D;
	[tilespmem:$0x280] =	vst v5  }
.Ltmp5:
0x214: {  	[tilespmem:$0x290] =	vst v6;
	(pc) =	sbr.rel @p1 .LBB2_8-.Ltmp5, $4  }
0x215: {  	s1 =	sadd.s32 s10, s24;
	s14 =	simm.s32 $0x0;
	[tilespmem:$0x298] =	vst v7  }
0x216: {  	[hbm4b:s1+s14] =	stream.linear.scatter [tilespmem:s25], [sflag:$0x7], $0x1400, $0x38;
	[tilespmem:$0x1EF80] =	vst v63  }
0x217: {  	s24 =	simm.s32 $0xA300;
	s17 =	simm.s32 $0x280  }
0x218: {  	[spmem:s18] =	stream.indirect.scatter.add.f32 [tilespmem:s24], [sflag:$0x9], $0x80, s17, s22, $0xb8;
	[tilespmem:$0x1EF80] =	vst v63  }
0x219: {  	s0 =	simm.s32 $0x8  }
0x21a: {  	_ =	swait.ge [sflag:s0], $0x1400  }
0x21b: {  	[sflag:s0] =	ssyncset.done $0x0  }
0x21c: {  	s17 =	simm.s32 $0x9;
	[sflag:s0] =	ssyncadd.s32 $0xFFFFEC00  }
0x21d: {  	_ =	swait.ge [sflag:s17], $0x1400  }
0x21e: {  	[sflag:s17] =	ssyncset.done $0x0  }
0x21f: {  	[sflag:s17] =	ssyncadd.s32 $0xFFFFEC00  }
0x220: {  	_ =	swait.ge [sflag:s13], $0x1400  }
0x221: {  	[sflag:s13] =	ssyncset.done $0x0  }
0x222: {  	s0 =	stileid.u32;
	[sflag:s13] =	ssyncadd.s32 $0xFFFFEC00  }
0x223: {  	s0 =	sshll.u32 @!p0 s0, $0x6;
	[bflag:$0x0] =	sbarrier.arrive $0xFFFF  }
0x224: {  	s1 =	sshrl.u32 @!p0 s16, $0x3;
	s0 =	sor.u32 @!p0 $0x1C0A, s0;
	s2 =	rddreg [dreg:$0x9]  }
0x225: {  	[hbm:s2], [sflag:s0] =	dma.local @!p0 [spmem:s1], $0x3E80  }
0x226: {  	s0 =	simm.s32 @!p0 $0xA  }
0x227: {  	_ =	swait.ge @!p0 [sflag:s0], $0x3E80  }
0x228: {  	s23 =	rddreg [dreg:$0xb]  }
0x229: {  	s24 =	rddreg [dreg:$0xa];
	s2 =	sadd.s32 $0x1, s23  }
0x22a: {  	p1 =	sne.s32 s2, s24  }
.Ltmp6:
0x22b: {  	_ = 	snop;
	(pc) =	sbr.rel @p1 .LBB2_1-.Ltmp6, $3  }
0x22c: {  	_ =	sdelay $0x1  }
0x22d: {  	[sflag:s0] =	ssyncset.done @!p0 $0x0  }
0x22e: {  	[sflag:s0] =	ssyncadd.s32 @!p0 $0xFFFFC180  }
0x22f: {  	_ =	sfence.sel $0x180000  }
0x230: {  	[bflag:$0x0] =	sbarrier.arrive $0xFFFF  }
0x231: {  	_ =	strace $0x90000047  }
0x232: {  	s0 =	stileid.u32;
	[bflag:$0x2] =	sbarrier.arrive $0xFFFF  }
0x233: {  	p0 =	sne.s32 s0, $0x0;
	s0 =	rddreg [dreg:$0x3]  }
0x234: {  	s0 =	sadd.s32 @!p0 $0x100000, s0  }
0x235: {  	[sflag:s0] =	ssyncadd.tile.s32 @!p0 $0x1;
	_ =	shalt  }
.Lfunc_end2:
_tile_overlayer_lowered:
.L_overlay_start_2:
0x236: {  	(tag) =	ssettag $0x2  }
0x237: {  	s0 =	rddreg [dreg:$0x0];
	s2 =	stileid.u32  }
0x238: {  	s1 =	rddreg [dreg:$0x1];
	p0 =	sne.s32 s2, $0x0  }
0x239: {  	s3 =	rddreg [dreg:$0x2];
	[bflag:$0x3] =	sbarrier.arrive $0xFFFF;
	s2 =	simm.s32 @!p0 $0x1C0A  }
0x23a: {  	[timem:s3], [sflag:s2] =	dma.local @!p0 [hbm:s0], s1  }
0x23b: {  	s0 =	simm.s32 @!p0 $0xA  }
0x23c: {  	_ =	swait.ge @!p0 [sflag:s0], s1  }
0x23d: {  	s1 =	ssub.s32 @!p0 $0x0, s1;
	[sflag:s0] =	ssyncset.done @!p0 $0x0  }
0x23e: {  	[sflag:s0] =	ssyncadd.s32 @!p0 s1  }
0x23f: {  	[bflag:$0x3] =	sbarrier.arrive $0xFFFF  }
0x240: {  	_ =	shalt  }

// kernel: kernel.13.cloned.1.call-start
scs
__scs_entry_jumppad:
0x0: {  	(pc) =	sbr.rel $0x88, $3  }
0x1: {  	(tag) =	ssettag $0x0;
	lr =	simm.s32 $0x1  }
0x2: {  	[smem:$0x3F8D] =	sst lr;
	_ =	strace $0xD0000000  }
0x3: {  	_ = 	snop  }
0x4: {  	_ = 	snop  }
0x5: {  	_ = 	snop  }
0x6: {  	_ = 	snop  }
0x7: {  	_ = 	snop  }
__scs_overlays_trampoline_lowered:
0x8: {  	[smem:$0x3F9C] =	sst s0  }
0x9: {  	[smem:$0x3F9D] =	sst s1  }
0xa: {  	[smem:$0x3F9E] =	sst s2  }
0xb: {  	[smem:$0x3F9F] =	sst s3  }
0xc: {  	[smem:$0x3FA0] =	sst s4  }
0xd: {  	[smem:$0x3FA1] =	sst s5  }
0xe: {  	[smem:$0x3FA2] =	sst s6  }
0xf: {  	[smem:$0x3FA3] =	sst s7  }
0x10: {  	[smem:$0x3FA4] =	sst s8  }
0x11: {  	[smem:$0x3FA5] =	sst s9;
	s0 =	simm.s32 @!p0 $0x0  }
0x12: {  	s1 =	sld [smem:$0x3F8B];
	s0 =	simm.s32 @p0 $0x1  }
0x13: {  	[smem:$0x3FA6] =	sst s0;
	s0 =	simm.s32 @!p1 $0x0  }
0x14: {  	s2 =	sld [smem:$0x3F8A];
	s0 =	simm.s32 @p1 $0x1  }
0x15: {  	[smem:$0x3FA7] =	sst s0;
	s0 =	simm.s32 @!p2 $0x0  }
0x16: {  	s3 =	sld [smem:$0x3FDB];
	s0 =	simm.s32 @p2 $0x1  }
0x17: {  	s4 =	simm.s32 $0x1BF5;
	[smem:$0x3FA9] =	sst s0  }
0x18: {  	s0 =	sld [smem:$0x3F8C];
	_ =	swait.ge [sflag:s4], $0x0  }
0x19: {  	s7 =	sld [smem:$0x3F8D]  }
0x1a: {  	s8 =	sadd.s32 $0xFFFFE003, lr  }
0x1b: {  	s9 =	sadd.s32 $0xFFFFFEF7, lr;
	s5 =	simm.s32 $0xFFFFFFFF;
	p2 =	slt.u32 s8, $0xFFFFF086  }
0x1c: {  	p1 =	slt.u32 s9, $0xF7A;
	s5 =	simm.s32 @!p2 $0x0  }
0x1d: {  	s5 =	simm.s32 @p1 $0x1;
	p0 =	seq.s32 s7, s2  }
0x1e: {  	s7 =	smul.u32 @!p0 $0xF7A, s2;
	p2 =	seq.s32 @!p0 s5, $0x0  }
0x1f: {  	s9 =	smul.u32 $0xF7A, s1;
	s8 =	simm.s32 @!p0 $0x1BF5;
	p2 =	por !p2, p0  }
0x20: {  	[sflag:s8] =	ssyncset.s32 @!p0 $0xFFFFF086;
	s6 =	sadd.s32 @!p0 s3, s7;
	s7 =	simm.s32 @!p0 $0x108  }
0x21: {  	s3 =	sadd.s32 s3, s9;
	s6 =	sadd.s32 @!p0 $0x88, s6;
	s7 =	simm.s32 @p2 $0x1082  }
0x22: {  	[simem:s7], [sflag:s8] =	dma.local @!p0 [hbm:s6], $0xF7A  }
0x23: {  	s9 =	sor.u32 $0xD0000000, s2;
	s6 =	simm.s32 $0x108;
	_ =	swait.ge @!p0 [sflag:s8], $0x0  }
0x24: {  	s3 =	sadd.s32 $0x88, s3;
	s6 =	simm.s32 @!p1 $0x1082;
	[sflag:s4] =	ssyncset.s32 $0xFFFFF086  }
0x25: {  	[simem:s6], [sflag:s4] =	dma.local [hbm:s3], $0xF7A  }
0x26: {  	[smem:$0x3F8D] =	sst s1;
	(tag) =	ssettag s2;
	_ =	strace s9  }
0x27: {  	s1 =	sld [smem:$0x3F9D]  }
0x28: {  	s2 =	sld [smem:$0x3F9E]  }
0x29: {  	s4 =	sld [smem:$0x3FA0]  }
0x2a: {  	p0 =	seq.s32 s5, $0x0;
	s5 =	sld [smem:$0x3FA1]  }
0x2b: {  	s6 =	sld [smem:$0x3FA2]  }
0x2c: {  	s7 =	sld [smem:$0x3FA3]  }
0x2d: {  	s3 =	simm.s32 $0x108;
	s8 =	sld [smem:$0x3FA4]  }
0x2e: {  	s3 =	simm.s32 @!p0 $0x1082;
	s9 =	sld [smem:$0x3FA5]  }
0x2f: {  	lr =	sadd.s32 s0, s3;
	s0 =	sld [smem:$0x3F9C]  }
0x30: {  	s3 =	sld [smem:$0x3F9F]  }
0x31: {  	[smem:$0x3FA8] =	sst s10  }
0x32: {  	s10 =	sld [smem:$0x3FA6];
	_ =	sdelay $0x3  }
0x33: {  	p0 =	seq.s32 s10, $0x1;
	s10 =	sld [smem:$0x3FA8];
	_ =	sdelay $0x3  }
0x34: {  	[smem:$0x3FA8] =	sst s10  }
0x35: {  	s10 =	sld [smem:$0x3FA7];
	_ =	sdelay $0x3  }
0x36: {  	p1 =	seq.s32 s10, $0x1;
	s10 =	sld [smem:$0x3FA8];
	_ =	sdelay $0x3  }
0x37: {  	[smem:$0x3FA8] =	sst s10  }
0x38: {  	s10 =	sld [smem:$0x3FA9]  }
0x39: {  	_ = 	snop;
	(pc) =	sbr.ind lr, $3  }
0x3a: {  	_ = 	snop  }
0x3b: {  	_ = 	snop  }
0x3c: {  	p2 =	seq.s32 s10, $0x1;
	s10 =	sld [smem:$0x3FA8]  }
0x3d: {  	_ =	shalt  }
0x3e: {  	_ =	shalt  }
0x3f: {  	_ =	shalt  }
0x40: {  	_ =	shalt  }
0x41: {  	_ =	shalt  }
0x42: {  	_ =	shalt  }
0x43: {  	_ =	shalt  }
0x44: {  	_ =	shalt  }
0x45: {  	_ =	shalt  }
0x46: {  	_ =	shalt  }
0x47: {  	_ =	shalt  }
0x48: {  	_ =	shalt  }
0x49: {  	_ =	shalt  }
0x4a: {  	_ =	shalt  }
0x4b: {  	_ =	shalt  }
0x4c: {  	_ =	shalt  }
0x4d: {  	_ =	shalt  }
0x4e: {  	_ =	shalt  }
0x4f: {  	_ =	shalt  }
0x50: {  	_ =	shalt  }
0x51: {  	_ =	shalt  }
0x52: {  	_ =	shalt  }
0x53: {  	_ =	shalt  }
0x54: {  	_ =	shalt  }
0x55: {  	_ =	shalt  }
0x56: {  	_ =	shalt  }
0x57: {  	_ =	shalt  }
0x58: {  	_ =	shalt  }
0x59: {  	_ =	shalt  }
0x5a: {  	_ =	shalt  }
0x5b: {  	_ =	shalt  }
0x5c: {  	_ =	shalt  }
0x5d: {  	_ =	shalt  }
0x5e: {  	_ =	shalt  }
0x5f: {  	_ =	shalt  }
0x60: {  	_ =	shalt  }
0x61: {  	_ =	shalt  }
0x62: {  	_ =	shalt  }
0x63: {  	_ =	shalt  }
0x64: {  	_ =	shalt  }
0x65: {  	_ =	shalt  }
0x66: {  	_ =	shalt  }
0x67: {  	_ =	shalt  }
0x68: {  	_ =	shalt  }
0x69: {  	_ =	shalt  }
0x6a: {  	_ =	shalt  }
0x6b: {  	_ =	shalt  }
0x6c: {  	_ =	shalt  }
0x6d: {  	_ =	shalt  }
0x6e: {  	_ =	shalt  }
0x6f: {  	_ =	shalt  }
0x70: {  	_ =	shalt  }
0x71: {  	_ =	shalt  }
0x72: {  	_ =	shalt  }
0x73: {  	_ =	shalt  }
0x74: {  	_ =	shalt  }
0x75: {  	_ =	shalt  }
0x76: {  	_ =	shalt  }
0x77: {  	_ =	shalt  }
0x78: {  	_ =	shalt  }
0x79: {  	_ =	shalt  }
0x7a: {  	_ =	shalt  }
0x7b: {  	_ =	shalt  }
0x7c: {  	_ =	shalt  }
0x7d: {  	_ =	shalt  }
0x7e: {  	_ =	shalt  }
0x7f: {  	_ =	shalt  }
0x80: {  	_ =	shalt  }
0x81: {  	_ =	shalt  }
0x82: {  	_ =	shalt  }
0x83: {  	_ =	shalt  }
0x84: {  	_ =	shalt  }
0x85: {  	_ =	shalt  }
0x86: {  	_ =	shalt  }
0x87: {  	_ =	shalt  }
.Lfunc_end0:
.L_simem_size_0:
called_computation.1_lowered:
.L_overlay_start_0:
0x88: {  	s2 =	sld [smem:$0x3FD9]  }
0x89: {  	s3 =	sld [smem:$0x3FFE];
	_ =	sdelay $0x1  }
0x8a: {  	s1 =	srdreg.scid  }
0x8b: {  	s0 =	sand.u32 $0x1, s1  }
0x8c: {  	s14 =	sshll.u32 s0, $0xA;
	s2 =	sadd.s32 s3, s2  }
0x8d: {  	s2 =	sadd.s32 s2, s14  }
0x8e: {  	[smem:$0x3FB4] =	sst s2  }
0x8f: {  	_ = 	snop  }
0x90: {  	s2 =	sld [smem:$0x3FD0];
	_ =	sdelay $0x2  }
0x91: {  	s15 =	simm.s32 $0xA;
	s4 =	simm.s32 $0x10  }
0x92: {  	[smem:s4], [sflag:s15] =	dma.local [hbm:s2], $0x1  }
0x93: {  	_ =	swait.eq [sflag:s15], $0x1  }
0x94: {  	[sflag:s15] =	ssyncset.done $0x0  }
0x95: {  	s16 =	sld [smem:$0x10];
	[sflag:s15] =	ssyncadd.s32 $0xFFFFFFFF  }
0x96: {  	s17 =	sld [smem:$0x11];
	(tm) =	ssettm $0x1  }
0x97: {  	s18 =	sld [smem:$0x3FFB];
	_ =	sdelay $0x3  }
0x98: {  	_ =	strace s18  }
0x99: {  	s4 =	sld [smem:$0x3FFC];
	_ =	sdelay $0x3  }
0x9a: {  	_ =	strace s4  }
0x9b: {  	s4 =	sld [smem:$0x3FFD];
	_ =	sdelay $0x3  }
0x9c: {  	_ =	strace s4  }
0x9d: {  	_ =	strace $0x8FFFFFFF  }
0x9e: {  	s19 =	sld [smem:$0x3FDB];
	_ =	sdelay $0x1  }
0x9f: {  	s5 =	simm.s32 $_scs_section_size  }
0xa0: {  	s6 =	simm.s32 $_size__tile_overlayer_lowered;
	s7 =	simm.s32 $_tile_overlayer_lowered  }
0xa1: {  	s22 =	simm.s32 $0x1BFF;
	s21 =	sshll.u32 s7, $0x1;
	s4 =	sadd.s32 s5, s19  }
0xa2: {  	s8 =	simm.s32 $0x0;
	s20 =	sshll.u32 s6, $0x1;
	s6 =	sadd.s32 s21, s4  }
0xa3: {  	[timem:s8], [sflag:s22] =	dma.local [hbm:s6], s20  }
0xa4: {  	_ =	swait.ge [sflag:s22], s20  }
0xa5: {  	s5 =	ssub.s32 $0x0, s20;
	[sflag:s22] =	ssyncset.done $0x0  }
0xa6: {  	[sflag:s22] =	ssyncadd.s32 s5;
	_ =	sdelay $0x1  }
0xa7: {  	s23 =	simm.s32 $0x1B8B  }
0xa8: {  	_ =	swait.ge [sflag:s23], $0x1  }
0xa9: {  	[sflag:s23] =	ssyncset.done $0x0  }
0xaa: {  	s25 =	simm.s32 $0x1B8E;
	s24 =	sld [smem:$0x3FFE];
	[sflag:s23] =	ssyncadd.s32 $0xFFFFFFFF  }
0xab: {  	s26 =	simm.s32 $execute0_lowered;
	[smem:$0x3FD2] =	sst s25  }
0xac: {  	s6 =	sshll.u32 s26, $0x1;
	_ =	strace $0x80000049;
	[dreg:$0x1] =	wrdreg $0xFFFFFFFF  }
0xad: {  	s28 =	simm.s32 $_size_execute0_lowered;
	s4 =	sadd.s32 s4, s6;
	[dreg:$0x0] =	wrdreg $0x0  }
0xae: {  	s6 =	sshll.u32 s28, $0x1;
	[dreg:$0x2] =	wrdreg s4  }
0xaf: {  	[dreg:$0x3] =	wrdreg s6  }
0xb0: {  	[dreg:$0x4] =	wrdreg $0xC0  }
0xb1: {  	_ =	task [dreg:s8], $0x5FFFF  }
0xb2: {  	[dreg:$0x1] =	wrdreg $0xFFFFFFFF  }
0xb3: {  	[dreg:$0x0] =	wrdreg $0x60  }
0xb4: {  	[dreg:$0x2] =	wrdreg s16  }
0xb5: {  	[dreg:$0x3] =	wrdreg s24  }
0xb6: {  	[dreg:$0x4] =	wrdreg s17  }
0xb7: {  	[dreg:$0x5] =	wrdreg $0xA5000  }
0xb8: {  	[dreg:$0x6] =	wrdreg $0x9  }
0xb9: {  	_ =	task.clear_ibuf [dreg:s8], $0x7FFFF;
	_ =	strace $0x90000049  }
0xba: {  	s29 =	simm.s32 $0x9;
	_ =	strace $0x8000004B  }
0xbb: {  	_ =	swait.ge [sflag:s29], $0x1  }
0xbc: {  	[sflag:s29] =	ssyncadd.s32 $0xFFFFFFFF  }
0xbd: {  	_ =	strace $0x9000004B  }
0xbe: {  	_ =	sfence  }
0xbf: {  	s30 =	sld [smem:$0x0];
	_ =	sdelay $0x2  }
0xc0: {  	s31 =	sshll.u32 s1, $0xD;
	s1 =	sshrl.u32 s1, $0x2  }
0xc1: {  	s3 =	sand.u32 $0x4000, s31;
	s1 =	sadd.s32 s1, s30  }
0xc2: {  	s0 =	sor.u32 s3, s0;
	s1 =	sshll.u32 s1, $0x11  }
0xc3: {  	s0 =	sor.u32 s1, s0  }
0xc4: {  	s0 =	sadd.s32 $0x8F2B, s0  }
0xc5: {  	[sflag:s0] =	ssyncadd.remote.s32 $0x1  }
0xc6: {  	_ =	sfence.sel $0xFFFF  }
0xc7: {  	[dreg:$0x0] =	wrdreg $0xFFFFFFFF;
	(pc) =	sbr.abs _section_cstart, $3  }
0xc8: {  	[dreg:$0x1] =	wrdreg $0xFFFFFFFF  }
0xc9: {  	_ =	task.clear_ibuf [dreg:s8], $0x2FFFF;
	_ =	strace $0x9FFFFFFF  }
0xca: {  	(tm) =	ssettm $0x7FFFFFFF  }
0xcb: {  	_ =	shalt  }
tec
execute0_lowered:
.L_overlay_start_1:
0x0: {  	(tag) =	ssettag $0x1  }
0x1: {  	s0 =	rddreg [dreg:$0x1]  }
0x2: {  	s12 =	rddreg [dreg:$0x2]  }
0x3: {  	s16 =	rddreg [dreg:$0x3];
	s4 =	simm.s32 $0x0;
	s1 =	srdreg.scid  }
0x4: {  	s13 =	stileid.u32;
	s29 =	simm.s32 $0x1;
	s30 =	simm.s32 $0x3  }
0x5: {  	s31 =	simm.s32 $0x5;
	s28 =	simm.s32 $0x6;
	s17 =	simm.s32 $0xB  }
0x6: {  	[smem:$0x7FF] =	sst s4;
	s6 =	sadd.s32 $0x18C00, s0;
	s7 =	sadd.s32 $0x570200, s0  }
0x7: {  	s1 =	sand.u32 $0x1, s1;
	s8 =	sadd.s32 $0x4FAC00, s0;
	s3 =	smul.u32 $0x3E80, s13  }
0x8: {  	s5 =	sshll.u32 s13, $0x1;
	s9 =	sadd.s32 $0xEE00, s0;
	s11 =	smul.u32 $0x7D000, s13  }
0x9: {  	s10 =	sadd.s32 $0x5000, s0;
	s2 =	smul.u32 $0x27100, s1;
	s5 =	sor.u32 s1, s5  }
0xa: {  	p0 =	sgt.u32 s13, $0x9;
	s1 =	ssub.s32 $0x2, s1;
	s18 =	smul.u32 $0x2710, s5  }
0xb: {  	_ =	strace $0x8000004A;
	s19 =	sshrl.u32 s1, $0x1;
	s5 =	smul.u32 $0x27100, s5  }
0xc: {  	s24 =	sshrl.u32 s11, $0x2;
	s11 =	simm.s32 $0x180;
	s2 =	sadd.s32 s3, s2  }
0xd: {  	s1 =	ssub.s32 s1, s19;
	s0 =	sadd.s32 s2, s0;
	s21 =	sadd.s32 s6, s5  }
0xe: {  	s20 =	sshrl.u32 s18, $0x3;
	s22 =	sadd.s32 s7, s5;
	[dreg:$0x7] =	wrdreg s21  }
0xf: {  	s23 =	sadd.s32 $0x28, s18;
	s25 =	sadd.s32 s12, s18;
	[dreg:$0x8] =	wrdreg s22  }
0x10: {  	s3 =	sadd.s32 $0x50, s18;
	s18 =	sadd.s32 s24, s16;
	[dreg:$0x9] =	wrdreg s23  }
0x11: {  	v0 =	vimm.s32 $0xFEDCBA98;
	s26 =	smax.u32 s1, $0x1;
	s24 =	simm.s32 $0x28;
	[dreg:$0xa] =	wrdreg s25  }
0x12: {  	v1 =	vimm.s32 $0x76543210;
	v0 =	vunpack.c.l.s4.s8 v0;
	s12 =	simm.s32 $0x1600;
	s5 =	simm.s32 $0x0;
	[dreg:$0xb] =	wrdreg s3  }
0x13: {  	v1 =	vunpack.c.l.s4.s8 v1;
	s14 =	sadd.s32 s9, s20;
	s2 =	sadd.s32 s10, s20;
	[dreg:$0xd] =	wrdreg s26  }
0x14: {  	v0 =	vunpack.c.0.s8.s32 v0;
	s0 =	sadd.s32 $0xA52200, s0;
	s21 =	simm.s32 $0x200;
	[dreg:$0x5] =	wrdreg s14  }
0x15: {  	v1 =	vunpack.c.0.s8.s32 v1;
	s22 =	simm.s32 $0xC;
	s23 =	simm.s32 $0x100;
	[dreg:$0x6] =	wrdreg s2  }
0x16: {  	v2 =	vand.u32 $0xF, v0;
	s25 =	simm.s32 $0x2;
	s26 =	simm.s32 $0x4;
	[dreg:$0xc] =	wrdreg s0  }
0x17: {  	vm0 =	vmmov $0xff;
	v0 =	vimm.f32 $0.0e+00;
	v1 =	vcombine.low v2, v1;
	s0 =	simm.s32 $0x7;
	s2 =	simm.s32 $0x8;
	s14 =	simm.s32 $0x0  }
.LBB2_1:
0x18: {  	s1 =	simm.s32 $0x0;
	s3 =	simm.s32 $0x200  }
.LBB2_2:
0x19: {  	p1 =	sne.s32 s3, $0x4E00;
	[tilespmem:s1+$0x270] =	vst v0  }
0x1a: {  	[tilespmem:s1+$0x200] =	vst v0  }
0x1b: {  	[tilespmem:s1+$0x210] =	vst v0  }
.Ltmp0:
0x1c: {  	[tilespmem:s1+$0x220] =	vst v0;
	(pc) =	sbr.rel @p1 .LBB2_2-.Ltmp0, $4  }
0x1d: {  	[tilespmem:s1+$0x230] =	vst v0  }
0x1e: {  	[tilespmem:s1+$0x240] =	vst v0  }
0x1f: {  	[tilespmem:s1+$0x250] =	vst v0  }
0x20: {  	[tilespmem:s1+$0x260] =	vst v0;
	s1 =	sshra.s32 s3, $0x2;
	s3 =	sadd.s32 $0x200, s3  }
0x21: {  	[tilespmem:s1+$0x270] =	vst v0  }
0x22: {  	[tilespmem:s1+$0x200] =	vst v0  }
0x23: {  	[tilespmem:s1+$0x210] =	vst v0  }
.Ltmp1:
0x24: {  	[tilespmem:s1+$0x220] =	vst v0;
	(pc) =	sbr.rel @p0 .LBB2_7-.Ltmp1, $4  }
0x25: {  	[tilespmem:s1+$0x230] =	vst v0  }
0x26: {  	[tilespmem:s1+$0x240] =	vst v0  }
0x27: {  	[tilespmem:s1+$0x250] =	vst v0  }
0x28: {  	[tilespmem:s1+$0x260] =	vst v0  }
0x29: {  	s1 =	sadd.s32 $0x0, s18  }
0x2a: {  	[spmem:s1] =	stream.linear.scatter [tilespmem:s21], [sflag:$0xC], $0x1400, $0x38;
	[tilespmem:$0x1DD80] =	vst v63  }
0x2b: {  	s1 =	simm.s32 $0x5000;
	_ =	swait.ge [sflag:s22], $0x1400  }
.LBB2_5:
0x2c: {  	s3 =	sshra.s32 s1, $0x2;
	[sflag:s22] =	ssyncset.done $0x0;
	p1 =	sne.s32 s1, $0x78000  }
.Ltmp2:
0x2d: {  	s3 =	sadd.s32 s3, s18;
	[sflag:s22] =	ssyncadd.s32 $0xFFFFEC00;
	(pc) =	sbr.rel @p1 .LBB2_5-.Ltmp2, $3  }
0x2e: {  	[spmem:s3] =	stream.linear.scatter [tilespmem:s21], [sflag:$0xC], $0x1400, $0x38;
	[tilespmem:$0x1DD80] =	vst v63  }
0x2f: {  	s1 =	sadd.s32 $0x5000, s1;
	_ =	sdelay $0x1  }
0x30: {  	_ =	swait.ge [sflag:s22], $0x1400  }
0x31: {  	[sflag:s22] =	ssyncset.done $0x0  }
0x32: {  	[sflag:s22] =	ssyncadd.s32 $0xFFFFEC00  }
.LBB2_7:
0x33: {  	[dreg:$0xe] =	wrdreg s5  }
0x34: {  	[bflag:$0x0] =	sbarrier.arrive $0xFFFF  }
0x35: {  	s1 =	rddreg [dreg:$0x5]  }
0x36: {  	[tilespmem:s14], [sflag:$0xC] =	stream.linear.gather [hbm4b:s1+s14], $0x28, $0x38;
	[tilespmem:$0x1DD80] =	vst v63  }
0x37: {  	_ =	swait.ge [sflag:s22], $0x28  }
0x38: {  	[sflag:s22] =	ssyncset.done $0x0  }
0x39: {  	s3 =	rddreg [dreg:$0x6];
	[sflag:s22] =	ssyncadd.s32 $0xFFFFFFD8  }
0x3a: {  	[tilespmem:s23], [sflag:$0xC] =	stream.linear.gather [hbm4b:s3+s14], $0x28, $0x38;
	[tilespmem:$0x1DD80] =	vst v63  }
0x3b: {  	_ =	swait.ge [sflag:s22], $0x28  }
0x3c: {  	[sflag:s22] =	ssyncset.done $0x0  }
0x3d: {  	[sflag:s22] =	ssyncadd.s32 $0xFFFFFFD8  }
0x3e: {  	s5 =	rddreg [dreg:$0x0]  }
0x3f: {  	[tilespmem:s21], [sflag:$0x1] =	stream.indirect.gather [hbm4b:s5+s24], $0x80, s14, s24, $0xb8;
	[tilespmem:$0x1DD80] =	vst v63  }
0x40: {  	s3 =	simm.s32 $0x2A00;
	s13 =	rddreg [dreg:$0x7]  }
0x41: {  	[tilespmem:s3], [sflag:$0x3] =	stream.linear.gather [hbm4b:s13+s14], $0x1400, $0x38;
	[tilespmem:$0x1DD80] =	vst v63  }
0x42: {  	s15 =	simm.s32 $0x5200  }
0x43: {  	[tilespmem:s15], [sflag:$0x5] =	stream.indirect.gather [hbm4b:s8+s24], $0x80, s23, s24, $0xb8;
	[tilespmem:$0x1DD80] =	vst v63  }
0x44: {  	s20 =	simm.s32 $0x7A00;
	s19 =	rddreg [dreg:$0x8]  }
0x45: {  	[tilespmem:s20], [sflag:$0x7] =	stream.linear.gather [hbm4b:s19+s14], $0x1400, $0x38;
	[tilespmem:$0x1DD80] =	vst v63  }
0x46: {  	s19 =	simm.s32 $0x0  }
.LBB2_8:
0x47: {  	_ =	swait.ge [sflag:s29], $0x1400  }
0x48: {  	[sflag:s29] =	ssyncset.done $0x0  }
0x49: {  	[sflag:s29] =	ssyncadd.s32 $0xFFFFEC00  }
0x4a: {  	_ =	swait.ge [sflag:s30], $0x1400  }
0x4b: {  	[sflag:s30] =	ssyncset.done $0x0  }
0x4c: {  	[sflag:s30] =	ssyncadd.s32 $0xFFFFEC00  }
0x4d: {  	_ =	swait.ge [sflag:s31], $0x1400  }
0x4e: {  	[sflag:s31] =	ssyncset.done $0x0  }
0x4f: {  	[sflag:s31] =	ssyncadd.s32 $0xFFFFEC00  }
0x50: {  	_ =	swait.ge [sflag:s0], $0x1400  }
0x51: {  	p1 =	seq.s32 s19, $0x0;
	[sflag:s0] =	ssyncset.done $0x0  }
0x52: {  	s1 =	simm.s32 @!p1 $0xB;
	[sflag:s0] =	ssyncadd.s32 $0xFFFFEC00  }
0x53: {  	_ =	swait.ge @!p1 [sflag:s1], $0x1400  }
0x54: {  	[sflag:s1] =	ssyncset.done @!p1 $0x0  }
0x55: {  	[sflag:s1] =	ssyncadd.s32 @!p1 $0xFFFFEC00;
	s1 =	simm.s32 @!p1 $0x9  }
0x56: {  	s13 =	smul.u32 $0x50, s19;
	_ =	swait.ge @!p1 [sflag:s1], $0x140  }
0x57: {  	s3 =	rddreg [dreg:$0x9]  }
0x58: {  	s20 =	sadd.s32 s13, s3  }
0x59: {  	s5 =	smov.u32 s16;
	[sflag:s1] =	ssyncset.done @!p1 $0x0;
	s3 =	sshrl.u32 s20, $0x3  }
0x5a: {  	s15 =	simm.s32 $0x80;
	[sflag:s1] =	ssyncadd.s32 @!p1 $0xFFFFFEC0;
	s16 =	sadd.s32 s9, s3  }
0x5b: {  	[tilespmem:s15], [sflag:$0xC] =	stream.linear.gather [hbm4b:s16+s14], $0x28, $0x38;
	[tilespmem:$0x1DD80] =	vst v63  }
0x5c: {  	_ =	swait.ge [sflag:s22], $0x28  }
0x5d: {  	[sflag:s22] =	ssyncset.done $0x0  }
0x5e: {  	s16 =	sadd.s32 s10, s3;
	[sflag:s22] =	ssyncadd.s32 $0xFFFFFFD8  }
0x5f: {  	[tilespmem:s11], [sflag:$0xC] =	stream.linear.gather [hbm4b:s16+s14], $0x28, $0x38;
	[tilespmem:$0x1DD80] =	vst v63  }
0x60: {  	_ =	swait.ge [sflag:s22], $0x28  }
0x61: {  	[sflag:s22] =	ssyncset.done $0x0  }
0x62: {  	[sflag:s22] =	ssyncadd.s32 $0xFFFFFFD8  }
0x63: {  	s1 =	sshll.u32 s20, $0x4;
	s3 =	rddreg [dreg:$0x0]  }
0x64: {  	[tilespmem:s12], [sflag:$0x2] =	stream.indirect.gather [hbm4b:s3+s24], $0x80, s15, s24, $0xb8;
	[tilespmem:$0x1DD80] =	vst v63  }
0x65: {  	s16 =	simm.s32 $0x3E00;
	s15 =	sadd.s32 s6, s1  }
0x66: {  	[tilespmem:s16], [sflag:$0x4] =	stream.linear.gather [hbm4b:s15+s14], $0x1400, $0x38;
	[tilespmem:$0x1DD80] =	vst v63  }
0x67: {  	s15 =	simm.s32 $0x6600  }
0x68: {  	[tilespmem:s15], [sflag:$0x6] =	stream.indirect.gather [hbm4b:s8+s24], $0x80, s11, s24, $0xb8;
	[tilespmem:$0x1DD80] =	vst v63  }
0x69: {  	s1 =	sadd.s32 s7, s1;
	s16 =	simm.s32 $0x8E00  }
0x6a: {  	[tilespmem:s16], [sflag:$0x8] =	stream.linear.gather [hbm4b:s1+s14], $0x1400, $0x38;
	[tilespmem:$0x1DD80] =	vst v63  }
0x6b: {  	s1 =	simm.s32 $0x0  }
0x6c: {  	v2 =	vld [tilespmem:s1+$0x5280];
	_ =	sdelay $0x1  }
0x6d: {  	v3 =	vld [tilespmem:s1+$0x5200];
	_ =	sdelay $0x2  }
0x6e: {  	v2 =	vadd.f32 $1.000000020e-16, v2;
	_ =	sdelay $0x1  }
0x6f: {  	v3 =	vadd.f32 $1.000000020e-16, v3;
	(erf) = vrcp.f32 v2;
	_ =	sdelay $0x1  }
0x70: {  	(erf) = vrcp.f32 v3;
	_ =	sdelay $0x2  }
0x71: {  	v2 =	vld [tilespmem:s1+$0x7A80];
	_ =	sdelay $0x1  }
0x72: {  	v3 =	vld [tilespmem:s1+$0x7A00];
	_ =	sdelay $0x1  }
0x73: {  	v4 =	vpop (erf)  }
0x74: {  	v2 =	vmul.f32 v4, v2  }
0x75: {  	v4 =	vpop (erf)  }
0x76: {  	v3 =	vmul.f32 v4, v3;
	v4 =	vperm.xlane v2, v1;
	_ =	sdelay $0x1  }
0x77: {  	s3 =	simm.s32 $0xA200;
	v4 =	vsel vm0, v3, v4  }
0x78: {  	[tilespmem:s3+$0x0] =	vst v4  }
0x79: {  	v6 =	vld [tilespmem:s1+$0x2AF0]  }
0x7a: {  	v4 =	vld [tilespmem:s1+$0x2A40]  }
0x7b: {  	v8 =	vld [tilespmem:s1+$0x2A70]  }
0x7c: {  	v5 =	vld [tilespmem:s1+$0x2A80]  }
0x7d: {  	v9 =	vld [tilespmem:s1+$0x2A60]  }
0x7e: {  	v10 =	vld [tilespmem:s1+$0x2AB0]  }
0x7f: {  	v12 =	vld [tilespmem:s1+$0x2A50]  }
0x80: {  	v11 =	vld [tilespmem:s1+$0x2AC0]  }
0x81: {  	s15 =	simm.s32 $0x400;
	v7 =	vld [tilespmem:s1+$0x2AE0]  }
.LBB2_9:
0x82: {  	p2 =	sne.s32 s15, $0x4C00  }
0x83: {  	v13 =	vld [tilespmem:s1+$0x2AA0];
	s3 =	sadd.s32 $0x10, s3;
	s16 =	smov.u32 s15;
	s15 =	sadd.s32 $0x400, s15  }
0x84: {  	v14 =	vld [tilespmem:s1+$0x2AD0]  }
0x85: {  	v15 =	vld [tilespmem:s1+$0x250]  }
0x86: {  	v17 =	vbroadcast v2, $0x3;
	v18 =	vbroadcast v3, $0x5;
	v16 =	vld [tilespmem:s1+$0x2A10]  }
0x87: {  	v19 =	vbroadcast v2, $0x2;
	v21 =	vbroadcast v3, $0x6;
	v20 =	vld [tilespmem:s1+$0x2A30]  }
0x88: {  	v23 =	vbroadcast v3, $0x3;
	v22 =	vld [tilespmem:s1+$0x2A90]  }
0x89: {  	v24 =	vld [tilespmem:s1+$0x2C0]  }
0x8a: {  	v26 =	vbroadcast v2, $0x4;
	v25 =	vld [tilespmem:s1+$0x2B0];
	v12 =	vadd.f32 v12, v15  }
0x8b: {  	v15 =	vld [tilespmem:s1+$0x200]  }
0x8c: {  	v27 =	vld [tilespmem:s1+$0x2A0];
	v12 =	vmul.f32 v12, v18  }
0x8d: {  	v18 =	vld [tilespmem:s1+$0x2A20]  }
0x8e: {  	v28 =	vld [tilespmem:s1+$0x230];
	v11 =	vadd.f32 v11, v24;
	[tilespmem:s1+$0x250] =	vst v12  }
0x8f: {  	v10 =	vadd.f32 v10, v25;
	v12 =	vld [tilespmem:s1+$0x260]  }
0x90: {  	v11 =	vmul.f32 v11, v26;
	v24 =	vld [tilespmem:s1+$0x270]  }
0x91: {  	v25 =	vld [tilespmem:s1+$0x220];
	v13 =	vadd.f32 v13, v27;
	v10 =	vmul.f32 v10, v17  }
0x92: {  	[tilespmem:s1+$0x2C0] =	vst v11;
	v11 =	vld [tilespmem:s1+$0x2D0]  }
0x93: {  	v13 =	vmul.f32 v13, v19;
	v17 =	vadd.f32 v20, v28;
	[tilespmem:s1+$0x2B0] =	vst v10;
	v10 =	vld [tilespmem:s1+$0x2F0]  }
0x94: {  	v19 =	vbroadcast v3, $0x7;
	v9 =	vadd.f32 v9, v12;
	v12 =	vld [tilespmem:s1+$0x2E0]  }
0x95: {  	v20 =	vld [tilespmem:s1+$0x2A00];
	[tilespmem:s1+$0x2A0] =	vst v13;
	v13 =	vmul.f32 v17, v23;
	v8 =	vadd.f32 v8, v24  }
0x96: {  	v17 =	vbroadcast v2, $0x1;
	v23 =	vld [tilespmem:s1+$0x240];
	v9 =	vmul.f32 v9, v21  }
0x97: {  	v21 =	vld [tilespmem:s1+$0x210];
	[tilespmem:s1+$0x230] =	vst v13;
	v11 =	vadd.f32 v14, v11;
	v13 =	vbroadcast v2, $0x5;
	v8 =	vmul.f32 v8, v19  }
0x98: {  	s16 =	sshra.s32 s16, $0x2;
	v24 =	vbroadcast v3, $0x2;
	v14 =	vbroadcast v2, $0x0;
	v19 =	vld [tilespmem:s1+$0x290]  }
0x99: {  	v18 =	vadd.f32 v18, v25;
	v26 =	vld [tilespmem:s16+$0x5280];
	v11 =	vmul.f32 v11, v13;
	[tilespmem:s1+$0x260] =	vst v9;
	v7 =	vadd.f32 v7, v12  }
0x9a: {  	v12 =	vbroadcast v3, $0x1;
	v13 =	vbroadcast v2, $0x6;
	v9 =	vld [tilespmem:s1+$0x280];
	[tilespmem:s1+$0x270] =	vst v8  }
0x9b: {  	v18 =	vmul.f32 v18, v24;
	v6 =	vadd.f32 v6, v10;
	v2 =	vbroadcast v2, $0x7;
	v8 =	vld [tilespmem:s16+$0x5200];
	[tilespmem:s1+$0x2D0] =	vst v11  }
0x9c: {  	v10 =	vadd.f32 v20, v15;
	v11 =	vbroadcast v3, $0x0;
	v3 =	vbroadcast v3, $0x4  }
0x9d: {  	v4 =	vadd.f32 v4, v23;
	v2 =	vmul.f32 v6, v2;
	v15 =	vadd.f32 v16, v21;
	[tilespmem:s1+$0x220] =	vst v18  }
0x9e: {  	v10 =	vmul.f32 v10, v11;
	v11 =	vadd.f32 v22, v19;
	v6 =	vadd.f32 $1.000000020e-16, v26  }
0x9f: {  	v3 =	vmul.f32 v4, v3;
	v4 =	vmul.f32 v7, v13;
	v5 =	vadd.f32 v5, v9  }
0xa0: {  	v7 =	vadd.f32 $1.000000020e-16, v8;
	(erf) = vrcp.f32 v6;
	[tilespmem:s1+$0x200] =	vst v10;
	v6 =	vmul.f32 v15, v12  }
0xa1: {  	v8 =	vmul.f32 v11, v17;
	v5 =	vmul.f32 v5, v14;
	[tilespmem:s1+$0x2F0] =	vst v2  }
0xa2: {  	(erf) = vrcp.f32 v7;
	[tilespmem:s1+$0x210] =	vst v6  }
0xa3: {  	[tilespmem:s1+$0x290] =	vst v8  }
0xa4: {  	[tilespmem:s1+$0x280] =	vst v5  }
0xa5: {  	v2 =	vld [tilespmem:s16+$0x7A80];
	[tilespmem:s1+$0x240] =	vst v3  }
0xa6: {  	[tilespmem:s1+$0x2E0] =	vst v4;
	s1 =	smov.u32 s16  }
0xa7: {  	v3 =	vld [tilespmem:s1+$0x7A00];
	_ =	sdelay $0x1  }
0xa8: {  	v4 =	vpop (erf)  }
0xa9: {  	v2 =	vmul.f32 v4, v2  }
0xaa: {  	v4 =	vpop (erf)  }
0xab: {  	v3 =	vmul.f32 v4, v3;
	v4 =	vperm.xlane v2, v1;
	_ =	sdelay $0x1  }
0xac: {  	v4 =	vsel vm0, v3, v4  }
0xad: {  	[tilespmem:s3+$0x0] =	vst v4  }
0xae: {  	v6 =	vld [tilespmem:s1+$0x2AF0]  }
0xaf: {  	v4 =	vld [tilespmem:s1+$0x2A40]  }
0xb0: {  	v8 =	vld [tilespmem:s1+$0x2A70]  }
0xb1: {  	v5 =	vld [tilespmem:s1+$0x2A80]  }
.Ltmp3:
0xb2: {  	v9 =	vld [tilespmem:s1+$0x2A60];
	(pc) =	sbr.rel @p2 .LBB2_9-.Ltmp3, $4  }
0xb3: {  	v10 =	vld [tilespmem:s1+$0x2AB0]  }
0xb4: {  	v12 =	vld [tilespmem:s1+$0x2A50]  }
0xb5: {  	v11 =	vld [tilespmem:s1+$0x2AC0]  }
0xb6: {  	v7 =	vld [tilespmem:s1+$0x2AE0]  }
0xb7: {  	v13 =	vld [tilespmem:s1+$0x2AA0]  }
0xb8: {  	v14 =	vld [tilespmem:s1+$0x2AD0]  }
0xb9: {  	v15 =	vld [tilespmem:s1+$0x250]  }
0xba: {  	v19 =	vld [tilespmem:s1+$0x2C0]  }
0xbb: {  	v16 =	vld [tilespmem:s1+$0x2A10]  }
0xbc: {  	v17 =	vld [tilespmem:s1+$0x2A30]  }
0xbd: {  	v20 =	vld [tilespmem:s1+$0x2B0]  }
0xbe: {  	v21 =	vbroadcast v3, $0x5;
	v22 =	vld [tilespmem:s1+$0x2A0];
	v12 =	vadd.f32 v12, v15  }
0xbf: {  	v53 =	vld [tilespmem:s1+$0x2A20];
	v24 =	vbroadcast v2, $0x4;
	v11 =	vadd.f32 v11, v19  }
0xc0: {  	v23 =	vld [tilespmem:s1+$0x230];
	v12 =	vmul.f32 v12, v21  }
0xc1: {  	v55 =	vld [tilespmem:s1+$0x270];
	v11 =	vmul.f32 v11, v24  }
0xc2: {  	v54 =	vbroadcast v2, $0x3;
	v10 =	vadd.f32 v10, v20;
	[tilespmem:s1+$0x250] =	vst v12;
	v12 =	vld [tilespmem:s1+$0x260]  }
0xc3: {  	v57 =	vbroadcast v2, $0x2;
	v13 =	vadd.f32 v13, v22;
	[tilespmem:s1+$0x2C0] =	vst v11;
	v11 =	vld [tilespmem:s1+$0x2D0]  }
0xc4: {  	v56 =	vld [tilespmem:s1+$0x220];
	v10 =	vmul.f32 v10, v54  }
0xc5: {  	v59 =	vbroadcast v3, $0x3;
	v60 =	vld [tilespmem:s1+$0x2A00];
	v17 =	vadd.f32 v17, v23;
	v13 =	vmul.f32 v13, v57  }
0xc6: {  	v15 =	vld [tilespmem:s1+$0x200];
	[tilespmem:s1+$0x2B0] =	vst v10  }
0xc7: {  	v10 =	vld [tilespmem:s1+$0x2F0];
	[tilespmem:s1+$0x2A0] =	vst v13;
	v13 =	vbroadcast v3, $0x6;
	v9 =	vadd.f32 v9, v12;
	v12 =	vmul.f32 v17, v59  }
0xc8: {  	v62 =	vld [tilespmem:s1+$0x210];
	v11 =	vadd.f32 v14, v11;
	v14 =	vbroadcast v2, $0x5  }
0xc9: {  	v18 =	vld [tilespmem:s1+$0x2A90];
	v8 =	vadd.f32 v8, v55;
	v9 =	vmul.f32 v9, v13;
	[tilespmem:s1+$0x230] =	vst v12;
	v12 =	vbroadcast v3, $0x7  }
0xca: {  	v61 =	vld [tilespmem:s1+$0x240];
	v11 =	vmul.f32 v11, v14  }
0xcb: {  	v13 =	vld [tilespmem:s1+$0x290];
	[tilespmem:s1+$0x260] =	vst v9;
	v8 =	vmul.f32 v8, v12;
	v9 =	vbroadcast v3, $0x2;
	v12 =	vadd.f32 v53, v56  }
0xcc: {  	v63 =	vld [tilespmem:s1+$0x280];
	v6 =	vadd.f32 v6, v10;
	v14 =	vadd.f32 v60, v15;
	v15 =	vbroadcast v3, $0x0;
	[tilespmem:s1+$0x2D0] =	vst v11  }
0xcd: {  	v58 =	vld [tilespmem:s1+$0x2E0];
	v10 =	vbroadcast v3, $0x1;
	v11 =	vadd.f32 v16, v62;
	[tilespmem:s1+$0x270] =	vst v8;
	v8 =	vmul.f32 v12, v9  }
0xce: {  	v9 =	vbroadcast v2, $0x7;
	v12 =	vmul.f32 v14, v15  }
0xcf: {  	v4 =	vadd.f32 v4, v61;
	v3 =	vbroadcast v3, $0x4;
	v10 =	vmul.f32 v11, v10;
	[tilespmem:s1+$0x220] =	vst v8  }
0xd0: {  	v14 =	vbroadcast v2, $0x1;
	v6 =	vmul.f32 v6, v9;
	v8 =	vadd.f32 v18, v13;
	[tilespmem:s1+$0x200] =	vst v12  }
0xd1: {  	v5 =	vadd.f32 v5, v63;
	v3 =	vmul.f32 v4, v3;
	v9 =	vbroadcast v2, $0x0;
	[tilespmem:s1+$0x210] =	vst v10  }
0xd2: {  	v2 =	vbroadcast v2, $0x6;
	v8 =	vmul.f32 v8, v14;
	[tilespmem:s1+$0x2F0] =	vst v6;
	v6 =	vadd.f32 v7, v58  }
0xd3: {  	[tilespmem:s1+$0x240] =	vst v3;
	v5 =	vmul.f32 v5, v9  }
0xd4: {  	[tilespmem:s1+$0x290] =	vst v8;
	v2 =	vmul.f32 v6, v2  }
0xd5: {  	s16 =	rddreg [dreg:$0xa];
	[tilespmem:s1+$0x280] =	vst v5  }
0xd6: {  	s3 =	simm.s32 $0xA200;
	[tilespmem:s1+$0x2E0] =	vst v2;
	s1 =	sadd.s32 s13, s16  }
0xd7: {  	[hbm4b:s1+s4] =	stream.linear.scatter [tilespmem:s3], [sflag:$0x9], $0x140, $0x38;
	[tilespmem:$0x1DD80] =	vst v63  }
0xd8: {  	_ = 	snop  }
0xd9: {  	[spmem:s5] =	stream.indirect.scatter.add.f32 [tilespmem:s21], [sflag:$0xB], $0x80, s23, s24, $0xb8;
	[tilespmem:$0x1DD80] =	vst v63  }
0xda: {  	_ =	swait.ge [sflag:s25], $0x1400  }
0xdb: {  	[sflag:s25] =	ssyncset.done $0x0  }
0xdc: {  	[sflag:s25] =	ssyncadd.s32 $0xFFFFEC00  }
0xdd: {  	_ =	swait.ge [sflag:s26], $0x1400  }
0xde: {  	[sflag:s26] =	ssyncset.done $0x0  }
0xdf: {  	[sflag:s26] =	ssyncadd.s32 $0xFFFFEC00  }
0xe0: {  	_ =	swait.ge [sflag:s28], $0x1400  }
0xe1: {  	[sflag:s28] =	ssyncset.done $0x0  }
0xe2: {  	[sflag:s28] =	ssyncadd.s32 $0xFFFFEC00  }
0xe3: {  	_ =	swait.ge [sflag:s2], $0x1400  }
0xe4: {  	[sflag:s2] =	ssyncset.done $0x0  }
0xe5: {  	[sflag:s2] =	ssyncadd.s32 $0xFFFFEC00  }
0xe6: {  	_ =	swait.ge [sflag:s17], $0x1400  }
0xe7: {  	[sflag:s17] =	ssyncset.done $0x0  }
0xe8: {  	s1 =	simm.s32 @!p1 $0xA;
	[sflag:s17] =	ssyncadd.s32 $0xFFFFEC00  }
0xe9: {  	p2 =	seq.s32 @!p1 s19, $0x7C;
	_ =	swait.ge @!p1 [sflag:s1], $0x140  }
0xea: {  	p2 =	por p1, !p2;
	[sflag:s1] =	ssyncset.done @!p1 $0x0  }
0xeb: {  	[sflag:s1] =	ssyncadd.s32 @!p1 $0xFFFFFEC0;
	s1 =	rddreg @p2 [dreg:$0xb]  }
0xec: {  	s1 =	sadd.s32 @p2 s13, s1  }
0xed: {  	s3 =	sshrl.u32 @p2 s1, $0x3  }
0xee: {  	s13 =	sadd.s32 @p2 s9, s3  }
0xef: {  	[tilespmem:s4], [sflag:$0xC] =	stream.linear.gather @p2 [hbm4b:s13+s4], $0x28, $0x38;
	[tilespmem:$0x1DD80] =	vst v63  }
0xf0: {  	_ =	swait.ge @p2 [sflag:s22], $0x28  }
0xf1: {  	[sflag:s22] =	ssyncset.done @p2 $0x0  }
0xf2: {  	s3 =	sadd.s32 @p2 s10, s3;
	[sflag:s22] =	ssyncadd.s32 @p2 $0xFFFFFFD8  }
0xf3: {  	[tilespmem:s23], [sflag:$0xC] =	stream.linear.gather @p2 [hbm4b:s3+s4], $0x28, $0x38;
	[tilespmem:$0x1DD80] =	vst v63  }
0xf4: {  	_ =	swait.ge @p2 [sflag:s22], $0x28  }
0xf5: {  	[sflag:s22] =	ssyncset.done @p2 $0x0  }
0xf6: {  	[sflag:s22] =	ssyncadd.s32 @p2 $0xFFFFFFD8  }
0xf7: {  	s1 =	sshll.u32 @p2 s1, $0x4;
	s3 =	rddreg @p2 [dreg:$0x0]  }
0xf8: {  	[tilespmem:s21], [sflag:$0x1] =	stream.indirect.gather @p2 [hbm4b:s3+s24], $0x80, s4, s24, $0xb8;
	[tilespmem:$0x1DD80] =	vst v63  }
0xf9: {  	s16 =	smov.u32 s5;
	s5 =	simm.s32 @p2 $0x2A00;
	s3 =	sadd.s32 @p2 s6, s1  }
0xfa: {  	[tilespmem:s5], [sflag:$0x3] =	stream.linear.gather @p2 [hbm4b:s3+s4], $0x1400, $0x38;
	[tilespmem:$0x1DD80] =	vst v63  }
0xfb: {  	s3 =	simm.s32 @p2 $0x5200  }
0xfc: {  	[tilespmem:s3], [sflag:$0x5] =	stream.indirect.gather @p2 [hbm4b:s8+s24], $0x80, s23, s24, $0xb8;
	[tilespmem:$0x1DD80] =	vst v63  }
0xfd: {  	s1 =	sadd.s32 @p2 s7, s1;
	s3 =	simm.s32 @p2 $0x7A00  }
0xfe: {  	[tilespmem:s3], [sflag:$0x7] =	stream.linear.gather @p2 [hbm4b:s1+s4], $0x1400, $0x38;
	[tilespmem:$0x1DD80] =	vst v63  }
0xff: {  	s1 =	simm.s32 $0x0  }
0x100: {  	v2 =	vld [tilespmem:s1+$0x6680];
	_ =	sdelay $0x1  }
0x101: {  	v3 =	vld [tilespmem:s1+$0x6600];
	_ =	sdelay $0x2  }
0x102: {  	v2 =	vadd.f32 $1.000000020e-16, v2;
	_ =	sdelay $0x1  }
0x103: {  	v3 =	vadd.f32 $1.000000020e-16, v3;
	(erf) = vrcp.f32 v2;
	_ =	sdelay $0x1  }
0x104: {  	(erf) = vrcp.f32 v3;
	_ =	sdelay $0x2  }
0x105: {  	v2 =	vld [tilespmem:s1+$0x8E80];
	_ =	sdelay $0x1  }
0x106: {  	v3 =	vld [tilespmem:s1+$0x8E00];
	_ =	sdelay $0x1  }
0x107: {  	v4 =	vpop (erf)  }
0x108: {  	v2 =	vmul.f32 v4, v2  }
0x109: {  	v4 =	vpop (erf)  }
0x10a: {  	v3 =	vmul.f32 v4, v3;
	v4 =	vperm.xlane v2, v1;
	_ =	sdelay $0x1  }
0x10b: {  	s3 =	simm.s32 $0xA380;
	v4 =	vsel vm0, v3, v4  }
0x10c: {  	[tilespmem:s3+$0x0] =	vst v4  }
0x10d: {  	v6 =	vld [tilespmem:s1+$0x3EF0]  }
0x10e: {  	v4 =	vld [tilespmem:s1+$0x3E40]  }
0x10f: {  	v8 =	vld [tilespmem:s1+$0x3E70]  }
0x110: {  	v5 =	vld [tilespmem:s1+$0x3E80]  }
0x111: {  	v9 =	vld [tilespmem:s1+$0x3E60]  }
0x112: {  	v10 =	vld [tilespmem:s1+$0x3EB0]  }
0x113: {  	v12 =	vld [tilespmem:s1+$0x3E50]  }
0x114: {  	v11 =	vld [tilespmem:s1+$0x3EC0]  }
0x115: {  	s13 =	simm.s32 $0x400;
	v7 =	vld [tilespmem:s1+$0x3EE0]  }
.LBB2_11:
0x116: {  	p1 =	sne.s32 s13, $0x4C00  }
0x117: {  	v13 =	vld [tilespmem:s1+$0x3EA0];
	s3 =	sadd.s32 $0x10, s3;
	s15 =	smov.u32 s13;
	s13 =	sadd.s32 $0x400, s13  }
0x118: {  	v14 =	vld [tilespmem:s1+$0x3ED0]  }
0x119: {  	v15 =	vld [tilespmem:s1+$0x1650]  }
0x11a: {  	v17 =	vbroadcast v2, $0x3;
	v18 =	vbroadcast v3, $0x5;
	v16 =	vld [tilespmem:s1+$0x3E10]  }
0x11b: {  	v19 =	vbroadcast v2, $0x2;
	v21 =	vbroadcast v3, $0x6;
	v20 =	vld [tilespmem:s1+$0x3E30]  }
0x11c: {  	v23 =	vbroadcast v3, $0x3;
	v22 =	vld [tilespmem:s1+$0x3E90]  }
0x11d: {  	v24 =	vld [tilespmem:s1+$0x16C0]  }
0x11e: {  	v26 =	vbroadcast v2, $0x4;
	v25 =	vld [tilespmem:s1+$0x16B0];
	v12 =	vadd.f32 v12, v15  }
0x11f: {  	v15 =	vld [tilespmem:s1+$0x1600]  }
0x120: {  	v27 =	vld [tilespmem:s1+$0x16A0];
	v12 =	vmul.f32 v12, v18  }
0x121: {  	v18 =	vld [tilespmem:s1+$0x3E20]  }
0x122: {  	v28 =	vld [tilespmem:s1+$0x1630];
	v11 =	vadd.f32 v11, v24;
	[tilespmem:s1+$0x1650] =	vst v12  }
0x123: {  	v10 =	vadd.f32 v10, v25;
	v12 =	vld [tilespmem:s1+$0x1660]  }
0x124: {  	v11 =	vmul.f32 v11, v26;
	v24 =	vld [tilespmem:s1+$0x1670]  }
0x125: {  	v25 =	vld [tilespmem:s1+$0x1620];
	v13 =	vadd.f32 v13, v27;
	v10 =	vmul.f32 v10, v17  }
0x126: {  	[tilespmem:s1+$0x16C0] =	vst v11;
	v11 =	vld [tilespmem:s1+$0x16D0]  }
0x127: {  	v13 =	vmul.f32 v13, v19;
	v17 =	vadd.f32 v20, v28;
	[tilespmem:s1+$0x16B0] =	vst v10;
	v10 =	vld [tilespmem:s1+$0x16F0]  }
0x128: {  	v19 =	vbroadcast v3, $0x7;
	v9 =	vadd.f32 v9, v12;
	v12 =	vld [tilespmem:s1+$0x16E0]  }
0x129: {  	v20 =	vld [tilespmem:s1+$0x3E00];
	[tilespmem:s1+$0x16A0] =	vst v13;
	v13 =	vmul.f32 v17, v23;
	v8 =	vadd.f32 v8, v24  }
0x12a: {  	v17 =	vbroadcast v2, $0x1;
	v23 =	vld [tilespmem:s1+$0x1640];
	v9 =	vmul.f32 v9, v21  }
0x12b: {  	v21 =	vld [tilespmem:s1+$0x1610];
	[tilespmem:s1+$0x1630] =	vst v13;
	v11 =	vadd.f32 v14, v11;
	v13 =	vbroadcast v2, $0x5;
	v8 =	vmul.f32 v8, v19  }
0x12c: {  	s15 =	sshra.s32 s15, $0x2;
	v24 =	vbroadcast v3, $0x2;
	v14 =	vbroadcast v2, $0x0;
	v19 =	vld [tilespmem:s1+$0x1690]  }
0x12d: {  	v18 =	vadd.f32 v18, v25;
	v26 =	vld [tilespmem:s15+$0x6680];
	v11 =	vmul.f32 v11, v13;
	[tilespmem:s1+$0x1660] =	vst v9;
	v7 =	vadd.f32 v7, v12  }
0x12e: {  	v12 =	vbroadcast v3, $0x1;
	v13 =	vbroadcast v2, $0x6;
	v9 =	vld [tilespmem:s1+$0x1680];
	[tilespmem:s1+$0x1670] =	vst v8  }
0x12f: {  	v18 =	vmul.f32 v18, v24;
	v6 =	vadd.f32 v6, v10;
	v2 =	vbroadcast v2, $0x7;
	v8 =	vld [tilespmem:s15+$0x6600];
	[tilespmem:s1+$0x16D0] =	vst v11  }
0x130: {  	v10 =	vadd.f32 v20, v15;
	v11 =	vbroadcast v3, $0x0;
	v3 =	vbroadcast v3, $0x4  }
0x131: {  	v4 =	vadd.f32 v4, v23;
	v2 =	vmul.f32 v6, v2;
	v15 =	vadd.f32 v16, v21;
	[tilespmem:s1+$0x1620] =	vst v18  }
0x132: {  	v10 =	vmul.f32 v10, v11;
	v11 =	vadd.f32 v22, v19;
	v6 =	vadd.f32 $1.000000020e-16, v26  }
0x133: {  	v3 =	vmul.f32 v4, v3;
	v4 =	vmul.f32 v7, v13;
	v5 =	vadd.f32 v5, v9  }
0x134: {  	v7 =	vadd.f32 $1.000000020e-16, v8;
	(erf) = vrcp.f32 v6;
	[tilespmem:s1+$0x1600] =	vst v10;
	v6 =	vmul.f32 v15, v12  }
0x135: {  	v8 =	vmul.f32 v11, v17;
	v5 =	vmul.f32 v5, v14;
	[tilespmem:s1+$0x16F0] =	vst v2  }
0x136: {  	(erf) = vrcp.f32 v7;
	[tilespmem:s1+$0x1610] =	vst v6  }
0x137: {  	[tilespmem:s1+$0x1690] =	vst v8  }
0x138: {  	[tilespmem:s1+$0x1680] =	vst v5  }
0x139: {  	v2 =	vld [tilespmem:s15+$0x8E80];
	[tilespmem:s1+$0x1640] =	vst v3  }
0x13a: {  	[tilespmem:s1+$0x16E0] =	vst v4;
	s1 =	smov.u32 s15  }
0x13b: {  	v3 =	vld [tilespmem:s1+$0x8E00];
	_ =	sdelay $0x1  }
0x13c: {  	v4 =	vpop (erf)  }
0x13d: {  	v2 =	vmul.f32 v4, v2  }
0x13e: {  	v4 =	vpop (erf)  }
0x13f: {  	v3 =	vmul.f32 v4, v3;
	v4 =	vperm.xlane v2, v1;
	_ =	sdelay $0x1  }
0x140: {  	v4 =	vsel vm0, v3, v4  }
0x141: {  	[tilespmem:s3+$0x0] =	vst v4  }
0x142: {  	v6 =	vld [tilespmem:s1+$0x3EF0]  }
0x143: {  	v4 =	vld [tilespmem:s1+$0x3E40]  }
0x144: {  	v8 =	vld [tilespmem:s1+$0x3E70]  }
0x145: {  	v5 =	vld [tilespmem:s1+$0x3E80]  }
.Ltmp4:
0x146: {  	v9 =	vld [tilespmem:s1+$0x3E60];
	(pc) =	sbr.rel @p1 .LBB2_11-.Ltmp4, $4  }
0x147: {  	v10 =	vld [tilespmem:s1+$0x3EB0]  }
0x148: {  	v12 =	vld [tilespmem:s1+$0x3E50]  }
0x149: {  	v11 =	vld [tilespmem:s1+$0x3EC0]  }
0x14a: {  	v7 =	vld [tilespmem:s1+$0x3EE0]  }
0x14b: {  	v13 =	vld [tilespmem:s1+$0x3EA0]  }
0x14c: {  	v14 =	vld [tilespmem:s1+$0x3ED0]  }
0x14d: {  	v15 =	vld [tilespmem:s1+$0x1650]  }
0x14e: {  	v16 =	vld [tilespmem:s1+$0x3E10]  }
0x14f: {  	v17 =	vld [tilespmem:s1+$0x3E30]  }
0x150: {  	v18 =	vld [tilespmem:s1+$0x3E90]  }
0x151: {  	v19 =	vld [tilespmem:s1+$0x16C0]  }
0x152: {  	v20 =	vld [tilespmem:s1+$0x16B0]  }
0x153: {  	v31 =	vld [tilespmem:s1+$0x1600]  }
0x154: {  	v22 =	vld [tilespmem:s1+$0x16A0]  }
0x155: {  	v32 =	vld [tilespmem:s1+$0x3E20]  }
0x156: {  	v21 =	vbroadcast v3, $0x5;
	v23 =	vld [tilespmem:s1+$0x1630]  }
0x157: {  	v24 =	vbroadcast v2, $0x4;
	v33 =	vld [tilespmem:s1+$0x1660];
	v34 =	vbroadcast v2, $0x3;
	v12 =	vadd.f32 v12, v15  }
0x158: {  	v35 =	vld [tilespmem:s1+$0x1670];
	v38 =	vbroadcast v2, $0x2;
	v41 =	vbroadcast v3, $0x3;
	v11 =	vadd.f32 v11, v19  }
0x159: {  	v36 =	vld [tilespmem:s1+$0x1620];
	v43 =	vbroadcast v3, $0x6;
	v10 =	vadd.f32 v10, v20;
	v12 =	vmul.f32 v12, v21  }
0x15a: {  	v42 =	vld [tilespmem:s1+$0x3E00];
	v47 =	vbroadcast v3, $0x7;
	v13 =	vadd.f32 v13, v22;
	v11 =	vmul.f32 v11, v24  }
0x15b: {  	v39 =	vld [tilespmem:s1+$0x16F0];
	v49 =	vbroadcast v2, $0x5;
	v17 =	vadd.f32 v17, v23;
	v10 =	vmul.f32 v10, v34;
	[tilespmem:s1+$0x1650] =	vst v12  }
0x15c: {  	v50 =	vbroadcast v3, $0x2;
	v52 =	vld [tilespmem:s1+$0x1680];
	v9 =	vadd.f32 v9, v33;
	v13 =	vmul.f32 v13, v38;
	[tilespmem:s1+$0x16C0] =	vst v11  }
0x15d: {  	v45 =	vld [tilespmem:s1+$0x1640];
	v54 =	vbroadcast v3, $0x0;
	v8 =	vadd.f32 v8, v35;
	v44 =	vmul.f32 v17, v41;
	[tilespmem:s1+$0x16B0] =	vst v10  }
0x15e: {  	v40 =	vld [tilespmem:s1+$0x16E0];
	v56 =	vbroadcast v2, $0x7;
	v51 =	vadd.f32 v32, v36;
	v9 =	vmul.f32 v9, v43;
	[tilespmem:s1+$0x16A0] =	vst v13  }
0x15f: {  	v46 =	vld [tilespmem:s1+$0x1610];
	v57 =	vbroadcast v3, $0x1;
	v53 =	vadd.f32 v42, v31;
	v8 =	vmul.f32 v8, v47;
	[tilespmem:s1+$0x1630] =	vst v44  }
0x160: {  	v48 =	vld [tilespmem:s1+$0x1690];
	v60 =	vbroadcast v2, $0x1;
	v6 =	vadd.f32 v6, v39;
	v55 =	vmul.f32 v51, v50;
	[tilespmem:s1+$0x1660] =	vst v9  }
0x161: {  	v37 =	vld [tilespmem:s1+$0x16D0];
	v62 =	vbroadcast v2, $0x0;
	v5 =	vadd.f32 v5, v52;
	v59 =	vmul.f32 v53, v54;
	[tilespmem:s1+$0x1670] =	vst v8  }
0x162: {  	v3 =	vbroadcast v3, $0x4;
	v4 =	vadd.f32 v4, v45;
	v6 =	vmul.f32 v6, v56;
	[tilespmem:s1+$0x1620] =	vst v55  }
0x163: {  	v2 =	vbroadcast v2, $0x6;
	v63 =	vadd.f32 v7, v40;
	v5 =	vmul.f32 v5, v62;
	[tilespmem:s1+$0x1600] =	vst v59  }
0x164: {  	v58 =	vadd.f32 v16, v46;
	v3 =	vmul.f32 v4, v3;
	[tilespmem:s1+$0x16F0] =	vst v6  }
0x165: {  	v61 =	vadd.f32 v18, v48;
	v2 =	vmul.f32 v63, v2;
	[tilespmem:s1+$0x1680] =	vst v5  }
0x166: {  	v11 =	vadd.f32 v14, v37;
	v10 =	vmul.f32 v58, v57;
	[tilespmem:s1+$0x1640] =	vst v3  }
0x167: {  	s19 =	sadd.s32 $0x1, s19;
	v8 =	vmul.f32 v61, v60;
	[tilespmem:s1+$0x16E0] =	vst v2  }
0x168: {  	p1 =	sne.s32 s19, $0x7D;
	v11 =	vmul.f32 v11, v49;
	[tilespmem:s1+$0x1610] =	vst v10  }
.Ltmp5:
0x169: {  	s15 =	rddreg [dreg:$0x2];
	[tilespmem:s1+$0x1690] =	vst v8;
	(pc) =	sbr.rel @p1 .LBB2_8-.Ltmp5, $4  }
0x16a: {  	s3 =	simm.s32 $0xA380;
	[tilespmem:s1+$0x16D0] =	vst v11;
	s1 =	sadd.s32 s15, s20  }
0x16b: {  	[hbm4b:s1+s4] =	stream.linear.scatter [tilespmem:s3], [sflag:$0xA], $0x140, $0x38;
	[tilespmem:$0x1DD80] =	vst v63  }
0x16c: {  	_ = 	snop  }
0x16d: {  	[spmem:s16] =	stream.indirect.scatter.add.f32 [tilespmem:s12], [sflag:$0xB], $0x80, s11, s24, $0xb8;
	[tilespmem:$0x1DD80] =	vst v63  }
0x16e: {  	_ =	swait.ge [sflag:s17], $0x1400  }
0x16f: {  	[sflag:s17] =	ssyncset.done $0x0  }
0x170: {  	s1 =	simm.s32 $0x9;
	[sflag:s17] =	ssyncadd.s32 $0xFFFFEC00  }
0x171: {  	_ =	swait.ge [sflag:s1], $0x140  }
0x172: {  	[sflag:s1] =	ssyncset.done $0x0  }
0x173: {  	s15 =	simm.s32 $0xA;
	[sflag:s1] =	ssyncadd.s32 $0xFFFFFEC0  }
0x174: {  	_ =	swait.ge [sflag:s15], $0x140  }
0x175: {  	[sflag:s15] =	ssyncset.done $0x0  }
0x176: {  	s1 =	stileid.u32;
	[sflag:s15] =	ssyncadd.s32 $0xFFFFFEC0  }
0x177: {  	s1 =	sshll.u32 @!p0 s1, $0x6;
	[bflag:$0x0] =	sbarrier.arrive $0xFFFF  }
0x178: {  	s3 =	sshrl.u32 @!p0 s18, $0x3;
	s1 =	sor.u32 @!p0 $0x1C0C, s1;
	s5 =	rddreg [dreg:$0xc]  }
0x179: {  	[hbm:s5], [sflag:s1] =	dma.local @!p0 [spmem:s3], $0x3E80  }
0x17a: {  	s1 =	simm.s32 @!p0 $0xC  }
0x17b: {  	_ =	swait.ge @!p0 [sflag:s1], $0x3E80  }
0x17c: {  	s19 =	rddreg [dreg:$0xe]  }
0x17d: {  	s20 =	rddreg [dreg:$0xd];
	s5 =	sadd.s32 $0x1, s19  }
0x17e: {  	p1 =	sne.s32 s5, s20  }
.Ltmp6:
0x17f: {  	_ = 	snop;
	(pc) =	sbr.rel @p1 .LBB2_1-.Ltmp6, $3  }
0x180: {  	_ =	sdelay $0x1  }
0x181: {  	[sflag:s1] =	ssyncset.done @!p0 $0x0  }
0x182: {  	[sflag:s1] =	ssyncadd.s32 @!p0 $0xFFFFC180  }
0x183: {  	_ =	sfence.sel $0x180000  }
0x184: {  	[bflag:$0x0] =	sbarrier.arrive $0xFFFF  }
0x185: {  	_ =	strace $0x9000004A  }
0x186: {  	s0 =	stileid.u32;
	[bflag:$0x2] =	sbarrier.arrive $0xFFFF  }
0x187: {  	p0 =	sne.s32 s0, $0x0;
	s0 =	rddreg [dreg:$0x4]  }
0x188: {  	s0 =	sadd.s32 @!p0 $0x100000, s0  }
0x189: {  	[sflag:s0] =	ssyncadd.tile.s32 @!p0 $0x1;
	_ =	shalt  }
.Lfunc_end2:
_tile_overlayer_lowered:
.L_overlay_start_2:
0x18a: {  	(tag) =	ssettag $0x2  }
0x18b: {  	s0 =	rddreg [dreg:$0x0];
	s2 =	stileid.u32  }
0x18c: {  	s1 =	rddreg [dreg:$0x1];
	p0 =	sne.s32 s2, $0x0  }
0x18d: {  	s3 =	rddreg [dreg:$0x2];
	[bflag:$0x3] =	sbarrier.arrive $0xFFFF;
	s2 =	simm.s32 @!p0 $0x1C0C  }
0x18e: {  	[timem:s3], [sflag:s2] =	dma.local @!p0 [hbm:s0], s1  }
0x18f: {  	s0 =	simm.s32 @!p0 $0xC  }
0x190: {  	_ =	swait.ge @!p0 [sflag:s0], s1  }
0x191: {  	s1 =	ssub.s32 @!p0 $0x0, s1;
	[sflag:s0] =	ssyncset.done @!p0 $0x0  }
0x192: {  	[sflag:s0] =	ssyncadd.s32 @!p0 s1  }
0x193: {  	[bflag:$0x3] =	sbarrier.arrive $0xFFFF  }
0x194: {  	_ =	shalt  }

</sc_bundles>
